<compile_context>
chip_gen: v7x
topology: tpu7x:2x2x1
jax: 0.10.2.dev20260603
libtpu: 0.0.44.dev20260713+nightly
codegen_flags: <defaults>
</compile_context>

<pallas_src>
import functools

import jax
import jax.numpy as jnp
from jax import lax
from jax.experimental import pallas as pl
from jax.experimental.pallas import tpu as pltpu
from jax.experimental.pallas import tpu_sc as plsc

N_NODE = 10000
N_ACC = 10112
E = 320000
CHUNK = 128
NC, NS = 2, 16
NW = NC * NS
E_PAD = 327680
CPT = E_PAD // (NW * CHUNK)
ZR = N_ACC // NS

_MESH = plsc.VectorSubcoreMesh(core_axis_name="c", subcore_axis_name="s")

_ZBLOCKS = [(64, 9), (56, 1)]

CH = 128
CPT2 = E_PAD // (NW * CH)
NP = CPT2 // 2
TW = 80


def _pad_edges(ei):
    src = ei[0].astype(jnp.int32)
    dst = ei[1].astype(jnp.int32)
    pad = E_PAD - E
    src = jnp.concatenate([src, jnp.zeros((pad,), jnp.int32)])
    dst = jnp.concatenate([dst, jnp.full((pad,), N_NODE, jnp.int32)])
    return src, dst


def _staged_copy(src_ref, dst_ref, stage, src0, dst0):
    off = 0
    for rows, cnt in _ZBLOCKS:
        for _ in range(cnt):
            pltpu.sync_copy(src_ref.at[pl.ds(src0 + off, rows)],
                            stage.at[pl.ds(0, rows)])
            pltpu.sync_copy(stage.at[pl.ds(0, rows)],
                            dst_ref.at[pl.ds(dst0 + off, rows)])
            off += rows


def _seg_body(tbl, src_h, dst_h, z80,
              out_s,
              isA, idA, isB, idB, rows0, rows1, acc,
              gsem0, gsem1, isem0, isem1):
    c = lax.axis_index("c")
    s = lax.axis_index("s")
    row0 = s * ZR

    pltpu.sync_copy(z80.at[pl.ds(0, CH)], rows0)
    off = 0
    for rows, cnt in _ZBLOCKS:
        for _ in range(cnt):
            pltpu.sync_copy(rows0.at[pl.ds(0, rows)],
                            acc.at[pl.ds(row0 + off, rows)])
            off += rows
    plsc.subcore_barrier()

    wid = s * NC + c
    e0 = wid * (CPT2 * CH)

    def idx_start(k, is_, id_, sem):
        e = e0 + k * CH
        pltpu.async_copy(src_h.at[pl.ds(e, CH)], is_, sem)
        pltpu.async_copy(dst_h.at[pl.ds(e, CH)], id_, sem)

    def idx_wait(is_, id_, sem):
        pltpu.make_async_copy(src_h.at[pl.ds(0, CH)], is_, sem).wait()
        pltpu.make_async_copy(src_h.at[pl.ds(0, CH)], id_, sem).wait()

    def rows_wait(buf, sem):
        pltpu.make_async_copy(z80.at[pl.ds(0, CH)], buf, sem).wait()

    idx_start(0, isA, idA, isem0)
    idx_wait(isA, idA, isem0)
    pltpu.async_copy(tbl.at[isA], rows0, gsem0)
    idx_start(1, isB, idB, isem1)

    @pl.loop(0, NP - 1)
    def _(p):
        rows_wait(rows0, gsem0)
        idx_wait(isB, idB, isem1)
        pltpu.async_copy(tbl.at[isB], rows1, gsem1)
        pltpu.sync_copy(rows0, acc.at[idA], add=True)
        idx_start(2 * p + 2, isA, idA, isem0)
        rows_wait(rows1, gsem1)
        idx_wait(isA, idA, isem0)
        pltpu.async_copy(tbl.at[isA], rows0, gsem0)
        pltpu.sync_copy(rows1, acc.at[idB], add=True)
        idx_start(2 * p + 3, isB, idB, isem1)

    rows_wait(rows0, gsem0)
    idx_wait(isB, idB, isem1)
    pltpu.async_copy(tbl.at[isB], rows1, gsem1)
    pltpu.sync_copy(rows0, acc.at[idA], add=True)
    rows_wait(rows1, gsem1)
    pltpu.sync_copy(rows1, acc.at[idB], add=True)

    plsc.subcore_barrier()
    _staged_copy(acc, out_s, rows0, row0, c * N_ACC + row0)


_seg_sum = pl.kernel(
    _seg_body,
    out_type=jax.ShapeDtypeStruct((NC * N_ACC, TW), jnp.float32),
    mesh=_MESH,
    compiler_params=pltpu.CompilerParams(use_tc_tiling_on_sc=False),
    scratch_types=[
        pltpu.VMEM((CH,), jnp.int32),
        pltpu.VMEM((CH,), jnp.int32),
        pltpu.VMEM((CH,), jnp.int32),
        pltpu.VMEM((CH,), jnp.int32),
        pltpu.VMEM((CH, TW), jnp.float32),
        pltpu.VMEM((CH, TW), jnp.float32),
        pltpu.VMEM_SHARED((N_ACC, TW), jnp.float32),
        pltpu.SemaphoreType.DMA,
        pltpu.SemaphoreType.DMA,
        pltpu.SemaphoreType.DMA,
        pltpu.SemaphoreType.DMA,
    ],
)



_BR = 128
_NB = N_ACC // _BR


def _table_body(x_ref, w_ref, b_ref, wl_ref, w1_ref, wo_ref, t_ref):
    y = jnp.maximum(
        jnp.dot(x_ref[...], w_ref[...], preferred_element_type=jnp.float32)
        + b_ref[...], 0.0)
    a = jnp.dot(wl_ref[...],
                jnp.dot(w1_ref[...], wo_ref[...],
                        preferred_element_type=jnp.float32),
                preferred_element_type=jnp.float32)
    t = jnp.dot(y, a, preferred_element_type=jnp.float32)
    t_ref[...] = jnp.concatenate(
        [t, jnp.ones((t.shape[0], 1), jnp.float32),
         jnp.zeros((t.shape[0], TW - 65), jnp.float32)], axis=1)


def _table(x, w, b, wl, w1, wo):
    return pl.pallas_call(
        _table_body,
        grid=(N_NODE // 2000,),
        in_specs=[
            pl.BlockSpec((2000, 128), lambda i: (i, 0)),
            pl.BlockSpec((128, 128), lambda i: (0, 0)),
            pl.BlockSpec((1, 128), lambda i: (0, 0)),
            pl.BlockSpec((128, 128), lambda i: (0, 0)),
            pl.BlockSpec((128, 128), lambda i: (0, 0)),
            pl.BlockSpec((128, 64), lambda i: (0, 0)),
        ],
        out_specs=pl.BlockSpec((2000, TW), lambda i: (i, 0)),
        out_shape=jax.ShapeDtypeStruct((N_NODE, TW), jnp.float32),
    )(x, w, b.reshape(1, 128), wl, w1, wo)


def _mix_body(sa_ref, sb_ref, x_ref, win_ref, bin_ref, wr_ref, b_ref,
              w1_ref, wl2_ref, w12_ref, wo_ref, o_ref):
    wc = jnp.dot(w1_ref[...], wo_ref[...], preferred_element_type=jnp.float32)
    wrc = jnp.dot(w12_ref[...], wo_ref[...], preferred_element_type=jnp.float32)
    wcomb = (jnp.dot(wr_ref[...], wc, preferred_element_type=jnp.float32)
             + jnp.dot(wl2_ref[...], wrc, preferred_element_type=jnp.float32))
    bc = jnp.dot(b_ref[...], wc, preferred_element_type=jnp.float32)
    y = jnp.maximum(
        jnp.dot(x_ref[...], win_ref[...], preferred_element_type=jnp.float32)
        + bin_ref[...], 0.0)
    ssum = sa_ref[...] + sb_ref[...]
    deg = jnp.maximum(ssum[:, 64:65], 1.0)
    r = (ssum[:, :64] / deg
         + jnp.dot(y, wcomb, preferred_element_type=jnp.float32)
         + bc)
    o_ref[...] = jnp.concatenate(
        [r, jnp.ones((r.shape[0], 1), jnp.float32),
         jnp.zeros((r.shape[0], TW - 65), jnp.float32)], axis=1)


def _mix(seg, x, win, bin_, wr, b, w1, wl2, w12, wo):
    return pl.pallas_call(
        _mix_body,
        grid=(_NB,),
        in_specs=[
            pl.BlockSpec((_BR, TW), lambda i: (i, 0)),
            pl.BlockSpec((_BR, TW), lambda i: (i + _NB, 0)),
            pl.BlockSpec((_BR, 128), lambda i: (i, 0)),
            pl.BlockSpec((128, 128), lambda i: (0, 0)),
            pl.BlockSpec((1, 128), lambda i: (0, 0)),
            pl.BlockSpec((128, 128), lambda i: (0, 0)),
            pl.BlockSpec((1, 128), lambda i: (0, 0)),
            pl.BlockSpec((128, 128), lambda i: (0, 0)),
            pl.BlockSpec((128, 128), lambda i: (0, 0)),
            pl.BlockSpec((128, 128), lambda i: (0, 0)),
            pl.BlockSpec((128, 64), lambda i: (0, 0)),
        ],
        out_specs=pl.BlockSpec((_BR, TW), lambda i: (i, 0)),
        out_shape=jax.ShapeDtypeStruct((N_NODE, TW), jnp.float32),
    )(seg, seg, x, win, bin_.reshape(1, 128), wr, b.reshape(1, 128), w1,
      wl2, w12, wo)


def _final_body(sa_ref, sb_ref, x_ref, win_ref, bin_ref, wr2_ref, b2_ref,
                w12_ref, b1_ref, wo_ref, bo_ref, o_ref):
    wrc = jnp.dot(w12_ref[...], wo_ref[...], preferred_element_type=jnp.float32)
    bias = (jnp.dot(b2_ref[...], wrc, preferred_element_type=jnp.float32)
            + jnp.dot(b1_ref[...], wo_ref[...],
                      preferred_element_type=jnp.float32)
            + bo_ref[...])
    y = jnp.maximum(
        jnp.dot(x_ref[...], win_ref[...], preferred_element_type=jnp.float32)
        + bin_ref[...], 0.0)
    ssum = sa_ref[...] + sb_ref[...]
    deg = jnp.maximum(ssum[:, 64:65], 1.0)
    o_ref[...] = (ssum[:, :64] / deg
                  + jnp.dot(y, jnp.dot(
                      wr2_ref[...], wrc, preferred_element_type=jnp.float32),
                      preferred_element_type=jnp.float32)
                  + bias)


def _final(seg, x, win, bin_, wr2, b2, w12, b1, wo, bo):
    return pl.pallas_call(
        _final_body,
        grid=(_NB,),
        in_specs=[
            pl.BlockSpec((_BR, TW), lambda i: (i, 0)),
            pl.BlockSpec((_BR, TW), lambda i: (i + _NB, 0)),
            pl.BlockSpec((_BR, 128), lambda i: (i, 0)),
            pl.BlockSpec((128, 128), lambda i: (0, 0)),
            pl.BlockSpec((1, 128), lambda i: (0, 0)),
            pl.BlockSpec((128, 128), lambda i: (0, 0)),
            pl.BlockSpec((1, 128), lambda i: (0, 0)),
            pl.BlockSpec((128, 128), lambda i: (0, 0)),
            pl.BlockSpec((1, 128), lambda i: (0, 0)),
            pl.BlockSpec((128, 64), lambda i: (0, 0)),
            pl.BlockSpec((1, 64), lambda i: (0, 0)),
        ],
        out_specs=pl.BlockSpec((_BR, 64), lambda i: (i, 0)),
        out_shape=jax.ShapeDtypeStruct((N_NODE, 64), jnp.float32),
    )(seg, seg, x, win, bin_.reshape(1, 128), wr2, b2.reshape(1, 128), w12,
      b1.reshape(1, 128), wo, bo.reshape(1, 64))


def kernel(x_user, x_item, edge_index_u2i, edge_index_i2u,
           W_in_user, b_in_user, W_in_item, b_in_item,
           l0_u2i_Wl, l0_u2i_Wr, l0_u2i_b, l0_i2u_Wl, l0_i2u_Wr, l0_i2u_b,
           l1_u2i_Wl, l1_u2i_Wr, l1_u2i_b, l1_i2u_Wl, l1_i2u_Wr, l1_i2u_b,
           W_out, b_out):
    su2i, du2i = _pad_edges(edge_index_u2i)
    si2u, di2u = _pad_edges(edge_index_i2u)
    z80 = jnp.zeros((N_ACC, TW), jnp.float32)

    t_u = _table(x_user, W_in_user, b_in_user,
                 l0_u2i_Wl, l1_i2u_Wl, W_out)

    s_i = _seg_sum(t_u, su2i, du2i, z80)
    comb = _mix(s_i, x_item, W_in_item, b_in_item, l0_u2i_Wr, l0_u2i_b,
                l1_i2u_Wl, l0_i2u_Wl, l1_i2u_Wr, W_out)
    s_c = _seg_sum(comb, si2u, di2u, z80)

    return _final(s_c, x_user, W_in_user, b_in_user, l0_i2u_Wr, l0_i2u_b,
                  l1_i2u_Wr, l1_i2u_b, W_out, b_out)

# --- scband reference (transcript-rebuilt; emitter-appended) ---
"""Pipeline reference for scband-hetero-gnn-59854664237128 (READ-ONLY COPY).

The authoritative reference and input builder live on the scoring server;
editing this copy changes nothing except your own understanding.
"""

import jax, jax.numpy as jnp
import numpy as np

N_U = 10000
N_I = 10000
E = 320000
D_FEAT = 128
HIDDEN = 128
OUT = 64


def _sage(x_src, x_dst, edge_index, Wl, Wr, b, n_dst):
    # PyG SAGEConv (mean aggregation): out = lin_l(mean_j x_src[j]) + lin_r(x_dst)
    src = edge_index[0]
    dst = edge_index[1]
    msg = jnp.take(x_src, src, axis=0)
    s = jax.ops.segment_sum(msg, dst, num_segments=n_dst)
    deg = jax.ops.segment_sum(jnp.ones((edge_index.shape[1],), x_src.dtype), dst, num_segments=n_dst)
    mean = s / jnp.clip(deg, 1.0)[:, None]
    return mean @ Wl + b + x_dst @ Wr


def setup_inputs(seed: int = 0) -> dict:
    key = jax.random.key(seed)
    ks = jax.random.split(key, 24)
    inp = {}
    inp["x_user"] = jax.random.normal(ks[0], (N_U, D_FEAT), dtype=jnp.float32)
    inp["x_item"] = jax.random.normal(ks[1], (N_I, D_FEAT), dtype=jnp.float32)
    inp["edge_index_u2i"] = jax.random.randint(ks[2], (2, E), 0, N_I)
    inp["edge_index_i2u"] = jax.random.randint(ks[3], (2, E), 0, N_U)
    idx = 4
    # per-node-type input projections (lin_dict)
    for name, shape in [("W_in_user", (D_FEAT, HIDDEN)), ("b_in_user", (HIDDEN,)),
                        ("W_in_item", (D_FEAT, HIDDEN)), ("b_in_item", (HIDDEN,))]:
        inp[name] = jax.random.normal(ks[idx], shape, dtype=jnp.float32) * 0.05
        idx += 1
    # HeteroConv(SAGEConv) weights: 2 layers x 2 edge types
    for l in range(2):
        for et in ("u2i", "i2u"):
            for suf, shape in (("Wl", (HIDDEN, HIDDEN)), ("Wr", (HIDDEN, HIDDEN)), ("b", (HIDDEN,))):
                inp["l%d_%s_%s" % (l, et, suf)] = jax.random.normal(ks[idx], shape, dtype=jnp.float32) * 0.05
                idx += 1
    inp["W_out"] = jax.random.normal(ks[idx], (HIDDEN, OUT), dtype=jnp.float32) * 0.05
    inp["b_out"] = jax.random.normal(ks[idx + 1], (OUT,), dtype=jnp.float32) * 0.05
    return inp


def reference(x_user, x_item, edge_index_u2i, edge_index_i2u,
              W_in_user, b_in_user, W_in_item, b_in_item,
              l0_u2i_Wl, l0_u2i_Wr, l0_u2i_b, l0_i2u_Wl, l0_i2u_Wr, l0_i2u_b,
              l1_u2i_Wl, l1_u2i_Wr, l1_u2i_b, l1_i2u_Wl, l1_i2u_Wr, l1_i2u_b,
              W_out, b_out):
    # input projections + relu
    y_u = jax.nn.relu(x_user @ W_in_user + b_in_user)
    y_i = jax.nn.relu(x_item @ W_in_item + b_in_item)
    # layer 0 (HeteroConv sum-aggregation; one relation per dst type)
    new_i = _sage(y_u, y_i, edge_index_u2i, l0_u2i_Wl, l0_u2i_Wr, l0_u2i_b, N_I)
    new_u = _sage(y_i, y_u, edge_index_i2u, l0_i2u_Wl, l0_i2u_Wr, l0_i2u_b, N_U)
    y_u, y_i = new_u, new_i
    # layer 1
    new_i = _sage(y_u, y_i, edge_index_u2i, l1_u2i_Wl, l1_u2i_Wr, l1_u2i_b, N_I)
    new_u = _sage(y_i, y_u, edge_index_i2u, l1_i2u_Wl, l1_i2u_Wr, l1_i2u_b, N_U)
    y_u, y_i = new_u, new_i
    # final head on the 'user' (cfg.dataset.file) node type
    return y_u @ W_out + b_out

if __name__ == "__main__":
    import jax
    _d = setup_inputs()
    print(jax.jit(kernel)(*tuple(_d.values())))

</pallas_src>

<mosaic_0001>
#map = affine_map<(d0, d1) -> (0, 0)>
#map1 = affine_map<(d0, d1) -> (0)>
module attributes {stable_mosaic.version = 14 : i64} {
  func.func @_seg_body(%arg0: i32, %arg1: i32, %arg2: memref<10000x80xf32, #tpu.memory_space<hbm>>, %arg3: memref<327680xi32, #tpu.memory_space<hbm>>, %arg4: memref<327680xi32, #tpu.memory_space<hbm>>, %arg5: memref<10112x80xf32, #tpu.memory_space<hbm>>, %arg6: memref<20224x80xf32, #tpu.memory_space<hbm>>, %arg7: memref<128xi32, #tpu.memory_space<vmem>>, %arg8: memref<128xi32, #tpu.memory_space<vmem>>, %arg9: memref<128xi32, #tpu.memory_space<vmem>>, %arg10: memref<128xi32, #tpu.memory_space<vmem>>, %arg11: memref<128x80xf32, #tpu.memory_space<vmem>>, %arg12: memref<128x80xf32, #tpu.memory_space<vmem>>, %arg13: memref<10112x80xf32, #tpu.memory_space<vmem_shared>>, %arg14: memref<!tpu.dma_semaphore, #tpu.memory_space<semaphore_mem>>, %arg15: memref<!tpu.dma_semaphore, #tpu.memory_space<semaphore_mem>>, %arg16: memref<!tpu.dma_semaphore, #tpu.memory_space<semaphore_mem>>, %arg17: memref<!tpu.dma_semaphore, #tpu.memory_space<semaphore_mem>>) attributes {dimension_semantics = [#tpu.dimension_semantics<core_parallel>, #tpu.dimension_semantics<subcore_parallel>], iteration_bounds = array<i64: 2, 16>, scalar_prefetch = 0 : i64, scratch_operands = 11 : i64, tpu.core_type = #tpu.core_type<sc_vector_subcore>, window_params = [{transform_indices = #map}, {transform_indices = #map1}, {transform_indices = #map1}, {transform_indices = #map}, {transform_indices = #map}]} {
    %mul3A = arith.constant 632 : i32
    %mul3A_0 = arith.muli %arg1, %mul3A : i32
    "tpu.region"() ({
      %run_scoped3A = tpu.sem_alloc : memref<!tpu.dma_semaphore, #tpu.memory_space<semaphore_mem>>
      %dma_start3A_117 = arith.constant 0 : i32
      %dma_start3A_118 = arith.constant 0 : i32
      %dma_start3A_119 = tpu.memref_slice %arg5[%dma_start3A_117, %dma_start3A_118] : memref<10112x80xf32, #tpu.memory_space<hbm>> -> memref<128x80xf32, #tpu.memory_space<hbm>>
      %dma_start3A_120 = arith.constant 0 : i32
      %dma_start3A_121 = arith.constant 0 : i32
      %dma_start3A_122 = tpu.memref_slice %arg5[%dma_start3A_120, %dma_start3A_121] : memref<10112x80xf32, #tpu.memory_space<hbm>> -> memref<128x80xf32, #tpu.memory_space<hbm>>
      tpu.enqueue_dma source(%dma_start3A_122 : memref<128x80xf32, #tpu.memory_space<hbm>>) target(%arg11 : memref<128x80xf32, #tpu.memory_space<vmem>>) target_semaphore(%run_scoped3A : memref<!tpu.dma_semaphore, #tpu.memory_space<semaphore_mem>>)
      %dma_wait3A_123 = arith.constant 0 : i32
      %dma_wait3A_124 = arith.constant 0 : i32
      %dma_wait3A_125 = tpu.memref_slice %arg5[%dma_wait3A_123, %dma_wait3A_124] : memref<10112x80xf32, #tpu.memory_space<hbm>> -> memref<128x80xf32, #tpu.memory_space<hbm>>
      %dma_wait3A_126 = arith.constant 0 : i32
      %dma_wait3A_127 = arith.constant 0 : i32
      %dma_wait3A_128 = tpu.memref_slice %arg5[%dma_wait3A_126, %dma_wait3A_127] : memref<10112x80xf32, #tpu.memory_space<hbm>> -> memref<128x80xf32, #tpu.memory_space<hbm>>
      tpu.wait_dma2 semaphore(%run_scoped3A : memref<!tpu.dma_semaphore, #tpu.memory_space<semaphore_mem>>) src(%dma_wait3A_128 : memref<128x80xf32, #tpu.memory_space<hbm>>) dst(%arg11 : memref<128x80xf32, #tpu.memory_space<vmem>>)
      tpu.yield
    }) : () -> ()
    %add3A = arith.constant 0 : i32
    %add3A_1 = arith.addi %mul3A_0, %add3A : i32
    "tpu.region"() ({
      %run_scoped3A = tpu.sem_alloc : memref<!tpu.dma_semaphore, #tpu.memory_space<semaphore_mem>>
      %dma_start3A_117 = arith.constant 0 : i32
      %dma_start3A_118 = arith.constant 0 : i32
      %dma_start3A_119 = tpu.memref_slice %arg11[%dma_start3A_117, %dma_start3A_118] : memref<128x80xf32, #tpu.memory_space<vmem>> -> memref<64x80xf32, #tpu.memory_space<vmem>>
      %dma_start3A_120 = arith.constant 0 : i32
      %dma_start3A_121 = tpu.memref_slice %arg13[%add3A_1, %dma_start3A_120] : memref<10112x80xf32, #tpu.memory_space<vmem_shared>> -> memref<64x80xf32, #tpu.memory_space<vmem_shared>>
      %dma_start3A_122 = arith.constant 0 : i32
      %dma_start3A_123 = tpu.memref_slice %arg13[%add3A_1, %dma_start3A_122] : memref<10112x80xf32, #tpu.memory_space<vmem_shared>> -> memref<64x80xf32, #tpu.memory_space<vmem_shared>>
      %dma_start3A_124 = arith.constant 0 : i32
      %dma_start3A_125 = arith.constant 0 : i32
      %dma_start3A_126 = tpu.memref_slice %arg11[%dma_start3A_124, %dma_start3A_125] : memref<128x80xf32, #tpu.memory_space<vmem>> -> memref<64x80xf32, #tpu.memory_space<vmem>>
      tpu.enqueue_dma source(%dma_start3A_126 : memref<64x80xf32, #tpu.memory_space<vmem>>) target(%dma_start3A_123 : memref<64x80xf32, #tpu.memory_space<vmem_shared>>) target_semaphore(%run_scoped3A : memref<!tpu.dma_semaphore, #tpu.memory_space<semaphore_mem>>)
      %dma_wait3A_127 = arith.constant 0 : i32
      %dma_wait3A_128 = arith.constant 0 : i32
      %dma_wait3A_129 = tpu.memref_slice %arg11[%dma_wait3A_127, %dma_wait3A_128] : memref<128x80xf32, #tpu.memory_space<vmem>> -> memref<64x80xf32, #tpu.memory_space<vmem>>
      %dma_wait3A_130 = arith.constant 0 : i32
      %dma_wait3A_131 = tpu.memref_slice %arg13[%add3A_1, %dma_wait3A_130] : memref<10112x80xf32, #tpu.memory_space<vmem_shared>> -> memref<64x80xf32, #tpu.memory_space<vmem_shared>>
      %dma_wait3A_132 = arith.constant 0 : i32
      %dma_wait3A_133 = tpu.memref_slice %arg13[%add3A_1, %dma_wait3A_132] : memref<10112x80xf32, #tpu.memory_space<vmem_shared>> -> memref<64x80xf32, #tpu.memory_space<vmem_shared>>
      %dma_wait3A_134 = arith.constant 0 : i32
      %dma_wait3A_135 = arith.constant 0 : i32
      %dma_wait3A_136 = tpu.memref_slice %arg11[%dma_wait3A_134, %dma_wait3A_135] : memref<128x80xf32, #tpu.memory_space<vmem>> -> memref<64x80xf32, #tpu.memory_space<vmem>>
      tpu.wait_dma2 semaphore(%run_scoped3A : memref<!tpu.dma_semaphore, #tpu.memory_space<semaphore_mem>>) src(%dma_wait3A_136 : memref<64x80xf32, #tpu.memory_space<vmem>>) dst(%dma_wait3A_133 : memref<64x80xf32, #tpu.memory_space<vmem_shared>>)
      tpu.yield
    }) : () -> ()
    %add3A_2 = arith.constant 64 : i32
    %add3A_3 = arith.addi %mul3A_0, %add3A_2 : i32
    "tpu.region"() ({
      %run_scoped3A = tpu.sem_alloc : memref<!tpu.dma_semaphore, #tpu.memory_space<semaphore_mem>>
      %dma_start3A_117 = arith.constant 0 : i32
      %dma_start3A_118 = arith.constant 0 : i32
      %dma_start3A_119 = tpu.memref_slice %arg11[%dma_start3A_117, %dma_start3A_118] : memref<128x80xf32, #tpu.memory_space<vmem>> -> memref<64x80xf32, #tpu.memory_space<vmem>>
      %dma_start3A_120 = arith.constant 0 : i32
      %dma_start3A_121 = tpu.memref_slice %arg13[%add3A_3, %dma_start3A_120] : memref<10112x80xf32, #tpu.memory_space<vmem_shared>> -> memref<64x80xf32, #tpu.memory_space<vmem_shared>>
      %dma_start3A_122 = arith.constant 0 : i32
      %dma_start3A_123 = tpu.memref_slice %arg13[%add3A_3, %dma_start3A_122] : memref<10112x80xf32, #tpu.memory_space<vmem_shared>> -> memref<64x80xf32, #tpu.memory_space<vmem_shared>>
      %dma_start3A_124 = arith.constant 0 : i32
      %dma_start3A_125 = arith.constant 0 : i32
      %dma_start3A_126 = tpu.memref_slice %arg11[%dma_start3A_124, %dma_start3A_125] : memref<128x80xf32, #tpu.memory_space<vmem>> -> memref<64x80xf32, #tpu.memory_space<vmem>>
      tpu.enqueue_dma source(%dma_start3A_126 : memref<64x80xf32, #tpu.memory_space<vmem>>) target(%dma_start3A_123 : memref<64x80xf32, #tpu.memory_space<vmem_shared>>) target_semaphore(%run_scoped3A : memref<!tpu.dma_semaphore, #tpu.memory_space<semaphore_mem>>)
      %dma_wait3A_127 = arith.constant 0 : i32
      %dma_wait3A_128 = arith.constant 0 : i32
      %dma_wait3A_129 = tpu.memref_slice %arg11[%dma_wait3A_127, %dma_wait3A_128] : memref<128x80xf32, #tpu.memory_space<vmem>> -> memref<64x80xf32, #tpu.memory_space<vmem>>
      %dma_wait3A_130 = arith.constant 0 : i32
      %dma_wait3A_131 = tpu.memref_slice %arg13[%add3A_3, %dma_wait3A_130] : memref<10112x80xf32, #tpu.memory_space<vmem_shared>> -> memref<64x80xf32, #tpu.memory_space<vmem_shared>>
      %dma_wait3A_132 = arith.constant 0 : i32
      %dma_wait3A_133 = tpu.memref_slice %arg13[%add3A_3, %dma_wait3A_132] : memref<10112x80xf32, #tpu.memory_space<vmem_shared>> -> memref<64x80xf32, #tpu.memory_space<vmem_shared>>
      %dma_wait3A_134 = arith.constant 0 : i32
      %dma_wait3A_135 = arith.constant 0 : i32
      %dma_wait3A_136 = tpu.memref_slice %arg11[%dma_wait3A_134, %dma_wait3A_135] : memref<128x80xf32, #tpu.memory_space<vmem>> -> memref<64x80xf32, #tpu.memory_space<vmem>>
      tpu.wait_dma2 semaphore(%run_scoped3A : memref<!tpu.dma_semaphore, #tpu.memory_space<semaphore_mem>>) src(%dma_wait3A_136 : memref<64x80xf32, #tpu.memory_space<vmem>>) dst(%dma_wait3A_133 : memref<64x80xf32, #tpu.memory_space<vmem_shared>>)
      tpu.yield
    }) : () -> ()
    %add3A_4 = arith.constant 128 : i32
    %add3A_5 = arith.addi %mul3A_0, %add3A_4 : i32
    "tpu.region"() ({
      %run_scoped3A = tpu.sem_alloc : memref<!tpu.dma_semaphore, #tpu.memory_space<semaphore_mem>>
      %dma_start3A_117 = arith.constant 0 : i32
      %dma_start3A_118 = arith.constant 0 : i32
      %dma_start3A_119 = tpu.memref_slice %arg11[%dma_start3A_117, %dma_start3A_118] : memref<128x80xf32, #tpu.memory_space<vmem>> -> memref<64x80xf32, #tpu.memory_space<vmem>>
      %dma_start3A_120 = arith.constant 0 : i32
      %dma_start3A_121 = tpu.memref_slice %arg13[%add3A_5, %dma_start3A_120] : memref<10112x80xf32, #tpu.memory_space<vmem_shared>> -> memref<64x80xf32, #tpu.memory_space<vmem_shared>>
      %dma_start3A_122 = arith.constant 0 : i32
      %dma_start3A_123 = tpu.memref_slice %arg13[%add3A_5, %dma_start3A_122] : memref<10112x80xf32, #tpu.memory_space<vmem_shared>> -> memref<64x80xf32, #tpu.memory_space<vmem_shared>>
      %dma_start3A_124 = arith.constant 0 : i32
      %dma_start3A_125 = arith.constant 0 : i32
      %dma_start3A_126 = tpu.memref_slice %arg11[%dma_start3A_124, %dma_start3A_125] : memref<128x80xf32, #tpu.memory_space<vmem>> -> memref<64x80xf32, #tpu.memory_space<vmem>>
      tpu.enqueue_dma source(%dma_start3A_126 : memref<64x80xf32, #tpu.memory_space<vmem>>) target(%dma_start3A_123 : memref<64x80xf32, #tpu.memory_space<vmem_shared>>) target_semaphore(%run_scoped3A : memref<!tpu.dma_semaphore, #tpu.memory_space<semaphore_mem>>)
      %dma_wait3A_127 = arith.constant 0 : i32
      %dma_wait3A_128 = arith.constant 0 : i32
      %dma_wait3A_129 = tpu.memref_slice %arg11[%dma_wait3A_127, %dma_wait3A_128] : memref<128x80xf32, #tpu.memory_space<vmem>> -> memref<64x80xf32, #tpu.memory_space<vmem>>
      %dma_wait3A_130 = arith.constant 0 : i32
      %dma_wait3A_131 = tpu.memref_slice %arg13[%add3A_5, %dma_wait3A_130] : memref<10112x80xf32, #tpu.memory_space<vmem_shared>> -> memref<64x80xf32, #tpu.memory_space<vmem_shared>>
      %dma_wait3A_132 = arith.constant 0 : i32
      %dma_wait3A_133 = tpu.memref_slice %arg13[%add3A_5, %dma_wait3A_132] : memref<10112x80xf32, #tpu.memory_space<vmem_shared>> -> memref<64x80xf32, #tpu.memory_space<vmem_shared>>
      %dma_wait3A_134 = arith.constant 0 : i32
      %dma_wait3A_135 = arith.constant 0 : i32
      %dma_wait3A_136 = tpu.memref_slice %arg11[%dma_wait3A_134, %dma_wait3A_135] : memref<128x80xf32, #tpu.memory_space<vmem>> -> memref<64x80xf32, #tpu.memory_space<vmem>>
      tpu.wait_dma2 semaphore(%run_scoped3A : memref<!tpu.dma_semaphore, #tpu.memory_space<semaphore_mem>>) src(%dma_wait3A_136 : memref<64x80xf32, #tpu.memory_space<vmem>>) dst(%dma_wait3A_133 : memref<64x80xf32, #tpu.memory_space<vmem_shared>>)
      tpu.yield
    }) : () -> ()
    %add3A_6 = arith.constant 192 : i32
    %add3A_7 = arith.addi %mul3A_0, %add3A_6 : i32
    "tpu.region"() ({
      %run_scoped3A = tpu.sem_alloc : memref<!tpu.dma_semaphore, #tpu.memory_space<semaphore_mem>>
      %dma_start3A_117 = arith.constant 0 : i32
      %dma_start3A_118 = arith.constant 0 : i32
      %dma_start3A_119 = tpu.memref_slice %arg11[%dma_start3A_117, %dma_start3A_118] : memref<128x80xf32, #tpu.memory_space<vmem>> -> memref<64x80xf32, #tpu.memory_space<vmem>>
      %dma_start3A_120 = arith.constant 0 : i32
      %dma_start3A_121 = tpu.memref_slice %arg13[%add3A_7, %dma_start3A_120] : memref<10112x80xf32, #tpu.memory_space<vmem_shared>> -> memref<64x80xf32, #tpu.memory_space<vmem_shared>>
      %dma_start3A_122 = arith.constant 0 : i32
      %dma_start3A_123 = tpu.memref_slice %arg13[%add3A_7, %dma_start3A_122] : memref<10112x80xf32, #tpu.memory_space<vmem_shared>> -> memref<64x80xf32, #tpu.memory_space<vmem_shared>>
      %dma_start3A_124 = arith.constant 0 : i32
      %dma_start3A_125 = arith.constant 0 : i32
      %dma_start3A_126 = tpu.memref_slice %arg11[%dma_start3A_124, %dma_start3A_125] : memref<128x80xf32, #tpu.memory_space<vmem>> -> memref<64x80xf32, #tpu.memory_space<vmem>>
      tpu.enqueue_dma source(%dma_start3A_126 : memref<64x80xf32, #tpu.memory_space<vmem>>) target(%dma_start3A_123 : memref<64x80xf32, #tpu.memory_space<vmem_shared>>) target_semaphore(%run_scoped3A : memref<!tpu.dma_semaphore, #tpu.memory_space<semaphore_mem>>)
      %dma_wait3A_127 = arith.constant 0 : i32
      %dma_wait3A_128 = arith.constant 0 : i32
      %dma_wait3A_129 = tpu.memref_slice %arg11[%dma_wait3A_127, %dma_wait3A_128] : memref<128x80xf32, #tpu.memory_space<vmem>> -> memref<64x80xf32, #tpu.memory_space<vmem>>
      %dma_wait3A_130 = arith.constant 0 : i32
      %dma_wait3A_131 = tpu.memref_slice %arg13[%add3A_7, %dma_wait3A_130] : memref<10112x80xf32, #tpu.memory_space<vmem_shared>> -> memref<64x80xf32, #tpu.memory_space<vmem_shared>>
      %dma_wait3A_132 = arith.constant 0 : i32
      %dma_wait3A_133 = tpu.memref_slice %arg13[%add3A_7, %dma_wait3A_132] : memref<10112x80xf32, #tpu.memory_space<vmem_shared>> -> memref<64x80xf32, #tpu.memory_space<vmem_shared>>
      %dma_wait3A_134 = arith.constant 0 : i32
      %dma_wait3A_135 = arith.constant 0 : i32
      %dma_wait3A_136 = tpu.memref_slice %arg11[%dma_wait3A_134, %dma_wait3A_135] : memref<128x80xf32, #tpu.memory_space<vmem>> -> memref<64x80xf32, #tpu.memory_space<vmem>>
      tpu.wait_dma2 semaphore(%run_scoped3A : memref<!tpu.dma_semaphore, #tpu.memory_space<semaphore_mem>>) src(%dma_wait3A_136 : memref<64x80xf32, #tpu.memory_space<vmem>>) dst(%dma_wait3A_133 : memref<64x80xf32, #tpu.memory_space<vmem_shared>>)
      tpu.yield
    }) : () -> ()
    %add3A_8 = arith.constant 256 : i32
    %add3A_9 = arith.addi %mul3A_0, %add3A_8 : i32
    "tpu.region"() ({
      %run_scoped3A = tpu.sem_alloc : memref<!tpu.dma_semaphore, #tpu.memory_space<semaphore_mem>>
      %dma_start3A_117 = arith.constant 0 : i32
      %dma_start3A_118 = arith.constant 0 : i32
      %dma_start3A_119 = tpu.memref_slice %arg11[%dma_start3A_117, %dma_start3A_118] : memref<128x80xf32, #tpu.memory_space<vmem>> -> memref<64x80xf32, #tpu.memory_space<vmem>>
      %dma_start3A_120 = arith.constant 0 : i32
      %dma_start3A_121 = tpu.memref_slice %arg13[%add3A_9, %dma_start3A_120] : memref<10112x80xf32, #tpu.memory_space<vmem_shared>> -> memref<64x80xf32, #tpu.memory_space<vmem_shared>>
      %dma_start3A_122 = arith.constant 0 : i32
      %dma_start3A_123 = tpu.memref_slice %arg13[%add3A_9, %dma_start3A_122] : memref<10112x80xf32, #tpu.memory_space<vmem_shared>> -> memref<64x80xf32, #tpu.memory_space<vmem_shared>>
      %dma_start3A_124 = arith.constant 0 : i32
      %dma_start3A_125 = arith.constant 0 : i32
      %dma_start3A_126 = tpu.memref_slice %arg11[%dma_start3A_124, %dma_start3A_125] : memref<128x80xf32, #tpu.memory_space<vmem>> -> memref<64x80xf32, #tpu.memory_space<vmem>>
      tpu.enqueue_dma source(%dma_start3A_126 : memref<64x80xf32, #tpu.memory_space<vmem>>) target(%dma_start3A_123 : memref<64x80xf32, #tpu.memory_space<vmem_shared>>) target_semaphore(%run_scoped3A : memref<!tpu.dma_semaphore, #tpu.memory_space<semaphore_mem>>)
      %dma_wait3A_127 = arith.constant 0 : i32
      %dma_wait3A_128 = arith.constant 0 : i32
      %dma_wait3A_129 = tpu.memref_slice %arg11[%dma_wait3A_127, %dma_wait3A_128] : memref<128x80xf32, #tpu.memory_space<vmem>> -> memref<64x80xf32, #tpu.memory_space<vmem>>
      %dma_wait3A_130 = arith.constant 0 : i32
      %dma_wait3A_131 = tpu.memref_slice %arg13[%add3A_9, %dma_wait3A_130] : memref<10112x80xf32, #tpu.memory_space<vmem_shared>> -> memref<64x80xf32, #tpu.memory_space<vmem_shared>>
      %dma_wait3A_132 = arith.constant 0 : i32
      %dma_wait3A_133 = tpu.memref_slice %arg13[%add3A_9, %dma_wait3A_132] : memref<10112x80xf32, #tpu.memory_space<vmem_shared>> -> memref<64x80xf32, #tpu.memory_space<vmem_shared>>
      %dma_wait3A_134 = arith.constant 0 : i32
      %dma_wait3A_135 = arith.constant 0 : i32
      %dma_wait3A_136 = tpu.memref_slice %arg11[%dma_wait3A_134, %dma_wait3A_135] : memref<128x80xf32, #tpu.memory_space<vmem>> -> memref<64x80xf32, #tpu.memory_space<vmem>>
      tpu.wait_dma2 semaphore(%run_scoped3A : memref<!tpu.dma_semaphore, #tpu.memory_space<semaphore_mem>>) src(%dma_wait3A_136 : memref<64x80xf32, #tpu.memory_space<vmem>>) dst(%dma_wait3A_133 : memref<64x80xf32, #tpu.memory_space<vmem_shared>>)
      tpu.yield
    }) : () -> ()
    %add3A_10 = arith.constant 320 : i32
    %add3A_11 = arith.addi %mul3A_0, %add3A_10 : i32
    "tpu.region"() ({
      %run_scoped3A = tpu.sem_alloc : memref<!tpu.dma_semaphore, #tpu.memory_space<semaphore_mem>>
      %dma_start3A_117 = arith.constant 0 : i32
      %dma_start3A_118 = arith.constant 0 : i32
      %dma_start3A_119 = tpu.memref_slice %arg11[%dma_start3A_117, %dma_start3A_118] : memref<128x80xf32, #tpu.memory_space<vmem>> -> memref<64x80xf32, #tpu.memory_space<vmem>>
      %dma_start3A_120 = arith.constant 0 : i32
      %dma_start3A_121 = tpu.memref_slice %arg13[%add3A_11, %dma_start3A_120] : memref<10112x80xf32, #tpu.memory_space<vmem_shared>> -> memref<64x80xf32, #tpu.memory_space<vmem_shared>>
      %dma_start3A_122 = arith.constant 0 : i32
      %dma_start3A_123 = tpu.memref_slice %arg13[%add3A_11, %dma_start3A_122] : memref<10112x80xf32, #tpu.memory_space<vmem_shared>> -> memref<64x80xf32, #tpu.memory_space<vmem_shared>>
      %dma_start3A_124 = arith.constant 0 : i32
      %dma_start3A_125 = arith.constant 0 : i32
      %dma_start3A_126 = tpu.memref_slice %arg11[%dma_start3A_124, %dma_start3A_125] : memref<128x80xf32, #tpu.memory_space<vmem>> -> memref<64x80xf32, #tpu.memory_space<vmem>>
      tpu.enqueue_dma source(%dma_start3A_126 : memref<64x80xf32, #tpu.memory_space<vmem>>) target(%dma_start3A_123 : memref<64x80xf32, #tpu.memory_space<vmem_shared>>) target_semaphore(%run_scoped3A : memref<!tpu.dma_semaphore, #tpu.memory_space<semaphore_mem>>)
      %dma_wait3A_127 = arith.constant 0 : i32
      %dma_wait3A_128 = arith.constant 0 : i32
      %dma_wait3A_129 = tpu.memref_slice %arg11[%dma_wait3A_127, %dma_wait3A_128] : memref<128x80xf32, #tpu.memory_space<vmem>> -> memref<64x80xf32, #tpu.memory_space<vmem>>
      %dma_wait3A_130 = arith.constant 0 : i32
      %dma_wait3A_131 = tpu.memref_slice %arg13[%add3A_11, %dma_wait3A_130] : memref<10112x80xf32, #tpu.memory_space<vmem_shared>> -> memref<64x80xf32, #tpu.memory_space<vmem_shared>>
      %dma_wait3A_132 = arith.constant 0 : i32
      %dma_wait3A_133 = tpu.memref_slice %arg13[%add3A_11, %dma_wait3A_132] : memref<10112x80xf32, #tpu.memory_space<vmem_shared>> -> memref<64x80xf32, #tpu.memory_space<vmem_shared>>
      %dma_wait3A_134 = arith.constant 0 : i32
      %dma_wait3A_135 = arith.constant 0 : i32
      %dma_wait3A_136 = tpu.memref_slice %arg11[%dma_wait3A_134, %dma_wait3A_135] : memref<128x80xf32, #tpu.memory_space<vmem>> -> memref<64x80xf32, #tpu.memory_space<vmem>>
      tpu.wait_dma2 semaphore(%run_scoped3A : memref<!tpu.dma_semaphore, #tpu.memory_space<semaphore_mem>>) src(%dma_wait3A_136 : memref<64x80xf32, #tpu.memory_space<vmem>>) dst(%dma_wait3A_133 : memref<64x80xf32, #tpu.memory_space<vmem_shared>>)
      tpu.yield
    }) : () -> ()
    %add3A_12 = arith.constant 384 : i32
    %add3A_13 = arith.addi %mul3A_0, %add3A_12 : i32
    "tpu.region"() ({
      %run_scoped3A = tpu.sem_alloc : memref<!tpu.dma_semaphore, #tpu.memory_space<semaphore_mem>>
      %dma_start3A_117 = arith.constant 0 : i32
      %dma_start3A_118 = arith.constant 0 : i32
      %dma_start3A_119 = tpu.memref_slice %arg11[%dma_start3A_117, %dma_start3A_118] : memref<128x80xf32, #tpu.memory_space<vmem>> -> memref<64x80xf32, #tpu.memory_space<vmem>>
      %dma_start3A_120 = arith.constant 0 : i32
      %dma_start3A_121 = tpu.memref_slice %arg13[%add3A_13, %dma_start3A_120] : memref<10112x80xf32, #tpu.memory_space<vmem_shared>> -> memref<64x80xf32, #tpu.memory_space<vmem_shared>>
      %dma_start3A_122 = arith.constant 0 : i32
      %dma_start3A_123 = tpu.memref_slice %arg13[%add3A_13, %dma_start3A_122] : memref<10112x80xf32, #tpu.memory_space<vmem_shared>> -> memref<64x80xf32, #tpu.memory_space<vmem_shared>>
      %dma_start3A_124 = arith.constant 0 : i32
      %dma_start3A_125 = arith.constant 0 : i32
      %dma_start3A_126 = tpu.memref_slice %arg11[%dma_start3A_124, %dma_start3A_125] : memref<128x80xf32, #tpu.memory_space<vmem>> -> memref<64x80xf32, #tpu.memory_space<vmem>>
      tpu.enqueue_dma source(%dma_start3A_126 : memref<64x80xf32, #tpu.memory_space<vmem>>) target(%dma_start3A_123 : memref<64x80xf32, #tpu.memory_space<vmem_shared>>) target_semaphore(%run_scoped3A : memref<!tpu.dma_semaphore, #tpu.memory_space<semaphore_mem>>)
      %dma_wait3A_127 = arith.constant 0 : i32
      %dma_wait3A_128 = arith.constant 0 : i32
      %dma_wait3A_129 = tpu.memref_slice %arg11[%dma_wait3A_127, %dma_wait3A_128] : memref<128x80xf32, #tpu.memory_space<vmem>> -> memref<64x80xf32, #tpu.memory_space<vmem>>
      %dma_wait3A_130 = arith.constant 0 : i32
      %dma_wait3A_131 = tpu.memref_slice %arg13[%add3A_13, %dma_wait3A_130] : memref<10112x80xf32, #tpu.memory_space<vmem_shared>> -> memref<64x80xf32, #tpu.memory_space<vmem_shared>>
      %dma_wait3A_132 = arith.constant 0 : i32
      %dma_wait3A_133 = tpu.memref_slice %arg13[%add3A_13, %dma_wait3A_132] : memref<10112x80xf32, #tpu.memory_space<vmem_shared>> -> memref<64x80xf32, #tpu.memory_space<vmem_shared>>
      %dma_wait3A_134 = arith.constant 0 : i32
      %dma_wait3A_135 = arith.constant 0 : i32
      %dma_wait3A_136 = tpu.memref_slice %arg11[%dma_wait3A_134, %dma_wait3A_135] : memref<128x80xf32, #tpu.memory_space<vmem>> -> memref<64x80xf32, #tpu.memory_space<vmem>>
      tpu.wait_dma2 semaphore(%run_scoped3A : memref<!tpu.dma_semaphore, #tpu.memory_space<semaphore_mem>>) src(%dma_wait3A_136 : memref<64x80xf32, #tpu.memory_space<vmem>>) dst(%dma_wait3A_133 : memref<64x80xf32, #tpu.memory_space<vmem_shared>>)
      tpu.yield
    }) : () -> ()
    %add3A_14 = arith.constant 448 : i32
    %add3A_15 = arith.addi %mul3A_0, %add3A_14 : i32
    "tpu.region"() ({
      %run_scoped3A = tpu.sem_alloc : memref<!tpu.dma_semaphore, #tpu.memory_space<semaphore_mem>>
      %dma_start3A_117 = arith.constant 0 : i32
      %dma_start3A_118 = arith.constant 0 : i32
      %dma_start3A_119 = tpu.memref_slice %arg11[%dma_start3A_117, %dma_start3A_118] : memref<128x80xf32, #tpu.memory_space<vmem>> -> memref<64x80xf32, #tpu.memory_space<vmem>>
      %dma_start3A_120 = arith.constant 0 : i32
      %dma_start3A_121 = tpu.memref_slice %arg13[%add3A_15, %dma_start3A_120] : memref<10112x80xf32, #tpu.memory_space<vmem_shared>> -> memref<64x80xf32, #tpu.memory_space<vmem_shared>>
      %dma_start3A_122 = arith.constant 0 : i32
      %dma_start3A_123 = tpu.memref_slice %arg13[%add3A_15, %dma_start3A_122] : memref<10112x80xf32, #tpu.memory_space<vmem_shared>> -> memref<64x80xf32, #tpu.memory_space<vmem_shared>>
      %dma_start3A_124 = arith.constant 0 : i32
      %dma_start3A_125 = arith.constant 0 : i32
      %dma_start3A_126 = tpu.memref_slice %arg11[%dma_start3A_124, %dma_start3A_125] : memref<128x80xf32, #tpu.memory_space<vmem>> -> memref<64x80xf32, #tpu.memory_space<vmem>>
      tpu.enqueue_dma source(%dma_start3A_126 : memref<64x80xf32, #tpu.memory_space<vmem>>) target(%dma_start3A_123 : memref<64x80xf32, #tpu.memory_space<vmem_shared>>) target_semaphore(%run_scoped3A : memref<!tpu.dma_semaphore, #tpu.memory_space<semaphore_mem>>)
      %dma_wait3A_127 = arith.constant 0 : i32
      %dma_wait3A_128 = arith.constant 0 : i32
      %dma_wait3A_129 = tpu.memref_slice %arg11[%dma_wait3A_127, %dma_wait3A_128] : memref<128x80xf32, #tpu.memory_space<vmem>> -> memref<64x80xf32, #tpu.memory_space<vmem>>
      %dma_wait3A_130 = arith.constant 0 : i32
      %dma_wait3A_131 = tpu.memref_slice %arg13[%add3A_15, %dma_wait3A_130] : memref<10112x80xf32, #tpu.memory_space<vmem_shared>> -> memref<64x80xf32, #tpu.memory_space<vmem_shared>>
      %dma_wait3A_132 = arith.constant 0 : i32
      %dma_wait3A_133 = tpu.memref_slice %arg13[%add3A_15, %dma_wait3A_132] : memref<10112x80xf32, #tpu.memory_space<vmem_shared>> -> memref<64x80xf32, #tpu.memory_space<vmem_shared>>
      %dma_wait3A_134 = arith.constant 0 : i32
      %dma_wait3A_135 = arith.constant 0 : i32
      %dma_wait3A_136 = tpu.memref_slice %arg11[%dma_wait3A_134, %dma_wait3A_135] : memref<128x80xf32, #tpu.memory_space<vmem>> -> memref<64x80xf32, #tpu.memory_space<vmem>>
      tpu.wait_dma2 semaphore(%run_scoped3A : memref<!tpu.dma_semaphore, #tpu.memory_space<semaphore_mem>>) src(%dma_wait3A_136 : memref<64x80xf32, #tpu.memory_space<vmem>>) dst(%dma_wait3A_133 : memref<64x80xf32, #tpu.memory_space<vmem_shared>>)
      tpu.yield
    }) : () -> ()
    %add3A_16 = arith.constant 512 : i32
    %add3A_17 = arith.addi %mul3A_0, %add3A_16 : i32
    "tpu.region"() ({
      %run_scoped3A = tpu.sem_alloc : memref<!tpu.dma_semaphore, #tpu.memory_space<semaphore_mem>>
      %dma_start3A_117 = arith.constant 0 : i32
      %dma_start3A_118 = arith.constant 0 : i32
      %dma_start3A_119 = tpu.memref_slice %arg11[%dma_start3A_117, %dma_start3A_118] : memref<128x80xf32, #tpu.memory_space<vmem>> -> memref<64x80xf32, #tpu.memory_space<vmem>>
      %dma_start3A_120 = arith.constant 0 : i32
      %dma_start3A_121 = tpu.memref_slice %arg13[%add3A_17, %dma_start3A_120] : memref<10112x80xf32, #tpu.memory_space<vmem_shared>> -> memref<64x80xf32, #tpu.memory_space<vmem_shared>>
      %dma_start3A_122 = arith.constant 0 : i32
      %dma_start3A_123 = tpu.memref_slice %arg13[%add3A_17, %dma_start3A_122] : memref<10112x80xf32, #tpu.memory_space<vmem_shared>> -> memref<64x80xf32, #tpu.memory_space<vmem_shared>>
      %dma_start3A_124 = arith.constant 0 : i32
      %dma_start3A_125 = arith.constant 0 : i32
      %dma_start3A_126 = tpu.memref_slice %arg11[%dma_start3A_124, %dma_start3A_125] : memref<128x80xf32, #tpu.memory_space<vmem>> -> memref<64x80xf32, #tpu.memory_space<vmem>>
      tpu.enqueue_dma source(%dma_start3A_126 : memref<64x80xf32, #tpu.memory_space<vmem>>) target(%dma_start3A_123 : memref<64x80xf32, #tpu.memory_space<vmem_shared>>) target_semaphore(%run_scoped3A : memref<!tpu.dma_semaphore, #tpu.memory_space<semaphore_mem>>)
      %dma_wait3A_127 = arith.constant 0 : i32
      %dma_wait3A_128 = arith.constant 0 : i32
      %dma_wait3A_129 = tpu.memref_slice %arg11[%dma_wait3A_127, %dma_wait3A_128] : memref<128x80xf32, #tpu.memory_space<vmem>> -> memref<64x80xf32, #tpu.memory_space<vmem>>
      %dma_wait3A_130 = arith.constant 0 : i32
      %dma_wait3A_131 = tpu.memref_slice %arg13[%add3A_17, %dma_wait3A_130] : memref<10112x80xf32, #tpu.memory_space<vmem_shared>> -> memref<64x80xf32, #tpu.memory_space<vmem_shared>>
      %dma_wait3A_132 = arith.constant 0 : i32
      %dma_wait3A_133 = tpu.memref_slice %arg13[%add3A_17, %dma_wait3A_132] : memref<10112x80xf32, #tpu.memory_space<vmem_shared>> -> memref<64x80xf32, #tpu.memory_space<vmem_shared>>
      %dma_wait3A_134 = arith.constant 0 : i32
      %dma_wait3A_135 = arith.constant 0 : i32
      %dma_wait3A_136 = tpu.memref_slice %arg11[%dma_wait3A_134, %dma_wait3A_135] : memref<128x80xf32, #tpu.memory_space<vmem>> -> memref<64x80xf32, #tpu.memory_space<vmem>>
      tpu.wait_dma2 semaphore(%run_scoped3A : memref<!tpu.dma_semaphore, #tpu.memory_space<semaphore_mem>>) src(%dma_wait3A_136 : memref<64x80xf32, #tpu.memory_space<vmem>>) dst(%dma_wait3A_133 : memref<64x80xf32, #tpu.memory_space<vmem_shared>>)
      tpu.yield
    }) : () -> ()
    %add3A_18 = arith.constant 576 : i32
    %add3A_19 = arith.addi %mul3A_0, %add3A_18 : i32
    "tpu.region"() ({
      %run_scoped3A = tpu.sem_alloc : memref<!tpu.dma_semaphore, #tpu.memory_space<semaphore_mem>>
      %dma_start3A_117 = arith.constant 0 : i32
      %dma_start3A_118 = arith.constant 0 : i32
      %dma_start3A_119 = tpu.memref_slice %arg11[%dma_start3A_117, %dma_start3A_118] : memref<128x80xf32, #tpu.memory_space<vmem>> -> memref<56x80xf32, #tpu.memory_space<vmem>>
      %dma_start3A_120 = arith.constant 0 : i32
      %dma_start3A_121 = tpu.memref_slice %arg13[%add3A_19, %dma_start3A_120] : memref<10112x80xf32, #tpu.memory_space<vmem_shared>> -> memref<56x80xf32, #tpu.memory_space<vmem_shared>>
      %dma_start3A_122 = arith.constant 0 : i32
      %dma_start3A_123 = tpu.memref_slice %arg13[%add3A_19, %dma_start3A_122] : memref<10112x80xf32, #tpu.memory_space<vmem_shared>> -> memref<56x80xf32, #tpu.memory_space<vmem_shared>>
      %dma_start3A_124 = arith.constant 0 : i32
      %dma_start3A_125 = arith.constant 0 : i32
      %dma_start3A_126 = tpu.memref_slice %arg11[%dma_start3A_124, %dma_start3A_125] : memref<128x80xf32, #tpu.memory_space<vmem>> -> memref<56x80xf32, #tpu.memory_space<vmem>>
      tpu.enqueue_dma source(%dma_start3A_126 : memref<56x80xf32, #tpu.memory_space<vmem>>) target(%dma_start3A_123 : memref<56x80xf32, #tpu.memory_space<vmem_shared>>) target_semaphore(%run_scoped3A : memref<!tpu.dma_semaphore, #tpu.memory_space<semaphore_mem>>)
      %dma_wait3A_127 = arith.constant 0 : i32
      %dma_wait3A_128 = arith.constant 0 : i32
      %dma_wait3A_129 = tpu.memref_slice %arg11[%dma_wait3A_127, %dma_wait3A_128] : memref<128x80xf32, #tpu.memory_space<vmem>> -> memref<56x80xf32, #tpu.memory_space<vmem>>
      %dma_wait3A_130 = arith.constant 0 : i32
      %dma_wait3A_131 = tpu.memref_slice %arg13[%add3A_19, %dma_wait3A_130] : memref<10112x80xf32, #tpu.memory_space<vmem_shared>> -> memref<56x80xf32, #tpu.memory_space<vmem_shared>>
      %dma_wait3A_132 = arith.constant 0 : i32
      %dma_wait3A_133 = tpu.memref_slice %arg13[%add3A_19, %dma_wait3A_132] : memref<10112x80xf32, #tpu.memory_space<vmem_shared>> -> memref<56x80xf32, #tpu.memory_space<vmem_shared>>
      %dma_wait3A_134 = arith.constant 0 : i32
      %dma_wait3A_135 = arith.constant 0 : i32
      %dma_wait3A_136 = tpu.memref_slice %arg11[%dma_wait3A_134, %dma_wait3A_135] : memref<128x80xf32, #tpu.memory_space<vmem>> -> memref<56x80xf32, #tpu.memory_space<vmem>>
      tpu.wait_dma2 semaphore(%run_scoped3A : memref<!tpu.dma_semaphore, #tpu.memory_space<semaphore_mem>>) src(%dma_wait3A_136 : memref<56x80xf32, #tpu.memory_space<vmem>>) dst(%dma_wait3A_133 : memref<56x80xf32, #tpu.memory_space<vmem_shared>>)
      tpu.yield
    }) : () -> ()
    %barrier3A = arith.constant 0 : index
    tpu.barrier barrier_id(%barrier3A)
    %mul3A_20 = arith.constant 2 : i32
    %mul3A_21 = arith.muli %arg1, %mul3A_20 : i32
    %add3A_22 = arith.addi %mul3A_21, %arg0 : i32
    %mul3A_23 = arith.constant 10240 : i32
    %mul3A_24 = arith.muli %add3A_22, %mul3A_23 : i32
    %add3A_25 = arith.constant 0 : i32
    %add3A_26 = arith.addi %mul3A_24, %add3A_25 : i32
    %dma_start3A = tpu.memref_slice %arg3[%add3A_26] : memref<327680xi32, #tpu.memory_space<hbm>> -> memref<128xi32, #tpu.memory_space<hbm>>
    %dma_start3A_27 = tpu.memref_slice %arg3[%add3A_26] : memref<327680xi32, #tpu.memory_space<hbm>> -> memref<128xi32, #tpu.memory_space<hbm>>
    tpu.enqueue_dma source(%dma_start3A_27 : memref<128xi32, #tpu.memory_space<hbm>>) target(%arg7 : memref<128xi32, #tpu.memory_space<vmem>>) target_semaphore(%arg16 : memref<!tpu.dma_semaphore, #tpu.memory_space<semaphore_mem>>)
    %dma_start3A_28 = tpu.memref_slice %arg4[%add3A_26] : memref<327680xi32, #tpu.memory_space<hbm>> -> memref<128xi32, #tpu.memory_space<hbm>>
    %dma_start3A_29 = tpu.memref_slice %arg4[%add3A_26] : memref<327680xi32, #tpu.memory_space<hbm>> -> memref<128xi32, #tpu.memory_space<hbm>>
    tpu.enqueue_dma source(%dma_start3A_29 : memref<128xi32, #tpu.memory_space<hbm>>) target(%arg8 : memref<128xi32, #tpu.memory_space<vmem>>) target_semaphore(%arg16 : memref<!tpu.dma_semaphore, #tpu.memory_space<semaphore_mem>>)
    %dma_wait3A = arith.constant 0 : i32
    %dma_wait3A_30 = tpu.memref_slice %arg3[%dma_wait3A] : memref<327680xi32, #tpu.memory_space<hbm>> -> memref<128xi32, #tpu.memory_space<hbm>>
    %dma_wait3A_31 = arith.constant 0 : i32
    %dma_wait3A_32 = tpu.memref_slice %arg3[%dma_wait3A_31] : memref<327680xi32, #tpu.memory_space<hbm>> -> memref<128xi32, #tpu.memory_space<hbm>>
    tpu.wait_dma2 semaphore(%arg16 : memref<!tpu.dma_semaphore, #tpu.memory_space<semaphore_mem>>) src(%dma_wait3A_32 : memref<128xi32, #tpu.memory_space<hbm>>) dst(%arg7 : memref<128xi32, #tpu.memory_space<vmem>>)
    %dma_wait3A_33 = arith.constant 0 : i32
    %dma_wait3A_34 = tpu.memref_slice %arg3[%dma_wait3A_33] : memref<327680xi32, #tpu.memory_space<hbm>> -> memref<128xi32, #tpu.memory_space<hbm>>
    %dma_wait3A_35 = arith.constant 0 : i32
    %dma_wait3A_36 = tpu.memref_slice %arg3[%dma_wait3A_35] : memref<327680xi32, #tpu.memory_space<hbm>> -> memref<128xi32, #tpu.memory_space<hbm>>
    tpu.wait_dma2 semaphore(%arg16 : memref<!tpu.dma_semaphore, #tpu.memory_space<semaphore_mem>>) src(%dma_wait3A_36 : memref<128xi32, #tpu.memory_space<hbm>>) dst(%arg8 : memref<128xi32, #tpu.memory_space<vmem>>)
    %dma_start3A_37 = arith.constant 0 : i32
    %dma_start3A_38 = arith.constant 0 : i32
    %dma_start3A_39 = tpu.memref_slice %arg2[%dma_start3A_37, %dma_start3A_38] : memref<10000x80xf32, #tpu.memory_space<hbm>> -> memref<10000x80xf32, #tpu.memory_space<hbm>>
    tpu.enqueue_indirect_dma source(%dma_start3A_39 : memref<10000x80xf32, #tpu.memory_space<hbm>>) target(%arg11 : memref<128x80xf32, #tpu.memory_space<vmem>>) offsets(%arg7 : memref<128xi32, #tpu.memory_space<vmem>>) semaphore(%arg14 : memref<!tpu.dma_semaphore, #tpu.memory_space<semaphore_mem>>)
    %add3A_40 = arith.constant 128 : i32
    %add3A_41 = arith.addi %mul3A_24, %add3A_40 : i32
    %dma_start3A_42 = tpu.memref_slice %arg3[%add3A_41] : memref<327680xi32, #tpu.memory_space<hbm>> -> memref<128xi32, #tpu.memory_space<hbm>>
    %dma_start3A_43 = tpu.memref_slice %arg3[%add3A_41] : memref<327680xi32, #tpu.memory_space<hbm>> -> memref<128xi32, #tpu.memory_space<hbm>>
    tpu.enqueue_dma source(%dma_start3A_43 : memref<128xi32, #tpu.memory_space<hbm>>) target(%arg9 : memref<128xi32, #tpu.memory_space<vmem>>) target_semaphore(%arg17 : memref<!tpu.dma_semaphore, #tpu.memory_space<semaphore_mem>>)
    %dma_start3A_44 = tpu.memref_slice %arg4[%add3A_41] : memref<327680xi32, #tpu.memory_space<hbm>> -> memref<128xi32, #tpu.memory_space<hbm>>
    %dma_start3A_45 = tpu.memref_slice %arg4[%add3A_41] : memref<327680xi32, #tpu.memory_space<hbm>> -> memref<128xi32, #tpu.memory_space<hbm>>
    tpu.enqueue_dma source(%dma_start3A_45 : memref<128xi32, #tpu.memory_space<hbm>>) target(%arg10 : memref<128xi32, #tpu.memory_space<vmem>>) target_semaphore(%arg17 : memref<!tpu.dma_semaphore, #tpu.memory_space<semaphore_mem>>)
    %scan3A = arith.constant 0 : i32
    %scan3A_46 = arith.constant 39 : i32
    %scan3A_47 = arith.addi %scan3A, %scan3A_46 : i32
    %scan3A_48 = arith.constant 1 : i32
    scf.for %scan3A_117 = %scan3A to %scan3A_47 step %scan3A_48  : i32 {
      %mul3A_118 = arith.constant 1 : i32
      %mul3A_119 = arith.muli %scan3A_117, %mul3A_118 : i32
      %add3A_120 = arith.constant 0 : i32
      %add3A_121 = arith.addi %add3A_120, %mul3A_119 : i32
      %dma_wait3A_122 = arith.constant 0 : i32
      %dma_wait3A_123 = arith.constant 0 : i32
      %dma_wait3A_124 = tpu.memref_slice %arg5[%dma_wait3A_122, %dma_wait3A_123] : memref<10112x80xf32, #tpu.memory_space<hbm>> -> memref<128x80xf32, #tpu.memory_space<hbm>>
      %dma_wait3A_125 = arith.constant 0 : i32
      %dma_wait3A_126 = arith.constant 0 : i32
      %dma_wait3A_127 = tpu.memref_slice %arg5[%dma_wait3A_125, %dma_wait3A_126] : memref<10112x80xf32, #tpu.memory_space<hbm>> -> memref<128x80xf32, #tpu.memory_space<hbm>>
      tpu.wait_dma2 semaphore(%arg14 : memref<!tpu.dma_semaphore, #tpu.memory_space<semaphore_mem>>) src(%dma_wait3A_127 : memref<128x80xf32, #tpu.memory_space<hbm>>) dst(%arg11 : memref<128x80xf32, #tpu.memory_space<vmem>>)
      %dma_wait3A_128 = arith.constant 0 : i32
      %dma_wait3A_129 = tpu.memref_slice %arg3[%dma_wait3A_128] : memref<327680xi32, #tpu.memory_space<hbm>> -> memref<128xi32, #tpu.memory_space<hbm>>
      %dma_wait3A_130 = arith.constant 0 : i32
      %dma_wait3A_131 = tpu.memref_slice %arg3[%dma_wait3A_130] : memref<327680xi32, #tpu.memory_space<hbm>> -> memref<128xi32, #tpu.memory_space<hbm>>
      tpu.wait_dma2 semaphore(%arg17 : memref<!tpu.dma_semaphore, #tpu.memory_space<semaphore_mem>>) src(%dma_wait3A_131 : memref<128xi32, #tpu.memory_space<hbm>>) dst(%arg9 : memref<128xi32, #tpu.memory_space<vmem>>)
      %dma_wait3A_132 = arith.constant 0 : i32
      %dma_wait3A_133 = tpu.memref_slice %arg3[%dma_wait3A_132] : memref<327680xi32, #tpu.memory_space<hbm>> -> memref<128xi32, #tpu.memory_space<hbm>>
      %dma_wait3A_134 = arith.constant 0 : i32
      %dma_wait3A_135 = tpu.memref_slice %arg3[%dma_wait3A_134] : memref<327680xi32, #tpu.memory_space<hbm>> -> memref<128xi32, #tpu.memory_space<hbm>>
      tpu.wait_dma2 semaphore(%arg17 : memref<!tpu.dma_semaphore, #tpu.memory_space<semaphore_mem>>) src(%dma_wait3A_135 : memref<128xi32, #tpu.memory_space<hbm>>) dst(%arg10 : memref<128xi32, #tpu.memory_space<vmem>>)
      %dma_start3A_136 = arith.constant 0 : i32
      %dma_start3A_137 = arith.constant 0 : i32
      %dma_start3A_138 = tpu.memref_slice %arg2[%dma_start3A_136, %dma_start3A_137] : memref<10000x80xf32, #tpu.memory_space<hbm>> -> memref<10000x80xf32, #tpu.memory_space<hbm>>
      tpu.enqueue_indirect_dma source(%dma_start3A_138 : memref<10000x80xf32, #tpu.memory_space<hbm>>) target(%arg12 : memref<128x80xf32, #tpu.memory_space<vmem>>) offsets(%arg9 : memref<128xi32, #tpu.memory_space<vmem>>) semaphore(%arg15 : memref<!tpu.dma_semaphore, #tpu.memory_space<semaphore_mem>>)
      "tpu.region"() ({
        %run_scoped3A = tpu.sem_alloc : memref<!tpu.dma_semaphore, #tpu.memory_space<semaphore_mem>>
        %dma_start3A_178 = arith.constant 0 : i32
        %dma_start3A_179 = arith.constant 0 : i32
        %dma_start3A_180 = tpu.memref_slice %arg13[%dma_start3A_178, %dma_start3A_179] : memref<10112x80xf32, #tpu.memory_space<vmem_shared>> -> memref<10112x80xf32, #tpu.memory_space<vmem_shared>>
        tpu.enqueue_indirect_dma source(%arg11 : memref<128x80xf32, #tpu.memory_space<vmem>>) target(%dma_start3A_180 : memref<10112x80xf32, #tpu.memory_space<vmem_shared>>) offsets(%arg8 : memref<128xi32, #tpu.memory_space<vmem>>) semaphore(%run_scoped3A : memref<!tpu.dma_semaphore, #tpu.memory_space<semaphore_mem>>) {add = true}
        %dma_wait3A_181 = arith.constant 0 : i32
        %dma_wait3A_182 = arith.constant 0 : i32
        %dma_wait3A_183 = tpu.memref_slice %arg13[%dma_wait3A_181, %dma_wait3A_182] : memref<10112x80xf32, #tpu.memory_space<vmem_shared>> -> memref<10112x80xf32, #tpu.memory_space<vmem_shared>>
        tpu.wait_indirect_dma semaphore(%run_scoped3A : memref<!tpu.dma_semaphore, #tpu.memory_space<semaphore_mem>>) src(%arg11 : memref<128x80xf32, #tpu.memory_space<vmem>>) dst(%dma_wait3A_183 : memref<10112x80xf32, #tpu.memory_space<vmem_shared>>)
        tpu.yield
      }) : () -> ()
      %mul3A_139 = arith.constant 2 : i32
      %mul3A_140 = arith.muli %mul3A_139, %add3A_121 : i32
      %add3A_141 = arith.constant 2 : i32
      %add3A_142 = arith.addi %mul3A_140, %add3A_141 : i32
      %mul3A_143 = arith.constant 128 : i32
      %mul3A_144 = arith.muli %add3A_142, %mul3A_143 : i32
      %add3A_145 = arith.addi %mul3A_24, %mul3A_144 : i32
      %dma_start3A_146 = tpu.memref_slice %arg3[%add3A_145] : memref<327680xi32, #tpu.memory_space<hbm>> -> memref<128xi32, #tpu.memory_space<hbm>>
      %dma_start3A_147 = tpu.memref_slice %arg3[%add3A_145] : memref<327680xi32, #tpu.memory_space<hbm>> -> memref<128xi32, #tpu.memory_space<hbm>>
      tpu.enqueue_dma source(%dma_start3A_147 : memref<128xi32, #tpu.memory_space<hbm>>) target(%arg7 : memref<128xi32, #tpu.memory_space<vmem>>) target_semaphore(%arg16 : memref<!tpu.dma_semaphore, #tpu.memory_space<semaphore_mem>>)
      %dma_start3A_148 = tpu.memref_slice %arg4[%add3A_145] : memref<327680xi32, #tpu.memory_space<hbm>> -> memref<128xi32, #tpu.memory_space<hbm>>
      %dma_start3A_149 = tpu.memref_slice %arg4[%add3A_145] : memref<327680xi32, #tpu.memory_space<hbm>> -> memref<128xi32, #tpu.memory_space<hbm>>
      tpu.enqueue_dma source(%dma_start3A_149 : memref<128xi32, #tpu.memory_space<hbm>>) target(%arg8 : memref<128xi32, #tpu.memory_space<vmem>>) target_semaphore(%arg16 : memref<!tpu.dma_semaphore, #tpu.memory_space<semaphore_mem>>)
      %dma_wait3A_150 = arith.constant 0 : i32
      %dma_wait3A_151 = arith.constant 0 : i32
      %dma_wait3A_152 = tpu.memref_slice %arg5[%dma_wait3A_150, %dma_wait3A_151] : memref<10112x80xf32, #tpu.memory_space<hbm>> -> memref<128x80xf32, #tpu.memory_space<hbm>>
      %dma_wait3A_153 = arith.constant 0 : i32
      %dma_wait3A_154 = arith.constant 0 : i32
      %dma_wait3A_155 = tpu.memref_slice %arg5[%dma_wait3A_153, %dma_wait3A_154] : memref<10112x80xf32, #tpu.memory_space<hbm>> -> memref<128x80xf32, #tpu.memory_space<hbm>>
      tpu.wait_dma2 semaphore(%arg15 : memref<!tpu.dma_semaphore, #tpu.memory_space<semaphore_mem>>) src(%dma_wait3A_155 : memref<128x80xf32, #tpu.memory_space<hbm>>) dst(%arg12 : memref<128x80xf32, #tpu.memory_space<vmem>>)
      %dma_wait3A_156 = arith.constant 0 : i32
      %dma_wait3A_157 = tpu.memref_slice %arg3[%dma_wait3A_156] : memref<327680xi32, #tpu.memory_space<hbm>> -> memref<128xi32, #tpu.memory_space<hbm>>
      %dma_wait3A_158 = arith.constant 0 : i32
      %dma_wait3A_159 = tpu.memref_slice %arg3[%dma_wait3A_158] : memref<327680xi32, #tpu.memory_space<hbm>> -> memref<128xi32, #tpu.memory_space<hbm>>
      tpu.wait_dma2 semaphore(%arg16 : memref<!tpu.dma_semaphore, #tpu.memory_space<semaphore_mem>>) src(%dma_wait3A_159 : memref<128xi32, #tpu.memory_space<hbm>>) dst(%arg7 : memref<128xi32, #tpu.memory_space<vmem>>)
      %dma_wait3A_160 = arith.constant 0 : i32
      %dma_wait3A_161 = tpu.memref_slice %arg3[%dma_wait3A_160] : memref<327680xi32, #tpu.memory_space<hbm>> -> memref<128xi32, #tpu.memory_space<hbm>>
      %dma_wait3A_162 = arith.constant 0 : i32
      %dma_wait3A_163 = tpu.memref_slice %arg3[%dma_wait3A_162] : memref<327680xi32, #tpu.memory_space<hbm>> -> memref<128xi32, #tpu.memory_space<hbm>>
      tpu.wait_dma2 semaphore(%arg16 : memref<!tpu.dma_semaphore, #tpu.memory_space<semaphore_mem>>) src(%dma_wait3A_163 : memref<128xi32, #tpu.memory_space<hbm>>) dst(%arg8 : memref<128xi32, #tpu.memory_space<vmem>>)
      %dma_start3A_164 = arith.constant 0 : i32
      %dma_start3A_165 = arith.constant 0 : i32
      %dma_start3A_166 = tpu.memref_slice %arg2[%dma_start3A_164, %dma_start3A_165] : memref<10000x80xf32, #tpu.memory_space<hbm>> -> memref<10000x80xf32, #tpu.memory_space<hbm>>
      tpu.enqueue_indirect_dma source(%dma_start3A_166 : memref<10000x80xf32, #tpu.memory_space<hbm>>) target(%arg11 : memref<128x80xf32, #tpu.memory_space<vmem>>) offsets(%arg7 : memref<128xi32, #tpu.memory_space<vmem>>) semaphore(%arg14 : memref<!tpu.dma_semaphore, #tpu.memory_space<semaphore_mem>>)
      "tpu.region"() ({
        %run_scoped3A = tpu.sem_alloc : memref<!tpu.dma_semaphore, #tpu.memory_space<semaphore_mem>>
        %dma_start3A_178 = arith.constant 0 : i32
        %dma_start3A_179 = arith.constant 0 : i32
        %dma_start3A_180 = tpu.memref_slice %arg13[%dma_start3A_178, %dma_start3A_179] : memref<10112x80xf32, #tpu.memory_space<vmem_shared>> -> memref<10112x80xf32, #tpu.memory_space<vmem_shared>>
        tpu.enqueue_indirect_dma source(%arg12 : memref<128x80xf32, #tpu.memory_space<vmem>>) target(%dma_start3A_180 : memref<10112x80xf32, #tpu.memory_space<vmem_shared>>) offsets(%arg10 : memref<128xi32, #tpu.memory_space<vmem>>) semaphore(%run_scoped3A : memref<!tpu.dma_semaphore, #tpu.memory_space<semaphore_mem>>) {add = true}
        %dma_wait3A_181 = arith.constant 0 : i32
        %dma_wait3A_182 = arith.constant 0 : i32
        %dma_wait3A_183 = tpu.memref_slice %arg13[%dma_wait3A_181, %dma_wait3A_182] : memref<10112x80xf32, #tpu.memory_space<vmem_shared>> -> memref<10112x80xf32, #tpu.memory_space<vmem_shared>>
        tpu.wait_indirect_dma semaphore(%run_scoped3A : memref<!tpu.dma_semaphore, #tpu.memory_space<semaphore_mem>>) src(%arg12 : memref<128x80xf32, #tpu.memory_space<vmem>>) dst(%dma_wait3A_183 : memref<10112x80xf32, #tpu.memory_space<vmem_shared>>)
        tpu.yield
      }) : () -> ()
      %mul3A_167 = arith.constant 2 : i32
      %mul3A_168 = arith.muli %mul3A_167, %add3A_121 : i32
      %add3A_169 = arith.constant 3 : i32
      %add3A_170 = arith.addi %mul3A_168, %add3A_169 : i32
      %mul3A_171 = arith.constant 128 : i32
      %mul3A_172 = arith.muli %add3A_170, %mul3A_171 : i32
      %add3A_173 = arith.addi %mul3A_24, %mul3A_172 : i32
      %dma_start3A_174 = tpu.memref_slice %arg3[%add3A_173] : memref<327680xi32, #tpu.memory_space<hbm>> -> memref<128xi32, #tpu.memory_space<hbm>>
      %dma_start3A_175 = tpu.memref_slice %arg3[%add3A_173] : memref<327680xi32, #tpu.memory_space<hbm>> -> memref<128xi32, #tpu.memory_space<hbm>>
      tpu.enqueue_dma source(%dma_start3A_175 : memref<128xi32, #tpu.memory_space<hbm>>) target(%arg9 : memref<128xi32, #tpu.memory_space<vmem>>) target_semaphore(%arg17 : memref<!tpu.dma_semaphore, #tpu.memory_space<semaphore_mem>>)
      %dma_start3A_176 = tpu.memref_slice %arg4[%add3A_173] : memref<327680xi32, #tpu.memory_space<hbm>> -> memref<128xi32, #tpu.memory_space<hbm>>
      %dma_start3A_177 = tpu.memref_slice %arg4[%add3A_173] : memref<327680xi32, #tpu.memory_space<hbm>> -> memref<128xi32, #tpu.memory_space<hbm>>
      tpu.enqueue_dma source(%dma_start3A_177 : memref<128xi32, #tpu.memory_space<hbm>>) target(%arg10 : memref<128xi32, #tpu.memory_space<vmem>>) target_semaphore(%arg17 : memref<!tpu.dma_semaphore, #tpu.memory_space<semaphore_mem>>)
    }
    %scan3A_49 = arith.constant 39 : i32
    %dma_wait3A_50 = arith.constant 0 : i32
    %dma_wait3A_51 = arith.constant 0 : i32
    %dma_wait3A_52 = tpu.memref_slice %arg5[%dma_wait3A_50, %dma_wait3A_51] : memref<10112x80xf32, #tpu.memory_space<hbm>> -> memref<128x80xf32, #tpu.memory_space<hbm>>
    %dma_wait3A_53 = arith.constant 0 : i32
    %dma_wait3A_54 = arith.constant 0 : i32
    %dma_wait3A_55 = tpu.memref_slice %arg5[%dma_wait3A_53, %dma_wait3A_54] : memref<10112x80xf32, #tpu.memory_space<hbm>> -> memref<128x80xf32, #tpu.memory_space<hbm>>
    tpu.wait_dma2 semaphore(%arg14 : memref<!tpu.dma_semaphore, #tpu.memory_space<semaphore_mem>>) src(%dma_wait3A_55 : memref<128x80xf32, #tpu.memory_space<hbm>>) dst(%arg11 : memref<128x80xf32, #tpu.memory_space<vmem>>)
    %dma_wait3A_56 = arith.constant 0 : i32
    %dma_wait3A_57 = tpu.memref_slice %arg3[%dma_wait3A_56] : memref<327680xi32, #tpu.memory_space<hbm>> -> memref<128xi32, #tpu.memory_space<hbm>>
    %dma_wait3A_58 = arith.constant 0 : i32
    %dma_wait3A_59 = tpu.memref_slice %arg3[%dma_wait3A_58] : memref<327680xi32, #tpu.memory_space<hbm>> -> memref<128xi32, #tpu.memory_space<hbm>>
    tpu.wait_dma2 semaphore(%arg17 : memref<!tpu.dma_semaphore, #tpu.memory_space<semaphore_mem>>) src(%dma_wait3A_59 : memref<128xi32, #tpu.memory_space<hbm>>) dst(%arg9 : memref<128xi32, #tpu.memory_space<vmem>>)
    %dma_wait3A_60 = arith.constant 0 : i32
    %dma_wait3A_61 = tpu.memref_slice %arg3[%dma_wait3A_60] : memref<327680xi32, #tpu.memory_space<hbm>> -> memref<128xi32, #tpu.memory_space<hbm>>
    %dma_wait3A_62 = arith.constant 0 : i32
    %dma_wait3A_63 = tpu.memref_slice %arg3[%dma_wait3A_62] : memref<327680xi32, #tpu.memory_space<hbm>> -> memref<128xi32, #tpu.memory_space<hbm>>
    tpu.wait_dma2 semaphore(%arg17 : memref<!tpu.dma_semaphore, #tpu.memory_space<semaphore_mem>>) src(%dma_wait3A_63 : memref<128xi32, #tpu.memory_space<hbm>>) dst(%arg10 : memref<128xi32, #tpu.memory_space<vmem>>)
    %dma_start3A_64 = arith.constant 0 : i32
    %dma_start3A_65 = arith.constant 0 : i32
    %dma_start3A_66 = tpu.memref_slice %arg2[%dma_start3A_64, %dma_start3A_65] : memref<10000x80xf32, #tpu.memory_space<hbm>> -> memref<10000x80xf32, #tpu.memory_space<hbm>>
    tpu.enqueue_indirect_dma source(%dma_start3A_66 : memref<10000x80xf32, #tpu.memory_space<hbm>>) target(%arg12 : memref<128x80xf32, #tpu.memory_space<vmem>>) offsets(%arg9 : memref<128xi32, #tpu.memory_space<vmem>>) semaphore(%arg15 : memref<!tpu.dma_semaphore, #tpu.memory_space<semaphore_mem>>)
    "tpu.region"() ({
      %run_scoped3A = tpu.sem_alloc : memref<!tpu.dma_semaphore, #tpu.memory_space<semaphore_mem>>
      %dma_start3A_117 = arith.constant 0 : i32
      %dma_start3A_118 = arith.constant 0 : i32
      %dma_start3A_119 = tpu.memref_slice %arg13[%dma_start3A_117, %dma_start3A_118] : memref<10112x80xf32, #tpu.memory_space<vmem_shared>> -> memref<10112x80xf32, #tpu.memory_space<vmem_shared>>
      tpu.enqueue_indirect_dma source(%arg11 : memref<128x80xf32, #tpu.memory_space<vmem>>) target(%dma_start3A_119 : memref<10112x80xf32, #tpu.memory_space<vmem_shared>>) offsets(%arg8 : memref<128xi32, #tpu.memory_space<vmem>>) semaphore(%run_scoped3A : memref<!tpu.dma_semaphore, #tpu.memory_space<semaphore_mem>>) {add = true}
      %dma_wait3A_120 = arith.constant 0 : i32
      %dma_wait3A_121 = arith.constant 0 : i32
      %dma_wait3A_122 = tpu.memref_slice %arg13[%dma_wait3A_120, %dma_wait3A_121] : memref<10112x80xf32, #tpu.memory_space<vmem_shared>> -> memref<10112x80xf32, #tpu.memory_space<vmem_shared>>
      tpu.wait_indirect_dma semaphore(%run_scoped3A : memref<!tpu.dma_semaphore, #tpu.memory_space<semaphore_mem>>) src(%arg11 : memref<128x80xf32, #tpu.memory_space<vmem>>) dst(%dma_wait3A_122 : memref<10112x80xf32, #tpu.memory_space<vmem_shared>>)
      tpu.yield
    }) : () -> ()
    %dma_wait3A_67 = arith.constant 0 : i32
    %dma_wait3A_68 = arith.constant 0 : i32
    %dma_wait3A_69 = tpu.memref_slice %arg5[%dma_wait3A_67, %dma_wait3A_68] : memref<10112x80xf32, #tpu.memory_space<hbm>> -> memref<128x80xf32, #tpu.memory_space<hbm>>
    %dma_wait3A_70 = arith.constant 0 : i32
    %dma_wait3A_71 = arith.constant 0 : i32
    %dma_wait3A_72 = tpu.memref_slice %arg5[%dma_wait3A_70, %dma_wait3A_71] : memref<10112x80xf32, #tpu.memory_space<hbm>> -> memref<128x80xf32, #tpu.memory_space<hbm>>
    tpu.wait_dma2 semaphore(%arg15 : memref<!tpu.dma_semaphore, #tpu.memory_space<semaphore_mem>>) src(%dma_wait3A_72 : memref<128x80xf32, #tpu.memory_space<hbm>>) dst(%arg12 : memref<128x80xf32, #tpu.memory_space<vmem>>)
    "tpu.region"() ({
      %run_scoped3A = tpu.sem_alloc : memref<!tpu.dma_semaphore, #tpu.memory_space<semaphore_mem>>
      %dma_start3A_117 = arith.constant 0 : i32
      %dma_start3A_118 = arith.constant 0 : i32
      %dma_start3A_119 = tpu.memref_slice %arg13[%dma_start3A_117, %dma_start3A_118] : memref<10112x80xf32, #tpu.memory_space<vmem_shared>> -> memref<10112x80xf32, #tpu.memory_space<vmem_shared>>
      tpu.enqueue_indirect_dma source(%arg12 : memref<128x80xf32, #tpu.memory_space<vmem>>) target(%dma_start3A_119 : memref<10112x80xf32, #tpu.memory_space<vmem_shared>>) offsets(%arg10 : memref<128xi32, #tpu.memory_space<vmem>>) semaphore(%run_scoped3A : memref<!tpu.dma_semaphore, #tpu.memory_space<semaphore_mem>>) {add = true}
      %dma_wait3A_120 = arith.constant 0 : i32
      %dma_wait3A_121 = arith.constant 0 : i32
      %dma_wait3A_122 = tpu.memref_slice %arg13[%dma_wait3A_120, %dma_wait3A_121] : memref<10112x80xf32, #tpu.memory_space<vmem_shared>> -> memref<10112x80xf32, #tpu.memory_space<vmem_shared>>
      tpu.wait_indirect_dma semaphore(%run_scoped3A : memref<!tpu.dma_semaphore, #tpu.memory_space<semaphore_mem>>) src(%arg12 : memref<128x80xf32, #tpu.memory_space<vmem>>) dst(%dma_wait3A_122 : memref<10112x80xf32, #tpu.memory_space<vmem_shared>>)
      tpu.yield
    }) : () -> ()
    %barrier3A_73 = arith.constant 0 : index
    tpu.barrier barrier_id(%barrier3A_73)
    %mul3A_74 = arith.constant 10112 : i32
    %mul3A_75 = arith.muli %arg0, %mul3A_74 : i32
    %add3A_76 = arith.addi %mul3A_75, %mul3A_0 : i32
    %add3A_77 = arith.constant 0 : i32
    %add3A_78 = arith.addi %mul3A_0, %add3A_77 : i32
    "tpu.region"() ({
      %run_scoped3A = tpu.sem_alloc : memref<!tpu.dma_semaphore, #tpu.memory_space<semaphore_mem>>
      %dma_start3A_117 = arith.constant 0 : i32
      %dma_start3A_118 = arith.constant 0 : i32
      %dma_start3A_119 = tpu.memref_slice %arg11[%dma_start3A_117, %dma_start3A_118] : memref<128x80xf32, #tpu.memory_space<vmem>> -> memref<64x80xf32, #tpu.memory_space<vmem>>
      %dma_start3A_120 = arith.constant 0 : i32
      %dma_start3A_121 = tpu.memref_slice %arg13[%add3A_78, %dma_start3A_120] : memref<10112x80xf32, #tpu.memory_space<vmem_shared>> -> memref<64x80xf32, #tpu.memory_space<vmem_shared>>
      %dma_start3A_122 = arith.constant 0 : i32
      %dma_start3A_123 = arith.constant 0 : i32
      %dma_start3A_124 = tpu.memref_slice %arg11[%dma_start3A_122, %dma_start3A_123] : memref<128x80xf32, #tpu.memory_space<vmem>> -> memref<64x80xf32, #tpu.memory_space<vmem>>
      %dma_start3A_125 = arith.constant 0 : i32
      %dma_start3A_126 = tpu.memref_slice %arg13[%add3A_78, %dma_start3A_125] : memref<10112x80xf32, #tpu.memory_space<vmem_shared>> -> memref<64x80xf32, #tpu.memory_space<vmem_shared>>
      tpu.enqueue_dma source(%dma_start3A_126 : memref<64x80xf32, #tpu.memory_space<vmem_shared>>) target(%dma_start3A_124 : memref<64x80xf32, #tpu.memory_space<vmem>>) target_semaphore(%run_scoped3A : memref<!tpu.dma_semaphore, #tpu.memory_space<semaphore_mem>>)
      %dma_wait3A_127 = arith.constant 0 : i32
      %dma_wait3A_128 = arith.constant 0 : i32
      %dma_wait3A_129 = tpu.memref_slice %arg11[%dma_wait3A_127, %dma_wait3A_128] : memref<128x80xf32, #tpu.memory_space<vmem>> -> memref<64x80xf32, #tpu.memory_space<vmem>>
      %dma_wait3A_130 = arith.constant 0 : i32
      %dma_wait3A_131 = tpu.memref_slice %arg13[%add3A_78, %dma_wait3A_130] : memref<10112x80xf32, #tpu.memory_space<vmem_shared>> -> memref<64x80xf32, #tpu.memory_space<vmem_shared>>
      %dma_wait3A_132 = arith.constant 0 : i32
      %dma_wait3A_133 = arith.constant 0 : i32
      %dma_wait3A_134 = tpu.memref_slice %arg11[%dma_wait3A_132, %dma_wait3A_133] : memref<128x80xf32, #tpu.memory_space<vmem>> -> memref<64x80xf32, #tpu.memory_space<vmem>>
      %dma_wait3A_135 = arith.constant 0 : i32
      %dma_wait3A_136 = tpu.memref_slice %arg13[%add3A_78, %dma_wait3A_135] : memref<10112x80xf32, #tpu.memory_space<vmem_shared>> -> memref<64x80xf32, #tpu.memory_space<vmem_shared>>
      tpu.wait_dma2 semaphore(%run_scoped3A : memref<!tpu.dma_semaphore, #tpu.memory_space<semaphore_mem>>) src(%dma_wait3A_136 : memref<64x80xf32, #tpu.memory_space<vmem_shared>>) dst(%dma_wait3A_134 : memref<64x80xf32, #tpu.memory_space<vmem>>)
      tpu.yield
    }) : () -> ()
    %add3A_79 = arith.constant 0 : i32
    %add3A_80 = arith.addi %add3A_76, %add3A_79 : i32
    "tpu.region"() ({
      %run_scoped3A = tpu.sem_alloc : memref<!tpu.dma_semaphore, #tpu.memory_space<semaphore_mem>>
      %dma_start3A_117 = arith.constant 0 : i32
      %dma_start3A_118 = arith.constant 0 : i32
      %dma_start3A_119 = tpu.memref_slice %arg11[%dma_start3A_117, %dma_start3A_118] : memref<128x80xf32, #tpu.memory_space<vmem>> -> memref<64x80xf32, #tpu.memory_space<vmem>>
      %dma_start3A_120 = arith.constant 0 : i32
      %dma_start3A_121 = tpu.memref_slice %arg6[%add3A_80, %dma_start3A_120] : memref<20224x80xf32, #tpu.memory_space<hbm>> -> memref<64x80xf32, #tpu.memory_space<hbm>>
      %dma_start3A_122 = arith.constant 0 : i32
      %dma_start3A_123 = tpu.memref_slice %arg6[%add3A_80, %dma_start3A_122] : memref<20224x80xf32, #tpu.memory_space<hbm>> -> memref<64x80xf32, #tpu.memory_space<hbm>>
      %dma_start3A_124 = arith.constant 0 : i32
      %dma_start3A_125 = arith.constant 0 : i32
      %dma_start3A_126 = tpu.memref_slice %arg11[%dma_start3A_124, %dma_start3A_125] : memref<128x80xf32, #tpu.memory_space<vmem>> -> memref<64x80xf32, #tpu.memory_space<vmem>>
      tpu.enqueue_dma source(%dma_start3A_126 : memref<64x80xf32, #tpu.memory_space<vmem>>) target(%dma_start3A_123 : memref<64x80xf32, #tpu.memory_space<hbm>>) target_semaphore(%run_scoped3A : memref<!tpu.dma_semaphore, #tpu.memory_space<semaphore_mem>>)
      %dma_wait3A_127 = arith.constant 0 : i32
      %dma_wait3A_128 = arith.constant 0 : i32
      %dma_wait3A_129 = tpu.memref_slice %arg11[%dma_wait3A_127, %dma_wait3A_128] : memref<128x80xf32, #tpu.memory_space<vmem>> -> memref<64x80xf32, #tpu.memory_space<vmem>>
      %dma_wait3A_130 = arith.constant 0 : i32
      %dma_wait3A_131 = tpu.memref_slice %arg6[%add3A_80, %dma_wait3A_130] : memref<20224x80xf32, #tpu.memory_space<hbm>> -> memref<64x80xf32, #tpu.memory_space<hbm>>
      %dma_wait3A_132 = arith.constant 0 : i32
      %dma_wait3A_133 = tpu.memref_slice %arg6[%add3A_80, %dma_wait3A_132] : memref<20224x80xf32, #tpu.memory_space<hbm>> -> memref<64x80xf32, #tpu.memory_space<hbm>>
      %dma_wait3A_134 = arith.constant 0 : i32
      %dma_wait3A_135 = arith.constant 0 : i32
      %dma_wait3A_136 = tpu.memref_slice %arg11[%dma_wait3A_134, %dma_wait3A_135] : memref<128x80xf32, #tpu.memory_space<vmem>> -> memref<64x80xf32, #tpu.memory_space<vmem>>
      tpu.wait_dma2 semaphore(%run_scoped3A : memref<!tpu.dma_semaphore, #tpu.memory_space<semaphore_mem>>) src(%dma_wait3A_136 : memref<64x80xf32, #tpu.memory_space<vmem>>) dst(%dma_wait3A_133 : memref<64x80xf32, #tpu.memory_space<hbm>>)
      tpu.yield
    }) : () -> ()
    %add3A_81 = arith.constant 64 : i32
    %add3A_82 = arith.addi %mul3A_0, %add3A_81 : i32
    "tpu.region"() ({
      %run_scoped3A = tpu.sem_alloc : memref<!tpu.dma_semaphore, #tpu.memory_space<semaphore_mem>>
      %dma_start3A_117 = arith.constant 0 : i32
      %dma_start3A_118 = arith.constant 0 : i32
      %dma_start3A_119 = tpu.memref_slice %arg11[%dma_start3A_117, %dma_start3A_118] : memref<128x80xf32, #tpu.memory_space<vmem>> -> memref<64x80xf32, #tpu.memory_space<vmem>>
      %dma_start3A_120 = arith.constant 0 : i32
      %dma_start3A_121 = tpu.memref_slice %arg13[%add3A_82, %dma_start3A_120] : memref<10112x80xf32, #tpu.memory_space<vmem_shared>> -> memref<64x80xf32, #tpu.memory_space<vmem_shared>>
      %dma_start3A_122 = arith.constant 0 : i32
      %dma_start3A_123 = arith.constant 0 : i32
      %dma_start3A_124 = tpu.memref_slice %arg11[%dma_start3A_122, %dma_start3A_123] : memref<128x80xf32, #tpu.memory_space<vmem>> -> memref<64x80xf32, #tpu.memory_space<vmem>>
      %dma_start3A_125 = arith.constant 0 : i32
      %dma_start3A_126 = tpu.memref_slice %arg13[%add3A_82, %dma_start3A_125] : memref<10112x80xf32, #tpu.memory_space<vmem_shared>> -> memref<64x80xf32, #tpu.memory_space<vmem_shared>>
      tpu.enqueue_dma source(%dma_start3A_126 : memref<64x80xf32, #tpu.memory_space<vmem_shared>>) target(%dma_start3A_124 : memref<64x80xf32, #tpu.memory_space<vmem>>) target_semaphore(%run_scoped3A : memref<!tpu.dma_semaphore, #tpu.memory_space<semaphore_mem>>)
      %dma_wait3A_127 = arith.constant 0 : i32
      %dma_wait3A_128 = arith.constant 0 : i32
      %dma_wait3A_129 = tpu.memref_slice %arg11[%dma_wait3A_127, %dma_wait3A_128] : memref<128x80xf32, #tpu.memory_space<vmem>> -> memref<64x80xf32, #tpu.memory_space<vmem>>
      %dma_wait3A_130 = arith.constant 0 : i32
      %dma_wait3A_131 = tpu.memref_slice %arg13[%add3A_82, %dma_wait3A_130] : memref<10112x80xf32, #tpu.memory_space<vmem_shared>> -> memref<64x80xf32, #tpu.memory_space<vmem_shared>>
      %dma_wait3A_132 = arith.constant 0 : i32
      %dma_wait3A_133 = arith.constant 0 : i32
      %dma_wait3A_134 = tpu.memref_slice %arg11[%dma_wait3A_132, %dma_wait3A_133] : memref<128x80xf32, #tpu.memory_space<vmem>> -> memref<64x80xf32, #tpu.memory_space<vmem>>
      %dma_wait3A_135 = arith.constant 0 : i32
      %dma_wait3A_136 = tpu.memref_slice %arg13[%add3A_82, %dma_wait3A_135] : memref<10112x80xf32, #tpu.memory_space<vmem_shared>> -> memref<64x80xf32, #tpu.memory_space<vmem_shared>>
      tpu.wait_dma2 semaphore(%run_scoped3A : memref<!tpu.dma_semaphore, #tpu.memory_space<semaphore_mem>>) src(%dma_wait3A_136 : memref<64x80xf32, #tpu.memory_space<vmem_shared>>) dst(%dma_wait3A_134 : memref<64x80xf32, #tpu.memory_space<vmem>>)
      tpu.yield
    }) : () -> ()
    %add3A_83 = arith.constant 64 : i32
    %add3A_84 = arith.addi %add3A_76, %add3A_83 : i32
    "tpu.region"() ({
      %run_scoped3A = tpu.sem_alloc : memref<!tpu.dma_semaphore, #tpu.memory_space<semaphore_mem>>
      %dma_start3A_117 = arith.constant 0 : i32
      %dma_start3A_118 = arith.constant 0 : i32
      %dma_start3A_119 = tpu.memref_slice %arg11[%dma_start3A_117, %dma_start3A_118] : memref<128x80xf32, #tpu.memory_space<vmem>> -> memref<64x80xf32, #tpu.memory_space<vmem>>
      %dma_start3A_120 = arith.constant 0 : i32
      %dma_start3A_121 = tpu.memref_slice %arg6[%add3A_84, %dma_start3A_120] : memref<20224x80xf32, #tpu.memory_space<hbm>> -> memref<64x80xf32, #tpu.memory_space<hbm>>
      %dma_start3A_122 = arith.constant 0 : i32
      %dma_start3A_123 = tpu.memref_slice %arg6[%add3A_84, %dma_start3A_122] : memref<20224x80xf32, #tpu.memory_space<hbm>> -> memref<64x80xf32, #tpu.memory_space<hbm>>
      %dma_start3A_124 = arith.constant 0 : i32
      %dma_start3A_125 = arith.constant 0 : i32
      %dma_start3A_126 = tpu.memref_slice %arg11[%dma_start3A_124, %dma_start3A_125] : memref<128x80xf32, #tpu.memory_space<vmem>> -> memref<64x80xf32, #tpu.memory_space<vmem>>
      tpu.enqueue_dma source(%dma_start3A_126 : memref<64x80xf32, #tpu.memory_space<vmem>>) target(%dma_start3A_123 : memref<64x80xf32, #tpu.memory_space<hbm>>) target_semaphore(%run_scoped3A : memref<!tpu.dma_semaphore, #tpu.memory_space<semaphore_mem>>)
      %dma_wait3A_127 = arith.constant 0 : i32
      %dma_wait3A_128 = arith.constant 0 : i32
      %dma_wait3A_129 = tpu.memref_slice %arg11[%dma_wait3A_127, %dma_wait3A_128] : memref<128x80xf32, #tpu.memory_space<vmem>> -> memref<64x80xf32, #tpu.memory_space<vmem>>
      %dma_wait3A_130 = arith.constant 0 : i32
      %dma_wait3A_131 = tpu.memref_slice %arg6[%add3A_84, %dma_wait3A_130] : memref<20224x80xf32, #tpu.memory_space<hbm>> -> memref<64x80xf32, #tpu.memory_space<hbm>>
      %dma_wait3A_132 = arith.constant 0 : i32
      %dma_wait3A_133 = tpu.memref_slice %arg6[%add3A_84, %dma_wait3A_132] : memref<20224x80xf32, #tpu.memory_space<hbm>> -> memref<64x80xf32, #tpu.memory_space<hbm>>
      %dma_wait3A_134 = arith.constant 0 : i32
      %dma_wait3A_135 = arith.constant 0 : i32
      %dma_wait3A_136 = tpu.memref_slice %arg11[%dma_wait3A_134, %dma_wait3A_135] : memref<128x80xf32, #tpu.memory_space<vmem>> -> memref<64x80xf32, #tpu.memory_space<vmem>>
      tpu.wait_dma2 semaphore(%run_scoped3A : memref<!tpu.dma_semaphore, #tpu.memory_space<semaphore_mem>>) src(%dma_wait3A_136 : memref<64x80xf32, #tpu.memory_space<vmem>>) dst(%dma_wait3A_133 : memref<64x80xf32, #tpu.memory_space<hbm>>)
      tpu.yield
    }) : () -> ()
    %add3A_85 = arith.constant 128 : i32
    %add3A_86 = arith.addi %mul3A_0, %add3A_85 : i32
    "tpu.region"() ({
      %run_scoped3A = tpu.sem_alloc : memref<!tpu.dma_semaphore, #tpu.memory_space<semaphore_mem>>
      %dma_start3A_117 = arith.constant 0 : i32
      %dma_start3A_118 = arith.constant 0 : i32
      %dma_start3A_119 = tpu.memref_slice %arg11[%dma_start3A_117, %dma_start3A_118] : memref<128x80xf32, #tpu.memory_space<vmem>> -> memref<64x80xf32, #tpu.memory_space<vmem>>
      %dma_start3A_120 = arith.constant 0 : i32
      %dma_start3A_121 = tpu.memref_slice %arg13[%add3A_86, %dma_start3A_120] : memref<10112x80xf32, #tpu.memory_space<vmem_shared>> -> memref<64x80xf32, #tpu.memory_space<vmem_shared>>
      %dma_start3A_122 = arith.constant 0 : i32
      %dma_start3A_123 = arith.constant 0 : i32
      %dma_start3A_124 = tpu.memref_slice %arg11[%dma_start3A_122, %dma_start3A_123] : memref<128x80xf32, #tpu.memory_space<vmem>> -> memref<64x80xf32, #tpu.memory_space<vmem>>
      %dma_start3A_125 = arith.constant 0 : i32
      %dma_start3A_126 = tpu.memref_slice %arg13[%add3A_86, %dma_start3A_125] : memref<10112x80xf32, #tpu.memory_space<vmem_shared>> -> memref<64x80xf32, #tpu.memory_space<vmem_shared>>
      tpu.enqueue_dma source(%dma_start3A_126 : memref<64x80xf32, #tpu.memory_space<vmem_shared>>) target(%dma_start3A_124 : memref<64x80xf32, #tpu.memory_space<vmem>>) target_semaphore(%run_scoped3A : memref<!tpu.dma_semaphore, #tpu.memory_space<semaphore_mem>>)
      %dma_wait3A_127 = arith.constant 0 : i32
      %dma_wait3A_128 = arith.constant 0 : i32
      %dma_wait3A_129 = tpu.memref_slice %arg11[%dma_wait3A_127, %dma_wait3A_128] : memref<128x80xf32, #tpu.memory_space<vmem>> -> memref<64x80xf32, #tpu.memory_space<vmem>>
      %dma_wait3A_130 = arith.constant 0 : i32
      %dma_wait3A_131 = tpu.memref_slice %arg13[%add3A_86, %dma_wait3A_130] : memref<10112x80xf32, #tpu.memory_space<vmem_shared>> -> memref<64x80xf32, #tpu.memory_space<vmem_shared>>
      %dma_wait3A_132 = arith.constant 0 : i32
      %dma_wait3A_133 = arith.constant 0 : i32
      %dma_wait3A_134 = tpu.memref_slice %arg11[%dma_wait3A_132, %dma_wait3A_133] : memref<128x80xf32, #tpu.memory_space<vmem>> -> memref<64x80xf32, #tpu.memory_space<vmem>>
      %dma_wait3A_135 = arith.constant 0 : i32
      %dma_wait3A_136 = tpu.memref_slice %arg13[%add3A_86, %dma_wait3A_135] : memref<10112x80xf32, #tpu.memory_space<vmem_shared>> -> memref<64x80xf32, #tpu.memory_space<vmem_shared>>
      tpu.wait_dma2 semaphore(%run_scoped3A : memref<!tpu.dma_semaphore, #tpu.memory_space<semaphore_mem>>) src(%dma_wait3A_136 : memref<64x80xf32, #tpu.memory_space<vmem_shared>>) dst(%dma_wait3A_134 : memref<64x80xf32, #tpu.memory_space<vmem>>)
      tpu.yield
    }) : () -> ()
    %add3A_87 = arith.constant 128 : i32
    %add3A_88 = arith.addi %add3A_76, %add3A_87 : i32
    "tpu.region"() ({
      %run_scoped3A = tpu.sem_alloc : memref<!tpu.dma_semaphore, #tpu.memory_space<semaphore_mem>>
      %dma_start3A_117 = arith.constant 0 : i32
      %dma_start3A_118 = arith.constant 0 : i32
      %dma_start3A_119 = tpu.memref_slice %arg11[%dma_start3A_117, %dma_start3A_118] : memref<128x80xf32, #tpu.memory_space<vmem>> -> memref<64x80xf32, #tpu.memory_space<vmem>>
      %dma_start3A_120 = arith.constant 0 : i32
      %dma_start3A_121 = tpu.memref_slice %arg6[%add3A_88, %dma_start3A_120] : memref<20224x80xf32, #tpu.memory_space<hbm>> -> memref<64x80xf32, #tpu.memory_space<hbm>>
      %dma_start3A_122 = arith.constant 0 : i32
      %dma_start3A_123 = tpu.memref_slice %arg6[%add3A_88, %dma_start3A_122] : memref<20224x80xf32, #tpu.memory_space<hbm>> -> memref<64x80xf32, #tpu.memory_space<hbm>>
      %dma_start3A_124 = arith.constant 0 : i32
      %dma_start3A_125 = arith.constant 0 : i32
      %dma_start3A_126 = tpu.memref_slice %arg11[%dma_start3A_124, %dma_start3A_125] : memref<128x80xf32, #tpu.memory_space<vmem>> -> memref<64x80xf32, #tpu.memory_space<vmem>>
      tpu.enqueue_dma source(%dma_start3A_126 : memref<64x80xf32, #tpu.memory_space<vmem>>) target(%dma_start3A_123 : memref<64x80xf32, #tpu.memory_space<hbm>>) target_semaphore(%run_scoped3A : memref<!tpu.dma_semaphore, #tpu.memory_space<semaphore_mem>>)
      %dma_wait3A_127 = arith.constant 0 : i32
      %dma_wait3A_128 = arith.constant 0 : i32
      %dma_wait3A_129 = tpu.memref_slice %arg11[%dma_wait3A_127, %dma_wait3A_128] : memref<128x80xf32, #tpu.memory_space<vmem>> -> memref<64x80xf32, #tpu.memory_space<vmem>>
      %dma_wait3A_130 = arith.constant 0 : i32
      %dma_wait3A_131 = tpu.memref_slice %arg6[%add3A_88, %dma_wait3A_130] : memref<20224x80xf32, #tpu.memory_space<hbm>> -> memref<64x80xf32, #tpu.memory_space<hbm>>
      %dma_wait3A_132 = arith.constant 0 : i32
      %dma_wait3A_133 = tpu.memref_slice %arg6[%add3A_88, %dma_wait3A_132] : memref<20224x80xf32, #tpu.memory_space<hbm>> -> memref<64x80xf32, #tpu.memory_space<hbm>>
      %dma_wait3A_134 = arith.constant 0 : i32
      %dma_wait3A_135 = arith.constant 0 : i32
      %dma_wait3A_136 = tpu.memref_slice %arg11[%dma_wait3A_134, %dma_wait3A_135] : memref<128x80xf32, #tpu.memory_space<vmem>> -> memref<64x80xf32, #tpu.memory_space<vmem>>
      tpu.wait_dma2 semaphore(%run_scoped3A : memref<!tpu.dma_semaphore, #tpu.memory_space<semaphore_mem>>) src(%dma_wait3A_136 : memref<64x80xf32, #tpu.memory_space<vmem>>) dst(%dma_wait3A_133 : memref<64x80xf32, #tpu.memory_space<hbm>>)
      tpu.yield
    }) : () -> ()
    %add3A_89 = arith.constant 192 : i32
    %add3A_90 = arith.addi %mul3A_0, %add3A_89 : i32
    "tpu.region"() ({
      %run_scoped3A = tpu.sem_alloc : memref<!tpu.dma_semaphore, #tpu.memory_space<semaphore_mem>>
      %dma_start3A_117 = arith.constant 0 : i32
      %dma_start3A_118 = arith.constant 0 : i32
      %dma_start3A_119 = tpu.memref_slice %arg11[%dma_start3A_117, %dma_start3A_118] : memref<128x80xf32, #tpu.memory_space<vmem>> -> memref<64x80xf32, #tpu.memory_space<vmem>>
      %dma_start3A_120 = arith.constant 0 : i32
      %dma_start3A_121 = tpu.memref_slice %arg13[%add3A_90, %dma_start3A_120] : memref<10112x80xf32, #tpu.memory_space<vmem_shared>> -> memref<64x80xf32, #tpu.memory_space<vmem_shared>>
      %dma_start3A_122 = arith.constant 0 : i32
      %dma_start3A_123 = arith.constant 0 : i32
      %dma_start3A_124 = tpu.memref_slice %arg11[%dma_start3A_122, %dma_start3A_123] : memref<128x80xf32, #tpu.memory_space<vmem>> -> memref<64x80xf32, #tpu.memory_space<vmem>>
      %dma_start3A_125 = arith.constant 0 : i32
      %dma_start3A_126 = tpu.memref_slice %arg13[%add3A_90, %dma_start3A_125] : memref<10112x80xf32, #tpu.memory_space<vmem_shared>> -> memref<64x80xf32, #tpu.memory_space<vmem_shared>>
      tpu.enqueue_dma source(%dma_start3A_126 : memref<64x80xf32, #tpu.memory_space<vmem_shared>>) target(%dma_start3A_124 : memref<64x80xf32, #tpu.memory_space<vmem>>) target_semaphore(%run_scoped3A : memref<!tpu.dma_semaphore, #tpu.memory_space<semaphore_mem>>)
      %dma_wait3A_127 = arith.constant 0 : i32
      %dma_wait3A_128 = arith.constant 0 : i32
      %dma_wait3A_129 = tpu.memref_slice %arg11[%dma_wait3A_127, %dma_wait3A_128] : memref<128x80xf32, #tpu.memory_space<vmem>> -> memref<64x80xf32, #tpu.memory_space<vmem>>
      %dma_wait3A_130 = arith.constant 0 : i32
      %dma_wait3A_131 = tpu.memref_slice %arg13[%add3A_90, %dma_wait3A_130] : memref<10112x80xf32, #tpu.memory_space<vmem_shared>> -> memref<64x80xf32, #tpu.memory_space<vmem_shared>>
      %dma_wait3A_132 = arith.constant 0 : i32
      %dma_wait3A_133 = arith.constant 0 : i32
      %dma_wait3A_134 = tpu.memref_slice %arg11[%dma_wait3A_132, %dma_wait3A_133] : memref<128x80xf32, #tpu.memory_space<vmem>> -> memref<64x80xf32, #tpu.memory_space<vmem>>
      %dma_wait3A_135 = arith.constant 0 : i32
      %dma_wait3A_136 = tpu.memref_slice %arg13[%add3A_90, %dma_wait3A_135] : memref<10112x80xf32, #tpu.memory_space<vmem_shared>> -> memref<64x80xf32, #tpu.memory_space<vmem_shared>>
      tpu.wait_dma2 semaphore(%run_scoped3A : memref<!tpu.dma_semaphore, #tpu.memory_space<semaphore_mem>>) src(%dma_wait3A_136 : memref<64x80xf32, #tpu.memory_space<vmem_shared>>) dst(%dma_wait3A_134 : memref<64x80xf32, #tpu.memory_space<vmem>>)
      tpu.yield
    }) : () -> ()
    %add3A_91 = arith.constant 192 : i32
    %add3A_92 = arith.addi %add3A_76, %add3A_91 : i32
    "tpu.region"() ({
      %run_scoped3A = tpu.sem_alloc : memref<!tpu.dma_semaphore, #tpu.memory_space<semaphore_mem>>
      %dma_start3A_117 = arith.constant 0 : i32
      %dma_start3A_118 = arith.constant 0 : i32
      %dma_start3A_119 = tpu.memref_slice %arg11[%dma_start3A_117, %dma_start3A_118] : memref<128x80xf32, #tpu.memory_space<vmem>> -> memref<64x80xf32, #tpu.memory_space<vmem>>
      %dma_start3A_120 = arith.constant 0 : i32
      %dma_start3A_121 = tpu.memref_slice %arg6[%add3A_92, %dma_start3A_120] : memref<20224x80xf32, #tpu.memory_space<hbm>> -> memref<64x80xf32, #tpu.memory_space<hbm>>
      %dma_start3A_122 = arith.constant 0 : i32
      %dma_start3A_123 = tpu.memref_slice %arg6[%add3A_92, %dma_start3A_122] : memref<20224x80xf32, #tpu.memory_space<hbm>> -> memref<64x80xf32, #tpu.memory_space<hbm>>
      %dma_start3A_124 = arith.constant 0 : i32
      %dma_start3A_125 = arith.constant 0 : i32
      %dma_start3A_126 = tpu.memref_slice %arg11[%dma_start3A_124, %dma_start3A_125] : memref<128x80xf32, #tpu.memory_space<vmem>> -> memref<64x80xf32, #tpu.memory_space<vmem>>
      tpu.enqueue_dma source(%dma_start3A_126 : memref<64x80xf32, #tpu.memory_space<vmem>>) target(%dma_start3A_123 : memref<64x80xf32, #tpu.memory_space<hbm>>) target_semaphore(%run_scoped3A : memref<!tpu.dma_semaphore, #tpu.memory_space<semaphore_mem>>)
      %dma_wait3A_127 = arith.constant 0 : i32
      %dma_wait3A_128 = arith.constant 0 : i32
      %dma_wait3A_129 = tpu.memref_slice %arg11[%dma_wait3A_127, %dma_wait3A_128] : memref<128x80xf32, #tpu.memory_space<vmem>> -> memref<64x80xf32, #tpu.memory_space<vmem>>
      %dma_wait3A_130 = arith.constant 0 : i32
      %dma_wait3A_131 = tpu.memref_slice %arg6[%add3A_92, %dma_wait3A_130] : memref<20224x80xf32, #tpu.memory_space<hbm>> -> memref<64x80xf32, #tpu.memory_space<hbm>>
      %dma_wait3A_132 = arith.constant 0 : i32
      %dma_wait3A_133 = tpu.memref_slice %arg6[%add3A_92, %dma_wait3A_132] : memref<20224x80xf32, #tpu.memory_space<hbm>> -> memref<64x80xf32, #tpu.memory_space<hbm>>
      %dma_wait3A_134 = arith.constant 0 : i32
      %dma_wait3A_135 = arith.constant 0 : i32
      %dma_wait3A_136 = tpu.memref_slice %arg11[%dma_wait3A_134, %dma_wait3A_135] : memref<128x80xf32, #tpu.memory_space<vmem>> -> memref<64x80xf32, #tpu.memory_space<vmem>>
      tpu.wait_dma2 semaphore(%run_scoped3A : memref<!tpu.dma_semaphore, #tpu.memory_space<semaphore_mem>>) src(%dma_wait3A_136 : memref<64x80xf32, #tpu.memory_space<vmem>>) dst(%dma_wait3A_133 : memref<64x80xf32, #tpu.memory_space<hbm>>)
      tpu.yield
    }) : () -> ()
    %add3A_93 = arith.constant 256 : i32
    %add3A_94 = arith.addi %mul3A_0, %add3A_93 : i32
    "tpu.region"() ({
      %run_scoped3A = tpu.sem_alloc : memref<!tpu.dma_semaphore, #tpu.memory_space<semaphore_mem>>
      %dma_start3A_117 = arith.constant 0 : i32
      %dma_start3A_118 = arith.constant 0 : i32
      %dma_start3A_119 = tpu.memref_slice %arg11[%dma_start3A_117, %dma_start3A_118] : memref<128x80xf32, #tpu.memory_space<vmem>> -> memref<64x80xf32, #tpu.memory_space<vmem>>
      %dma_start3A_120 = arith.constant 0 : i32
      %dma_start3A_121 = tpu.memref_slice %arg13[%add3A_94, %dma_start3A_120] : memref<10112x80xf32, #tpu.memory_space<vmem_shared>> -> memref<64x80xf32, #tpu.memory_space<vmem_shared>>
      %dma_start3A_122 = arith.constant 0 : i32
      %dma_start3A_123 = arith.constant 0 : i32
      %dma_start3A_124 = tpu.memref_slice %arg11[%dma_start3A_122, %dma_start3A_123] : memref<128x80xf32, #tpu.memory_space<vmem>> -> memref<64x80xf32, #tpu.memory_space<vmem>>
      %dma_start3A_125 = arith.constant 0 : i32
      %dma_start3A_126 = tpu.memref_slice %arg13[%add3A_94, %dma_start3A_125] : memref<10112x80xf32, #tpu.memory_space<vmem_shared>> -> memref<64x80xf32, #tpu.memory_space<vmem_shared>>
      tpu.enqueue_dma source(%dma_start3A_126 : memref<64x80xf32, #tpu.memory_space<vmem_shared>>) target(%dma_start3A_124 : memref<64x80xf32, #tpu.memory_space<vmem>>) target_semaphore(%run_scoped3A : memref<!tpu.dma_semaphore, #tpu.memory_space<semaphore_mem>>)
      %dma_wait3A_127 = arith.constant 0 : i32
      %dma_wait3A_128 = arith.constant 0 : i32
      %dma_wait3A_129 = tpu.memref_slice %arg11[%dma_wait3A_127, %dma_wait3A_128] : memref<128x80xf32, #tpu.memory_space<vmem>> -> memref<64x80xf32, #tpu.memory_space<vmem>>
      %dma_wait3A_130 = arith.constant 0 : i32
      %dma_wait3A_131 = tpu.memref_slice %arg13[%add3A_94, %dma_wait3A_130] : memref<10112x80xf32, #tpu.memory_space<vmem_shared>> -> memref<64x80xf32, #tpu.memory_space<vmem_shared>>
      %dma_wait3A_132 = arith.constant 0 : i32
      %dma_wait3A_133 = arith.constant 0 : i32
      %dma_wait3A_134 = tpu.memref_slice %arg11[%dma_wait3A_132, %dma_wait3A_133] : memref<128x80xf32, #tpu.memory_space<vmem>> -> memref<64x80xf32, #tpu.memory_space<vmem>>
      %dma_wait3A_135 = arith.constant 0 : i32
      %dma_wait3A_136 = tpu.memref_slice %arg13[%add3A_94, %dma_wait3A_135] : memref<10112x80xf32, #tpu.memory_space<vmem_shared>> -> memref<64x80xf32, #tpu.memory_space<vmem_shared>>
      tpu.wait_dma2 semaphore(%run_scoped3A : memref<!tpu.dma_semaphore, #tpu.memory_space<semaphore_mem>>) src(%dma_wait3A_136 : memref<64x80xf32, #tpu.memory_space<vmem_shared>>) dst(%dma_wait3A_134 : memref<64x80xf32, #tpu.memory_space<vmem>>)
      tpu.yield
    }) : () -> ()
    %add3A_95 = arith.constant 256 : i32
    %add3A_96 = arith.addi %add3A_76, %add3A_95 : i32
    "tpu.region"() ({
      %run_scoped3A = tpu.sem_alloc : memref<!tpu.dma_semaphore, #tpu.memory_space<semaphore_mem>>
      %dma_start3A_117 = arith.constant 0 : i32
      %dma_start3A_118 = arith.constant 0 : i32
      %dma_start3A_119 = tpu.memref_slice %arg11[%dma_start3A_117, %dma_start3A_118] : memref<128x80xf32, #tpu.memory_space<vmem>> -> memref<64x80xf32, #tpu.memory_space<vmem>>
      %dma_start3A_120 = arith.constant 0 : i32
      %dma_start3A_121 = tpu.memref_slice %arg6[%add3A_96, %dma_start3A_120] : memref<20224x80xf32, #tpu.memory_space<hbm>> -> memref<64x80xf32, #tpu.memory_space<hbm>>
      %dma_start3A_122 = arith.constant 0 : i32
      %dma_start3A_123 = tpu.memref_slice %arg6[%add3A_96, %dma_start3A_122] : memref<20224x80xf32, #tpu.memory_space<hbm>> -> memref<64x80xf32, #tpu.memory_space<hbm>>
      %dma_start3A_124 = arith.constant 0 : i32
      %dma_start3A_125 = arith.constant 0 : i32
      %dma_start3A_126 = tpu.memref_slice %arg11[%dma_start3A_124, %dma_start3A_125] : memref<128x80xf32, #tpu.memory_space<vmem>> -> memref<64x80xf32, #tpu.memory_space<vmem>>
      tpu.enqueue_dma source(%dma_start3A_126 : memref<64x80xf32, #tpu.memory_space<vmem>>) target(%dma_start3A_123 : memref<64x80xf32, #tpu.memory_space<hbm>>) target_semaphore(%run_scoped3A : memref<!tpu.dma_semaphore, #tpu.memory_space<semaphore_mem>>)
      %dma_wait3A_127 = arith.constant 0 : i32
      %dma_wait3A_128 = arith.constant 0 : i32
      %dma_wait3A_129 = tpu.memref_slice %arg11[%dma_wait3A_127, %dma_wait3A_128] : memref<128x80xf32, #tpu.memory_space<vmem>> -> memref<64x80xf32, #tpu.memory_space<vmem>>
      %dma_wait3A_130 = arith.constant 0 : i32
      %dma_wait3A_131 = tpu.memref_slice %arg6[%add3A_96, %dma_wait3A_130] : memref<20224x80xf32, #tpu.memory_space<hbm>> -> memref<64x80xf32, #tpu.memory_space<hbm>>
      %dma_wait3A_132 = arith.constant 0 : i32
      %dma_wait3A_133 = tpu.memref_slice %arg6[%add3A_96, %dma_wait3A_132] : memref<20224x80xf32, #tpu.memory_space<hbm>> -> memref<64x80xf32, #tpu.memory_space<hbm>>
      %dma_wait3A_134 = arith.constant 0 : i32
      %dma_wait3A_135 = arith.constant 0 : i32
      %dma_wait3A_136 = tpu.memref_slice %arg11[%dma_wait3A_134, %dma_wait3A_135] : memref<128x80xf32, #tpu.memory_space<vmem>> -> memref<64x80xf32, #tpu.memory_space<vmem>>
      tpu.wait_dma2 semaphore(%run_scoped3A : memref<!tpu.dma_semaphore, #tpu.memory_space<semaphore_mem>>) src(%dma_wait3A_136 : memref<64x80xf32, #tpu.memory_space<vmem>>) dst(%dma_wait3A_133 : memref<64x80xf32, #tpu.memory_space<hbm>>)
      tpu.yield
    }) : () -> ()
    %add3A_97 = arith.constant 320 : i32
    %add3A_98 = arith.addi %mul3A_0, %add3A_97 : i32
    "tpu.region"() ({
      %run_scoped3A = tpu.sem_alloc : memref<!tpu.dma_semaphore, #tpu.memory_space<semaphore_mem>>
      %dma_start3A_117 = arith.constant 0 : i32
      %dma_start3A_118 = arith.constant 0 : i32
      %dma_start3A_119 = tpu.memref_slice %arg11[%dma_start3A_117, %dma_start3A_118] : memref<128x80xf32, #tpu.memory_space<vmem>> -> memref<64x80xf32, #tpu.memory_space<vmem>>
      %dma_start3A_120 = arith.constant 0 : i32
      %dma_start3A_121 = tpu.memref_slice %arg13[%add3A_98, %dma_start3A_120] : memref<10112x80xf32, #tpu.memory_space<vmem_shared>> -> memref<64x80xf32, #tpu.memory_space<vmem_shared>>
      %dma_start3A_122 = arith.constant 0 : i32
      %dma_start3A_123 = arith.constant 0 : i32
      %dma_start3A_124 = tpu.memref_slice %arg11[%dma_start3A_122, %dma_start3A_123] : memref<128x80xf32, #tpu.memory_space<vmem>> -> memref<64x80xf32, #tpu.memory_space<vmem>>
      %dma_start3A_125 = arith.constant 0 : i32
      %dma_start3A_126 = tpu.memref_slice %arg13[%add3A_98, %dma_start3A_125] : memref<10112x80xf32, #tpu.memory_space<vmem_shared>> -> memref<64x80xf32, #tpu.memory_space<vmem_shared>>
      tpu.enqueue_dma source(%dma_start3A_126 : memref<64x80xf32, #tpu.memory_space<vmem_shared>>) target(%dma_start3A_124 : memref<64x80xf32, #tpu.memory_space<vmem>>) target_semaphore(%run_scoped3A : memref<!tpu.dma_semaphore, #tpu.memory_space<semaphore_mem>>)
      %dma_wait3A_127 = arith.constant 0 : i32
      %dma_wait3A_128 = arith.constant 0 : i32
      %dma_wait3A_129 = tpu.memref_slice %arg11[%dma_wait3A_127, %dma_wait3A_128] : memref<128x80xf32, #tpu.memory_space<vmem>> -> memref<64x80xf32, #tpu.memory_space<vmem>>
      %dma_wait3A_130 = arith.constant 0 : i32
      %dma_wait3A_131 = tpu.memref_slice %arg13[%add3A_98, %dma_wait3A_130] : memref<10112x80xf32, #tpu.memory_space<vmem_shared>> -> memref<64x80xf32, #tpu.memory_space<vmem_shared>>
      %dma_wait3A_132 = arith.constant 0 : i32
      %dma_wait3A_133 = arith.constant 0 : i32
      %dma_wait3A_134 = tpu.memref_slice %arg11[%dma_wait3A_132, %dma_wait3A_133] : memref<128x80xf32, #tpu.memory_space<vmem>> -> memref<64x80xf32, #tpu.memory_space<vmem>>
      %dma_wait3A_135 = arith.constant 0 : i32
      %dma_wait3A_136 = tpu.memref_slice %arg13[%add3A_98, %dma_wait3A_135] : memref<10112x80xf32, #tpu.memory_space<vmem_shared>> -> memref<64x80xf32, #tpu.memory_space<vmem_shared>>
      tpu.wait_dma2 semaphore(%run_scoped3A : memref<!tpu.dma_semaphore, #tpu.memory_space<semaphore_mem>>) src(%dma_wait3A_136 : memref<64x80xf32, #tpu.memory_space<vmem_shared>>) dst(%dma_wait3A_134 : memref<64x80xf32, #tpu.memory_space<vmem>>)
      tpu.yield
    }) : () -> ()
    %add3A_99 = arith.constant 320 : i32
    %add3A_100 = arith.addi %add3A_76, %add3A_99 : i32
    "tpu.region"() ({
      %run_scoped3A = tpu.sem_alloc : memref<!tpu.dma_semaphore, #tpu.memory_space<semaphore_mem>>
      %dma_start3A_117 = arith.constant 0 : i32
      %dma_start3A_118 = arith.constant 0 : i32
      %dma_start3A_119 = tpu.memref_slice %arg11[%dma_start3A_117, %dma_start3A_118] : memref<128x80xf32, #tpu.memory_space<vmem>> -> memref<64x80xf32, #tpu.memory_space<vmem>>
      %dma_start3A_120 = arith.constant 0 : i32
      %dma_start3A_121 = tpu.memref_slice %arg6[%add3A_100, %dma_start3A_120] : memref<20224x80xf32, #tpu.memory_space<hbm>> -> memref<64x80xf32, #tpu.memory_space<hbm>>
      %dma_start3A_122 = arith.constant 0 : i32
      %dma_start3A_123 = tpu.memref_slice %arg6[%add3A_100, %dma_start3A_122] : memref<20224x80xf32, #tpu.memory_space<hbm>> -> memref<64x80xf32, #tpu.memory_space<hbm>>
      %dma_start3A_124 = arith.constant 0 : i32
      %dma_start3A_125 = arith.constant 0 : i32
      %dma_start3A_126 = tpu.memref_slice %arg11[%dma_start3A_124, %dma_start3A_125] : memref<128x80xf32, #tpu.memory_space<vmem>> -> memref<64x80xf32, #tpu.memory_space<vmem>>
      tpu.enqueue_dma source(%dma_start3A_126 : memref<64x80xf32, #tpu.memory_space<vmem>>) target(%dma_start3A_123 : memref<64x80xf32, #tpu.memory_space<hbm>>) target_semaphore(%run_scoped3A : memref<!tpu.dma_semaphore, #tpu.memory_space<semaphore_mem>>)
      %dma_wait3A_127 = arith.constant 0 : i32
      %dma_wait3A_128 = arith.constant 0 : i32
      %dma_wait3A_129 = tpu.memref_slice %arg11[%dma_wait3A_127, %dma_wait3A_128] : memref<128x80xf32, #tpu.memory_space<vmem>> -> memref<64x80xf32, #tpu.memory_space<vmem>>
      %dma_wait3A_130 = arith.constant 0 : i32
      %dma_wait3A_131 = tpu.memref_slice %arg6[%add3A_100, %dma_wait3A_130] : memref<20224x80xf32, #tpu.memory_space<hbm>> -> memref<64x80xf32, #tpu.memory_space<hbm>>
      %dma_wait3A_132 = arith.constant 0 : i32
      %dma_wait3A_133 = tpu.memref_slice %arg6[%add3A_100, %dma_wait3A_132] : memref<20224x80xf32, #tpu.memory_space<hbm>> -> memref<64x80xf32, #tpu.memory_space<hbm>>
      %dma_wait3A_134 = arith.constant 0 : i32
      %dma_wait3A_135 = arith.constant 0 : i32
      %dma_wait3A_136 = tpu.memref_slice %arg11[%dma_wait3A_134, %dma_wait3A_135] : memref<128x80xf32, #tpu.memory_space<vmem>> -> memref<64x80xf32, #tpu.memory_space<vmem>>
      tpu.wait_dma2 semaphore(%run_scoped3A : memref<!tpu.dma_semaphore, #tpu.memory_space<semaphore_mem>>) src(%dma_wait3A_136 : memref<64x80xf32, #tpu.memory_space<vmem>>) dst(%dma_wait3A_133 : memref<64x80xf32, #tpu.memory_space<hbm>>)
      tpu.yield
    }) : () -> ()
    %add3A_101 = arith.constant 384 : i32
    %add3A_102 = arith.addi %mul3A_0, %add3A_101 : i32
    "tpu.region"() ({
      %run_scoped3A = tpu.sem_alloc : memref<!tpu.dma_semaphore, #tpu.memory_space<semaphore_mem>>
      %dma_start3A_117 = arith.constant 0 : i32
      %dma_start3A_118 = arith.constant 0 : i32
      %dma_start3A_119 = tpu.memref_slice %arg11[%dma_start3A_117, %dma_start3A_118] : memref<128x80xf32, #tpu.memory_space<vmem>> -> memref<64x80xf32, #tpu.memory_space<vmem>>
      %dma_start3A_120 = arith.constant 0 : i32
      %dma_start3A_121 = tpu.memref_slice %arg13[%add3A_102, %dma_start3A_120] : memref<10112x80xf32, #tpu.memory_space<vmem_shared>> -> memref<64x80xf32, #tpu.memory_space<vmem_shared>>
      %dma_start3A_122 = arith.constant 0 : i32
      %dma_start3A_123 = arith.constant 0 : i32
      %dma_start3A_124 = tpu.memref_slice %arg11[%dma_start3A_122, %dma_start3A_123] : memref<128x80xf32, #tpu.memory_space<vmem>> -> memref<64x80xf32, #tpu.memory_space<vmem>>
      %dma_start3A_125 = arith.constant 0 : i32
      %dma_start3A_126 = tpu.memref_slice %arg13[%add3A_102, %dma_start3A_125] : memref<10112x80xf32, #tpu.memory_space<vmem_shared>> -> memref<64x80xf32, #tpu.memory_space<vmem_shared>>
      tpu.enqueue_dma source(%dma_start3A_126 : memref<64x80xf32, #tpu.memory_space<vmem_shared>>) target(%dma_start3A_124 : memref<64x80xf32, #tpu.memory_space<vmem>>) target_semaphore(%run_scoped3A : memref<!tpu.dma_semaphore, #tpu.memory_space<semaphore_mem>>)
      %dma_wait3A_127 = arith.constant 0 : i32
      %dma_wait3A_128 = arith.constant 0 : i32
      %dma_wait3A_129 = tpu.memref_slice %arg11[%dma_wait3A_127, %dma_wait3A_128] : memref<128x80xf32, #tpu.memory_space<vmem>> -> memref<64x80xf32, #tpu.memory_space<vmem>>
      %dma_wait3A_130 = arith.constant 0 : i32
      %dma_wait3A_131 = tpu.memref_slice %arg13[%add3A_102, %dma_wait3A_130] : memref<10112x80xf32, #tpu.memory_space<vmem_shared>> -> memref<64x80xf32, #tpu.memory_space<vmem_shared>>
      %dma_wait3A_132 = arith.constant 0 : i32
      %dma_wait3A_133 = arith.constant 0 : i32
      %dma_wait3A_134 = tpu.memref_slice %arg11[%dma_wait3A_132, %dma_wait3A_133] : memref<128x80xf32, #tpu.memory_space<vmem>> -> memref<64x80xf32, #tpu.memory_space<vmem>>
      %dma_wait3A_135 = arith.constant 0 : i32
      %dma_wait3A_136 = tpu.memref_slice %arg13[%add3A_102, %dma_wait3A_135] : memref<10112x80xf32, #tpu.memory_space<vmem_shared>> -> memref<64x80xf32, #tpu.memory_space<vmem_shared>>
      tpu.wait_dma2 semaphore(%run_scoped3A : memref<!tpu.dma_semaphore, #tpu.memory_space<semaphore_mem>>) src(%dma_wait3A_136 : memref<64x80xf32, #tpu.memory_space<vmem_shared>>) dst(%dma_wait3A_134 : memref<64x80xf32, #tpu.memory_space<vmem>>)
      tpu.yield
    }) : () -> ()
    %add3A_103 = arith.constant 384 : i32
    %add3A_104 = arith.addi %add3A_76, %add3A_103 : i32
    "tpu.region"() ({
      %run_scoped3A = tpu.sem_alloc : memref<!tpu.dma_semaphore, #tpu.memory_space<semaphore_mem>>
      %dma_start3A_117 = arith.constant 0 : i32
      %dma_start3A_118 = arith.constant 0 : i32
      %dma_start3A_119 = tpu.memref_slice %arg11[%dma_start3A_117, %dma_start3A_118] : memref<128x80xf32, #tpu.memory_space<vmem>> -> memref<64x80xf32, #tpu.memory_space<vmem>>
      %dma_start3A_120 = arith.constant 0 : i32
      %dma_start3A_121 = tpu.memref_slice %arg6[%add3A_104, %dma_start3A_120] : memref<20224x80xf32, #tpu.memory_space<hbm>> -> memref<64x80xf32, #tpu.memory_space<hbm>>
      %dma_start3A_122 = arith.constant 0 : i32
      %dma_start3A_123 = tpu.memref_slice %arg6[%add3A_104, %dma_start3A_122] : memref<20224x80xf32, #tpu.memory_space<hbm>> -> memref<64x80xf32, #tpu.memory_space<hbm>>
      %dma_start3A_124 = arith.constant 0 : i32
      %dma_start3A_125 = arith.constant 0 : i32
      %dma_start3A_126 = tpu.memref_slice %arg11[%dma_start3A_124, %dma_start3A_125] : memref<128x80xf32, #tpu.memory_space<vmem>> -> memref<64x80xf32, #tpu.memory_space<vmem>>
      tpu.enqueue_dma source(%dma_start3A_126 : memref<64x80xf32, #tpu.memory_space<vmem>>) target(%dma_start3A_123 : memref<64x80xf32, #tpu.memory_space<hbm>>) target_semaphore(%run_scoped3A : memref<!tpu.dma_semaphore, #tpu.memory_space<semaphore_mem>>)
      %dma_wait3A_127 = arith.constant 0 : i32
      %dma_wait3A_128 = arith.constant 0 : i32
      %dma_wait3A_129 = tpu.memref_slice %arg11[%dma_wait3A_127, %dma_wait3A_128] : memref<128x80xf32, #tpu.memory_space<vmem>> -> memref<64x80xf32, #tpu.memory_space<vmem>>
      %dma_wait3A_130 = arith.constant 0 : i32
      %dma_wait3A_131 = tpu.memref_slice %arg6[%add3A_104, %dma_wait3A_130] : memref<20224x80xf32, #tpu.memory_space<hbm>> -> memref<64x80xf32, #tpu.memory_space<hbm>>
      %dma_wait3A_132 = arith.constant 0 : i32
      %dma_wait3A_133 = tpu.memref_slice %arg6[%add3A_104, %dma_wait3A_132] : memref<20224x80xf32, #tpu.memory_space<hbm>> -> memref<64x80xf32, #tpu.memory_space<hbm>>
      %dma_wait3A_134 = arith.constant 0 : i32
      %dma_wait3A_135 = arith.constant 0 : i32
      %dma_wait3A_136 = tpu.memref_slice %arg11[%dma_wait3A_134, %dma_wait3A_135] : memref<128x80xf32, #tpu.memory_space<vmem>> -> memref<64x80xf32, #tpu.memory_space<vmem>>
      tpu.wait_dma2 semaphore(%run_scoped3A : memref<!tpu.dma_semaphore, #tpu.memory_space<semaphore_mem>>) src(%dma_wait3A_136 : memref<64x80xf32, #tpu.memory_space<vmem>>) dst(%dma_wait3A_133 : memref<64x80xf32, #tpu.memory_space<hbm>>)
      tpu.yield
    }) : () -> ()
    %add3A_105 = arith.constant 448 : i32
    %add3A_106 = arith.addi %mul3A_0, %add3A_105 : i32
    "tpu.region"() ({
      %run_scoped3A = tpu.sem_alloc : memref<!tpu.dma_semaphore, #tpu.memory_space<semaphore_mem>>
      %dma_start3A_117 = arith.constant 0 : i32
      %dma_start3A_118 = arith.constant 0 : i32
      %dma_start3A_119 = tpu.memref_slice %arg11[%dma_start3A_117, %dma_start3A_118] : memref<128x80xf32, #tpu.memory_space<vmem>> -> memref<64x80xf32, #tpu.memory_space<vmem>>
      %dma_start3A_120 = arith.constant 0 : i32
      %dma_start3A_121 = tpu.memref_slice %arg13[%add3A_106, %dma_start3A_120] : memref<10112x80xf32, #tpu.memory_space<vmem_shared>> -> memref<64x80xf32, #tpu.memory_space<vmem_shared>>
      %dma_start3A_122 = arith.constant 0 : i32
      %dma_start3A_123 = arith.constant 0 : i32
      %dma_start3A_124 = tpu.memref_slice %arg11[%dma_start3A_122, %dma_start3A_123] : memref<128x80xf32, #tpu.memory_space<vmem>> -> memref<64x80xf32, #tpu.memory_space<vmem>>
      %dma_start3A_125 = arith.constant 0 : i32
      %dma_start3A_126 = tpu.memref_slice %arg13[%add3A_106, %dma_start3A_125] : memref<10112x80xf32, #tpu.memory_space<vmem_shared>> -> memref<64x80xf32, #tpu.memory_space<vmem_shared>>
      tpu.enqueue_dma source(%dma_start3A_126 : memref<64x80xf32, #tpu.memory_space<vmem_shared>>) target(%dma_start3A_124 : memref<64x80xf32, #tpu.memory_space<vmem>>) target_semaphore(%run_scoped3A : memref<!tpu.dma_semaphore, #tpu.memory_space<semaphore_mem>>)
      %dma_wait3A_127 = arith.constant 0 : i32
      %dma_wait3A_128 = arith.constant 0 : i32
      %dma_wait3A_129 = tpu.memref_slice %arg11[%dma_wait3A_127, %dma_wait3A_128] : memref<128x80xf32, #tpu.memory_space<vmem>> -> memref<64x80xf32, #tpu.memory_space<vmem>>
      %dma_wait3A_130 = arith.constant 0 : i32
      %dma_wait3A_131 = tpu.memref_slice %arg13[%add3A_106, %dma_wait3A_130] : memref<10112x80xf32, #tpu.memory_space<vmem_shared>> -> memref<64x80xf32, #tpu.memory_space<vmem_shared>>
      %dma_wait3A_132 = arith.constant 0 : i32
      %dma_wait3A_133 = arith.constant 0 : i32
      %dma_wait3A_134 = tpu.memref_slice %arg11[%dma_wait3A_132, %dma_wait3A_133] : memref<128x80xf32, #tpu.memory_space<vmem>> -> memref<64x80xf32, #tpu.memory_space<vmem>>
      %dma_wait3A_135 = arith.constant 0 : i32
      %dma_wait3A_136 = tpu.memref_slice %arg13[%add3A_106, %dma_wait3A_135] : memref<10112x80xf32, #tpu.memory_space<vmem_shared>> -> memref<64x80xf32, #tpu.memory_space<vmem_shared>>
      tpu.wait_dma2 semaphore(%run_scoped3A : memref<!tpu.dma_semaphore, #tpu.memory_space<semaphore_mem>>) src(%dma_wait3A_136 : memref<64x80xf32, #tpu.memory_space<vmem_shared>>) dst(%dma_wait3A_134 : memref<64x80xf32, #tpu.memory_space<vmem>>)
      tpu.yield
    }) : () -> ()
    %add3A_107 = arith.constant 448 : i32
    %add3A_108 = arith.addi %add3A_76, %add3A_107 : i32
    "tpu.region"() ({
      %run_scoped3A = tpu.sem_alloc : memref<!tpu.dma_semaphore, #tpu.memory_space<semaphore_mem>>
      %dma_start3A_117 = arith.constant 0 : i32
      %dma_start3A_118 = arith.constant 0 : i32
      %dma_start3A_119 = tpu.memref_slice %arg11[%dma_start3A_117, %dma_start3A_118] : memref<128x80xf32, #tpu.memory_space<vmem>> -> memref<64x80xf32, #tpu.memory_space<vmem>>
      %dma_start3A_120 = arith.constant 0 : i32
      %dma_start3A_121 = tpu.memref_slice %arg6[%add3A_108, %dma_start3A_120] : memref<20224x80xf32, #tpu.memory_space<hbm>> -> memref<64x80xf32, #tpu.memory_space<hbm>>
      %dma_start3A_122 = arith.constant 0 : i32
      %dma_start3A_123 = tpu.memref_slice %arg6[%add3A_108, %dma_start3A_122] : memref<20224x80xf32, #tpu.memory_space<hbm>> -> memref<64x80xf32, #tpu.memory_space<hbm>>
      %dma_start3A_124 = arith.constant 0 : i32
      %dma_start3A_125 = arith.constant 0 : i32
      %dma_start3A_126 = tpu.memref_slice %arg11[%dma_start3A_124, %dma_start3A_125] : memref<128x80xf32, #tpu.memory_space<vmem>> -> memref<64x80xf32, #tpu.memory_space<vmem>>
      tpu.enqueue_dma source(%dma_start3A_126 : memref<64x80xf32, #tpu.memory_space<vmem>>) target(%dma_start3A_123 : memref<64x80xf32, #tpu.memory_space<hbm>>) target_semaphore(%run_scoped3A : memref<!tpu.dma_semaphore, #tpu.memory_space<semaphore_mem>>)
      %dma_wait3A_127 = arith.constant 0 : i32
      %dma_wait3A_128 = arith.constant 0 : i32
      %dma_wait3A_129 = tpu.memref_slice %arg11[%dma_wait3A_127, %dma_wait3A_128] : memref<128x80xf32, #tpu.memory_space<vmem>> -> memref<64x80xf32, #tpu.memory_space<vmem>>
      %dma_wait3A_130 = arith.constant 0 : i32
      %dma_wait3A_131 = tpu.memref_slice %arg6[%add3A_108, %dma_wait3A_130] : memref<20224x80xf32, #tpu.memory_space<hbm>> -> memref<64x80xf32, #tpu.memory_space<hbm>>
      %dma_wait3A_132 = arith.constant 0 : i32
      %dma_wait3A_133 = tpu.memref_slice %arg6[%add3A_108, %dma_wait3A_132] : memref<20224x80xf32, #tpu.memory_space<hbm>> -> memref<64x80xf32, #tpu.memory_space<hbm>>
      %dma_wait3A_134 = arith.constant 0 : i32
      %dma_wait3A_135 = arith.constant 0 : i32
      %dma_wait3A_136 = tpu.memref_slice %arg11[%dma_wait3A_134, %dma_wait3A_135] : memref<128x80xf32, #tpu.memory_space<vmem>> -> memref<64x80xf32, #tpu.memory_space<vmem>>
      tpu.wait_dma2 semaphore(%run_scoped3A : memref<!tpu.dma_semaphore, #tpu.memory_space<semaphore_mem>>) src(%dma_wait3A_136 : memref<64x80xf32, #tpu.memory_space<vmem>>) dst(%dma_wait3A_133 : memref<64x80xf32, #tpu.memory_space<hbm>>)
      tpu.yield
    }) : () -> ()
    %add3A_109 = arith.constant 512 : i32
    %add3A_110 = arith.addi %mul3A_0, %add3A_109 : i32
    "tpu.region"() ({
      %run_scoped3A = tpu.sem_alloc : memref<!tpu.dma_semaphore, #tpu.memory_space<semaphore_mem>>
      %dma_start3A_117 = arith.constant 0 : i32
      %dma_start3A_118 = arith.constant 0 : i32
      %dma_start3A_119 = tpu.memref_slice %arg11[%dma_start3A_117, %dma_start3A_118] : memref<128x80xf32, #tpu.memory_space<vmem>> -> memref<64x80xf32, #tpu.memory_space<vmem>>
      %dma_start3A_120 = arith.constant 0 : i32
      %dma_start3A_121 = tpu.memref_slice %arg13[%add3A_110, %dma_start3A_120] : memref<10112x80xf32, #tpu.memory_space<vmem_shared>> -> memref<64x80xf32, #tpu.memory_space<vmem_shared>>
      %dma_start3A_122 = arith.constant 0 : i32
      %dma_start3A_123 = arith.constant 0 : i32
      %dma_start3A_124 = tpu.memref_slice %arg11[%dma_start3A_122, %dma_start3A_123] : memref<128x80xf32, #tpu.memory_space<vmem>> -> memref<64x80xf32, #tpu.memory_space<vmem>>
      %dma_start3A_125 = arith.constant 0 : i32
      %dma_start3A_126 = tpu.memref_slice %arg13[%add3A_110, %dma_start3A_125] : memref<10112x80xf32, #tpu.memory_space<vmem_shared>> -> memref<64x80xf32, #tpu.memory_space<vmem_shared>>
      tpu.enqueue_dma source(%dma_start3A_126 : memref<64x80xf32, #tpu.memory_space<vmem_shared>>) target(%dma_start3A_124 : memref<64x80xf32, #tpu.memory_space<vmem>>) target_semaphore(%run_scoped3A : memref<!tpu.dma_semaphore, #tpu.memory_space<semaphore_mem>>)
      %dma_wait3A_127 = arith.constant 0 : i32
      %dma_wait3A_128 = arith.constant 0 : i32
      %dma_wait3A_129 = tpu.memref_slice %arg11[%dma_wait3A_127, %dma_wait3A_128] : memref<128x80xf32, #tpu.memory_space<vmem>> -> memref<64x80xf32, #tpu.memory_space<vmem>>
      %dma_wait3A_130 = arith.constant 0 : i32
      %dma_wait3A_131 = tpu.memref_slice %arg13[%add3A_110, %dma_wait3A_130] : memref<10112x80xf32, #tpu.memory_space<vmem_shared>> -> memref<64x80xf32, #tpu.memory_space<vmem_shared>>
      %dma_wait3A_132 = arith.constant 0 : i32
      %dma_wait3A_133 = arith.constant 0 : i32
      %dma_wait3A_134 = tpu.memref_slice %arg11[%dma_wait3A_132, %dma_wait3A_133] : memref<128x80xf32, #tpu.memory_space<vmem>> -> memref<64x80xf32, #tpu.memory_space<vmem>>
      %dma_wait3A_135 = arith.constant 0 : i32
      %dma_wait3A_136 = tpu.memref_slice %arg13[%add3A_110, %dma_wait3A_135] : memref<10112x80xf32, #tpu.memory_space<vmem_shared>> -> memref<64x80xf32, #tpu.memory_space<vmem_shared>>
      tpu.wait_dma2 semaphore(%run_scoped3A : memref<!tpu.dma_semaphore, #tpu.memory_space<semaphore_mem>>) src(%dma_wait3A_136 : memref<64x80xf32, #tpu.memory_space<vmem_shared>>) dst(%dma_wait3A_134 : memref<64x80xf32, #tpu.memory_space<vmem>>)
      tpu.yield
    }) : () -> ()
    %add3A_111 = arith.constant 512 : i32
    %add3A_112 = arith.addi %add3A_76, %add3A_111 : i32
    "tpu.region"() ({
      %run_scoped3A = tpu.sem_alloc : memref<!tpu.dma_semaphore, #tpu.memory_space<semaphore_mem>>
      %dma_start3A_117 = arith.constant 0 : i32
      %dma_start3A_118 = arith.constant 0 : i32
      %dma_start3A_119 = tpu.memref_slice %arg11[%dma_start3A_117, %dma_start3A_118] : memref<128x80xf32, #tpu.memory_space<vmem>> -> memref<64x80xf32, #tpu.memory_space<vmem>>
      %dma_start3A_120 = arith.constant 0 : i32
      %dma_start3A_121 = tpu.memref_slice %arg6[%add3A_112, %dma_start3A_120] : memref<20224x80xf32, #tpu.memory_space<hbm>> -> memref<64x80xf32, #tpu.memory_space<hbm>>
      %dma_start3A_122 = arith.constant 0 : i32
      %dma_start3A_123 = tpu.memref_slice %arg6[%add3A_112, %dma_start3A_122] : memref<20224x80xf32, #tpu.memory_space<hbm>> -> memref<64x80xf32, #tpu.memory_space<hbm>>
      %dma_start3A_124 = arith.constant 0 : i32
      %dma_start3A_125 = arith.constant 0 : i32
      %dma_start3A_126 = tpu.memref_slice %arg11[%dma_start3A_124, %dma_start3A_125] : memref<128x80xf32, #tpu.memory_space<vmem>> -> memref<64x80xf32, #tpu.memory_space<vmem>>
      tpu.enqueue_dma source(%dma_start3A_126 : memref<64x80xf32, #tpu.memory_space<vmem>>) target(%dma_start3A_123 : memref<64x80xf32, #tpu.memory_space<hbm>>) target_semaphore(%run_scoped3A : memref<!tpu.dma_semaphore, #tpu.memory_space<semaphore_mem>>)
      %dma_wait3A_127 = arith.constant 0 : i32
      %dma_wait3A_128 = arith.constant 0 : i32
      %dma_wait3A_129 = tpu.memref_slice %arg11[%dma_wait3A_127, %dma_wait3A_128] : memref<128x80xf32, #tpu.memory_space<vmem>> -> memref<64x80xf32, #tpu.memory_space<vmem>>
      %dma_wait3A_130 = arith.constant 0 : i32
      %dma_wait3A_131 = tpu.memref_slice %arg6[%add3A_112, %dma_wait3A_130] : memref<20224x80xf32, #tpu.memory_space<hbm>> -> memref<64x80xf32, #tpu.memory_space<hbm>>
      %dma_wait3A_132 = arith.constant 0 : i32
      %dma_wait3A_133 = tpu.memref_slice %arg6[%add3A_112, %dma_wait3A_132] : memref<20224x80xf32, #tpu.memory_space<hbm>> -> memref<64x80xf32, #tpu.memory_space<hbm>>
      %dma_wait3A_134 = arith.constant 0 : i32
      %dma_wait3A_135 = arith.constant 0 : i32
      %dma_wait3A_136 = tpu.memref_slice %arg11[%dma_wait3A_134, %dma_wait3A_135] : memref<128x80xf32, #tpu.memory_space<vmem>> -> memref<64x80xf32, #tpu.memory_space<vmem>>
      tpu.wait_dma2 semaphore(%run_scoped3A : memref<!tpu.dma_semaphore, #tpu.memory_space<semaphore_mem>>) src(%dma_wait3A_136 : memref<64x80xf32, #tpu.memory_space<vmem>>) dst(%dma_wait3A_133 : memref<64x80xf32, #tpu.memory_space<hbm>>)
      tpu.yield
    }) : () -> ()
    %add3A_113 = arith.constant 576 : i32
    %add3A_114 = arith.addi %mul3A_0, %add3A_113 : i32
    "tpu.region"() ({
      %run_scoped3A = tpu.sem_alloc : memref<!tpu.dma_semaphore, #tpu.memory_space<semaphore_mem>>
      %dma_start3A_117 = arith.constant 0 : i32
      %dma_start3A_118 = arith.constant 0 : i32
      %dma_start3A_119 = tpu.memref_slice %arg11[%dma_start3A_117, %dma_start3A_118] : memref<128x80xf32, #tpu.memory_space<vmem>> -> memref<56x80xf32, #tpu.memory_space<vmem>>
      %dma_start3A_120 = arith.constant 0 : i32
      %dma_start3A_121 = tpu.memref_slice %arg13[%add3A_114, %dma_start3A_120] : memref<10112x80xf32, #tpu.memory_space<vmem_shared>> -> memref<56x80xf32, #tpu.memory_space<vmem_shared>>
      %dma_start3A_122 = arith.constant 0 : i32
      %dma_start3A_123 = arith.constant 0 : i32
      %dma_start3A_124 = tpu.memref_slice %arg11[%dma_start3A_122, %dma_start3A_123] : memref<128x80xf32, #tpu.memory_space<vmem>> -> memref<56x80xf32, #tpu.memory_space<vmem>>
      %dma_start3A_125 = arith.constant 0 : i32
      %dma_start3A_126 = tpu.memref_slice %arg13[%add3A_114, %dma_start3A_125] : memref<10112x80xf32, #tpu.memory_space<vmem_shared>> -> memref<56x80xf32, #tpu.memory_space<vmem_shared>>
      tpu.enqueue_dma source(%dma_start3A_126 : memref<56x80xf32, #tpu.memory_space<vmem_shared>>) target(%dma_start3A_124 : memref<56x80xf32, #tpu.memory_space<vmem>>) target_semaphore(%run_scoped3A : memref<!tpu.dma_semaphore, #tpu.memory_space<semaphore_mem>>)
      %dma_wait3A_127 = arith.constant 0 : i32
      %dma_wait3A_128 = arith.constant 0 : i32
      %dma_wait3A_129 = tpu.memref_slice %arg11[%dma_wait3A_127, %dma_wait3A_128] : memref<128x80xf32, #tpu.memory_space<vmem>> -> memref<56x80xf32, #tpu.memory_space<vmem>>
      %dma_wait3A_130 = arith.constant 0 : i32
      %dma_wait3A_131 = tpu.memref_slice %arg13[%add3A_114, %dma_wait3A_130] : memref<10112x80xf32, #tpu.memory_space<vmem_shared>> -> memref<56x80xf32, #tpu.memory_space<vmem_shared>>
      %dma_wait3A_132 = arith.constant 0 : i32
      %dma_wait3A_133 = arith.constant 0 : i32
      %dma_wait3A_134 = tpu.memref_slice %arg11[%dma_wait3A_132, %dma_wait3A_133] : memref<128x80xf32, #tpu.memory_space<vmem>> -> memref<56x80xf32, #tpu.memory_space<vmem>>
      %dma_wait3A_135 = arith.constant 0 : i32
      %dma_wait3A_136 = tpu.memref_slice %arg13[%add3A_114, %dma_wait3A_135] : memref<10112x80xf32, #tpu.memory_space<vmem_shared>> -> memref<56x80xf32, #tpu.memory_space<vmem_shared>>
      tpu.wait_dma2 semaphore(%run_scoped3A : memref<!tpu.dma_semaphore, #tpu.memory_space<semaphore_mem>>) src(%dma_wait3A_136 : memref<56x80xf32, #tpu.memory_space<vmem_shared>>) dst(%dma_wait3A_134 : memref<56x80xf32, #tpu.memory_space<vmem>>)
      tpu.yield
    }) : () -> ()
    %add3A_115 = arith.constant 576 : i32
    %add3A_116 = arith.addi %add3A_76, %add3A_115 : i32
    "tpu.region"() ({
      %run_scoped3A = tpu.sem_alloc : memref<!tpu.dma_semaphore, #tpu.memory_space<semaphore_mem>>
      %dma_start3A_117 = arith.constant 0 : i32
      %dma_start3A_118 = arith.constant 0 : i32
      %dma_start3A_119 = tpu.memref_slice %arg11[%dma_start3A_117, %dma_start3A_118] : memref<128x80xf32, #tpu.memory_space<vmem>> -> memref<56x80xf32, #tpu.memory_space<vmem>>
      %dma_start3A_120 = arith.constant 0 : i32
      %dma_start3A_121 = tpu.memref_slice %arg6[%add3A_116, %dma_start3A_120] : memref<20224x80xf32, #tpu.memory_space<hbm>> -> memref<56x80xf32, #tpu.memory_space<hbm>>
      %dma_start3A_122 = arith.constant 0 : i32
      %dma_start3A_123 = tpu.memref_slice %arg6[%add3A_116, %dma_start3A_122] : memref<20224x80xf32, #tpu.memory_space<hbm>> -> memref<56x80xf32, #tpu.memory_space<hbm>>
      %dma_start3A_124 = arith.constant 0 : i32
      %dma_start3A_125 = arith.constant 0 : i32
      %dma_start3A_126 = tpu.memref_slice %arg11[%dma_start3A_124, %dma_start3A_125] : memref<128x80xf32, #tpu.memory_space<vmem>> -> memref<56x80xf32, #tpu.memory_space<vmem>>
      tpu.enqueue_dma source(%dma_start3A_126 : memref<56x80xf32, #tpu.memory_space<vmem>>) target(%dma_start3A_123 : memref<56x80xf32, #tpu.memory_space<hbm>>) target_semaphore(%run_scoped3A : memref<!tpu.dma_semaphore, #tpu.memory_space<semaphore_mem>>)
      %dma_wait3A_127 = arith.constant 0 : i32
      %dma_wait3A_128 = arith.constant 0 : i32
      %dma_wait3A_129 = tpu.memref_slice %arg11[%dma_wait3A_127, %dma_wait3A_128] : memref<128x80xf32, #tpu.memory_space<vmem>> -> memref<56x80xf32, #tpu.memory_space<vmem>>
      %dma_wait3A_130 = arith.constant 0 : i32
      %dma_wait3A_131 = tpu.memref_slice %arg6[%add3A_116, %dma_wait3A_130] : memref<20224x80xf32, #tpu.memory_space<hbm>> -> memref<56x80xf32, #tpu.memory_space<hbm>>
      %dma_wait3A_132 = arith.constant 0 : i32
      %dma_wait3A_133 = tpu.memref_slice %arg6[%add3A_116, %dma_wait3A_132] : memref<20224x80xf32, #tpu.memory_space<hbm>> -> memref<56x80xf32, #tpu.memory_space<hbm>>
      %dma_wait3A_134 = arith.constant 0 : i32
      %dma_wait3A_135 = arith.constant 0 : i32
      %dma_wait3A_136 = tpu.memref_slice %arg11[%dma_wait3A_134, %dma_wait3A_135] : memref<128x80xf32, #tpu.memory_space<vmem>> -> memref<56x80xf32, #tpu.memory_space<vmem>>
      tpu.wait_dma2 semaphore(%run_scoped3A : memref<!tpu.dma_semaphore, #tpu.memory_space<semaphore_mem>>) src(%dma_wait3A_136 : memref<56x80xf32, #tpu.memory_space<vmem>>) dst(%dma_wait3A_133 : memref<56x80xf32, #tpu.memory_space<hbm>>)
      tpu.yield
    }) : () -> ()
    return
  }
}

#map = affine_map<(d0, d1) -> (0, 0)>
#map1 = affine_map<(d0, d1) -> (0)>
module attributes {stable_mosaic.version = 14 : i64} {
  func.func @_seg_body(%arg0: i32, %arg1: i32, %arg2: memref<10000x80xf32, #tpu.memory_space<hbm>>, %arg3: memref<327680xi32, #tpu.memory_space<hbm>>, %arg4: memref<327680xi32, #tpu.memory_space<hbm>>, %arg5: memref<10112x80xf32, #tpu.memory_space<hbm>>, %arg6: memref<20224x80xf32, #tpu.memory_space<hbm>>, %arg7: memref<128xi32, #tpu.memory_space<vmem>>, %arg8: memref<128xi32, #tpu.memory_space<vmem>>, %arg9: memref<128xi32, #tpu.memory_space<vmem>>, %arg10: memref<128xi32, #tpu.memory_space<vmem>>, %arg11: memref<128x80xf32, #tpu.memory_space<vmem>>, %arg12: memref<128x80xf32, #tpu.memory_space<vmem>>, %arg13: memref<10112x80xf32, #tpu.memory_space<vmem_shared>>, %arg14: memref<!tpu.dma_semaphore, #tpu.memory_space<semaphore_mem>>, %arg15: memref<!tpu.dma_semaphore, #tpu.memory_space<semaphore_mem>>, %arg16: memref<!tpu.dma_semaphore, #tpu.memory_space<semaphore_mem>>, %arg17: memref<!tpu.dma_semaphore, #tpu.memory_space<semaphore_mem>>) attributes {dimension_semantics = [#tpu.dimension_semantics<core_parallel>, #tpu.dimension_semantics<subcore_parallel>], iteration_bounds = array<i64: 2, 16>, scalar_prefetch = 0 : i64, scratch_operands = 11 : i64, tpu.core_type = #tpu.core_type<sc_vector_subcore>, window_params = [{transform_indices = #map}, {transform_indices = #map1}, {transform_indices = #map1}, {transform_indices = #map}, {transform_indices = #map}]} {
    %mul3A = arith.constant 632 : i32
    %mul3A_0 = arith.muli %arg1, %mul3A : i32
    "tpu.region"() ({
      %run_scoped3A = tpu.sem_alloc : memref<!tpu.dma_semaphore, #tpu.memory_space<semaphore_mem>>
      %dma_start3A_117 = arith.constant 0 : i32
      %dma_start3A_118 = arith.constant 0 : i32
      %dma_start3A_119 = tpu.memref_slice %arg5[%dma_start3A_117, %dma_start3A_118] : memref<10112x80xf32, #tpu.memory_space<hbm>> -> memref<128x80xf32, #tpu.memory_space<hbm>>
      %dma_start3A_120 = arith.constant 0 : i32
      %dma_start3A_121 = arith.constant 0 : i32
      %dma_start3A_122 = tpu.memref_slice %arg5[%dma_start3A_120, %dma_start3A_121] : memref<10112x80xf32, #tpu.memory_space<hbm>> -> memref<128x80xf32, #tpu.memory_space<hbm>>
      tpu.enqueue_dma source(%dma_start3A_122 : memref<128x80xf32, #tpu.memory_space<hbm>>) target(%arg11 : memref<128x80xf32, #tpu.memory_space<vmem>>) target_semaphore(%run_scoped3A : memref<!tpu.dma_semaphore, #tpu.memory_space<semaphore_mem>>)
      %dma_wait3A_123 = arith.constant 0 : i32
      %dma_wait3A_124 = arith.constant 0 : i32
      %dma_wait3A_125 = tpu.memref_slice %arg5[%dma_wait3A_123, %dma_wait3A_124] : memref<10112x80xf32, #tpu.memory_space<hbm>> -> memref<128x80xf32, #tpu.memory_space<hbm>>
      %dma_wait3A_126 = arith.constant 0 : i32
      %dma_wait3A_127 = arith.constant 0 : i32
      %dma_wait3A_128 = tpu.memref_slice %arg5[%dma_wait3A_126, %dma_wait3A_127] : memref<10112x80xf32, #tpu.memory_space<hbm>> -> memref<128x80xf32, #tpu.memory_space<hbm>>
      tpu.wait_dma2 semaphore(%run_scoped3A : memref<!tpu.dma_semaphore, #tpu.memory_space<semaphore_mem>>) src(%dma_wait3A_128 : memref<128x80xf32, #tpu.memory_space<hbm>>) dst(%arg11 : memref<128x80xf32, #tpu.memory_space<vmem>>)
      tpu.yield
    }) : () -> ()
    %add3A = arith.constant 0 : i32
    %add3A_1 = arith.addi %mul3A_0, %add3A : i32
    "tpu.region"() ({
      %run_scoped3A = tpu.sem_alloc : memref<!tpu.dma_semaphore, #tpu.memory_space<semaphore_mem>>
      %dma_start3A_117 = arith.constant 0 : i32
      %dma_start3A_118 = arith.constant 0 : i32
      %dma_start3A_119 = tpu.memref_slice %arg11[%dma_start3A_117, %dma_start3A_118] : memref<128x80xf32, #tpu.memory_space<vmem>> -> memref<64x80xf32, #tpu.memory_space<vmem>>
      %dma_start3A_120 = arith.constant 0 : i32
      %dma_start3A_121 = tpu.memref_slice %arg13[%add3A_1, %dma_start3A_120] : memref<10112x80xf32, #tpu.memory_space<vmem_shared>> -> memref<64x80xf32, #tpu.memory_space<vmem_shared>>
      %dma_start3A_122 = arith.constant 0 : i32
      %dma_start3A_123 = tpu.memref_slice %arg13[%add3A_1, %dma_start3A_122] : memref<10112x80xf32, #tpu.memory_space<vmem_shared>> -> memref<64x80xf32, #tpu.memory_space<vmem_shared>>
      %dma_start3A_124 = arith.constant 0 : i32
      %dma_start3A_125 = arith.constant 0 : i32
      %dma_start3A_126 = tpu.memref_slice %arg11[%dma_start3A_124, %dma_start3A_125] : memref<128x80xf32, #tpu.memory_space<vmem>> -> memref<64x80xf32, #tpu.memory_space<vmem>>
      tpu.enqueue_dma source(%dma_start3A_126 : memref<64x80xf32, #tpu.memory_space<vmem>>) target(%dma_start3A_123 : memref<64x80xf32, #tpu.memory_space<vmem_shared>>) target_semaphore(%run_scoped3A : memref<!tpu.dma_semaphore, #tpu.memory_space<semaphore_mem>>)
      %dma_wait3A_127 = arith.constant 0 : i32
      %dma_wait3A_128 = arith.constant 0 : i32
      %dma_wait3A_129 = tpu.memref_slice %arg11[%dma_wait3A_127, %dma_wait3A_128] : memref<128x80xf32, #tpu.memory_space<vmem>> -> memref<64x80xf32, #tpu.memory_space<vmem>>
      %dma_wait3A_130 = arith.constant 0 : i32
      %dma_wait3A_131 = tpu.memref_slice %arg13[%add3A_1, %dma_wait3A_130] : memref<10112x80xf32, #tpu.memory_space<vmem_shared>> -> memref<64x80xf32, #tpu.memory_space<vmem_shared>>
      %dma_wait3A_132 = arith.constant 0 : i32
      %dma_wait3A_133 = tpu.memref_slice %arg13[%add3A_1, %dma_wait3A_132] : memref<10112x80xf32, #tpu.memory_space<vmem_shared>> -> memref<64x80xf32, #tpu.memory_space<vmem_shared>>
      %dma_wait3A_134 = arith.constant 0 : i32
      %dma_wait3A_135 = arith.constant 0 : i32
      %dma_wait3A_136 = tpu.memref_slice %arg11[%dma_wait3A_134, %dma_wait3A_135] : memref<128x80xf32, #tpu.memory_space<vmem>> -> memref<64x80xf32, #tpu.memory_space<vmem>>
      tpu.wait_dma2 semaphore(%run_scoped3A : memref<!tpu.dma_semaphore, #tpu.memory_space<semaphore_mem>>) src(%dma_wait3A_136 : memref<64x80xf32, #tpu.memory_space<vmem>>) dst(%dma_wait3A_133 : memref<64x80xf32, #tpu.memory_space<vmem_shared>>)
      tpu.yield
    }) : () -> ()
    %add3A_2 = arith.constant 64 : i32
    %add3A_3 = arith.addi %mul3A_0, %add3A_2 : i32
    "tpu.region"() ({
      %run_scoped3A = tpu.sem_alloc : memref<!tpu.dma_semaphore, #tpu.memory_space<semaphore_mem>>
      %dma_start3A_117 = arith.constant 0 : i32
      %dma_start3A_118 = arith.constant 0 : i32
      %dma_start3A_119 = tpu.memref_slice %arg11[%dma_start3A_117, %dma_start3A_118] : memref<128x80xf32, #tpu.memory_space<vmem>> -> memref<64x80xf32, #tpu.memory_space<vmem>>
      %dma_start3A_120 = arith.constant 0 : i32
      %dma_start3A_121 = tpu.memref_slice %arg13[%add3A_3, %dma_start3A_120] : memref<10112x80xf32, #tpu.memory_space<vmem_shared>> -> memref<64x80xf32, #tpu.memory_space<vmem_shared>>
      %dma_start3A_122 = arith.constant 0 : i32
      %dma_start3A_123 = tpu.memref_slice %arg13[%add3A_3, %dma_start3A_122] : memref<10112x80xf32, #tpu.memory_space<vmem_shared>> -> memref<64x80xf32, #tpu.memory_space<vmem_shared>>
      %dma_start3A_124 = arith.constant 0 : i32
      %dma_start3A_125 = arith.constant 0 : i32
      %dma_start3A_126 = tpu.memref_slice %arg11[%dma_start3A_124, %dma_start3A_125] : memref<128x80xf32, #tpu.memory_space<vmem>> -> memref<64x80xf32, #tpu.memory_space<vmem>>
      tpu.enqueue_dma source(%dma_start3A_126 : memref<64x80xf32, #tpu.memory_space<vmem>>) target(%dma_start3A_123 : memref<64x80xf32, #tpu.memory_space<vmem_shared>>) target_semaphore(%run_scoped3A : memref<!tpu.dma_semaphore, #tpu.memory_space<semaphore_mem>>)
      %dma_wait3A_127 = arith.constant 0 : i32
      %dma_wait3A_128 = arith.constant 0 : i32
      %dma_wait3A_129 = tpu.memref_slice %arg11[%dma_wait3A_127, %dma_wait3A_128] : memref<128x80xf32, #tpu.memory_space<vmem>> -> memref<64x80xf32, #tpu.memory_space<vmem>>
      %dma_wait3A_130 = arith.constant 0 : i32
      %dma_wait3A_131 = tpu.memref_slice %arg13[%add3A_3, %dma_wait3A_130] : memref<10112x80xf32, #tpu.memory_space<vmem_shared>> -> memref<64x80xf32, #tpu.memory_space<vmem_shared>>
      %dma_wait3A_132 = arith.constant 0 : i32
      %dma_wait3A_133 = tpu.memref_slice %arg13[%add3A_3, %dma_wait3A_132] : memref<10112x80xf32, #tpu.memory_space<vmem_shared>> -> memref<64x80xf32, #tpu.memory_space<vmem_shared>>
      %dma_wait3A_134 = arith.constant 0 : i32
      %dma_wait3A_135 = arith.constant 0 : i32
      %dma_wait3A_136 = tpu.memref_slice %arg11[%dma_wait3A_134, %dma_wait3A_135] : memref<128x80xf32, #tpu.memory_space<vmem>> -> memref<64x80xf32, #tpu.memory_space<vmem>>
      tpu.wait_dma2 semaphore(%run_scoped3A : memref<!tpu.dma_semaphore, #tpu.memory_space<semaphore_mem>>) src(%dma_wait3A_136 : memref<64x80xf32, #tpu.memory_space<vmem>>) dst(%dma_wait3A_133 : memref<64x80xf32, #tpu.memory_space<vmem_shared>>)
      tpu.yield
    }) : () -> ()
    %add3A_4 = arith.constant 128 : i32
    %add3A_5 = arith.addi %mul3A_0, %add3A_4 : i32
    "tpu.region"() ({
      %run_scoped3A = tpu.sem_alloc : memref<!tpu.dma_semaphore, #tpu.memory_space<semaphore_mem>>
      %dma_start3A_117 = arith.constant 0 : i32
      %dma_start3A_118 = arith.constant 0 : i32
      %dma_start3A_119 = tpu.memref_slice %arg11[%dma_start3A_117, %dma_start3A_118] : memref<128x80xf32, #tpu.memory_space<vmem>> -> memref<64x80xf32, #tpu.memory_space<vmem>>
      %dma_start3A_120 = arith.constant 0 : i32
      %dma_start3A_121 = tpu.memref_slice %arg13[%add3A_5, %dma_start3A_120] : memref<10112x80xf32, #tpu.memory_space<vmem_shared>> -> memref<64x80xf32, #tpu.memory_space<vmem_shared>>
      %dma_start3A_122 = arith.constant 0 : i32
      %dma_start3A_123 = tpu.memref_slice %arg13[%add3A_5, %dma_start3A_122] : memref<10112x80xf32, #tpu.memory_space<vmem_shared>> -> memref<64x80xf32, #tpu.memory_space<vmem_shared>>
      %dma_start3A_124 = arith.constant 0 : i32
      %dma_start3A_125 = arith.constant 0 : i32
      %dma_start3A_126 = tpu.memref_slice %arg11[%dma_start3A_124, %dma_start3A_125] : memref<128x80xf32, #tpu.memory_space<vmem>> -> memref<64x80xf32, #tpu.memory_space<vmem>>
      tpu.enqueue_dma source(%dma_start3A_126 : memref<64x80xf32, #tpu.memory_space<vmem>>) target(%dma_start3A_123 : memref<64x80xf32, #tpu.memory_space<vmem_shared>>) target_semaphore(%run_scoped3A : memref<!tpu.dma_semaphore, #tpu.memory_space<semaphore_mem>>)
      %dma_wait3A_127 = arith.constant 0 : i32
      %dma_wait3A_128 = arith.constant 0 : i32
      %dma_wait3A_129 = tpu.memref_slice %arg11[%dma_wait3A_127, %dma_wait3A_128] : memref<128x80xf32, #tpu.memory_space<vmem>> -> memref<64x80xf32, #tpu.memory_space<vmem>>
      %dma_wait3A_130 = arith.constant 0 : i32
      %dma_wait3A_131 = tpu.memref_slice %arg13[%add3A_5, %dma_wait3A_130] : memref<10112x80xf32, #tpu.memory_space<vmem_shared>> -> memref<64x80xf32, #tpu.memory_space<vmem_shared>>
      %dma_wait3A_132 = arith.constant 0 : i32
      %dma_wait3A_133 = tpu.memref_slice %arg13[%add3A_5, %dma_wait3A_132] : memref<10112x80xf32, #tpu.memory_space<vmem_shared>> -> memref<64x80xf32, #tpu.memory_space<vmem_shared>>
      %dma_wait3A_134 = arith.constant 0 : i32
      %dma_wait3A_135 = arith.constant 0 : i32
      %dma_wait3A_136 = tpu.memref_slice %arg11[%dma_wait3A_134, %dma_wait3A_135] : memref<128x80xf32, #tpu.memory_space<vmem>> -> memref<64x80xf32, #tpu.memory_space<vmem>>
      tpu.wait_dma2 semaphore(%run_scoped3A : memref<!tpu.dma_semaphore, #tpu.memory_space<semaphore_mem>>) src(%dma_wait3A_136 : memref<64x80xf32, #tpu.memory_space<vmem>>) dst(%dma_wait3A_133 : memref<64x80xf32, #tpu.memory_space<vmem_shared>>)
      tpu.yield
    }) : () -> ()
    %add3A_6 = arith.constant 192 : i32
    %add3A_7 = arith.addi %mul3A_0, %add3A_6 : i32
    "tpu.region"() ({
      %run_scoped3A = tpu.sem_alloc : memref<!tpu.dma_semaphore, #tpu.memory_space<semaphore_mem>>
      %dma_start3A_117 = arith.constant 0 : i32
      %dma_start3A_118 = arith.constant 0 : i32
      %dma_start3A_119 = tpu.memref_slice %arg11[%dma_start3A_117, %dma_start3A_118] : memref<128x80xf32, #tpu.memory_space<vmem>> -> memref<64x80xf32, #tpu.memory_space<vmem>>
      %dma_start3A_120 = arith.constant 0 : i32
      %dma_start3A_121 = tpu.memref_slice %arg13[%add3A_7, %dma_start3A_120] : memref<10112x80xf32, #tpu.memory_space<vmem_shared>> -> memref<64x80xf32, #tpu.memory_space<vmem_shared>>
      %dma_start3A_122 = arith.constant 0 : i32
      %dma_start3A_123 = tpu.memref_slice %arg13[%add3A_7, %dma_start3A_122] : memref<10112x80xf32, #tpu.memory_space<vmem_shared>> -> memref<64x80xf32, #tpu.memory_space<vmem_shared>>
      %dma_start3A_124 = arith.constant 0 : i32
      %dma_start3A_125 = arith.constant 0 : i32
      %dma_start3A_126 = tpu.memref_slice %arg11[%dma_start3A_124, %dma_start3A_125] : memref<128x80xf32, #tpu.memory_space<vmem>> -> memref<64x80xf32, #tpu.memory_space<vmem>>
      tpu.enqueue_dma source(%dma_start3A_126 : memref<64x80xf32, #tpu.memory_space<vmem>>) target(%dma_start3A_123 : memref<64x80xf32, #tpu.memory_space<vmem_shared>>) target_semaphore(%run_scoped3A : memref<!tpu.dma_semaphore, #tpu.memory_space<semaphore_mem>>)
      %dma_wait3A_127 = arith.constant 0 : i32
      %dma_wait3A_128 = arith.constant 0 : i32
      %dma_wait3A_129 = tpu.memref_slice %arg11[%dma_wait3A_127, %dma_wait3A_128] : memref<128x80xf32, #tpu.memory_space<vmem>> -> memref<64x80xf32, #tpu.memory_space<vmem>>
      %dma_wait3A_130 = arith.constant 0 : i32
      %dma_wait3A_131 = tpu.memref_slice %arg13[%add3A_7, %dma_wait3A_130] : memref<10112x80xf32, #tpu.memory_space<vmem_shared>> -> memref<64x80xf32, #tpu.memory_space<vmem_shared>>
      %dma_wait3A_132 = arith.constant 0 : i32
      %dma_wait3A_133 = tpu.memref_slice %arg13[%add3A_7, %dma_wait3A_132] : memref<10112x80xf32, #tpu.memory_space<vmem_shared>> -> memref<64x80xf32, #tpu.memory_space<vmem_shared>>
      %dma_wait3A_134 = arith.constant 0 : i32
      %dma_wait3A_135 = arith.constant 0 : i32
      %dma_wait3A_136 = tpu.memref_slice %arg11[%dma_wait3A_134, %dma_wait3A_135] : memref<128x80xf32, #tpu.memory_space<vmem>> -> memref<64x80xf32, #tpu.memory_space<vmem>>
      tpu.wait_dma2 semaphore(%run_scoped3A : memref<!tpu.dma_semaphore, #tpu.memory_space<semaphore_mem>>) src(%dma_wait3A_136 : memref<64x80xf32, #tpu.memory_space<vmem>>) dst(%dma_wait3A_133 : memref<64x80xf32, #tpu.memory_space<vmem_shared>>)
      tpu.yield
    }) : () -> ()
    %add3A_8 = arith.constant 256 : i32
    %add3A_9 = arith.addi %mul3A_0, %add3A_8 : i32
    "tpu.region"() ({
      %run_scoped3A = tpu.sem_alloc : memref<!tpu.dma_semaphore, #tpu.memory_space<semaphore_mem>>
      %dma_start3A_117 = arith.constant 0 : i32
      %dma_start3A_118 = arith.constant 0 : i32
      %dma_start3A_119 = tpu.memref_slice %arg11[%dma_start3A_117, %dma_start3A_118] : memref<128x80xf32, #tpu.memory_space<vmem>> -> memref<64x80xf32, #tpu.memory_space<vmem>>
      %dma_start3A_120 = arith.constant 0 : i32
      %dma_start3A_121 = tpu.memref_slice %arg13[%add3A_9, %dma_start3A_120] : memref<10112x80xf32, #tpu.memory_space<vmem_shared>> -> memref<64x80xf32, #tpu.memory_space<vmem_shared>>
      %dma_start3A_122 = arith.constant 0 : i32
      %dma_start3A_123 = tpu.memref_slice %arg13[%add3A_9, %dma_start3A_122] : memref<10112x80xf32, #tpu.memory_space<vmem_shared>> -> memref<64x80xf32, #tpu.memory_space<vmem_shared>>
      %dma_start3A_124 = arith.constant 0 : i32
      %dma_start3A_125 = arith.constant 0 : i32
      %dma_start3A_126 = tpu.memref_slice %arg11[%dma_start3A_124, %dma_start3A_125] : memref<128x80xf32, #tpu.memory_space<vmem>> -> memref<64x80xf32, #tpu.memory_space<vmem>>
      tpu.enqueue_dma source(%dma_start3A_126 : memref<64x80xf32, #tpu.memory_space<vmem>>) target(%dma_start3A_123 : memref<64x80xf32, #tpu.memory_space<vmem_shared>>) target_semaphore(%run_scoped3A : memref<!tpu.dma_semaphore, #tpu.memory_space<semaphore_mem>>)
      %dma_wait3A_127 = arith.constant 0 : i32
      %dma_wait3A_128 = arith.constant 0 : i32
      %dma_wait3A_129 = tpu.memref_slice %arg11[%dma_wait3A_127, %dma_wait3A_128] : memref<128x80xf32, #tpu.memory_space<vmem>> -> memref<64x80xf32, #tpu.memory_space<vmem>>
      %dma_wait3A_130 = arith.constant 0 : i32
      %dma_wait3A_131 = tpu.memref_slice %arg13[%add3A_9, %dma_wait3A_130] : memref<10112x80xf32, #tpu.memory_space<vmem_shared>> -> memref<64x80xf32, #tpu.memory_space<vmem_shared>>
      %dma_wait3A_132 = arith.constant 0 : i32
      %dma_wait3A_133 = tpu.memref_slice %arg13[%add3A_9, %dma_wait3A_132] : memref<10112x80xf32, #tpu.memory_space<vmem_shared>> -> memref<64x80xf32, #tpu.memory_space<vmem_shared>>
      %dma_wait3A_134 = arith.constant 0 : i32
      %dma_wait3A_135 = arith.constant 0 : i32
      %dma_wait3A_136 = tpu.memref_slice %arg11[%dma_wait3A_134, %dma_wait3A_135] : memref<128x80xf32, #tpu.memory_space<vmem>> -> memref<64x80xf32, #tpu.memory_space<vmem>>
      tpu.wait_dma2 semaphore(%run_scoped3A : memref<!tpu.dma_semaphore, #tpu.memory_space<semaphore_mem>>) src(%dma_wait3A_136 : memref<64x80xf32, #tpu.memory_space<vmem>>) dst(%dma_wait3A_133 : memref<64x80xf32, #tpu.memory_space<vmem_shared>>)
      tpu.yield
    }) : () -> ()
    %add3A_10 = arith.constant 320 : i32
    %add3A_11 = arith.addi %mul3A_0, %add3A_10 : i32
    "tpu.region"() ({
      %run_scoped3A = tpu.sem_alloc : memref<!tpu.dma_semaphore, #tpu.memory_space<semaphore_mem>>
      %dma_start3A_117 = arith.constant 0 : i32
      %dma_start3A_118 = arith.constant 0 : i32
      %dma_start3A_119 = tpu.memref_slice %arg11[%dma_start3A_117, %dma_start3A_118] : memref<128x80xf32, #tpu.memory_space<vmem>> -> memref<64x80xf32, #tpu.memory_space<vmem>>
      %dma_start3A_120 = arith.constant 0 : i32
      %dma_start3A_121 = tpu.memref_slice %arg13[%add3A_11, %dma_start3A_120] : memref<10112x80xf32, #tpu.memory_space<vmem_shared>> -> memref<64x80xf32, #tpu.memory_space<vmem_shared>>
      %dma_start3A_122 = arith.constant 0 : i32
      %dma_start3A_123 = tpu.memref_slice %arg13[%add3A_11, %dma_start3A_122] : memref<10112x80xf32, #tpu.memory_space<vmem_shared>> -> memref<64x80xf32, #tpu.memory_space<vmem_shared>>
      %dma_start3A_124 = arith.constant 0 : i32
      %dma_start3A_125 = arith.constant 0 : i32
      %dma_start3A_126 = tpu.memref_slice %arg11[%dma_start3A_124, %dma_start3A_125] : memref<128x80xf32, #tpu.memory_space<vmem>> -> memref<64x80xf32, #tpu.memory_space<vmem>>
      tpu.enqueue_dma source(%dma_start3A_126 : memref<64x80xf32, #tpu.memory_space<vmem>>) target(%dma_start3A_123 : memref<64x80xf32, #tpu.memory_space<vmem_shared>>) target_semaphore(%run_scoped3A : memref<!tpu.dma_semaphore, #tpu.memory_space<semaphore_mem>>)
      %dma_wait3A_127 = arith.constant 0 : i32
      %dma_wait3A_128 = arith.constant 0 : i32
      %dma_wait3A_129 = tpu.memref_slice %arg11[%dma_wait3A_127, %dma_wait3A_128] : memref<128x80xf32, #tpu.memory_space<vmem>> -> memref<64x80xf32, #tpu.memory_space<vmem>>
      %dma_wait3A_130 = arith.constant 0 : i32
      %dma_wait3A_131 = tpu.memref_slice %arg13[%add3A_11, %dma_wait3A_130] : memref<10112x80xf32, #tpu.memory_space<vmem_shared>> -> memref<64x80xf32, #tpu.memory_space<vmem_shared>>
      %dma_wait3A_132 = arith.constant 0 : i32
      %dma_wait3A_133 = tpu.memref_slice %arg13[%add3A_11, %dma_wait3A_132] : memref<10112x80xf32, #tpu.memory_space<vmem_shared>> -> memref<64x80xf32, #tpu.memory_space<vmem_shared>>
      %dma_wait3A_134 = arith.constant 0 : i32
      %dma_wait3A_135 = arith.constant 0 : i32
      %dma_wait3A_136 = tpu.memref_slice %arg11[%dma_wait3A_134, %dma_wait3A_135] : memref<128x80xf32, #tpu.memory_space<vmem>> -> memref<64x80xf32, #tpu.memory_space<vmem>>
      tpu.wait_dma2 semaphore(%run_scoped3A : memref<!tpu.dma_semaphore, #tpu.memory_space<semaphore_mem>>) src(%dma_wait3A_136 : memref<64x80xf32, #tpu.memory_space<vmem>>) dst(%dma_wait3A_133 : memref<64x80xf32, #tpu.memory_space<vmem_shared>>)
      tpu.yield
    }) : () -> ()
    %add3A_12 = arith.constant 384 : i32
    %add3A_13 = arith.addi %mul3A_0, %add3A_12 : i32
    "tpu.region"() ({
      %run_scoped3A = tpu.sem_alloc : memref<!tpu.dma_semaphore, #tpu.memory_space<semaphore_mem>>
      %dma_start3A_117 = arith.constant 0 : i32
      %dma_start3A_118 = arith.constant 0 : i32
      %dma_start3A_119 = tpu.memref_slice %arg11[%dma_start3A_117, %dma_start3A_118] : memref<128x80xf32, #tpu.memory_space<vmem>> -> memref<64x80xf32, #tpu.memory_space<vmem>>
      %dma_start3A_120 = arith.constant 0 : i32
      %dma_start3A_121 = tpu.memref_slice %arg13[%add3A_13, %dma_start3A_120] : memref<10112x80xf32, #tpu.memory_space<vmem_shared>> -> memref<64x80xf32, #tpu.memory_space<vmem_shared>>
      %dma_start3A_122 = arith.constant 0 : i32
      %dma_start3A_123 = tpu.memref_slice %arg13[%add3A_13, %dma_start3A_122] : memref<10112x80xf32, #tpu.memory_space<vmem_shared>> -> memref<64x80xf32, #tpu.memory_space<vmem_shared>>
      %dma_start3A_124 = arith.constant 0 : i32
      %dma_start3A_125 = arith.constant 0 : i32
      %dma_start3A_126 = tpu.memref_slice %arg11[%dma_start3A_124, %dma_start3A_125] : memref<128x80xf32, #tpu.memory_space<vmem>> -> memref<64x80xf32, #tpu.memory_space<vmem>>
      tpu.enqueue_dma source(%dma_start3A_126 : memref<64x80xf32, #tpu.memory_space<vmem>>) target(%dma_start3A_123 : memref<64x80xf32, #tpu.memory_space<vmem_shared>>) target_semaphore(%run_scoped3A : memref<!tpu.dma_semaphore, #tpu.memory_space<semaphore_mem>>)
      %dma_wait3A_127 = arith.constant 0 : i32
      %dma_wait3A_128 = arith.constant 0 : i32
      %dma_wait3A_129 = tpu.memref_slice %arg11[%dma_wait3A_127, %dma_wait3A_128] : memref<128x80xf32, #tpu.memory_space<vmem>> -> memref<64x80xf32, #tpu.memory_space<vmem>>
      %dma_wait3A_130 = arith.constant 0 : i32
      %dma_wait3A_131 = tpu.memref_slice %arg13[%add3A_13, %dma_wait3A_130] : memref<10112x80xf32, #tpu.memory_space<vmem_shared>> -> memref<64x80xf32, #tpu.memory_space<vmem_shared>>
      %dma_wait3A_132 = arith.constant 0 : i32
      %dma_wait3A_133 = tpu.memref_slice %arg13[%add3A_13, %dma_wait3A_132] : memref<10112x80xf32, #tpu.memory_space<vmem_shared>> -> memref<64x80xf32, #tpu.memory_space<vmem_shared>>
      %dma_wait3A_134 = arith.constant 0 : i32
      %dma_wait3A_135 = arith.constant 0 : i32
      %dma_wait3A_136 = tpu.memref_slice %arg11[%dma_wait3A_134, %dma_wait3A_135] : memref<128x80xf32, #tpu.memory_space<vmem>> -> memref<64x80xf32, #tpu.memory_space<vmem>>
      tpu.wait_dma2 semaphore(%run_scoped3A : memref<!tpu.dma_semaphore, #tpu.memory_space<semaphore_mem>>) src(%dma_wait3A_136 : memref<64x80xf32, #tpu.memory_space<vmem>>) dst(%dma_wait3A_133 : memref<64x80xf32, #tpu.memory_space<vmem_shared>>)
      tpu.yield
    }) : () -> ()
    %add3A_14 = arith.constant 448 : i32
    %add3A_15 = arith.addi %mul3A_0, %add3A_14 : i32
    "tpu.region"() ({
      %run_scoped3A = tpu.sem_alloc : memref<!tpu.dma_semaphore, #tpu.memory_space<semaphore_mem>>
      %dma_start3A_117 = arith.constant 0 : i32
      %dma_start3A_118 = arith.constant 0 : i32
      %dma_start3A_119 = tpu.memref_slice %arg11[%dma_start3A_117, %dma_start3A_118] : memref<128x80xf32, #tpu.memory_space<vmem>> -> memref<64x80xf32, #tpu.memory_space<vmem>>
      %dma_start3A_120 = arith.constant 0 : i32
      %dma_start3A_121 = tpu.memref_slice %arg13[%add3A_15, %dma_start3A_120] : memref<10112x80xf32, #tpu.memory_space<vmem_shared>> -> memref<64x80xf32, #tpu.memory_space<vmem_shared>>
      %dma_start3A_122 = arith.constant 0 : i32
      %dma_start3A_123 = tpu.memref_slice %arg13[%add3A_15, %dma_start3A_122] : memref<10112x80xf32, #tpu.memory_space<vmem_shared>> -> memref<64x80xf32, #tpu.memory_space<vmem_shared>>
      %dma_start3A_124 = arith.constant 0 : i32
      %dma_start3A_125 = arith.constant 0 : i32
      %dma_start3A_126 = tpu.memref_slice %arg11[%dma_start3A_124, %dma_start3A_125] : memref<128x80xf32, #tpu.memory_space<vmem>> -> memref<64x80xf32, #tpu.memory_space<vmem>>
      tpu.enqueue_dma source(%dma_start3A_126 : memref<64x80xf32, #tpu.memory_space<vmem>>) target(%dma_start3A_123 : memref<64x80xf32, #tpu.memory_space<vmem_shared>>) target_semaphore(%run_scoped3A : memref<!tpu.dma_semaphore, #tpu.memory_space<semaphore_mem>>)
      %dma_wait3A_127 = arith.constant 0 : i32
      %dma_wait3A_128 = arith.constant 0 : i32
      %dma_wait3A_129 = tpu.memref_slice %arg11[%dma_wait3A_127, %dma_wait3A_128] : memref<128x80xf32, #tpu.memory_space<vmem>> -> memref<64x80xf32, #tpu.memory_space<vmem>>
      %dma_wait3A_130 = arith.constant 0 : i32
      %dma_wait3A_131 = tpu.memref_slice %arg13[%add3A_15, %dma_wait3A_130] : memref<10112x80xf32, #tpu.memory_space<vmem_shared>> -> memref<64x80xf32, #tpu.memory_space<vmem_shared>>
      %dma_wait3A_132 = arith.constant 0 : i32
      %dma_wait3A_133 = tpu.memref_slice %arg13[%add3A_15, %dma_wait3A_132] : memref<10112x80xf32, #tpu.memory_space<vmem_shared>> -> memref<64x80xf32, #tpu.memory_space<vmem_shared>>
      %dma_wait3A_134 = arith.constant 0 : i32
      %dma_wait3A_135 = arith.constant 0 : i32
      %dma_wait3A_136 = tpu.memref_slice %arg11[%dma_wait3A_134, %dma_wait3A_135] : memref<128x80xf32, #tpu.memory_space<vmem>> -> memref<64x80xf32, #tpu.memory_space<vmem>>
      tpu.wait_dma2 semaphore(%run_scoped3A : memref<!tpu.dma_semaphore, #tpu.memory_space<semaphore_mem>>) src(%dma_wait3A_136 : memref<64x80xf32, #tpu.memory_space<vmem>>) dst(%dma_wait3A_133 : memref<64x80xf32, #tpu.memory_space<vmem_shared>>)
      tpu.yield
    }) : () -> ()
    %add3A_16 = arith.constant 512 : i32
    %add3A_17 = arith.addi %mul3A_0, %add3A_16 : i32
    "tpu.region"() ({
      %run_scoped3A = tpu.sem_alloc : memref<!tpu.dma_semaphore, #tpu.memory_space<semaphore_mem>>
      %dma_start3A_117 = arith.constant 0 : i32
      %dma_start3A_118 = arith.constant 0 : i32
      %dma_start3A_119 = tpu.memref_slice %arg11[%dma_start3A_117, %dma_start3A_118] : memref<128x80xf32, #tpu.memory_space<vmem>> -> memref<64x80xf32, #tpu.memory_space<vmem>>
      %dma_start3A_120 = arith.constant 0 : i32
      %dma_start3A_121 = tpu.memref_slice %arg13[%add3A_17, %dma_start3A_120] : memref<10112x80xf32, #tpu.memory_space<vmem_shared>> -> memref<64x80xf32, #tpu.memory_space<vmem_shared>>
      %dma_start3A_122 = arith.constant 0 : i32
      %dma_start3A_123 = tpu.memref_slice %arg13[%add3A_17, %dma_start3A_122] : memref<10112x80xf32, #tpu.memory_space<vmem_shared>> -> memref<64x80xf32, #tpu.memory_space<vmem_shared>>
      %dma_start3A_124 = arith.constant 0 : i32
      %dma_start3A_125 = arith.constant 0 : i32
      %dma_start3A_126 = tpu.memref_slice %arg11[%dma_start3A_124, %dma_start3A_125] : memref<128x80xf32, #tpu.memory_space<vmem>> -> memref<64x80xf32, #tpu.memory_space<vmem>>
      tpu.enqueue_dma source(%dma_start3A_126 : memref<64x80xf32, #tpu.memory_space<vmem>>) target(%dma_start3A_123 : memref<64x80xf32, #tpu.memory_space<vmem_shared>>) target_semaphore(%run_scoped3A : memref<!tpu.dma_semaphore, #tpu.memory_space<semaphore_mem>>)
      %dma_wait3A_127 = arith.constant 0 : i32
      %dma_wait3A_128 = arith.constant 0 : i32
      %dma_wait3A_129 = tpu.memref_slice %arg11[%dma_wait3A_127, %dma_wait3A_128] : memref<128x80xf32, #tpu.memory_space<vmem>> -> memref<64x80xf32, #tpu.memory_space<vmem>>
      %dma_wait3A_130 = arith.constant 0 : i32
      %dma_wait3A_131 = tpu.memref_slice %arg13[%add3A_17, %dma_wait3A_130] : memref<10112x80xf32, #tpu.memory_space<vmem_shared>> -> memref<64x80xf32, #tpu.memory_space<vmem_shared>>
      %dma_wait3A_132 = arith.constant 0 : i32
      %dma_wait3A_133 = tpu.memref_slice %arg13[%add3A_17, %dma_wait3A_132] : memref<10112x80xf32, #tpu.memory_space<vmem_shared>> -> memref<64x80xf32, #tpu.memory_space<vmem_shared>>
      %dma_wait3A_134 = arith.constant 0 : i32
      %dma_wait3A_135 = arith.constant 0 : i32
      %dma_wait3A_136 = tpu.memref_slice %arg11[%dma_wait3A_134, %dma_wait3A_135] : memref<128x80xf32, #tpu.memory_space<vmem>> -> memref<64x80xf32, #tpu.memory_space<vmem>>
      tpu.wait_dma2 semaphore(%run_scoped3A : memref<!tpu.dma_semaphore, #tpu.memory_space<semaphore_mem>>) src(%dma_wait3A_136 : memref<64x80xf32, #tpu.memory_space<vmem>>) dst(%dma_wait3A_133 : memref<64x80xf32, #tpu.memory_space<vmem_shared>>)
      tpu.yield
    }) : () -> ()
    %add3A_18 = arith.constant 576 : i32
    %add3A_19 = arith.addi %mul3A_0, %add3A_18 : i32
    "tpu.region"() ({
      %run_scoped3A = tpu.sem_alloc : memref<!tpu.dma_semaphore, #tpu.memory_space<semaphore_mem>>
      %dma_start3A_117 = arith.constant 0 : i32
      %dma_start3A_118 = arith.constant 0 : i32
      %dma_start3A_119 = tpu.memref_slice %arg11[%dma_start3A_117, %dma_start3A_118] : memref<128x80xf32, #tpu.memory_space<vmem>> -> memref<56x80xf32, #tpu.memory_space<vmem>>
      %dma_start3A_120 = arith.constant 0 : i32
      %dma_start3A_121 = tpu.memref_slice %arg13[%add3A_19, %dma_start3A_120] : memref<10112x80xf32, #tpu.memory_space<vmem_shared>> -> memref<56x80xf32, #tpu.memory_space<vmem_shared>>
      %dma_start3A_122 = arith.constant 0 : i32
      %dma_start3A_123 = tpu.memref_slice %arg13[%add3A_19, %dma_start3A_122] : memref<10112x80xf32, #tpu.memory_space<vmem_shared>> -> memref<56x80xf32, #tpu.memory_space<vmem_shared>>
      %dma_start3A_124 = arith.constant 0 : i32
      %dma_start3A_125 = arith.constant 0 : i32
      %dma_start3A_126 = tpu.memref_slice %arg11[%dma_start3A_124, %dma_start3A_125] : memref<128x80xf32, #tpu.memory_space<vmem>> -> memref<56x80xf32, #tpu.memory_space<vmem>>
      tpu.enqueue_dma source(%dma_start3A_126 : memref<56x80xf32, #tpu.memory_space<vmem>>) target(%dma_start3A_123 : memref<56x80xf32, #tpu.memory_space<vmem_shared>>) target_semaphore(%run_scoped3A : memref<!tpu.dma_semaphore, #tpu.memory_space<semaphore_mem>>)
      %dma_wait3A_127 = arith.constant 0 : i32
      %dma_wait3A_128 = arith.constant 0 : i32
      %dma_wait3A_129 = tpu.memref_slice %arg11[%dma_wait3A_127, %dma_wait3A_128] : memref<128x80xf32, #tpu.memory_space<vmem>> -> memref<56x80xf32, #tpu.memory_space<vmem>>
      %dma_wait3A_130 = arith.constant 0 : i32
      %dma_wait3A_131 = tpu.memref_slice %arg13[%add3A_19, %dma_wait3A_130] : memref<10112x80xf32, #tpu.memory_space<vmem_shared>> -> memref<56x80xf32, #tpu.memory_space<vmem_shared>>
      %dma_wait3A_132 = arith.constant 0 : i32
      %dma_wait3A_133 = tpu.memref_slice %arg13[%add3A_19, %dma_wait3A_132] : memref<10112x80xf32, #tpu.memory_space<vmem_shared>> -> memref<56x80xf32, #tpu.memory_space<vmem_shared>>
      %dma_wait3A_134 = arith.constant 0 : i32
      %dma_wait3A_135 = arith.constant 0 : i32
      %dma_wait3A_136 = tpu.memref_slice %arg11[%dma_wait3A_134, %dma_wait3A_135] : memref<128x80xf32, #tpu.memory_space<vmem>> -> memref<56x80xf32, #tpu.memory_space<vmem>>
      tpu.wait_dma2 semaphore(%run_scoped3A : memref<!tpu.dma_semaphore, #tpu.memory_space<semaphore_mem>>) src(%dma_wait3A_136 : memref<56x80xf32, #tpu.memory_space<vmem>>) dst(%dma_wait3A_133 : memref<56x80xf32, #tpu.memory_space<vmem_shared>>)
      tpu.yield
    }) : () -> ()
    %barrier3A = arith.constant 0 : index
    tpu.barrier barrier_id(%barrier3A)
    %mul3A_20 = arith.constant 2 : i32
    %mul3A_21 = arith.muli %arg1, %mul3A_20 : i32
    %add3A_22 = arith.addi %mul3A_21, %arg0 : i32
    %mul3A_23 = arith.constant 10240 : i32
    %mul3A_24 = arith.muli %add3A_22, %mul3A_23 : i32
    %add3A_25 = arith.constant 0 : i32
    %add3A_26 = arith.addi %mul3A_24, %add3A_25 : i32
    %dma_start3A = tpu.memref_slice %arg3[%add3A_26] : memref<327680xi32, #tpu.memory_space<hbm>> -> memref<128xi32, #tpu.memory_space<hbm>>
    %dma_start3A_27 = tpu.memref_slice %arg3[%add3A_26] : memref<327680xi32, #tpu.memory_space<hbm>> -> memref<128xi32, #tpu.memory_space<hbm>>
    tpu.enqueue_dma source(%dma_start3A_27 : memref<128xi32, #tpu.memory_space<hbm>>) target(%arg7 : memref<128xi32, #tpu.memory_space<vmem>>) target_semaphore(%arg16 : memref<!tpu.dma_semaphore, #tpu.memory_space<semaphore_mem>>)
    %dma_start3A_28 = tpu.memref_slice %arg4[%add3A_26] : memref<327680xi32, #tpu.memory_space<hbm>> -> memref<128xi32, #tpu.memory_space<hbm>>
    %dma_start3A_29 = tpu.memref_slice %arg4[%add3A_26] : memref<327680xi32, #tpu.memory_space<hbm>> -> memref<128xi32, #tpu.memory_space<hbm>>
    tpu.enqueue_dma source(%dma_start3A_29 : memref<128xi32, #tpu.memory_space<hbm>>) target(%arg8 : memref<128xi32, #tpu.memory_space<vmem>>) target_semaphore(%arg16 : memref<!tpu.dma_semaphore, #tpu.memory_space<semaphore_mem>>)
    %dma_wait3A = arith.constant 0 : i32
    %dma_wait3A_30 = tpu.memref_slice %arg3[%dma_wait3A] : memref<327680xi32, #tpu.memory_space<hbm>> -> memref<128xi32, #tpu.memory_space<hbm>>
    %dma_wait3A_31 = arith.constant 0 : i32
    %dma_wait3A_32 = tpu.memref_slice %arg3[%dma_wait3A_31] : memref<327680xi32, #tpu.memory_space<hbm>> -> memref<128xi32, #tpu.memory_space<hbm>>
    tpu.wait_dma2 semaphore(%arg16 : memref<!tpu.dma_semaphore, #tpu.memory_space<semaphore_mem>>) src(%dma_wait3A_32 : memref<128xi32, #tpu.memory_space<hbm>>) dst(%arg7 : memref<128xi32, #tpu.memory_space<vmem>>)
    %dma_wait3A_33 = arith.constant 0 : i32
    %dma_wait3A_34 = tpu.memref_slice %arg3[%dma_wait3A_33] : memref<327680xi32, #tpu.memory_space<hbm>> -> memref<128xi32, #tpu.memory_space<hbm>>
    %dma_wait3A_35 = arith.constant 0 : i32
    %dma_wait3A_36 = tpu.memref_slice %arg3[%dma_wait3A_35] : memref<327680xi32, #tpu.memory_space<hbm>> -> memref<128xi32, #tpu.memory_space<hbm>>
    tpu.wait_dma2 semaphore(%arg16 : memref<!tpu.dma_semaphore, #tpu.memory_space<semaphore_mem>>) src(%dma_wait3A_36 : memref<128xi32, #tpu.memory_space<hbm>>) dst(%arg8 : memref<128xi32, #tpu.memory_space<vmem>>)
    %dma_start3A_37 = arith.constant 0 : i32
    %dma_start3A_38 = arith.constant 0 : i32
    %dma_start3A_39 = tpu.memref_slice %arg2[%dma_start3A_37, %dma_start3A_38] : memref<10000x80xf32, #tpu.memory_space<hbm>> -> memref<10000x80xf32, #tpu.memory_space<hbm>>
    tpu.enqueue_indirect_dma source(%dma_start3A_39 : memref<10000x80xf32, #tpu.memory_space<hbm>>) target(%arg11 : memref<128x80xf32, #tpu.memory_space<vmem>>) offsets(%arg7 : memref<128xi32, #tpu.memory_space<vmem>>) semaphore(%arg14 : memref<!tpu.dma_semaphore, #tpu.memory_space<semaphore_mem>>)
    %add3A_40 = arith.constant 128 : i32
    %add3A_41 = arith.addi %mul3A_24, %add3A_40 : i32
    %dma_start3A_42 = tpu.memref_slice %arg3[%add3A_41] : memref<327680xi32, #tpu.memory_space<hbm>> -> memref<128xi32, #tpu.memory_space<hbm>>
    %dma_start3A_43 = tpu.memref_slice %arg3[%add3A_41] : memref<327680xi32, #tpu.memory_space<hbm>> -> memref<128xi32, #tpu.memory_space<hbm>>
    tpu.enqueue_dma source(%dma_start3A_43 : memref<128xi32, #tpu.memory_space<hbm>>) target(%arg9 : memref<128xi32, #tpu.memory_space<vmem>>) target_semaphore(%arg17 : memref<!tpu.dma_semaphore, #tpu.memory_space<semaphore_mem>>)
    %dma_start3A_44 = tpu.memref_slice %arg4[%add3A_41] : memref<327680xi32, #tpu.memory_space<hbm>> -> memref<128xi32, #tpu.memory_space<hbm>>
    %dma_start3A_45 = tpu.memref_slice %arg4[%add3A_41] : memref<327680xi32, #tpu.memory_space<hbm>> -> memref<128xi32, #tpu.memory_space<hbm>>
    tpu.enqueue_dma source(%dma_start3A_45 : memref<128xi32, #tpu.memory_space<hbm>>) target(%arg10 : memref<128xi32, #tpu.memory_space<vmem>>) target_semaphore(%arg17 : memref<!tpu.dma_semaphore, #tpu.memory_space<semaphore_mem>>)
    %scan3A = arith.constant 0 : i32
    %scan3A_46 = arith.constant 39 : i32
    %scan3A_47 = arith.addi %scan3A, %scan3A_46 : i32
    %scan3A_48 = arith.constant 1 : i32
    scf.for %scan3A_117 = %scan3A to %scan3A_47 step %scan3A_48  : i32 {
      %mul3A_118 = arith.constant 1 : i32
      %mul3A_119 = arith.muli %scan3A_117, %mul3A_118 : i32
      %add3A_120 = arith.constant 0 : i32
      %add3A_121 = arith.addi %add3A_120, %mul3A_119 : i32
      %dma_wait3A_122 = arith.constant 0 : i32
      %dma_wait3A_123 = arith.constant 0 : i32
      %dma_wait3A_124 = tpu.memref_slice %arg5[%dma_wait3A_122, %dma_wait3A_123] : memref<10112x80xf32, #tpu.memory_space<hbm>> -> memref<128x80xf32, #tpu.memory_space<hbm>>
      %dma_wait3A_125 = arith.constant 0 : i32
      %dma_wait3A_126 = arith.constant 0 : i32
      %dma_wait3A_127 = tpu.memref_slice %arg5[%dma_wait3A_125, %dma_wait3A_126] : memref<10112x80xf32, #tpu.memory_space<hbm>> -> memref<128x80xf32, #tpu.memory_space<hbm>>
      tpu.wait_dma2 semaphore(%arg14 : memref<!tpu.dma_semaphore, #tpu.memory_space<semaphore_mem>>) src(%dma_wait3A_127 : memref<128x80xf32, #tpu.memory_space<hbm>>) dst(%arg11 : memref<128x80xf32, #tpu.memory_space<vmem>>)
      %dma_wait3A_128 = arith.constant 0 : i32
      %dma_wait3A_129 = tpu.memref_slice %arg3[%dma_wait3A_128] : memref<327680xi32, #tpu.memory_space<hbm>> -> memref<128xi32, #tpu.memory_space<hbm>>
      %dma_wait3A_130 = arith.constant 0 : i32
      %dma_wait3A_131 = tpu.memref_slice %arg3[%dma_wait3A_130] : memref<327680xi32, #tpu.memory_space<hbm>> -> memref<128xi32, #tpu.memory_space<hbm>>
      tpu.wait_dma2 semaphore(%arg17 : memref<!tpu.dma_semaphore, #tpu.memory_space<semaphore_mem>>) src(%dma_wait3A_131 : memref<128xi32, #tpu.memory_space<hbm>>) dst(%arg9 : memref<128xi32, #tpu.memory_space<vmem>>)
      %dma_wait3A_132 = arith.constant 0 : i32
      %dma_wait3A_133 = tpu.memref_slice %arg3[%dma_wait3A_132] : memref<327680xi32, #tpu.memory_space<hbm>> -> memref<128xi32, #tpu.memory_space<hbm>>
      %dma_wait3A_134 = arith.constant 0 : i32
      %dma_wait3A_135 = tpu.memref_slice %arg3[%dma_wait3A_134] : memref<327680xi32, #tpu.memory_space<hbm>> -> memref<128xi32, #tpu.memory_space<hbm>>
      tpu.wait_dma2 semaphore(%arg17 : memref<!tpu.dma_semaphore, #tpu.memory_space<semaphore_mem>>) src(%dma_wait3A_135 : memref<128xi32, #tpu.memory_space<hbm>>) dst(%arg10 : memref<128xi32, #tpu.memory_space<vmem>>)
      %dma_start3A_136 = arith.constant 0 : i32
      %dma_start3A_137 = arith.constant 0 : i32
      %dma_start3A_138 = tpu.memref_slice %arg2[%dma_start3A_136, %dma_start3A_137] : memref<10000x80xf32, #tpu.memory_space<hbm>> -> memref<10000x80xf32, #tpu.memory_space<hbm>>
      tpu.enqueue_indirect_dma source(%dma_start3A_138 : memref<10000x80xf32, #tpu.memory_space<hbm>>) target(%arg12 : memref<128x80xf32, #tpu.memory_space<vmem>>) offsets(%arg9 : memref<128xi32, #tpu.memory_space<vmem>>) semaphore(%arg15 : memref<!tpu.dma_semaphore, #tpu.memory_space<semaphore_mem>>)
      "tpu.region"() ({
        %run_scoped3A = tpu.sem_alloc : memref<!tpu.dma_semaphore, #tpu.memory_space<semaphore_mem>>
        %dma_start3A_178 = arith.constant 0 : i32
        %dma_start3A_179 = arith.constant 0 : i32
        %dma_start3A_180 = tpu.memref_slice %arg13[%dma_start3A_178, %dma_start3A_179] : memref<10112x80xf32, #tpu.memory_space<vmem_shared>> -> memref<10112x80xf32, #tpu.memory_space<vmem_shared>>
        tpu.enqueue_indirect_dma source(%arg11 : memref<128x80xf32, #tpu.memory_space<vmem>>) target(%dma_start3A_180 : memref<10112x80xf32, #tpu.memory_space<vmem_shared>>) offsets(%arg8 : memref<128xi32, #tpu.memory_space<vmem>>) semaphore(%run_scoped3A : memref<!tpu.dma_semaphore, #tpu.memory_space<semaphore_mem>>) {add = true}
        %dma_wait3A_181 = arith.constant 0 : i32
        %dma_wait3A_182 = arith.constant 0 : i32
        %dma_wait3A_183 = tpu.memref_slice %arg13[%dma_wait3A_181, %dma_wait3A_182] : memref<10112x80xf32, #tpu.memory_space<vmem_shared>> -> memref<10112x80xf32, #tpu.memory_space<vmem_shared>>
        tpu.wait_indirect_dma semaphore(%run_scoped3A : memref<!tpu.dma_semaphore, #tpu.memory_space<semaphore_mem>>) src(%arg11 : memref<128x80xf32, #tpu.memory_space<vmem>>) dst(%dma_wait3A_183 : memref<10112x80xf32, #tpu.memory_space<vmem_shared>>)
        tpu.yield
      }) : () -> ()
      %mul3A_139 = arith.constant 2 : i32
      %mul3A_140 = arith.muli %mul3A_139, %add3A_121 : i32
      %add3A_141 = arith.constant 2 : i32
      %add3A_142 = arith.addi %mul3A_140, %add3A_141 : i32
      %mul3A_143 = arith.constant 128 : i32
      %mul3A_144 = arith.muli %add3A_142, %mul3A_143 : i32
      %add3A_145 = arith.addi %mul3A_24, %mul3A_144 : i32
      %dma_start3A_146 = tpu.memref_slice %arg3[%add3A_145] : memref<327680xi32, #tpu.memory_space<hbm>> -> memref<128xi32, #tpu.memory_space<hbm>>
      %dma_start3A_147 = tpu.memref_slice %arg3[%add3A_145] : memref<327680xi32, #tpu.memory_space<hbm>> -> memref<128xi32, #tpu.memory_space<hbm>>
      tpu.enqueue_dma source(%dma_start3A_147 : memref<128xi32, #tpu.memory_space<hbm>>) target(%arg7 : memref<128xi32, #tpu.memory_space<vmem>>) target_semaphore(%arg16 : memref<!tpu.dma_semaphore, #tpu.memory_space<semaphore_mem>>)
      %dma_start3A_148 = tpu.memref_slice %arg4[%add3A_145] : memref<327680xi32, #tpu.memory_space<hbm>> -> memref<128xi32, #tpu.memory_space<hbm>>
      %dma_start3A_149 = tpu.memref_slice %arg4[%add3A_145] : memref<327680xi32, #tpu.memory_space<hbm>> -> memref<128xi32, #tpu.memory_space<hbm>>
      tpu.enqueue_dma source(%dma_start3A_149 : memref<128xi32, #tpu.memory_space<hbm>>) target(%arg8 : memref<128xi32, #tpu.memory_space<vmem>>) target_semaphore(%arg16 : memref<!tpu.dma_semaphore, #tpu.memory_space<semaphore_mem>>)
      %dma_wait3A_150 = arith.constant 0 : i32
      %dma_wait3A_151 = arith.constant 0 : i32
      %dma_wait3A_152 = tpu.memref_slice %arg5[%dma_wait3A_150, %dma_wait3A_151] : memref<10112x80xf32, #tpu.memory_space<hbm>> -> memref<128x80xf32, #tpu.memory_space<hbm>>
      %dma_wait3A_153 = arith.constant 0 : i32
      %dma_wait3A_154 = arith.constant 0 : i32
      %dma_wait3A_155 = tpu.memref_slice %arg5[%dma_wait3A_153, %dma_wait3A_154] : memref<10112x80xf32, #tpu.memory_space<hbm>> -> memref<128x80xf32, #tpu.memory_space<hbm>>
      tpu.wait_dma2 semaphore(%arg15 : memref<!tpu.dma_semaphore, #tpu.memory_space<semaphore_mem>>) src(%dma_wait3A_155 : memref<128x80xf32, #tpu.memory_space<hbm>>) dst(%arg12 : memref<128x80xf32, #tpu.memory_space<vmem>>)
      %dma_wait3A_156 = arith.constant 0 : i32
      %dma_wait3A_157 = tpu.memref_slice %arg3[%dma_wait3A_156] : memref<327680xi32, #tpu.memory_space<hbm>> -> memref<128xi32, #tpu.memory_space<hbm>>
      %dma_wait3A_158 = arith.constant 0 : i32
      %dma_wait3A_159 = tpu.memref_slice %arg3[%dma_wait3A_158] : memref<327680xi32, #tpu.memory_space<hbm>> -> memref<128xi32, #tpu.memory_space<hbm>>
      tpu.wait_dma2 semaphore(%arg16 : memref<!tpu.dma_semaphore, #tpu.memory_space<semaphore_mem>>) src(%dma_wait3A_159 : memref<128xi32, #tpu.memory_space<hbm>>) dst(%arg7 : memref<128xi32, #tpu.memory_space<vmem>>)
      %dma_wait3A_160 = arith.constant 0 : i32
      %dma_wait3A_161 = tpu.memref_slice %arg3[%dma_wait3A_160] : memref<327680xi32, #tpu.memory_space<hbm>> -> memref<128xi32, #tpu.memory_space<hbm>>
      %dma_wait3A_162 = arith.constant 0 : i32
      %dma_wait3A_163 = tpu.memref_slice %arg3[%dma_wait3A_162] : memref<327680xi32, #tpu.memory_space<hbm>> -> memref<128xi32, #tpu.memory_space<hbm>>
      tpu.wait_dma2 semaphore(%arg16 : memref<!tpu.dma_semaphore, #tpu.memory_space<semaphore_mem>>) src(%dma_wait3A_163 : memref<128xi32, #tpu.memory_space<hbm>>) dst(%arg8 : memref<128xi32, #tpu.memory_space<vmem>>)
      %dma_start3A_164 = arith.constant 0 : i32
      %dma_start3A_165 = arith.constant 0 : i32
      %dma_start3A_166 = tpu.memref_slice %arg2[%dma_start3A_164, %dma_start3A_165] : memref<10000x80xf32, #tpu.memory_space<hbm>> -> memref<10000x80xf32, #tpu.memory_space<hbm>>
      tpu.enqueue_indirect_dma source(%dma_start3A_166 : memref<10000x80xf32, #tpu.memory_space<hbm>>) target(%arg11 : memref<128x80xf32, #tpu.memory_space<vmem>>) offsets(%arg7 : memref<128xi32, #tpu.memory_space<vmem>>) semaphore(%arg14 : memref<!tpu.dma_semaphore, #tpu.memory_space<semaphore_mem>>)
      "tpu.region"() ({
        %run_scoped3A = tpu.sem_alloc : memref<!tpu.dma_semaphore, #tpu.memory_space<semaphore_mem>>
        %dma_start3A_178 = arith.constant 0 : i32
        %dma_start3A_179 = arith.constant 0 : i32
        %dma_start3A_180 = tpu.memref_slice %arg13[%dma_start3A_178, %dma_start3A_179] : memref<10112x80xf32, #tpu.memory_space<vmem_shared>> -> memref<10112x80xf32, #tpu.memory_space<vmem_shared>>
        tpu.enqueue_indirect_dma source(%arg12 : memref<128x80xf32, #tpu.memory_space<vmem>>) target(%dma_start3A_180 : memref<10112x80xf32, #tpu.memory_space<vmem_shared>>) offsets(%arg10 : memref<128xi32, #tpu.memory_space<vmem>>) semaphore(%run_scoped3A : memref<!tpu.dma_semaphore, #tpu.memory_space<semaphore_mem>>) {add = true}
        %dma_wait3A_181 = arith.constant 0 : i32
        %dma_wait3A_182 = arith.constant 0 : i32
        %dma_wait3A_183 = tpu.memref_slice %arg13[%dma_wait3A_181, %dma_wait3A_182] : memref<10112x80xf32, #tpu.memory_space<vmem_shared>> -> memref<10112x80xf32, #tpu.memory_space<vmem_shared>>
        tpu.wait_indirect_dma semaphore(%run_scoped3A : memref<!tpu.dma_semaphore, #tpu.memory_space<semaphore_mem>>) src(%arg12 : memref<128x80xf32, #tpu.memory_space<vmem>>) dst(%dma_wait3A_183 : memref<10112x80xf32, #tpu.memory_space<vmem_shared>>)
        tpu.yield
      }) : () -> ()
      %mul3A_167 = arith.constant 2 : i32
      %mul3A_168 = arith.muli %mul3A_167, %add3A_121 : i32
      %add3A_169 = arith.constant 3 : i32
      %add3A_170 = arith.addi %mul3A_168, %add3A_169 : i32
      %mul3A_171 = arith.constant 128 : i32
      %mul3A_172 = arith.muli %add3A_170, %mul3A_171 : i32
      %add3A_173 = arith.addi %mul3A_24, %mul3A_172 : i32
      %dma_start3A_174 = tpu.memref_slice %arg3[%add3A_173] : memref<327680xi32, #tpu.memory_space<hbm>> -> memref<128xi32, #tpu.memory_space<hbm>>
      %dma_start3A_175 = tpu.memref_slice %arg3[%add3A_173] : memref<327680xi32, #tpu.memory_space<hbm>> -> memref<128xi32, #tpu.memory_space<hbm>>
      tpu.enqueue_dma source(%dma_start3A_175 : memref<128xi32, #tpu.memory_space<hbm>>) target(%arg9 : memref<128xi32, #tpu.memory_space<vmem>>) target_semaphore(%arg17 : memref<!tpu.dma_semaphore, #tpu.memory_space<semaphore_mem>>)
      %dma_start3A_176 = tpu.memref_slice %arg4[%add3A_173] : memref<327680xi32, #tpu.memory_space<hbm>> -> memref<128xi32, #tpu.memory_space<hbm>>
      %dma_start3A_177 = tpu.memref_slice %arg4[%add3A_173] : memref<327680xi32, #tpu.memory_space<hbm>> -> memref<128xi32, #tpu.memory_space<hbm>>
      tpu.enqueue_dma source(%dma_start3A_177 : memref<128xi32, #tpu.memory_space<hbm>>) target(%arg10 : memref<128xi32, #tpu.memory_space<vmem>>) target_semaphore(%arg17 : memref<!tpu.dma_semaphore, #tpu.memory_space<semaphore_mem>>)
    }
    %scan3A_49 = arith.constant 39 : i32
    %dma_wait3A_50 = arith.constant 0 : i32
    %dma_wait3A_51 = arith.constant 0 : i32
    %dma_wait3A_52 = tpu.memref_slice %arg5[%dma_wait3A_50, %dma_wait3A_51] : memref<10112x80xf32, #tpu.memory_space<hbm>> -> memref<128x80xf32, #tpu.memory_space<hbm>>
    %dma_wait3A_53 = arith.constant 0 : i32
    %dma_wait3A_54 = arith.constant 0 : i32
    %dma_wait3A_55 = tpu.memref_slice %arg5[%dma_wait3A_53, %dma_wait3A_54] : memref<10112x80xf32, #tpu.memory_space<hbm>> -> memref<128x80xf32, #tpu.memory_space<hbm>>
    tpu.wait_dma2 semaphore(%arg14 : memref<!tpu.dma_semaphore, #tpu.memory_space<semaphore_mem>>) src(%dma_wait3A_55 : memref<128x80xf32, #tpu.memory_space<hbm>>) dst(%arg11 : memref<128x80xf32, #tpu.memory_space<vmem>>)
    %dma_wait3A_56 = arith.constant 0 : i32
    %dma_wait3A_57 = tpu.memref_slice %arg3[%dma_wait3A_56] : memref<327680xi32, #tpu.memory_space<hbm>> -> memref<128xi32, #tpu.memory_space<hbm>>
    %dma_wait3A_58 = arith.constant 0 : i32
    %dma_wait3A_59 = tpu.memref_slice %arg3[%dma_wait3A_58] : memref<327680xi32, #tpu.memory_space<hbm>> -> memref<128xi32, #tpu.memory_space<hbm>>
    tpu.wait_dma2 semaphore(%arg17 : memref<!tpu.dma_semaphore, #tpu.memory_space<semaphore_mem>>) src(%dma_wait3A_59 : memref<128xi32, #tpu.memory_space<hbm>>) dst(%arg9 : memref<128xi32, #tpu.memory_space<vmem>>)
    %dma_wait3A_60 = arith.constant 0 : i32
    %dma_wait3A_61 = tpu.memref_slice %arg3[%dma_wait3A_60] : memref<327680xi32, #tpu.memory_space<hbm>> -> memref<128xi32, #tpu.memory_space<hbm>>
    %dma_wait3A_62 = arith.constant 0 : i32
    %dma_wait3A_63 = tpu.memref_slice %arg3[%dma_wait3A_62] : memref<327680xi32, #tpu.memory_space<hbm>> -> memref<128xi32, #tpu.memory_space<hbm>>
    tpu.wait_dma2 semaphore(%arg17 : memref<!tpu.dma_semaphore, #tpu.memory_space<semaphore_mem>>) src(%dma_wait3A_63 : memref<128xi32, #tpu.memory_space<hbm>>) dst(%arg10 : memref<128xi32, #tpu.memory_space<vmem>>)
    %dma_start3A_64 = arith.constant 0 : i32
    %dma_start3A_65 = arith.constant 0 : i32
    %dma_start3A_66 = tpu.memref_slice %arg2[%dma_start3A_64, %dma_start3A_65] : memref<10000x80xf32, #tpu.memory_space<hbm>> -> memref<10000x80xf32, #tpu.memory_space<hbm>>
    tpu.enqueue_indirect_dma source(%dma_start3A_66 : memref<10000x80xf32, #tpu.memory_space<hbm>>) target(%arg12 : memref<128x80xf32, #tpu.memory_space<vmem>>) offsets(%arg9 : memref<128xi32, #tpu.memory_space<vmem>>) semaphore(%arg15 : memref<!tpu.dma_semaphore, #tpu.memory_space<semaphore_mem>>)
    "tpu.region"() ({
      %run_scoped3A = tpu.sem_alloc : memref<!tpu.dma_semaphore, #tpu.memory_space<semaphore_mem>>
      %dma_start3A_117 = arith.constant 0 : i32
      %dma_start3A_118 = arith.constant 0 : i32
      %dma_start3A_119 = tpu.memref_slice %arg13[%dma_start3A_117, %dma_start3A_118] : memref<10112x80xf32, #tpu.memory_space<vmem_shared>> -> memref<10112x80xf32, #tpu.memory_space<vmem_shared>>
      tpu.enqueue_indirect_dma source(%arg11 : memref<128x80xf32, #tpu.memory_space<vmem>>) target(%dma_start3A_119 : memref<10112x80xf32, #tpu.memory_space<vmem_shared>>) offsets(%arg8 : memref<128xi32, #tpu.memory_space<vmem>>) semaphore(%run_scoped3A : memref<!tpu.dma_semaphore, #tpu.memory_space<semaphore_mem>>) {add = true}
      %dma_wait3A_120 = arith.constant 0 : i32
      %dma_wait3A_121 = arith.constant 0 : i32
      %dma_wait3A_122 = tpu.memref_slice %arg13[%dma_wait3A_120, %dma_wait3A_121] : memref<10112x80xf32, #tpu.memory_space<vmem_shared>> -> memref<10112x80xf32, #tpu.memory_space<vmem_shared>>
      tpu.wait_indirect_dma semaphore(%run_scoped3A : memref<!tpu.dma_semaphore, #tpu.memory_space<semaphore_mem>>) src(%arg11 : memref<128x80xf32, #tpu.memory_space<vmem>>) dst(%dma_wait3A_122 : memref<10112x80xf32, #tpu.memory_space<vmem_shared>>)
      tpu.yield
    }) : () -> ()
    %dma_wait3A_67 = arith.constant 0 : i32
    %dma_wait3A_68 = arith.constant 0 : i32
    %dma_wait3A_69 = tpu.memref_slice %arg5[%dma_wait3A_67, %dma_wait3A_68] : memref<10112x80xf32, #tpu.memory_space<hbm>> -> memref<128x80xf32, #tpu.memory_space<hbm>>
    %dma_wait3A_70 = arith.constant 0 : i32
    %dma_wait3A_71 = arith.constant 0 : i32
    %dma_wait3A_72 = tpu.memref_slice %arg5[%dma_wait3A_70, %dma_wait3A_71] : memref<10112x80xf32, #tpu.memory_space<hbm>> -> memref<128x80xf32, #tpu.memory_space<hbm>>
    tpu.wait_dma2 semaphore(%arg15 : memref<!tpu.dma_semaphore, #tpu.memory_space<semaphore_mem>>) src(%dma_wait3A_72 : memref<128x80xf32, #tpu.memory_space<hbm>>) dst(%arg12 : memref<128x80xf32, #tpu.memory_space<vmem>>)
    "tpu.region"() ({
      %run_scoped3A = tpu.sem_alloc : memref<!tpu.dma_semaphore, #tpu.memory_space<semaphore_mem>>
      %dma_start3A_117 = arith.constant 0 : i32
      %dma_start3A_118 = arith.constant 0 : i32
      %dma_start3A_119 = tpu.memref_slice %arg13[%dma_start3A_117, %dma_start3A_118] : memref<10112x80xf32, #tpu.memory_space<vmem_shared>> -> memref<10112x80xf32, #tpu.memory_space<vmem_shared>>
      tpu.enqueue_indirect_dma source(%arg12 : memref<128x80xf32, #tpu.memory_space<vmem>>) target(%dma_start3A_119 : memref<10112x80xf32, #tpu.memory_space<vmem_shared>>) offsets(%arg10 : memref<128xi32, #tpu.memory_space<vmem>>) semaphore(%run_scoped3A : memref<!tpu.dma_semaphore, #tpu.memory_space<semaphore_mem>>) {add = true}
      %dma_wait3A_120 = arith.constant 0 : i32
      %dma_wait3A_121 = arith.constant 0 : i32
      %dma_wait3A_122 = tpu.memref_slice %arg13[%dma_wait3A_120, %dma_wait3A_121] : memref<10112x80xf32, #tpu.memory_space<vmem_shared>> -> memref<10112x80xf32, #tpu.memory_space<vmem_shared>>
      tpu.wait_indirect_dma semaphore(%run_scoped3A : memref<!tpu.dma_semaphore, #tpu.memory_space<semaphore_mem>>) src(%arg12 : memref<128x80xf32, #tpu.memory_space<vmem>>) dst(%dma_wait3A_122 : memref<10112x80xf32, #tpu.memory_space<vmem_shared>>)
      tpu.yield
    }) : () -> ()
    %barrier3A_73 = arith.constant 0 : index
    tpu.barrier barrier_id(%barrier3A_73)
    %mul3A_74 = arith.constant 10112 : i32
    %mul3A_75 = arith.muli %arg0, %mul3A_74 : i32
    %add3A_76 = arith.addi %mul3A_75, %mul3A_0 : i32
    %add3A_77 = arith.constant 0 : i32
    %add3A_78 = arith.addi %mul3A_0, %add3A_77 : i32
    "tpu.region"() ({
      %run_scoped3A = tpu.sem_alloc : memref<!tpu.dma_semaphore, #tpu.memory_space<semaphore_mem>>
      %dma_start3A_117 = arith.constant 0 : i32
      %dma_start3A_118 = arith.constant 0 : i32
      %dma_start3A_119 = tpu.memref_slice %arg11[%dma_start3A_117, %dma_start3A_118] : memref<128x80xf32, #tpu.memory_space<vmem>> -> memref<64x80xf32, #tpu.memory_space<vmem>>
      %dma_start3A_120 = arith.constant 0 : i32
      %dma_start3A_121 = tpu.memref_slice %arg13[%add3A_78, %dma_start3A_120] : memref<10112x80xf32, #tpu.memory_space<vmem_shared>> -> memref<64x80xf32, #tpu.memory_space<vmem_shared>>
      %dma_start3A_122 = arith.constant 0 : i32
      %dma_start3A_123 = arith.constant 0 : i32
      %dma_start3A_124 = tpu.memref_slice %arg11[%dma_start3A_122, %dma_start3A_123] : memref<128x80xf32, #tpu.memory_space<vmem>> -> memref<64x80xf32, #tpu.memory_space<vmem>>
      %dma_start3A_125 = arith.constant 0 : i32
      %dma_start3A_126 = tpu.memref_slice %arg13[%add3A_78, %dma_start3A_125] : memref<10112x80xf32, #tpu.memory_space<vmem_shared>> -> memref<64x80xf32, #tpu.memory_space<vmem_shared>>
      tpu.enqueue_dma source(%dma_start3A_126 : memref<64x80xf32, #tpu.memory_space<vmem_shared>>) target(%dma_start3A_124 : memref<64x80xf32, #tpu.memory_space<vmem>>) target_semaphore(%run_scoped3A : memref<!tpu.dma_semaphore, #tpu.memory_space<semaphore_mem>>)
      %dma_wait3A_127 = arith.constant 0 : i32
      %dma_wait3A_128 = arith.constant 0 : i32
      %dma_wait3A_129 = tpu.memref_slice %arg11[%dma_wait3A_127, %dma_wait3A_128] : memref<128x80xf32, #tpu.memory_space<vmem>> -> memref<64x80xf32, #tpu.memory_space<vmem>>
      %dma_wait3A_130 = arith.constant 0 : i32
      %dma_wait3A_131 = tpu.memref_slice %arg13[%add3A_78, %dma_wait3A_130] : memref<10112x80xf32, #tpu.memory_space<vmem_shared>> -> memref<64x80xf32, #tpu.memory_space<vmem_shared>>
      %dma_wait3A_132 = arith.constant 0 : i32
      %dma_wait3A_133 = arith.constant 0 : i32
      %dma_wait3A_134 = tpu.memref_slice %arg11[%dma_wait3A_132, %dma_wait3A_133] : memref<128x80xf32, #tpu.memory_space<vmem>> -> memref<64x80xf32, #tpu.memory_space<vmem>>
      %dma_wait3A_135 = arith.constant 0 : i32
      %dma_wait3A_136 = tpu.memref_slice %arg13[%add3A_78, %dma_wait3A_135] : memref<10112x80xf32, #tpu.memory_space<vmem_shared>> -> memref<64x80xf32, #tpu.memory_space<vmem_shared>>
      tpu.wait_dma2 semaphore(%run_scoped3A : memref<!tpu.dma_semaphore, #tpu.memory_space<semaphore_mem>>) src(%dma_wait3A_136 : memref<64x80xf32, #tpu.memory_space<vmem_shared>>) dst(%dma_wait3A_134 : memref<64x80xf32, #tpu.memory_space<vmem>>)
      tpu.yield
    }) : () -> ()
    %add3A_79 = arith.constant 0 : i32
    %add3A_80 = arith.addi %add3A_76, %add3A_79 : i32
    "tpu.region"() ({
      %run_scoped3A = tpu.sem_alloc : memref<!tpu.dma_semaphore, #tpu.memory_space<semaphore_mem>>
      %dma_start3A_117 = arith.constant 0 : i32
      %dma_start3A_118 = arith.constant 0 : i32
      %dma_start3A_119 = tpu.memref_slice %arg11[%dma_start3A_117, %dma_start3A_118] : memref<128x80xf32, #tpu.memory_space<vmem>> -> memref<64x80xf32, #tpu.memory_space<vmem>>
      %dma_start3A_120 = arith.constant 0 : i32
      %dma_start3A_121 = tpu.memref_slice %arg6[%add3A_80, %dma_start3A_120] : memref<20224x80xf32, #tpu.memory_space<hbm>> -> memref<64x80xf32, #tpu.memory_space<hbm>>
      %dma_start3A_122 = arith.constant 0 : i32
      %dma_start3A_123 = tpu.memref_slice %arg6[%add3A_80, %dma_start3A_122] : memref<20224x80xf32, #tpu.memory_space<hbm>> -> memref<64x80xf32, #tpu.memory_space<hbm>>
      %dma_start3A_124 = arith.constant 0 : i32
      %dma_start3A_125 = arith.constant 0 : i32
      %dma_start3A_126 = tpu.memref_slice %arg11[%dma_start3A_124, %dma_start3A_125] : memref<128x80xf32, #tpu.memory_space<vmem>> -> memref<64x80xf32, #tpu.memory_space<vmem>>
      tpu.enqueue_dma source(%dma_start3A_126 : memref<64x80xf32, #tpu.memory_space<vmem>>) target(%dma_start3A_123 : memref<64x80xf32, #tpu.memory_space<hbm>>) target_semaphore(%run_scoped3A : memref<!tpu.dma_semaphore, #tpu.memory_space<semaphore_mem>>)
      %dma_wait3A_127 = arith.constant 0 : i32
      %dma_wait3A_128 = arith.constant 0 : i32
      %dma_wait3A_129 = tpu.memref_slice %arg11[%dma_wait3A_127, %dma_wait3A_128] : memref<128x80xf32, #tpu.memory_space<vmem>> -> memref<64x80xf32, #tpu.memory_space<vmem>>
      %dma_wait3A_130 = arith.constant 0 : i32
      %dma_wait3A_131 = tpu.memref_slice %arg6[%add3A_80, %dma_wait3A_130] : memref<20224x80xf32, #tpu.memory_space<hbm>> -> memref<64x80xf32, #tpu.memory_space<hbm>>
      %dma_wait3A_132 = arith.constant 0 : i32
      %dma_wait3A_133 = tpu.memref_slice %arg6[%add3A_80, %dma_wait3A_132] : memref<20224x80xf32, #tpu.memory_space<hbm>> -> memref<64x80xf32, #tpu.memory_space<hbm>>
      %dma_wait3A_134 = arith.constant 0 : i32
      %dma_wait3A_135 = arith.constant 0 : i32
      %dma_wait3A_136 = tpu.memref_slice %arg11[%dma_wait3A_134, %dma_wait3A_135] : memref<128x80xf32, #tpu.memory_space<vmem>> -> memref<64x80xf32, #tpu.memory_space<vmem>>
      tpu.wait_dma2 semaphore(%run_scoped3A : memref<!tpu.dma_semaphore, #tpu.memory_space<semaphore_mem>>) src(%dma_wait3A_136 : memref<64x80xf32, #tpu.memory_space<vmem>>) dst(%dma_wait3A_133 : memref<64x80xf32, #tpu.memory_space<hbm>>)
      tpu.yield
    }) : () -> ()
    %add3A_81 = arith.constant 64 : i32
    %add3A_82 = arith.addi %mul3A_0, %add3A_81 : i32
    "tpu.region"() ({
      %run_scoped3A = tpu.sem_alloc : memref<!tpu.dma_semaphore, #tpu.memory_space<semaphore_mem>>
      %dma_start3A_117 = arith.constant 0 : i32
      %dma_start3A_118 = arith.constant 0 : i32
      %dma_start3A_119 = tpu.memref_slice %arg11[%dma_start3A_117, %dma_start3A_118] : memref<128x80xf32, #tpu.memory_space<vmem>> -> memref<64x80xf32, #tpu.memory_space<vmem>>
      %dma_start3A_120 = arith.constant 0 : i32
      %dma_start3A_121 = tpu.memref_slice %arg13[%add3A_82, %dma_start3A_120] : memref<10112x80xf32, #tpu.memory_space<vmem_shared>> -> memref<64x80xf32, #tpu.memory_space<vmem_shared>>
      %dma_start3A_122 = arith.constant 0 : i32
      %dma_start3A_123 = arith.constant 0 : i32
      %dma_start3A_124 = tpu.memref_slice %arg11[%dma_start3A_122, %dma_start3A_123] : memref<128x80xf32, #tpu.memory_space<vmem>> -> memref<64x80xf32, #tpu.memory_space<vmem>>
      %dma_start3A_125 = arith.constant 0 : i32
      %dma_start3A_126 = tpu.memref_slice %arg13[%add3A_82, %dma_start3A_125] : memref<10112x80xf32, #tpu.memory_space<vmem_shared>> -> memref<64x80xf32, #tpu.memory_space<vmem_shared>>
      tpu.enqueue_dma source(%dma_start3A_126 : memref<64x80xf32, #tpu.memory_space<vmem_shared>>) target(%dma_start3A_124 : memref<64x80xf32, #tpu.memory_space<vmem>>) target_semaphore(%run_scoped3A : memref<!tpu.dma_semaphore, #tpu.memory_space<semaphore_mem>>)
      %dma_wait3A_127 = arith.constant 0 : i32
      %dma_wait3A_128 = arith.constant 0 : i32
      %dma_wait3A_129 = tpu.memref_slice %arg11[%dma_wait3A_127, %dma_wait3A_128] : memref<128x80xf32, #tpu.memory_space<vmem>> -> memref<64x80xf32, #tpu.memory_space<vmem>>
      %dma_wait3A_130 = arith.constant 0 : i32
      %dma_wait3A_131 = tpu.memref_slice %arg13[%add3A_82, %dma_wait3A_130] : memref<10112x80xf32, #tpu.memory_space<vmem_shared>> -> memref<64x80xf32, #tpu.memory_space<vmem_shared>>
      %dma_wait3A_132 = arith.constant 0 : i32
      %dma_wait3A_133 = arith.constant 0 : i32
      %dma_wait3A_134 = tpu.memref_slice %arg11[%dma_wait3A_132, %dma_wait3A_133] : memref<128x80xf32, #tpu.memory_space<vmem>> -> memref<64x80xf32, #tpu.memory_space<vmem>>
      %dma_wait3A_135 = arith.constant 0 : i32
      %dma_wait3A_136 = tpu.memref_slice %arg13[%add3A_82, %dma_wait3A_135] : memref<10112x80xf32, #tpu.memory_space<vmem_shared>> -> memref<64x80xf32, #tpu.memory_space<vmem_shared>>
      tpu.wait_dma2 semaphore(%run_scoped3A : memref<!tpu.dma_semaphore, #tpu.memory_space<semaphore_mem>>) src(%dma_wait3A_136 : memref<64x80xf32, #tpu.memory_space<vmem_shared>>) dst(%dma_wait3A_134 : memref<64x80xf32, #tpu.memory_space<vmem>>)
      tpu.yield
    }) : () -> ()
    %add3A_83 = arith.constant 64 : i32
    %add3A_84 = arith.addi %add3A_76, %add3A_83 : i32
    "tpu.region"() ({
      %run_scoped3A = tpu.sem_alloc : memref<!tpu.dma_semaphore, #tpu.memory_space<semaphore_mem>>
      %dma_start3A_117 = arith.constant 0 : i32
      %dma_start3A_118 = arith.constant 0 : i32
      %dma_start3A_119 = tpu.memref_slice %arg11[%dma_start3A_117, %dma_start3A_118] : memref<128x80xf32, #tpu.memory_space<vmem>> -> memref<64x80xf32, #tpu.memory_space<vmem>>
      %dma_start3A_120 = arith.constant 0 : i32
      %dma_start3A_121 = tpu.memref_slice %arg6[%add3A_84, %dma_start3A_120] : memref<20224x80xf32, #tpu.memory_space<hbm>> -> memref<64x80xf32, #tpu.memory_space<hbm>>
      %dma_start3A_122 = arith.constant 0 : i32
      %dma_start3A_123 = tpu.memref_slice %arg6[%add3A_84, %dma_start3A_122] : memref<20224x80xf32, #tpu.memory_space<hbm>> -> memref<64x80xf32, #tpu.memory_space<hbm>>
      %dma_start3A_124 = arith.constant 0 : i32
      %dma_start3A_125 = arith.constant 0 : i32
      %dma_start3A_126 = tpu.memref_slice %arg11[%dma_start3A_124, %dma_start3A_125] : memref<128x80xf32, #tpu.memory_space<vmem>> -> memref<64x80xf32, #tpu.memory_space<vmem>>
      tpu.enqueue_dma source(%dma_start3A_126 : memref<64x80xf32, #tpu.memory_space<vmem>>) target(%dma_start3A_123 : memref<64x80xf32, #tpu.memory_space<hbm>>) target_semaphore(%run_scoped3A : memref<!tpu.dma_semaphore, #tpu.memory_space<semaphore_mem>>)
      %dma_wait3A_127 = arith.constant 0 : i32
      %dma_wait3A_128 = arith.constant 0 : i32
      %dma_wait3A_129 = tpu.memref_slice %arg11[%dma_wait3A_127, %dma_wait3A_128] : memref<128x80xf32, #tpu.memory_space<vmem>> -> memref<64x80xf32, #tpu.memory_space<vmem>>
      %dma_wait3A_130 = arith.constant 0 : i32
      %dma_wait3A_131 = tpu.memref_slice %arg6[%add3A_84, %dma_wait3A_130] : memref<20224x80xf32, #tpu.memory_space<hbm>> -> memref<64x80xf32, #tpu.memory_space<hbm>>
      %dma_wait3A_132 = arith.constant 0 : i32
      %dma_wait3A_133 = tpu.memref_slice %arg6[%add3A_84, %dma_wait3A_132] : memref<20224x80xf32, #tpu.memory_space<hbm>> -> memref<64x80xf32, #tpu.memory_space<hbm>>
      %dma_wait3A_134 = arith.constant 0 : i32
      %dma_wait3A_135 = arith.constant 0 : i32
      %dma_wait3A_136 = tpu.memref_slice %arg11[%dma_wait3A_134, %dma_wait3A_135] : memref<128x80xf32, #tpu.memory_space<vmem>> -> memref<64x80xf32, #tpu.memory_space<vmem>>
      tpu.wait_dma2 semaphore(%run_scoped3A : memref<!tpu.dma_semaphore, #tpu.memory_space<semaphore_mem>>) src(%dma_wait3A_136 : memref<64x80xf32, #tpu.memory_space<vmem>>) dst(%dma_wait3A_133 : memref<64x80xf32, #tpu.memory_space<hbm>>)
      tpu.yield
    }) : () -> ()
    %add3A_85 = arith.constant 128 : i32
    %add3A_86 = arith.addi %mul3A_0, %add3A_85 : i32
    "tpu.region"() ({
      %run_scoped3A = tpu.sem_alloc : memref<!tpu.dma_semaphore, #tpu.memory_space<semaphore_mem>>
      %dma_start3A_117 = arith.constant 0 : i32
      %dma_start3A_118 = arith.constant 0 : i32
      %dma_start3A_119 = tpu.memref_slice %arg11[%dma_start3A_117, %dma_start3A_118] : memref<128x80xf32, #tpu.memory_space<vmem>> -> memref<64x80xf32, #tpu.memory_space<vmem>>
      %dma_start3A_120 = arith.constant 0 : i32
      %dma_start3A_121 = tpu.memref_slice %arg13[%add3A_86, %dma_start3A_120] : memref<10112x80xf32, #tpu.memory_space<vmem_shared>> -> memref<64x80xf32, #tpu.memory_space<vmem_shared>>
      %dma_start3A_122 = arith.constant 0 : i32
      %dma_start3A_123 = arith.constant 0 : i32
      %dma_start3A_124 = tpu.memref_slice %arg11[%dma_start3A_122, %dma_start3A_123] : memref<128x80xf32, #tpu.memory_space<vmem>> -> memref<64x80xf32, #tpu.memory_space<vmem>>
      %dma_start3A_125 = arith.constant 0 : i32
      %dma_start3A_126 = tpu.memref_slice %arg13[%add3A_86, %dma_start3A_125] : memref<10112x80xf32, #tpu.memory_space<vmem_shared>> -> memref<64x80xf32, #tpu.memory_space<vmem_shared>>
      tpu.enqueue_dma source(%dma_start3A_126 : memref<64x80xf32, #tpu.memory_space<vmem_shared>>) target(%dma_start3A_124 : memref<64x80xf32, #tpu.memory_space<vmem>>) target_semaphore(%run_scoped3A : memref<!tpu.dma_semaphore, #tpu.memory_space<semaphore_mem>>)
      %dma_wait3A_127 = arith.constant 0 : i32
      %dma_wait3A_128 = arith.constant 0 : i32
      %dma_wait3A_129 = tpu.memref_slice %arg11[%dma_wait3A_127, %dma_wait3A_128] : memref<128x80xf32, #tpu.memory_space<vmem>> -> memref<64x80xf32, #tpu.memory_space<vmem>>
      %dma_wait3A_130 = arith.constant 0 : i32
      %dma_wait3A_131 = tpu.memref_slice %arg13[%add3A_86, %dma_wait3A_130] : memref<10112x80xf32, #tpu.memory_space<vmem_shared>> -> memref<64x80xf32, #tpu.memory_space<vmem_shared>>
      %dma_wait3A_132 = arith.constant 0 : i32
      %dma_wait3A_133 = arith.constant 0 : i32
      %dma_wait3A_134 = tpu.memref_slice %arg11[%dma_wait3A_132, %dma_wait3A_133] : memref<128x80xf32, #tpu.memory_space<vmem>> -> memref<64x80xf32, #tpu.memory_space<vmem>>
      %dma_wait3A_135 = arith.constant 0 : i32
      %dma_wait3A_136 = tpu.memref_slice %arg13[%add3A_86, %dma_wait3A_135] : memref<10112x80xf32, #tpu.memory_space<vmem_shared>> -> memref<64x80xf32, #tpu.memory_space<vmem_shared>>
      tpu.wait_dma2 semaphore(%run_scoped3A : memref<!tpu.dma_semaphore, #tpu.memory_space<semaphore_mem>>) src(%dma_wait3A_136 : memref<64x80xf32, #tpu.memory_space<vmem_shared>>) dst(%dma_wait3A_134 : memref<64x80xf32, #tpu.memory_space<vmem>>)
      tpu.yield
    }) : () -> ()
    %add3A_87 = arith.constant 128 : i32
    %add3A_88 = arith.addi %add3A_76, %add3A_87 : i32
    "tpu.region"() ({
      %run_scoped3A = tpu.sem_alloc : memref<!tpu.dma_semaphore, #tpu.memory_space<semaphore_mem>>
      %dma_start3A_117 = arith.constant 0 : i32
      %dma_start3A_118 = arith.constant 0 : i32
      %dma_start3A_119 = tpu.memref_slice %arg11[%dma_start3A_117, %dma_start3A_118] : memref<128x80xf32, #tpu.memory_space<vmem>> -> memref<64x80xf32, #tpu.memory_space<vmem>>
      %dma_start3A_120 = arith.constant 0 : i32
      %dma_start3A_121 = tpu.memref_slice %arg6[%add3A_88, %dma_start3A_120] : memref<20224x80xf32, #tpu.memory_space<hbm>> -> memref<64x80xf32, #tpu.memory_space<hbm>>
      %dma_start3A_122 = arith.constant 0 : i32
      %dma_start3A_123 = tpu.memref_slice %arg6[%add3A_88, %dma_start3A_122] : memref<20224x80xf32, #tpu.memory_space<hbm>> -> memref<64x80xf32, #tpu.memory_space<hbm>>
      %dma_start3A_124 = arith.constant 0 : i32
      %dma_start3A_125 = arith.constant 0 : i32
      %dma_start3A_126 = tpu.memref_slice %arg11[%dma_start3A_124, %dma_start3A_125] : memref<128x80xf32, #tpu.memory_space<vmem>> -> memref<64x80xf32, #tpu.memory_space<vmem>>
      tpu.enqueue_dma source(%dma_start3A_126 : memref<64x80xf32, #tpu.memory_space<vmem>>) target(%dma_start3A_123 : memref<64x80xf32, #tpu.memory_space<hbm>>) target_semaphore(%run_scoped3A : memref<!tpu.dma_semaphore, #tpu.memory_space<semaphore_mem>>)
      %dma_wait3A_127 = arith.constant 0 : i32
      %dma_wait3A_128 = arith.constant 0 : i32
      %dma_wait3A_129 = tpu.memref_slice %arg11[%dma_wait3A_127, %dma_wait3A_128] : memref<128x80xf32, #tpu.memory_space<vmem>> -> memref<64x80xf32, #tpu.memory_space<vmem>>
      %dma_wait3A_130 = arith.constant 0 : i32
      %dma_wait3A_131 = tpu.memref_slice %arg6[%add3A_88, %dma_wait3A_130] : memref<20224x80xf32, #tpu.memory_space<hbm>> -> memref<64x80xf32, #tpu.memory_space<hbm>>
      %dma_wait3A_132 = arith.constant 0 : i32
      %dma_wait3A_133 = tpu.memref_slice %arg6[%add3A_88, %dma_wait3A_132] : memref<20224x80xf32, #tpu.memory_space<hbm>> -> memref<64x80xf32, #tpu.memory_space<hbm>>
      %dma_wait3A_134 = arith.constant 0 : i32
      %dma_wait3A_135 = arith.constant 0 : i32
      %dma_wait3A_136 = tpu.memref_slice %arg11[%dma_wait3A_134, %dma_wait3A_135] : memref<128x80xf32, #tpu.memory_space<vmem>> -> memref<64x80xf32, #tpu.memory_space<vmem>>
      tpu.wait_dma2 semaphore(%run_scoped3A : memref<!tpu.dma_semaphore, #tpu.memory_space<semaphore_mem>>) src(%dma_wait3A_136 : memref<64x80xf32, #tpu.memory_space<vmem>>) dst(%dma_wait3A_133 : memref<64x80xf32, #tpu.memory_space<hbm>>)
      tpu.yield
    }) : () -> ()
    %add3A_89 = arith.constant 192 : i32
    %add3A_90 = arith.addi %mul3A_0, %add3A_89 : i32
    "tpu.region"() ({
      %run_scoped3A = tpu.sem_alloc : memref<!tpu.dma_semaphore, #tpu.memory_space<semaphore_mem>>
      %dma_start3A_117 = arith.constant 0 : i32
      %dma_start3A_118 = arith.constant 0 : i32
      %dma_start3A_119 = tpu.memref_slice %arg11[%dma_start3A_117, %dma_start3A_118] : memref<128x80xf32, #tpu.memory_space<vmem>> -> memref<64x80xf32, #tpu.memory_space<vmem>>
      %dma_start3A_120 = arith.constant 0 : i32
      %dma_start3A_121 = tpu.memref_slice %arg13[%add3A_90, %dma_start3A_120] : memref<10112x80xf32, #tpu.memory_space<vmem_shared>> -> memref<64x80xf32, #tpu.memory_space<vmem_shared>>
      %dma_start3A_122 = arith.constant 0 : i32
      %dma_start3A_123 = arith.constant 0 : i32
      %dma_start3A_124 = tpu.memref_slice %arg11[%dma_start3A_122, %dma_start3A_123] : memref<128x80xf32, #tpu.memory_space<vmem>> -> memref<64x80xf32, #tpu.memory_space<vmem>>
      %dma_start3A_125 = arith.constant 0 : i32
      %dma_start3A_126 = tpu.memref_slice %arg13[%add3A_90, %dma_start3A_125] : memref<10112x80xf32, #tpu.memory_space<vmem_shared>> -> memref<64x80xf32, #tpu.memory_space<vmem_shared>>
      tpu.enqueue_dma source(%dma_start3A_126 : memref<64x80xf32, #tpu.memory_space<vmem_shared>>) target(%dma_start3A_124 : memref<64x80xf32, #tpu.memory_space<vmem>>) target_semaphore(%run_scoped3A : memref<!tpu.dma_semaphore, #tpu.memory_space<semaphore_mem>>)
      %dma_wait3A_127 = arith.constant 0 : i32
      %dma_wait3A_128 = arith.constant 0 : i32
      %dma_wait3A_129 = tpu.memref_slice %arg11[%dma_wait3A_127, %dma_wait3A_128] : memref<128x80xf32, #tpu.memory_space<vmem>> -> memref<64x80xf32, #tpu.memory_space<vmem>>
      %dma_wait3A_130 = arith.constant 0 : i32
      %dma_wait3A_131 = tpu.memref_slice %arg13[%add3A_90, %dma_wait3A_130] : memref<10112x80xf32, #tpu.memory_space<vmem_shared>> -> memref<64x80xf32, #tpu.memory_space<vmem_shared>>
      %dma_wait3A_132 = arith.constant 0 : i32
      %dma_wait3A_133 = arith.constant 0 : i32
      %dma_wait3A_134 = tpu.memref_slice %arg11[%dma_wait3A_132, %dma_wait3A_133] : memref<128x80xf32, #tpu.memory_space<vmem>> -> memref<64x80xf32, #tpu.memory_space<vmem>>
      %dma_wait3A_135 = arith.constant 0 : i32
      %dma_wait3A_136 = tpu.memref_slice %arg13[%add3A_90, %dma_wait3A_135] : memref<10112x80xf32, #tpu.memory_space<vmem_shared>> -> memref<64x80xf32, #tpu.memory_space<vmem_shared>>
      tpu.wait_dma2 semaphore(%run_scoped3A : memref<!tpu.dma_semaphore, #tpu.memory_space<semaphore_mem>>) src(%dma_wait3A_136 : memref<64x80xf32, #tpu.memory_space<vmem_shared>>) dst(%dma_wait3A_134 : memref<64x80xf32, #tpu.memory_space<vmem>>)
      tpu.yield
    }) : () -> ()
    %add3A_91 = arith.constant 192 : i32
    %add3A_92 = arith.addi %add3A_76, %add3A_91 : i32
    "tpu.region"() ({
      %run_scoped3A = tpu.sem_alloc : memref<!tpu.dma_semaphore, #tpu.memory_space<semaphore_mem>>
      %dma_start3A_117 = arith.constant 0 : i32
      %dma_start3A_118 = arith.constant 0 : i32
      %dma_start3A_119 = tpu.memref_slice %arg11[%dma_start3A_117, %dma_start3A_118] : memref<128x80xf32, #tpu.memory_space<vmem>> -> memref<64x80xf32, #tpu.memory_space<vmem>>
      %dma_start3A_120 = arith.constant 0 : i32
      %dma_start3A_121 = tpu.memref_slice %arg6[%add3A_92, %dma_start3A_120] : memref<20224x80xf32, #tpu.memory_space<hbm>> -> memref<64x80xf32, #tpu.memory_space<hbm>>
      %dma_start3A_122 = arith.constant 0 : i32
      %dma_start3A_123 = tpu.memref_slice %arg6[%add3A_92, %dma_start3A_122] : memref<20224x80xf32, #tpu.memory_space<hbm>> -> memref<64x80xf32, #tpu.memory_space<hbm>>
      %dma_start3A_124 = arith.constant 0 : i32
      %dma_start3A_125 = arith.constant 0 : i32
      %dma_start3A_126 = tpu.memref_slice %arg11[%dma_start3A_124, %dma_start3A_125] : memref<128x80xf32, #tpu.memory_space<vmem>> -> memref<64x80xf32, #tpu.memory_space<vmem>>
      tpu.enqueue_dma source(%dma_start3A_126 : memref<64x80xf32, #tpu.memory_space<vmem>>) target(%dma_start3A_123 : memref<64x80xf32, #tpu.memory_space<hbm>>) target_semaphore(%run_scoped3A : memref<!tpu.dma_semaphore, #tpu.memory_space<semaphore_mem>>)
      %dma_wait3A_127 = arith.constant 0 : i32
      %dma_wait3A_128 = arith.constant 0 : i32
      %dma_wait3A_129 = tpu.memref_slice %arg11[%dma_wait3A_127, %dma_wait3A_128] : memref<128x80xf32, #tpu.memory_space<vmem>> -> memref<64x80xf32, #tpu.memory_space<vmem>>
      %dma_wait3A_130 = arith.constant 0 : i32
      %dma_wait3A_131 = tpu.memref_slice %arg6[%add3A_92, %dma_wait3A_130] : memref<20224x80xf32, #tpu.memory_space<hbm>> -> memref<64x80xf32, #tpu.memory_space<hbm>>
      %dma_wait3A_132 = arith.constant 0 : i32
      %dma_wait3A_133 = tpu.memref_slice %arg6[%add3A_92, %dma_wait3A_132] : memref<20224x80xf32, #tpu.memory_space<hbm>> -> memref<64x80xf32, #tpu.memory_space<hbm>>
      %dma_wait3A_134 = arith.constant 0 : i32
      %dma_wait3A_135 = arith.constant 0 : i32
      %dma_wait3A_136 = tpu.memref_slice %arg11[%dma_wait3A_134, %dma_wait3A_135] : memref<128x80xf32, #tpu.memory_space<vmem>> -> memref<64x80xf32, #tpu.memory_space<vmem>>
      tpu.wait_dma2 semaphore(%run_scoped3A : memref<!tpu.dma_semaphore, #tpu.memory_space<semaphore_mem>>) src(%dma_wait3A_136 : memref<64x80xf32, #tpu.memory_space<vmem>>) dst(%dma_wait3A_133 : memref<64x80xf32, #tpu.memory_space<hbm>>)
      tpu.yield
    }) : () -> ()
    %add3A_93 = arith.constant 256 : i32
    %add3A_94 = arith.addi %mul3A_0, %add3A_93 : i32
    "tpu.region"() ({
      %run_scoped3A = tpu.sem_alloc : memref<!tpu.dma_semaphore, #tpu.memory_space<semaphore_mem>>
      %dma_start3A_117 = arith.constant 0 : i32
      %dma_start3A_118 = arith.constant 0 : i32
      %dma_start3A_119 = tpu.memref_slice %arg11[%dma_start3A_117, %dma_start3A_118] : memref<128x80xf32, #tpu.memory_space<vmem>> -> memref<64x80xf32, #tpu.memory_space<vmem>>
      %dma_start3A_120 = arith.constant 0 : i32
      %dma_start3A_121 = tpu.memref_slice %arg13[%add3A_94, %dma_start3A_120] : memref<10112x80xf32, #tpu.memory_space<vmem_shared>> -> memref<64x80xf32, #tpu.memory_space<vmem_shared>>
      %dma_start3A_122 = arith.constant 0 : i32
      %dma_start3A_123 = arith.constant 0 : i32
      %dma_start3A_124 = tpu.memref_slice %arg11[%dma_start3A_122, %dma_start3A_123] : memref<128x80xf32, #tpu.memory_space<vmem>> -> memref<64x80xf32, #tpu.memory_space<vmem>>
      %dma_start3A_125 = arith.constant 0 : i32
      %dma_start3A_126 = tpu.memref_slice %arg13[%add3A_94, %dma_start3A_125] : memref<10112x80xf32, #tpu.memory_space<vmem_shared>> -> memref<64x80xf32, #tpu.memory_space<vmem_shared>>
      tpu.enqueue_dma source(%dma_start3A_126 : memref<64x80xf32, #tpu.memory_space<vmem_shared>>) target(%dma_start3A_124 : memref<64x80xf32, #tpu.memory_space<vmem>>) target_semaphore(%run_scoped3A : memref<!tpu.dma_semaphore, #tpu.memory_space<semaphore_mem>>)
      %dma_wait3A_127 = arith.constant 0 : i32
      %dma_wait3A_128 = arith.constant 0 : i32
      %dma_wait3A_129 = tpu.memref_slice %arg11[%dma_wait3A_127, %dma_wait3A_128] : memref<128x80xf32, #tpu.memory_space<vmem>> -> memref<64x80xf32, #tpu.memory_space<vmem>>
      %dma_wait3A_130 = arith.constant 0 : i32
      %dma_wait3A_131 = tpu.memref_slice %arg13[%add3A_94, %dma_wait3A_130] : memref<10112x80xf32, #tpu.memory_space<vmem_shared>> -> memref<64x80xf32, #tpu.memory_space<vmem_shared>>
      %dma_wait3A_132 = arith.constant 0 : i32
      %dma_wait3A_133 = arith.constant 0 : i32
      %dma_wait3A_134 = tpu.memref_slice %arg11[%dma_wait3A_132, %dma_wait3A_133] : memref<128x80xf32, #tpu.memory_space<vmem>> -> memref<64x80xf32, #tpu.memory_space<vmem>>
      %dma_wait3A_135 = arith.constant 0 : i32
      %dma_wait3A_136 = tpu.memref_slice %arg13[%add3A_94, %dma_wait3A_135] : memref<10112x80xf32, #tpu.memory_space<vmem_shared>> -> memref<64x80xf32, #tpu.memory_space<vmem_shared>>
      tpu.wait_dma2 semaphore(%run_scoped3A : memref<!tpu.dma_semaphore, #tpu.memory_space<semaphore_mem>>) src(%dma_wait3A_136 : memref<64x80xf32, #tpu.memory_space<vmem_shared>>) dst(%dma_wait3A_134 : memref<64x80xf32, #tpu.memory_space<vmem>>)
      tpu.yield
    }) : () -> ()
    %add3A_95 = arith.constant 256 : i32
    %add3A_96 = arith.addi %add3A_76, %add3A_95 : i32
    "tpu.region"() ({
      %run_scoped3A = tpu.sem_alloc : memref<!tpu.dma_semaphore, #tpu.memory_space<semaphore_mem>>
      %dma_start3A_117 = arith.constant 0 : i32
      %dma_start3A_118 = arith.constant 0 : i32
      %dma_start3A_119 = tpu.memref_slice %arg11[%dma_start3A_117, %dma_start3A_118] : memref<128x80xf32, #tpu.memory_space<vmem>> -> memref<64x80xf32, #tpu.memory_space<vmem>>
      %dma_start3A_120 = arith.constant 0 : i32
      %dma_start3A_121 = tpu.memref_slice %arg6[%add3A_96, %dma_start3A_120] : memref<20224x80xf32, #tpu.memory_space<hbm>> -> memref<64x80xf32, #tpu.memory_space<hbm>>
      %dma_start3A_122 = arith.constant 0 : i32
      %dma_start3A_123 = tpu.memref_slice %arg6[%add3A_96, %dma_start3A_122] : memref<20224x80xf32, #tpu.memory_space<hbm>> -> memref<64x80xf32, #tpu.memory_space<hbm>>
      %dma_start3A_124 = arith.constant 0 : i32
      %dma_start3A_125 = arith.constant 0 : i32
      %dma_start3A_126 = tpu.memref_slice %arg11[%dma_start3A_124, %dma_start3A_125] : memref<128x80xf32, #tpu.memory_space<vmem>> -> memref<64x80xf32, #tpu.memory_space<vmem>>
      tpu.enqueue_dma source(%dma_start3A_126 : memref<64x80xf32, #tpu.memory_space<vmem>>) target(%dma_start3A_123 : memref<64x80xf32, #tpu.memory_space<hbm>>) target_semaphore(%run_scoped3A : memref<!tpu.dma_semaphore, #tpu.memory_space<semaphore_mem>>)
      %dma_wait3A_127 = arith.constant 0 : i32
      %dma_wait3A_128 = arith.constant 0 : i32
      %dma_wait3A_129 = tpu.memref_slice %arg11[%dma_wait3A_127, %dma_wait3A_128] : memref<128x80xf32, #tpu.memory_space<vmem>> -> memref<64x80xf32, #tpu.memory_space<vmem>>
      %dma_wait3A_130 = arith.constant 0 : i32
      %dma_wait3A_131 = tpu.memref_slice %arg6[%add3A_96, %dma_wait3A_130] : memref<20224x80xf32, #tpu.memory_space<hbm>> -> memref<64x80xf32, #tpu.memory_space<hbm>>
      %dma_wait3A_132 = arith.constant 0 : i32
      %dma_wait3A_133 = tpu.memref_slice %arg6[%add3A_96, %dma_wait3A_132] : memref<20224x80xf32, #tpu.memory_space<hbm>> -> memref<64x80xf32, #tpu.memory_space<hbm>>
      %dma_wait3A_134 = arith.constant 0 : i32
      %dma_wait3A_135 = arith.constant 0 : i32
      %dma_wait3A_136 = tpu.memref_slice %arg11[%dma_wait3A_134, %dma_wait3A_135] : memref<128x80xf32, #tpu.memory_space<vmem>> -> memref<64x80xf32, #tpu.memory_space<vmem>>
      tpu.wait_dma2 semaphore(%run_scoped3A : memref<!tpu.dma_semaphore, #tpu.memory_space<semaphore_mem>>) src(%dma_wait3A_136 : memref<64x80xf32, #tpu.memory_space<vmem>>) dst(%dma_wait3A_133 : memref<64x80xf32, #tpu.memory_space<hbm>>)
      tpu.yield
    }) : () -> ()
    %add3A_97 = arith.constant 320 : i32
    %add3A_98 = arith.addi %mul3A_0, %add3A_97 : i32
    "tpu.region"() ({
      %run_scoped3A = tpu.sem_alloc : memref<!tpu.dma_semaphore, #tpu.memory_space<semaphore_mem>>
      %dma_start3A_117 = arith.constant 0 : i32
      %dma_start3A_118 = arith.constant 0 : i32
      %dma_start3A_119 = tpu.memref_slice %arg11[%dma_start3A_117, %dma_start3A_118] : memref<128x80xf32, #tpu.memory_space<vmem>> -> memref<64x80xf32, #tpu.memory_space<vmem>>
      %dma_start3A_120 = arith.constant 0 : i32
      %dma_start3A_121 = tpu.memref_slice %arg13[%add3A_98, %dma_start3A_120] : memref<10112x80xf32, #tpu.memory_space<vmem_shared>> -> memref<64x80xf32, #tpu.memory_space<vmem_shared>>
      %dma_start3A_122 = arith.constant 0 : i32
      %dma_start3A_123 = arith.constant 0 : i32
      %dma_start3A_124 = tpu.memref_slice %arg11[%dma_start3A_122, %dma_start3A_123] : memref<128x80xf32, #tpu.memory_space<vmem>> -> memref<64x80xf32, #tpu.memory_space<vmem>>
      %dma_start3A_125 = arith.constant 0 : i32
      %dma_start3A_126 = tpu.memref_slice %arg13[%add3A_98, %dma_start3A_125] : memref<10112x80xf32, #tpu.memory_space<vmem_shared>> -> memref<64x80xf32, #tpu.memory_space<vmem_shared>>
      tpu.enqueue_dma source(%dma_start3A_126 : memref<64x80xf32, #tpu.memory_space<vmem_shared>>) target(%dma_start3A_124 : memref<64x80xf32, #tpu.memory_space<vmem>>) target_semaphore(%run_scoped3A : memref<!tpu.dma_semaphore, #tpu.memory_space<semaphore_mem>>)
      %dma_wait3A_127 = arith.constant 0 : i32
      %dma_wait3A_128 = arith.constant 0 : i32
      %dma_wait3A_129 = tpu.memref_slice %arg11[%dma_wait3A_127, %dma_wait3A_128] : memref<128x80xf32, #tpu.memory_space<vmem>> -> memref<64x80xf32, #tpu.memory_space<vmem>>
      %dma_wait3A_130 = arith.constant 0 : i32
      %dma_wait3A_131 = tpu.memref_slice %arg13[%add3A_98, %dma_wait3A_130] : memref<10112x80xf32, #tpu.memory_space<vmem_shared>> -> memref<64x80xf32, #tpu.memory_space<vmem_shared>>
      %dma_wait3A_132 = arith.constant 0 : i32
      %dma_wait3A_133 = arith.constant 0 : i32
      %dma_wait3A_134 = tpu.memref_slice %arg11[%dma_wait3A_132, %dma_wait3A_133] : memref<128x80xf32, #tpu.memory_space<vmem>> -> memref<64x80xf32, #tpu.memory_space<vmem>>
      %dma_wait3A_135 = arith.constant 0 : i32
      %dma_wait3A_136 = tpu.memref_slice %arg13[%add3A_98, %dma_wait3A_135] : memref<10112x80xf32, #tpu.memory_space<vmem_shared>> -> memref<64x80xf32, #tpu.memory_space<vmem_shared>>
      tpu.wait_dma2 semaphore(%run_scoped3A : memref<!tpu.dma_semaphore, #tpu.memory_space<semaphore_mem>>) src(%dma_wait3A_136 : memref<64x80xf32, #tpu.memory_space<vmem_shared>>) dst(%dma_wait3A_134 : memref<64x80xf32, #tpu.memory_space<vmem>>)
      tpu.yield
    }) : () -> ()
    %add3A_99 = arith.constant 320 : i32
    %add3A_100 = arith.addi %add3A_76, %add3A_99 : i32
    "tpu.region"() ({
      %run_scoped3A = tpu.sem_alloc : memref<!tpu.dma_semaphore, #tpu.memory_space<semaphore_mem>>
      %dma_start3A_117 = arith.constant 0 : i32
      %dma_start3A_118 = arith.constant 0 : i32
      %dma_start3A_119 = tpu.memref_slice %arg11[%dma_start3A_117, %dma_start3A_118] : memref<128x80xf32, #tpu.memory_space<vmem>> -> memref<64x80xf32, #tpu.memory_space<vmem>>
      %dma_start3A_120 = arith.constant 0 : i32
      %dma_start3A_121 = tpu.memref_slice %arg6[%add3A_100, %dma_start3A_120] : memref<20224x80xf32, #tpu.memory_space<hbm>> -> memref<64x80xf32, #tpu.memory_space<hbm>>
      %dma_start3A_122 = arith.constant 0 : i32
      %dma_start3A_123 = tpu.memref_slice %arg6[%add3A_100, %dma_start3A_122] : memref<20224x80xf32, #tpu.memory_space<hbm>> -> memref<64x80xf32, #tpu.memory_space<hbm>>
      %dma_start3A_124 = arith.constant 0 : i32
      %dma_start3A_125 = arith.constant 0 : i32
      %dma_start3A_126 = tpu.memref_slice %arg11[%dma_start3A_124, %dma_start3A_125] : memref<128x80xf32, #tpu.memory_space<vmem>> -> memref<64x80xf32, #tpu.memory_space<vmem>>
      tpu.enqueue_dma source(%dma_start3A_126 : memref<64x80xf32, #tpu.memory_space<vmem>>) target(%dma_start3A_123 : memref<64x80xf32, #tpu.memory_space<hbm>>) target_semaphore(%run_scoped3A : memref<!tpu.dma_semaphore, #tpu.memory_space<semaphore_mem>>)
      %dma_wait3A_127 = arith.constant 0 : i32
      %dma_wait3A_128 = arith.constant 0 : i32
      %dma_wait3A_129 = tpu.memref_slice %arg11[%dma_wait3A_127, %dma_wait3A_128] : memref<128x80xf32, #tpu.memory_space<vmem>> -> memref<64x80xf32, #tpu.memory_space<vmem>>
      %dma_wait3A_130 = arith.constant 0 : i32
      %dma_wait3A_131 = tpu.memref_slice %arg6[%add3A_100, %dma_wait3A_130] : memref<20224x80xf32, #tpu.memory_space<hbm>> -> memref<64x80xf32, #tpu.memory_space<hbm>>
      %dma_wait3A_132 = arith.constant 0 : i32
      %dma_wait3A_133 = tpu.memref_slice %arg6[%add3A_100, %dma_wait3A_132] : memref<20224x80xf32, #tpu.memory_space<hbm>> -> memref<64x80xf32, #tpu.memory_space<hbm>>
      %dma_wait3A_134 = arith.constant 0 : i32
      %dma_wait3A_135 = arith.constant 0 : i32
      %dma_wait3A_136 = tpu.memref_slice %arg11[%dma_wait3A_134, %dma_wait3A_135] : memref<128x80xf32, #tpu.memory_space<vmem>> -> memref<64x80xf32, #tpu.memory_space<vmem>>
      tpu.wait_dma2 semaphore(%run_scoped3A : memref<!tpu.dma_semaphore, #tpu.memory_space<semaphore_mem>>) src(%dma_wait3A_136 : memref<64x80xf32, #tpu.memory_space<vmem>>) dst(%dma_wait3A_133 : memref<64x80xf32, #tpu.memory_space<hbm>>)
      tpu.yield
    }) : () -> ()
    %add3A_101 = arith.constant 384 : i32
    %add3A_102 = arith.addi %mul3A_0, %add3A_101 : i32
    "tpu.region"() ({
      %run_scoped3A = tpu.sem_alloc : memref<!tpu.dma_semaphore, #tpu.memory_space<semaphore_mem>>
      %dma_start3A_117 = arith.constant 0 : i32
      %dma_start3A_118 = arith.constant 0 : i32
      %dma_start3A_119 = tpu.memref_slice %arg11[%dma_start3A_117, %dma_start3A_118] : memref<128x80xf32, #tpu.memory_space<vmem>> -> memref<64x80xf32, #tpu.memory_space<vmem>>
      %dma_start3A_120 = arith.constant 0 : i32
      %dma_start3A_121 = tpu.memref_slice %arg13[%add3A_102, %dma_start3A_120] : memref<10112x80xf32, #tpu.memory_space<vmem_shared>> -> memref<64x80xf32, #tpu.memory_space<vmem_shared>>
      %dma_start3A_122 = arith.constant 0 : i32
      %dma_start3A_123 = arith.constant 0 : i32
      %dma_start3A_124 = tpu.memref_slice %arg11[%dma_start3A_122, %dma_start3A_123] : memref<128x80xf32, #tpu.memory_space<vmem>> -> memref<64x80xf32, #tpu.memory_space<vmem>>
      %dma_start3A_125 = arith.constant 0 : i32
      %dma_start3A_126 = tpu.memref_slice %arg13[%add3A_102, %dma_start3A_125] : memref<10112x80xf32, #tpu.memory_space<vmem_shared>> -> memref<64x80xf32, #tpu.memory_space<vmem_shared>>
      tpu.enqueue_dma source(%dma_start3A_126 : memref<64x80xf32, #tpu.memory_space<vmem_shared>>) target(%dma_start3A_124 : memref<64x80xf32, #tpu.memory_space<vmem>>) target_semaphore(%run_scoped3A : memref<!tpu.dma_semaphore, #tpu.memory_space<semaphore_mem>>)
      %dma_wait3A_127 = arith.constant 0 : i32
      %dma_wait3A_128 = arith.constant 0 : i32
      %dma_wait3A_129 = tpu.memref_slice %arg11[%dma_wait3A_127, %dma_wait3A_128] : memref<128x80xf32, #tpu.memory_space<vmem>> -> memref<64x80xf32, #tpu.memory_space<vmem>>
      %dma_wait3A_130 = arith.constant 0 : i32
      %dma_wait3A_131 = tpu.memref_slice %arg13[%add3A_102, %dma_wait3A_130] : memref<10112x80xf32, #tpu.memory_space<vmem_shared>> -> memref<64x80xf32, #tpu.memory_space<vmem_shared>>
      %dma_wait3A_132 = arith.constant 0 : i32
      %dma_wait3A_133 = arith.constant 0 : i32
      %dma_wait3A_134 = tpu.memref_slice %arg11[%dma_wait3A_132, %dma_wait3A_133] : memref<128x80xf32, #tpu.memory_space<vmem>> -> memref<64x80xf32, #tpu.memory_space<vmem>>
      %dma_wait3A_135 = arith.constant 0 : i32
      %dma_wait3A_136 = tpu.memref_slice %arg13[%add3A_102, %dma_wait3A_135] : memref<10112x80xf32, #tpu.memory_space<vmem_shared>> -> memref<64x80xf32, #tpu.memory_space<vmem_shared>>
      tpu.wait_dma2 semaphore(%run_scoped3A : memref<!tpu.dma_semaphore, #tpu.memory_space<semaphore_mem>>) src(%dma_wait3A_136 : memref<64x80xf32, #tpu.memory_space<vmem_shared>>) dst(%dma_wait3A_134 : memref<64x80xf32, #tpu.memory_space<vmem>>)
      tpu.yield
    }) : () -> ()
    %add3A_103 = arith.constant 384 : i32
    %add3A_104 = arith.addi %add3A_76, %add3A_103 : i32
    "tpu.region"() ({
      %run_scoped3A = tpu.sem_alloc : memref<!tpu.dma_semaphore, #tpu.memory_space<semaphore_mem>>
      %dma_start3A_117 = arith.constant 0 : i32
      %dma_start3A_118 = arith.constant 0 : i32
      %dma_start3A_119 = tpu.memref_slice %arg11[%dma_start3A_117, %dma_start3A_118] : memref<128x80xf32, #tpu.memory_space<vmem>> -> memref<64x80xf32, #tpu.memory_space<vmem>>
      %dma_start3A_120 = arith.constant 0 : i32
      %dma_start3A_121 = tpu.memref_slice %arg6[%add3A_104, %dma_start3A_120] : memref<20224x80xf32, #tpu.memory_space<hbm>> -> memref<64x80xf32, #tpu.memory_space<hbm>>
      %dma_start3A_122 = arith.constant 0 : i32
      %dma_start3A_123 = tpu.memref_slice %arg6[%add3A_104, %dma_start3A_122] : memref<20224x80xf32, #tpu.memory_space<hbm>> -> memref<64x80xf32, #tpu.memory_space<hbm>>
      %dma_start3A_124 = arith.constant 0 : i32
      %dma_start3A_125 = arith.constant 0 : i32
      %dma_start3A_126 = tpu.memref_slice %arg11[%dma_start3A_124, %dma_start3A_125] : memref<128x80xf32, #tpu.memory_space<vmem>> -> memref<64x80xf32, #tpu.memory_space<vmem>>
      tpu.enqueue_dma source(%dma_start3A_126 : memref<64x80xf32, #tpu.memory_space<vmem>>) target(%dma_start3A_123 : memref<64x80xf32, #tpu.memory_space<hbm>>) target_semaphore(%run_scoped3A : memref<!tpu.dma_semaphore, #tpu.memory_space<semaphore_mem>>)
      %dma_wait3A_127 = arith.constant 0 : i32
      %dma_wait3A_128 = arith.constant 0 : i32
      %dma_wait3A_129 = tpu.memref_slice %arg11[%dma_wait3A_127, %dma_wait3A_128] : memref<128x80xf32, #tpu.memory_space<vmem>> -> memref<64x80xf32, #tpu.memory_space<vmem>>
      %dma_wait3A_130 = arith.constant 0 : i32
      %dma_wait3A_131 = tpu.memref_slice %arg6[%add3A_104, %dma_wait3A_130] : memref<20224x80xf32, #tpu.memory_space<hbm>> -> memref<64x80xf32, #tpu.memory_space<hbm>>
      %dma_wait3A_132 = arith.constant 0 : i32
      %dma_wait3A_133 = tpu.memref_slice %arg6[%add3A_104, %dma_wait3A_132] : memref<20224x80xf32, #tpu.memory_space<hbm>> -> memref<64x80xf32, #tpu.memory_space<hbm>>
      %dma_wait3A_134 = arith.constant 0 : i32
      %dma_wait3A_135 = arith.constant 0 : i32
      %dma_wait3A_136 = tpu.memref_slice %arg11[%dma_wait3A_134, %dma_wait3A_135] : memref<128x80xf32, #tpu.memory_space<vmem>> -> memref<64x80xf32, #tpu.memory_space<vmem>>
      tpu.wait_dma2 semaphore(%run_scoped3A : memref<!tpu.dma_semaphore, #tpu.memory_space<semaphore_mem>>) src(%dma_wait3A_136 : memref<64x80xf32, #tpu.memory_space<vmem>>) dst(%dma_wait3A_133 : memref<64x80xf32, #tpu.memory_space<hbm>>)
      tpu.yield
    }) : () -> ()
    %add3A_105 = arith.constant 448 : i32
    %add3A_106 = arith.addi %mul3A_0, %add3A_105 : i32
    "tpu.region"() ({
      %run_scoped3A = tpu.sem_alloc : memref<!tpu.dma_semaphore, #tpu.memory_space<semaphore_mem>>
      %dma_start3A_117 = arith.constant 0 : i32
      %dma_start3A_118 = arith.constant 0 : i32
      %dma_start3A_119 = tpu.memref_slice %arg11[%dma_start3A_117, %dma_start3A_118] : memref<128x80xf32, #tpu.memory_space<vmem>> -> memref<64x80xf32, #tpu.memory_space<vmem>>
      %dma_start3A_120 = arith.constant 0 : i32
      %dma_start3A_121 = tpu.memref_slice %arg13[%add3A_106, %dma_start3A_120] : memref<10112x80xf32, #tpu.memory_space<vmem_shared>> -> memref<64x80xf32, #tpu.memory_space<vmem_shared>>
      %dma_start3A_122 = arith.constant 0 : i32
      %dma_start3A_123 = arith.constant 0 : i32
      %dma_start3A_124 = tpu.memref_slice %arg11[%dma_start3A_122, %dma_start3A_123] : memref<128x80xf32, #tpu.memory_space<vmem>> -> memref<64x80xf32, #tpu.memory_space<vmem>>
      %dma_start3A_125 = arith.constant 0 : i32
      %dma_start3A_126 = tpu.memref_slice %arg13[%add3A_106, %dma_start3A_125] : memref<10112x80xf32, #tpu.memory_space<vmem_shared>> -> memref<64x80xf32, #tpu.memory_space<vmem_shared>>
      tpu.enqueue_dma source(%dma_start3A_126 : memref<64x80xf32, #tpu.memory_space<vmem_shared>>) target(%dma_start3A_124 : memref<64x80xf32, #tpu.memory_space<vmem>>) target_semaphore(%run_scoped3A : memref<!tpu.dma_semaphore, #tpu.memory_space<semaphore_mem>>)
      %dma_wait3A_127 = arith.constant 0 : i32
      %dma_wait3A_128 = arith.constant 0 : i32
      %dma_wait3A_129 = tpu.memref_slice %arg11[%dma_wait3A_127, %dma_wait3A_128] : memref<128x80xf32, #tpu.memory_space<vmem>> -> memref<64x80xf32, #tpu.memory_space<vmem>>
      %dma_wait3A_130 = arith.constant 0 : i32
      %dma_wait3A_131 = tpu.memref_slice %arg13[%add3A_106, %dma_wait3A_130] : memref<10112x80xf32, #tpu.memory_space<vmem_shared>> -> memref<64x80xf32, #tpu.memory_space<vmem_shared>>
      %dma_wait3A_132 = arith.constant 0 : i32
      %dma_wait3A_133 = arith.constant 0 : i32
      %dma_wait3A_134 = tpu.memref_slice %arg11[%dma_wait3A_132, %dma_wait3A_133] : memref<128x80xf32, #tpu.memory_space<vmem>> -> memref<64x80xf32, #tpu.memory_space<vmem>>
      %dma_wait3A_135 = arith.constant 0 : i32
      %dma_wait3A_136 = tpu.memref_slice %arg13[%add3A_106, %dma_wait3A_135] : memref<10112x80xf32, #tpu.memory_space<vmem_shared>> -> memref<64x80xf32, #tpu.memory_space<vmem_shared>>
      tpu.wait_dma2 semaphore(%run_scoped3A : memref<!tpu.dma_semaphore, #tpu.memory_space<semaphore_mem>>) src(%dma_wait3A_136 : memref<64x80xf32, #tpu.memory_space<vmem_shared>>) dst(%dma_wait3A_134 : memref<64x80xf32, #tpu.memory_space<vmem>>)
      tpu.yield
    }) : () -> ()
    %add3A_107 = arith.constant 448 : i32
    %add3A_108 = arith.addi %add3A_76, %add3A_107 : i32
    "tpu.region"() ({
      %run_scoped3A = tpu.sem_alloc : memref<!tpu.dma_semaphore, #tpu.memory_space<semaphore_mem>>
      %dma_start3A_117 = arith.constant 0 : i32
      %dma_start3A_118 = arith.constant 0 : i32
      %dma_start3A_119 = tpu.memref_slice %arg11[%dma_start3A_117, %dma_start3A_118] : memref<128x80xf32, #tpu.memory_space<vmem>> -> memref<64x80xf32, #tpu.memory_space<vmem>>
      %dma_start3A_120 = arith.constant 0 : i32
      %dma_start3A_121 = tpu.memref_slice %arg6[%add3A_108, %dma_start3A_120] : memref<20224x80xf32, #tpu.memory_space<hbm>> -> memref<64x80xf32, #tpu.memory_space<hbm>>
      %dma_start3A_122 = arith.constant 0 : i32
      %dma_start3A_123 = tpu.memref_slice %arg6[%add3A_108, %dma_start3A_122] : memref<20224x80xf32, #tpu.memory_space<hbm>> -> memref<64x80xf32, #tpu.memory_space<hbm>>
      %dma_start3A_124 = arith.constant 0 : i32
      %dma_start3A_125 = arith.constant 0 : i32
      %dma_start3A_126 = tpu.memref_slice %arg11[%dma_start3A_124, %dma_start3A_125] : memref<128x80xf32, #tpu.memory_space<vmem>> -> memref<64x80xf32, #tpu.memory_space<vmem>>
      tpu.enqueue_dma source(%dma_start3A_126 : memref<64x80xf32, #tpu.memory_space<vmem>>) target(%dma_start3A_123 : memref<64x80xf32, #tpu.memory_space<hbm>>) target_semaphore(%run_scoped3A : memref<!tpu.dma_semaphore, #tpu.memory_space<semaphore_mem>>)
      %dma_wait3A_127 = arith.constant 0 : i32
      %dma_wait3A_128 = arith.constant 0 : i32
      %dma_wait3A_129 = tpu.memref_slice %arg11[%dma_wait3A_127, %dma_wait3A_128] : memref<128x80xf32, #tpu.memory_space<vmem>> -> memref<64x80xf32, #tpu.memory_space<vmem>>
      %dma_wait3A_130 = arith.constant 0 : i32
      %dma_wait3A_131 = tpu.memref_slice %arg6[%add3A_108, %dma_wait3A_130] : memref<20224x80xf32, #tpu.memory_space<hbm>> -> memref<64x80xf32, #tpu.memory_space<hbm>>
      %dma_wait3A_132 = arith.constant 0 : i32
      %dma_wait3A_133 = tpu.memref_slice %arg6[%add3A_108, %dma_wait3A_132] : memref<20224x80xf32, #tpu.memory_space<hbm>> -> memref<64x80xf32, #tpu.memory_space<hbm>>
      %dma_wait3A_134 = arith.constant 0 : i32
      %dma_wait3A_135 = arith.constant 0 : i32
      %dma_wait3A_136 = tpu.memref_slice %arg11[%dma_wait3A_134, %dma_wait3A_135] : memref<128x80xf32, #tpu.memory_space<vmem>> -> memref<64x80xf32, #tpu.memory_space<vmem>>
      tpu.wait_dma2 semaphore(%run_scoped3A : memref<!tpu.dma_semaphore, #tpu.memory_space<semaphore_mem>>) src(%dma_wait3A_136 : memref<64x80xf32, #tpu.memory_space<vmem>>) dst(%dma_wait3A_133 : memref<64x80xf32, #tpu.memory_space<hbm>>)
      tpu.yield
    }) : () -> ()
    %add3A_109 = arith.constant 512 : i32
    %add3A_110 = arith.addi %mul3A_0, %add3A_109 : i32
    "tpu.region"() ({
      %run_scoped3A = tpu.sem_alloc : memref<!tpu.dma_semaphore, #tpu.memory_space<semaphore_mem>>
      %dma_start3A_117 = arith.constant 0 : i32
      %dma_start3A_118 = arith.constant 0 : i32
      %dma_start3A_119 = tpu.memref_slice %arg11[%dma_start3A_117, %dma_start3A_118] : memref<128x80xf32, #tpu.memory_space<vmem>> -> memref<64x80xf32, #tpu.memory_space<vmem>>
      %dma_start3A_120 = arith.constant 0 : i32
      %dma_start3A_121 = tpu.memref_slice %arg13[%add3A_110, %dma_start3A_120] : memref<10112x80xf32, #tpu.memory_space<vmem_shared>> -> memref<64x80xf32, #tpu.memory_space<vmem_shared>>
      %dma_start3A_122 = arith.constant 0 : i32
      %dma_start3A_123 = arith.constant 0 : i32
      %dma_start3A_124 = tpu.memref_slice %arg11[%dma_start3A_122, %dma_start3A_123] : memref<128x80xf32, #tpu.memory_space<vmem>> -> memref<64x80xf32, #tpu.memory_space<vmem>>
      %dma_start3A_125 = arith.constant 0 : i32
      %dma_start3A_126 = tpu.memref_slice %arg13[%add3A_110, %dma_start3A_125] : memref<10112x80xf32, #tpu.memory_space<vmem_shared>> -> memref<64x80xf32, #tpu.memory_space<vmem_shared>>
      tpu.enqueue_dma source(%dma_start3A_126 : memref<64x80xf32, #tpu.memory_space<vmem_shared>>) target(%dma_start3A_124 : memref<64x80xf32, #tpu.memory_space<vmem>>) target_semaphore(%run_scoped3A : memref<!tpu.dma_semaphore, #tpu.memory_space<semaphore_mem>>)
      %dma_wait3A_127 = arith.constant 0 : i32
      %dma_wait3A_128 = arith.constant 0 : i32
      %dma_wait3A_129 = tpu.memref_slice %arg11[%dma_wait3A_127, %dma_wait3A_128] : memref<128x80xf32, #tpu.memory_space<vmem>> -> memref<64x80xf32, #tpu.memory_space<vmem>>
      %dma_wait3A_130 = arith.constant 0 : i32
      %dma_wait3A_131 = tpu.memref_slice %arg13[%add3A_110, %dma_wait3A_130] : memref<10112x80xf32, #tpu.memory_space<vmem_shared>> -> memref<64x80xf32, #tpu.memory_space<vmem_shared>>
      %dma_wait3A_132 = arith.constant 0 : i32
      %dma_wait3A_133 = arith.constant 0 : i32
      %dma_wait3A_134 = tpu.memref_slice %arg11[%dma_wait3A_132, %dma_wait3A_133] : memref<128x80xf32, #tpu.memory_space<vmem>> -> memref<64x80xf32, #tpu.memory_space<vmem>>
      %dma_wait3A_135 = arith.constant 0 : i32
      %dma_wait3A_136 = tpu.memref_slice %arg13[%add3A_110, %dma_wait3A_135] : memref<10112x80xf32, #tpu.memory_space<vmem_shared>> -> memref<64x80xf32, #tpu.memory_space<vmem_shared>>
      tpu.wait_dma2 semaphore(%run_scoped3A : memref<!tpu.dma_semaphore, #tpu.memory_space<semaphore_mem>>) src(%dma_wait3A_136 : memref<64x80xf32, #tpu.memory_space<vmem_shared>>) dst(%dma_wait3A_134 : memref<64x80xf32, #tpu.memory_space<vmem>>)
      tpu.yield
    }) : () -> ()
    %add3A_111 = arith.constant 512 : i32
    %add3A_112 = arith.addi %add3A_76, %add3A_111 : i32
    "tpu.region"() ({
      %run_scoped3A = tpu.sem_alloc : memref<!tpu.dma_semaphore, #tpu.memory_space<semaphore_mem>>
      %dma_start3A_117 = arith.constant 0 : i32
      %dma_start3A_118 = arith.constant 0 : i32
      %dma_start3A_119 = tpu.memref_slice %arg11[%dma_start3A_117, %dma_start3A_118] : memref<128x80xf32, #tpu.memory_space<vmem>> -> memref<64x80xf32, #tpu.memory_space<vmem>>
      %dma_start3A_120 = arith.constant 0 : i32
      %dma_start3A_121 = tpu.memref_slice %arg6[%add3A_112, %dma_start3A_120] : memref<20224x80xf32, #tpu.memory_space<hbm>> -> memref<64x80xf32, #tpu.memory_space<hbm>>
      %dma_start3A_122 = arith.constant 0 : i32
      %dma_start3A_123 = tpu.memref_slice %arg6[%add3A_112, %dma_start3A_122] : memref<20224x80xf32, #tpu.memory_space<hbm>> -> memref<64x80xf32, #tpu.memory_space<hbm>>
      %dma_start3A_124 = arith.constant 0 : i32
      %dma_start3A_125 = arith.constant 0 : i32
      %dma_start3A_126 = tpu.memref_slice %arg11[%dma_start3A_124, %dma_start3A_125] : memref<128x80xf32, #tpu.memory_space<vmem>> -> memref<64x80xf32, #tpu.memory_space<vmem>>
      tpu.enqueue_dma source(%dma_start3A_126 : memref<64x80xf32, #tpu.memory_space<vmem>>) target(%dma_start3A_123 : memref<64x80xf32, #tpu.memory_space<hbm>>) target_semaphore(%run_scoped3A : memref<!tpu.dma_semaphore, #tpu.memory_space<semaphore_mem>>)
      %dma_wait3A_127 = arith.constant 0 : i32
      %dma_wait3A_128 = arith.constant 0 : i32
      %dma_wait3A_129 = tpu.memref_slice %arg11[%dma_wait3A_127, %dma_wait3A_128] : memref<128x80xf32, #tpu.memory_space<vmem>> -> memref<64x80xf32, #tpu.memory_space<vmem>>
      %dma_wait3A_130 = arith.constant 0 : i32
      %dma_wait3A_131 = tpu.memref_slice %arg6[%add3A_112, %dma_wait3A_130] : memref<20224x80xf32, #tpu.memory_space<hbm>> -> memref<64x80xf32, #tpu.memory_space<hbm>>
      %dma_wait3A_132 = arith.constant 0 : i32
      %dma_wait3A_133 = tpu.memref_slice %arg6[%add3A_112, %dma_wait3A_132] : memref<20224x80xf32, #tpu.memory_space<hbm>> -> memref<64x80xf32, #tpu.memory_space<hbm>>
      %dma_wait3A_134 = arith.constant 0 : i32
      %dma_wait3A_135 = arith.constant 0 : i32
      %dma_wait3A_136 = tpu.memref_slice %arg11[%dma_wait3A_134, %dma_wait3A_135] : memref<128x80xf32, #tpu.memory_space<vmem>> -> memref<64x80xf32, #tpu.memory_space<vmem>>
      tpu.wait_dma2 semaphore(%run_scoped3A : memref<!tpu.dma_semaphore, #tpu.memory_space<semaphore_mem>>) src(%dma_wait3A_136 : memref<64x80xf32, #tpu.memory_space<vmem>>) dst(%dma_wait3A_133 : memref<64x80xf32, #tpu.memory_space<hbm>>)
      tpu.yield
    }) : () -> ()
    %add3A_113 = arith.constant 576 : i32
    %add3A_114 = arith.addi %mul3A_0, %add3A_113 : i32
    "tpu.region"() ({
      %run_scoped3A = tpu.sem_alloc : memref<!tpu.dma_semaphore, #tpu.memory_space<semaphore_mem>>
      %dma_start3A_117 = arith.constant 0 : i32
      %dma_start3A_118 = arith.constant 0 : i32
      %dma_start3A_119 = tpu.memref_slice %arg11[%dma_start3A_117, %dma_start3A_118] : memref<128x80xf32, #tpu.memory_space<vmem>> -> memref<56x80xf32, #tpu.memory_space<vmem>>
      %dma_start3A_120 = arith.constant 0 : i32
      %dma_start3A_121 = tpu.memref_slice %arg13[%add3A_114, %dma_start3A_120] : memref<10112x80xf32, #tpu.memory_space<vmem_shared>> -> memref<56x80xf32, #tpu.memory_space<vmem_shared>>
      %dma_start3A_122 = arith.constant 0 : i32
      %dma_start3A_123 = arith.constant 0 : i32
      %dma_start3A_124 = tpu.memref_slice %arg11[%dma_start3A_122, %dma_start3A_123] : memref<128x80xf32, #tpu.memory_space<vmem>> -> memref<56x80xf32, #tpu.memory_space<vmem>>
      %dma_start3A_125 = arith.constant 0 : i32
      %dma_start3A_126 = tpu.memref_slice %arg13[%add3A_114, %dma_start3A_125] : memref<10112x80xf32, #tpu.memory_space<vmem_shared>> -> memref<56x80xf32, #tpu.memory_space<vmem_shared>>
      tpu.enqueue_dma source(%dma_start3A_126 : memref<56x80xf32, #tpu.memory_space<vmem_shared>>) target(%dma_start3A_124 : memref<56x80xf32, #tpu.memory_space<vmem>>) target_semaphore(%run_scoped3A : memref<!tpu.dma_semaphore, #tpu.memory_space<semaphore_mem>>)
      %dma_wait3A_127 = arith.constant 0 : i32
      %dma_wait3A_128 = arith.constant 0 : i32
      %dma_wait3A_129 = tpu.memref_slice %arg11[%dma_wait3A_127, %dma_wait3A_128] : memref<128x80xf32, #tpu.memory_space<vmem>> -> memref<56x80xf32, #tpu.memory_space<vmem>>
      %dma_wait3A_130 = arith.constant 0 : i32
      %dma_wait3A_131 = tpu.memref_slice %arg13[%add3A_114, %dma_wait3A_130] : memref<10112x80xf32, #tpu.memory_space<vmem_shared>> -> memref<56x80xf32, #tpu.memory_space<vmem_shared>>
      %dma_wait3A_132 = arith.constant 0 : i32
      %dma_wait3A_133 = arith.constant 0 : i32
      %dma_wait3A_134 = tpu.memref_slice %arg11[%dma_wait3A_132, %dma_wait3A_133] : memref<128x80xf32, #tpu.memory_space<vmem>> -> memref<56x80xf32, #tpu.memory_space<vmem>>
      %dma_wait3A_135 = arith.constant 0 : i32
      %dma_wait3A_136 = tpu.memref_slice %arg13[%add3A_114, %dma_wait3A_135] : memref<10112x80xf32, #tpu.memory_space<vmem_shared>> -> memref<56x80xf32, #tpu.memory_space<vmem_shared>>
      tpu.wait_dma2 semaphore(%run_scoped3A : memref<!tpu.dma_semaphore, #tpu.memory_space<semaphore_mem>>) src(%dma_wait3A_136 : memref<56x80xf32, #tpu.memory_space<vmem_shared>>) dst(%dma_wait3A_134 : memref<56x80xf32, #tpu.memory_space<vmem>>)
      tpu.yield
    }) : () -> ()
    %add3A_115 = arith.constant 576 : i32
    %add3A_116 = arith.addi %add3A_76, %add3A_115 : i32
    "tpu.region"() ({
      %run_scoped3A = tpu.sem_alloc : memref<!tpu.dma_semaphore, #tpu.memory_space<semaphore_mem>>
      %dma_start3A_117 = arith.constant 0 : i32
      %dma_start3A_118 = arith.constant 0 : i32
      %dma_start3A_119 = tpu.memref_slice %arg11[%dma_start3A_117, %dma_start3A_118] : memref<128x80xf32, #tpu.memory_space<vmem>> -> memref<56x80xf32, #tpu.memory_space<vmem>>
      %dma_start3A_120 = arith.constant 0 : i32
      %dma_start3A_121 = tpu.memref_slice %arg6[%add3A_116, %dma_start3A_120] : memref<20224x80xf32, #tpu.memory_space<hbm>> -> memref<56x80xf32, #tpu.memory_space<hbm>>
      %dma_start3A_122 = arith.constant 0 : i32
      %dma_start3A_123 = tpu.memref_slice %arg6[%add3A_116, %dma_start3A_122] : memref<20224x80xf32, #tpu.memory_space<hbm>> -> memref<56x80xf32, #tpu.memory_space<hbm>>
      %dma_start3A_124 = arith.constant 0 : i32
      %dma_start3A_125 = arith.constant 0 : i32
      %dma_start3A_126 = tpu.memref_slice %arg11[%dma_start3A_124, %dma_start3A_125] : memref<128x80xf32, #tpu.memory_space<vmem>> -> memref<56x80xf32, #tpu.memory_space<vmem>>
      tpu.enqueue_dma source(%dma_start3A_126 : memref<56x80xf32, #tpu.memory_space<vmem>>) target(%dma_start3A_123 : memref<56x80xf32, #tpu.memory_space<hbm>>) target_semaphore(%run_scoped3A : memref<!tpu.dma_semaphore, #tpu.memory_space<semaphore_mem>>)
      %dma_wait3A_127 = arith.constant 0 : i32
      %dma_wait3A_128 = arith.constant 0 : i32
      %dma_wait3A_129 = tpu.memref_slice %arg11[%dma_wait3A_127, %dma_wait3A_128] : memref<128x80xf32, #tpu.memory_space<vmem>> -> memref<56x80xf32, #tpu.memory_space<vmem>>
      %dma_wait3A_130 = arith.constant 0 : i32
      %dma_wait3A_131 = tpu.memref_slice %arg6[%add3A_116, %dma_wait3A_130] : memref<20224x80xf32, #tpu.memory_space<hbm>> -> memref<56x80xf32, #tpu.memory_space<hbm>>
      %dma_wait3A_132 = arith.constant 0 : i32
      %dma_wait3A_133 = tpu.memref_slice %arg6[%add3A_116, %dma_wait3A_132] : memref<20224x80xf32, #tpu.memory_space<hbm>> -> memref<56x80xf32, #tpu.memory_space<hbm>>
      %dma_wait3A_134 = arith.constant 0 : i32
      %dma_wait3A_135 = arith.constant 0 : i32
      %dma_wait3A_136 = tpu.memref_slice %arg11[%dma_wait3A_134, %dma_wait3A_135] : memref<128x80xf32, #tpu.memory_space<vmem>> -> memref<56x80xf32, #tpu.memory_space<vmem>>
      tpu.wait_dma2 semaphore(%run_scoped3A : memref<!tpu.dma_semaphore, #tpu.memory_space<semaphore_mem>>) src(%dma_wait3A_136 : memref<56x80xf32, #tpu.memory_space<vmem>>) dst(%dma_wait3A_133 : memref<56x80xf32, #tpu.memory_space<hbm>>)
      tpu.yield
    }) : () -> ()
    return
  }
}

module attributes {stable_mosaic.version = 14 : i64} {
  func.func @_table_body(%arg0: i32, %arg1: memref<2000x128xf32, #tpu.memory_space<vmem>>, %arg2: memref<128x128xf32, #tpu.memory_space<vmem>>, %arg3: memref<1x128xf32, #tpu.memory_space<vmem>>, %arg4: memref<128x128xf32, #tpu.memory_space<vmem>>, %arg5: memref<128x128xf32, #tpu.memory_space<vmem>>, %arg6: memref<128x64xf32, #tpu.memory_space<vmem>>, %arg7: memref<2000x80xf32, #tpu.memory_space<vmem>>) attributes {dimension_semantics = [#tpu.dimension_semantics<arbitrary>], iteration_bounds = array<i64: 5>, scalar_prefetch = 0 : i64, scratch_operands = 0 : i64, tpu.core_type = #tpu.core_type<tc>, window_params = [{transform_indices = @transform_0, window_bounds = array<i64: 2000, 128>}, {pipeline_mode = #tpu.pipeline_mode<synchronous>, transform_indices = @transform_1, window_bounds = array<i64: 128, 128>}, {pipeline_mode = #tpu.pipeline_mode<synchronous>, transform_indices = @transform_2, window_bounds = array<i64: 1, 128>}, {pipeline_mode = #tpu.pipeline_mode<synchronous>, transform_indices = @transform_3, window_bounds = array<i64: 128, 128>}, {pipeline_mode = #tpu.pipeline_mode<synchronous>, transform_indices = @transform_4, window_bounds = array<i64: 128, 128>}, {pipeline_mode = #tpu.pipeline_mode<synchronous>, transform_indices = @transform_5, window_bounds = array<i64: 128, 64>}, {transform_indices = @transform_6, window_bounds = array<i64: 2000, 80>}]} {
    %get3A = arith.constant 0 : index
    %get3A_0 = arith.constant 0 : index
    %get3A_1 = vector.load %arg1[%get3A, %get3A_0] : memref<2000x128xf32, #tpu.memory_space<vmem>>, vector<2000x128xf32>
    %get3A_2 = arith.constant 0 : index
    %get3A_3 = arith.constant 0 : index
    %get3A_4 = vector.load %arg2[%get3A_2, %get3A_3] : memref<128x128xf32, #tpu.memory_space<vmem>>, vector<128x128xf32>
    %dot_general3A = arith.constant dense<0.000000e+00> : vector<2000x128xf32>
    %dot_general3A_5 = tpu.matmul %get3A_1, %get3A_4, %dot_general3A {dimension_numbers = #tpu.dot_dimension_numbers<[1], [0], [0], [1], [0, 0, 1, 1], [], []>, transpose_lhs_hint = false} : vector<2000x128xf32>, vector<128x128xf32>, vector<2000x128xf32> -> vector<2000x128xf32>
    %get3A_6 = arith.constant 0 : index
    %get3A_7 = arith.constant 0 : index
    %get3A_8 = vector.load %arg3[%get3A_6, %get3A_7] : memref<1x128xf32, #tpu.memory_space<vmem>>, vector<1x128xf32>
    %add3A = vector.broadcast %get3A_8 : vector<1x128xf32> to vector<2000x128xf32>
    %add3A_9 = arith.addf %dot_general3A_5, %add3A : vector<2000x128xf32>
    %max3A = arith.constant 0.000000e+00 : f32
    %max3A_10 = vector.broadcast %max3A : f32 to vector<2000x128xf32>
    %max3A_11 = arith.maximumf %add3A_9, %max3A_10 : vector<2000x128xf32>
    %get3A_12 = arith.constant 0 : index
    %get3A_13 = arith.constant 0 : index
    %get3A_14 = vector.load %arg4[%get3A_12, %get3A_13] : memref<128x128xf32, #tpu.memory_space<vmem>>, vector<128x128xf32>
    %get3A_15 = arith.constant 0 : index
    %get3A_16 = arith.constant 0 : index
    %get3A_17 = vector.load %arg5[%get3A_15, %get3A_16] : memref<128x128xf32, #tpu.memory_space<vmem>>, vector<128x128xf32>
    %get3A_18 = arith.constant 0 : index
    %get3A_19 = arith.constant 0 : index
    %get3A_20 = vector.load %arg6[%get3A_18, %get3A_19] : memref<128x64xf32, #tpu.memory_space<vmem>>, vector<128x64xf32>
    %dot_general3A_21 = arith.constant dense<0.000000e+00> : vector<128x64xf32>
    %dot_general3A_22 = tpu.matmul %get3A_17, %get3A_20, %dot_general3A_21 {dimension_numbers = #tpu.dot_dimension_numbers<[1], [0], [0], [1], [0, 0, 1, 1], [], []>, transpose_lhs_hint = false} : vector<128x128xf32>, vector<128x64xf32>, vector<128x64xf32> -> vector<128x64xf32>
    %dot_general3A_23 = arith.constant dense<0.000000e+00> : vector<128x64xf32>
    %dot_general3A_24 = tpu.matmul %get3A_14, %dot_general3A_22, %dot_general3A_23 {dimension_numbers = #tpu.dot_dimension_numbers<[1], [0], [0], [1], [0, 0, 1, 1], [], []>, transpose_lhs_hint = false} : vector<128x128xf32>, vector<128x64xf32>, vector<128x64xf32> -> vector<128x64xf32>
    %dot_general3A_25 = arith.constant dense<0.000000e+00> : vector<2000x64xf32>
    %dot_general3A_26 = tpu.matmul %max3A_11, %dot_general3A_24, %dot_general3A_25 {dimension_numbers = #tpu.dot_dimension_numbers<[1], [0], [0], [1], [0, 0, 1, 1], [], []>, transpose_lhs_hint = false} : vector<2000x128xf32>, vector<128x64xf32>, vector<2000x64xf32> -> vector<2000x64xf32>
    %broadcast_in_dim3A = arith.constant 1.000000e+00 : f32
    %broadcast_in_dim3A_27 = vector.broadcast %broadcast_in_dim3A : f32 to vector<2000x1xf32>
    %broadcast_in_dim3A_28 = arith.constant 0.000000e+00 : f32
    %broadcast_in_dim3A_29 = vector.broadcast %broadcast_in_dim3A_28 : f32 to vector<2000x15xf32>
    %concatenate3A = tpu.concatenate %dot_general3A_26, %broadcast_in_dim3A_27, %broadcast_in_dim3A_29 in 1 : vector<2000x64xf32>, vector<2000x1xf32>, vector<2000x15xf32> -> vector<2000x80xf32>
    %swap3A = arith.constant 0 : index
    %swap3A_30 = arith.constant 0 : index
    %swap3A_31 = vector.load %arg7[%swap3A, %swap3A_30] : memref<2000x80xf32, #tpu.memory_space<vmem>>, vector<2000x80xf32>
    tpu.vector_store %arg7[%swap3A, %swap3A_30], %concatenate3A {strides = array<i32>} : memref<2000x80xf32, #tpu.memory_space<vmem>>, vector<2000x80xf32>,
    return
  }
  func.func @transform_0(%arg0: i32) -> (i32, i32) {
    %c0_i32 = arith.constant 0 : i32
    %c0_i32_0 = arith.constant 0 : i32
    return %arg0, %c0_i32 : i32, i32
  }
  func.func @transform_1(%arg0: i32) -> (i32, i32) {
    %c0_i32 = arith.constant 0 : i32
    %c0_i32_0 = arith.constant 0 : i32
    %c0_i32_1 = arith.constant 0 : i32
    return %c0_i32, %c0_i32_0 : i32, i32
  }
  func.func @transform_2(%arg0: i32) -> (i32, i32) {
    %c0_i32 = arith.constant 0 : i32
    %c0_i32_0 = arith.constant 0 : i32
    %c0_i32_1 = arith.constant 0 : i32
    return %c0_i32, %c0_i32_0 : i32, i32
  }
  func.func @transform_3(%arg0: i32) -> (i32, i32) {
    %c0_i32 = arith.constant 0 : i32
    %c0_i32_0 = arith.constant 0 : i32
    %c0_i32_1 = arith.constant 0 : i32
    return %c0_i32, %c0_i32_0 : i32, i32
  }
  func.func @transform_4(%arg0: i32) -> (i32, i32) {
    %c0_i32 = arith.constant 0 : i32
    %c0_i32_0 = arith.constant 0 : i32
    %c0_i32_1 = arith.constant 0 : i32
    return %c0_i32, %c0_i32_0 : i32, i32
  }
  func.func @transform_5(%arg0: i32) -> (i32, i32) {
    %c0_i32 = arith.constant 0 : i32
    %c0_i32_0 = arith.constant 0 : i32
    %c0_i32_1 = arith.constant 0 : i32
    return %c0_i32, %c0_i32_0 : i32, i32
  }
  func.func @transform_6(%arg0: i32) -> (i32, i32) {
    %c0_i32 = arith.constant 0 : i32
    %c0_i32_0 = arith.constant 0 : i32
    return %arg0, %c0_i32 : i32, i32
  }
}

module attributes {stable_mosaic.version = 14 : i64} {
  func.func @_mix_body(%arg0: i32, %arg1: memref<128x80xf32, #tpu.memory_space<vmem>>, %arg2: memref<128x80xf32, #tpu.memory_space<vmem>>, %arg3: memref<128x128xf32, #tpu.memory_space<vmem>>, %arg4: memref<128x128xf32, #tpu.memory_space<vmem>>, %arg5: memref<1x128xf32, #tpu.memory_space<vmem>>, %arg6: memref<128x128xf32, #tpu.memory_space<vmem>>, %arg7: memref<1x128xf32, #tpu.memory_space<vmem>>, %arg8: memref<128x128xf32, #tpu.memory_space<vmem>>, %arg9: memref<128x128xf32, #tpu.memory_space<vmem>>, %arg10: memref<128x128xf32, #tpu.memory_space<vmem>>, %arg11: memref<128x64xf32, #tpu.memory_space<vmem>>, %arg12: memref<128x80xf32, #tpu.memory_space<vmem>>) attributes {dimension_semantics = [#tpu.dimension_semantics<arbitrary>], iteration_bounds = array<i64: 79>, scalar_prefetch = 0 : i64, scratch_operands = 0 : i64, tpu.core_type = #tpu.core_type<tc>, window_params = [{transform_indices = @transform_0, window_bounds = array<i64: 128, 80>}, {transform_indices = @transform_1, window_bounds = array<i64: 128, 80>}, {transform_indices = @transform_2, window_bounds = array<i64: 128, 128>}, {pipeline_mode = #tpu.pipeline_mode<synchronous>, transform_indices = @transform_3, window_bounds = array<i64: 128, 128>}, {pipeline_mode = #tpu.pipeline_mode<synchronous>, transform_indices = @transform_4, window_bounds = array<i64: 1, 128>}, {pipeline_mode = #tpu.pipeline_mode<synchronous>, transform_indices = @transform_5, window_bounds = array<i64: 128, 128>}, {pipeline_mode = #tpu.pipeline_mode<synchronous>, transform_indices = @transform_6, window_bounds = array<i64: 1, 128>}, {pipeline_mode = #tpu.pipeline_mode<synchronous>, transform_indices = @transform_7, window_bounds = array<i64: 128, 128>}, {pipeline_mode = #tpu.pipeline_mode<synchronous>, transform_indices = @transform_8, window_bounds = array<i64: 128, 128>}, {pipeline_mode = #tpu.pipeline_mode<synchronous>, transform_indices = @transform_9, window_bounds = array<i64: 128, 128>}, {pipeline_mode = #tpu.pipeline_mode<synchronous>, transform_indices = @transform_10, window_bounds = array<i64: 128, 64>}, {transform_indices = @transform_11, window_bounds = array<i64: 128, 80>}]} {
    %get3A = arith.constant 0 : index
    %get3A_0 = arith.constant 0 : index
    %get3A_1 = vector.load %arg8[%get3A, %get3A_0] : memref<128x128xf32, #tpu.memory_space<vmem>>, vector<128x128xf32>
    %get3A_2 = arith.constant 0 : index
    %get3A_3 = arith.constant 0 : index
    %get3A_4 = vector.load %arg11[%get3A_2, %get3A_3] : memref<128x64xf32, #tpu.memory_space<vmem>>, vector<128x64xf32>
    %dot_general3A = arith.constant dense<0.000000e+00> : vector<128x64xf32>
    %dot_general3A_5 = tpu.matmul %get3A_1, %get3A_4, %dot_general3A {dimension_numbers = #tpu.dot_dimension_numbers<[1], [0], [0], [1], [0, 0, 1, 1], [], []>, transpose_lhs_hint = false} : vector<128x128xf32>, vector<128x64xf32>, vector<128x64xf32> -> vector<128x64xf32>
    %get3A_6 = arith.constant 0 : index
    %get3A_7 = arith.constant 0 : index
    %get3A_8 = vector.load %arg10[%get3A_6, %get3A_7] : memref<128x128xf32, #tpu.memory_space<vmem>>, vector<128x128xf32>
    %get3A_9 = arith.constant 0 : index
    %get3A_10 = arith.constant 0 : index
    %get3A_11 = vector.load %arg11[%get3A_9, %get3A_10] : memref<128x64xf32, #tpu.memory_space<vmem>>, vector<128x64xf32>
    %dot_general3A_12 = arith.constant dense<0.000000e+00> : vector<128x64xf32>
    %dot_general3A_13 = tpu.matmul %get3A_8, %get3A_11, %dot_general3A_12 {dimension_numbers = #tpu.dot_dimension_numbers<[1], [0], [0], [1], [0, 0, 1, 1], [], []>, transpose_lhs_hint = false} : vector<128x128xf32>, vector<128x64xf32>, vector<128x64xf32> -> vector<128x64xf32>
    %get3A_14 = arith.constant 0 : index
    %get3A_15 = arith.constant 0 : index
    %get3A_16 = vector.load %arg6[%get3A_14, %get3A_15] : memref<128x128xf32, #tpu.memory_space<vmem>>, vector<128x128xf32>
    %dot_general3A_17 = arith.constant dense<0.000000e+00> : vector<128x64xf32>
    %dot_general3A_18 = tpu.matmul %get3A_16, %dot_general3A_5, %dot_general3A_17 {dimension_numbers = #tpu.dot_dimension_numbers<[1], [0], [0], [1], [0, 0, 1, 1], [], []>, transpose_lhs_hint = false} : vector<128x128xf32>, vector<128x64xf32>, vector<128x64xf32> -> vector<128x64xf32>
    %get3A_19 = arith.constant 0 : index
    %get3A_20 = arith.constant 0 : index
    %get3A_21 = vector.load %arg9[%get3A_19, %get3A_20] : memref<128x128xf32, #tpu.memory_space<vmem>>, vector<128x128xf32>
    %dot_general3A_22 = arith.constant dense<0.000000e+00> : vector<128x64xf32>
    %dot_general3A_23 = tpu.matmul %get3A_21, %dot_general3A_13, %dot_general3A_22 {dimension_numbers = #tpu.dot_dimension_numbers<[1], [0], [0], [1], [0, 0, 1, 1], [], []>, transpose_lhs_hint = false} : vector<128x128xf32>, vector<128x64xf32>, vector<128x64xf32> -> vector<128x64xf32>
    %add3A = arith.addf %dot_general3A_18, %dot_general3A_23 : vector<128x64xf32>
    %get3A_24 = arith.constant 0 : index
    %get3A_25 = arith.constant 0 : index
    %get3A_26 = vector.load %arg7[%get3A_24, %get3A_25] : memref<1x128xf32, #tpu.memory_space<vmem>>, vector<1x128xf32>
    %dot_general3A_27 = arith.constant dense<0.000000e+00> : vector<1x64xf32>
    %dot_general3A_28 = tpu.matmul %get3A_26, %dot_general3A_5, %dot_general3A_27 {dimension_numbers = #tpu.dot_dimension_numbers<[1], [0], [0], [1], [0, 0, 1, 1], [], []>, transpose_lhs_hint = false} : vector<1x128xf32>, vector<128x64xf32>, vector<1x64xf32> -> vector<1x64xf32>
    %get3A_29 = arith.constant 0 : index
    %get3A_30 = arith.constant 0 : index
    %get3A_31 = vector.load %arg3[%get3A_29, %get3A_30] : memref<128x128xf32, #tpu.memory_space<vmem>>, vector<128x128xf32>
    %get3A_32 = arith.constant 0 : index
    %get3A_33 = arith.constant 0 : index
    %get3A_34 = vector.load %arg4[%get3A_32, %get3A_33] : memref<128x128xf32, #tpu.memory_space<vmem>>, vector<128x128xf32>
    %dot_general3A_35 = arith.constant dense<0.000000e+00> : vector<128x128xf32>
    %dot_general3A_36 = tpu.matmul %get3A_31, %get3A_34, %dot_general3A_35 {dimension_numbers = #tpu.dot_dimension_numbers<[1], [0], [0], [1], [0, 0, 1, 1], [], []>, transpose_lhs_hint = false} : vector<128x128xf32>, vector<128x128xf32>, vector<128x128xf32> -> vector<128x128xf32>
    %get3A_37 = arith.constant 0 : index
    %get3A_38 = arith.constant 0 : index
    %get3A_39 = vector.load %arg5[%get3A_37, %get3A_38] : memref<1x128xf32, #tpu.memory_space<vmem>>, vector<1x128xf32>
    %add3A_40 = vector.broadcast %get3A_39 : vector<1x128xf32> to vector<128x128xf32>
    %add3A_41 = arith.addf %dot_general3A_36, %add3A_40 : vector<128x128xf32>
    %max3A = arith.constant 0.000000e+00 : f32
    %max3A_42 = vector.broadcast %max3A : f32 to vector<128x128xf32>
    %max3A_43 = arith.maximumf %add3A_41, %max3A_42 : vector<128x128xf32>
    %get3A_44 = arith.constant 0 : index
    %get3A_45 = arith.constant 0 : index
    %get3A_46 = vector.load %arg1[%get3A_44, %get3A_45] : memref<128x80xf32, #tpu.memory_space<vmem>>, vector<128x80xf32>
    %get3A_47 = arith.constant 0 : index
    %get3A_48 = arith.constant 0 : index
    %get3A_49 = vector.load %arg2[%get3A_47, %get3A_48] : memref<128x80xf32, #tpu.memory_space<vmem>>, vector<128x80xf32>
    %add3A_50 = arith.addf %get3A_46, %get3A_49 : vector<128x80xf32>
    %slice3A = vector.extract_strided_slice %add3A_50 {offsets = [0, 64], sizes = [128, 1], strides = [1, 1]} : vector<128x80xf32> to vector<128x1xf32>
    %max3A_51 = arith.constant 1.000000e+00 : f32
    %max3A_52 = vector.broadcast %max3A_51 : f32 to vector<128x1xf32>
    %max3A_53 = arith.maximumf %slice3A, %max3A_52 : vector<128x1xf32>
    %slice3A_54 = vector.extract_strided_slice %add3A_50 {offsets = [0, 0], sizes = [128, 64], strides = [1, 1]} : vector<128x80xf32> to vector<128x64xf32>
    %div3A = vector.broadcast %max3A_53 : vector<128x1xf32> to vector<128x64xf32>
    %div3A_55 = arith.divf %slice3A_54, %div3A : vector<128x64xf32>
    %dot_general3A_56 = arith.constant dense<0.000000e+00> : vector<128x64xf32>
    %dot_general3A_57 = tpu.matmul %max3A_43, %add3A, %dot_general3A_56 {dimension_numbers = #tpu.dot_dimension_numbers<[1], [0], [0], [1], [0, 0, 1, 1], [], []>, transpose_lhs_hint = false} : vector<128x128xf32>, vector<128x64xf32>, vector<128x64xf32> -> vector<128x64xf32>
    %add3A_58 = arith.addf %div3A_55, %dot_general3A_57 : vector<128x64xf32>
    %add3A_59 = vector.broadcast %dot_general3A_28 : vector<1x64xf32> to vector<128x64xf32>
    %add3A_60 = arith.addf %add3A_58, %add3A_59 : vector<128x64xf32>
    %broadcast_in_dim3A = arith.constant 1.000000e+00 : f32
    %broadcast_in_dim3A_61 = vector.broadcast %broadcast_in_dim3A : f32 to vector<128x1xf32>
    %broadcast_in_dim3A_62 = arith.constant 0.000000e+00 : f32
    %broadcast_in_dim3A_63 = vector.broadcast %broadcast_in_dim3A_62 : f32 to vector<128x15xf32>
    %concatenate3A = tpu.concatenate %add3A_60, %broadcast_in_dim3A_61, %broadcast_in_dim3A_63 in 1 : vector<128x64xf32>, vector<128x1xf32>, vector<128x15xf32> -> vector<128x80xf32>
    %swap3A = arith.constant 0 : index
    %swap3A_64 = arith.constant 0 : index
    %swap3A_65 = vector.load %arg12[%swap3A, %swap3A_64] : memref<128x80xf32, #tpu.memory_space<vmem>>, vector<128x80xf32>
    tpu.vector_store %arg12[%swap3A, %swap3A_64], %concatenate3A {strides = array<i32>} : memref<128x80xf32, #tpu.memory_space<vmem>>, vector<128x80xf32>,
    return
  }
  func.func @transform_0(%arg0: i32) -> (i32, i32) {
    %c0_i32 = arith.constant 0 : i32
    %c0_i32_0 = arith.constant 0 : i32
    return %arg0, %c0_i32 : i32, i32
  }
  func.func @transform_1(%arg0: i32) -> (i32, i32) {
    %add3A = arith.constant 79 : i32
    %add3A_0 = arith.addi %arg0, %add3A : i32
    %c0_i32 = arith.constant 0 : i32
    %c0_i32_1 = arith.constant 0 : i32
    return %add3A_0, %c0_i32 : i32, i32
  }
  func.func @transform_2(%arg0: i32) -> (i32, i32) {
    %c0_i32 = arith.constant 0 : i32
    %c0_i32_0 = arith.constant 0 : i32
    return %arg0, %c0_i32 : i32, i32
  }
  func.func @transform_3(%arg0: i32) -> (i32, i32) {
    %c0_i32 = arith.constant 0 : i32
    %c0_i32_0 = arith.constant 0 : i32
    %c0_i32_1 = arith.constant 0 : i32
    return %c0_i32, %c0_i32_0 : i32, i32
  }
  func.func @transform_4(%arg0: i32) -> (i32, i32) {
    %c0_i32 = arith.constant 0 : i32
    %c0_i32_0 = arith.constant 0 : i32
    %c0_i32_1 = arith.constant 0 : i32
    return %c0_i32, %c0_i32_0 : i32, i32
  }
  func.func @transform_5(%arg0: i32) -> (i32, i32) {
    %c0_i32 = arith.constant 0 : i32
    %c0_i32_0 = arith.constant 0 : i32
    %c0_i32_1 = arith.constant 0 : i32
    return %c0_i32, %c0_i32_0 : i32, i32
  }
  func.func @transform_6(%arg0: i32) -> (i32, i32) {
    %c0_i32 = arith.constant 0 : i32
    %c0_i32_0 = arith.constant 0 : i32
    %c0_i32_1 = arith.constant 0 : i32
    return %c0_i32, %c0_i32_0 : i32, i32
  }
  func.func @transform_7(%arg0: i32) -> (i32, i32) {
    %c0_i32 = arith.constant 0 : i32
    %c0_i32_0 = arith.constant 0 : i32
    %c0_i32_1 = arith.constant 0 : i32
    return %c0_i32, %c0_i32_0 : i32, i32
  }
  func.func @transform_8(%arg0: i32) -> (i32, i32) {
    %c0_i32 = arith.constant 0 : i32
    %c0_i32_0 = arith.constant 0 : i32
    %c0_i32_1 = arith.constant 0 : i32
    return %c0_i32, %c0_i32_0 : i32, i32
  }
  func.func @transform_9(%arg0: i32) -> (i32, i32) {
    %c0_i32 = arith.constant 0 : i32
    %c0_i32_0 = arith.constant 0 : i32
    %c0_i32_1 = arith.constant 0 : i32
    return %c0_i32, %c0_i32_0 : i32, i32
  }
  func.func @transform_10(%arg0: i32) -> (i32, i32) {
    %c0_i32 = arith.constant 0 : i32
    %c0_i32_0 = arith.constant 0 : i32
    %c0_i32_1 = arith.constant 0 : i32
    return %c0_i32, %c0_i32_0 : i32, i32
  }
  func.func @transform_11(%arg0: i32) -> (i32, i32) {
    %c0_i32 = arith.constant 0 : i32
    %c0_i32_0 = arith.constant 0 : i32
    return %arg0, %c0_i32 : i32, i32
  }
}

module attributes {stable_mosaic.version = 14 : i64} {
  func.func @_final_body(%arg0: i32, %arg1: memref<128x80xf32, #tpu.memory_space<vmem>>, %arg2: memref<128x80xf32, #tpu.memory_space<vmem>>, %arg3: memref<128x128xf32, #tpu.memory_space<vmem>>, %arg4: memref<128x128xf32, #tpu.memory_space<vmem>>, %arg5: memref<1x128xf32, #tpu.memory_space<vmem>>, %arg6: memref<128x128xf32, #tpu.memory_space<vmem>>, %arg7: memref<1x128xf32, #tpu.memory_space<vmem>>, %arg8: memref<128x128xf32, #tpu.memory_space<vmem>>, %arg9: memref<1x128xf32, #tpu.memory_space<vmem>>, %arg10: memref<128x64xf32, #tpu.memory_space<vmem>>, %arg11: memref<1x64xf32, #tpu.memory_space<vmem>>, %arg12: memref<128x64xf32, #tpu.memory_space<vmem>>) attributes {dimension_semantics = [#tpu.dimension_semantics<arbitrary>], iteration_bounds = array<i64: 79>, scalar_prefetch = 0 : i64, scratch_operands = 0 : i64, tpu.core_type = #tpu.core_type<tc>, window_params = [{transform_indices = @transform_0, window_bounds = array<i64: 128, 80>}, {transform_indices = @transform_1, window_bounds = array<i64: 128, 80>}, {transform_indices = @transform_2, window_bounds = array<i64: 128, 128>}, {pipeline_mode = #tpu.pipeline_mode<synchronous>, transform_indices = @transform_3, window_bounds = array<i64: 128, 128>}, {pipeline_mode = #tpu.pipeline_mode<synchronous>, transform_indices = @transform_4, window_bounds = array<i64: 1, 128>}, {pipeline_mode = #tpu.pipeline_mode<synchronous>, transform_indices = @transform_5, window_bounds = array<i64: 128, 128>}, {pipeline_mode = #tpu.pipeline_mode<synchronous>, transform_indices = @transform_6, window_bounds = array<i64: 1, 128>}, {pipeline_mode = #tpu.pipeline_mode<synchronous>, transform_indices = @transform_7, window_bounds = array<i64: 128, 128>}, {pipeline_mode = #tpu.pipeline_mode<synchronous>, transform_indices = @transform_8, window_bounds = array<i64: 1, 128>}, {pipeline_mode = #tpu.pipeline_mode<synchronous>, transform_indices = @transform_9, window_bounds = array<i64: 128, 64>}, {pipeline_mode = #tpu.pipeline_mode<synchronous>, transform_indices = @transform_10, window_bounds = array<i64: 1, 64>}, {transform_indices = @transform_11, window_bounds = array<i64: 128, 64>}]} {
    %get3A = arith.constant 0 : index
    %get3A_0 = arith.constant 0 : index
    %get3A_1 = vector.load %arg8[%get3A, %get3A_0] : memref<128x128xf32, #tpu.memory_space<vmem>>, vector<128x128xf32>
    %get3A_2 = arith.constant 0 : index
    %get3A_3 = arith.constant 0 : index
    %get3A_4 = vector.load %arg10[%get3A_2, %get3A_3] : memref<128x64xf32, #tpu.memory_space<vmem>>, vector<128x64xf32>
    %dot_general3A = arith.constant dense<0.000000e+00> : vector<128x64xf32>
    %dot_general3A_5 = tpu.matmul %get3A_1, %get3A_4, %dot_general3A {dimension_numbers = #tpu.dot_dimension_numbers<[1], [0], [0], [1], [0, 0, 1, 1], [], []>, transpose_lhs_hint = false} : vector<128x128xf32>, vector<128x64xf32>, vector<128x64xf32> -> vector<128x64xf32>
    %get3A_6 = arith.constant 0 : index
    %get3A_7 = arith.constant 0 : index
    %get3A_8 = vector.load %arg7[%get3A_6, %get3A_7] : memref<1x128xf32, #tpu.memory_space<vmem>>, vector<1x128xf32>
    %dot_general3A_9 = arith.constant dense<0.000000e+00> : vector<1x64xf32>
    %dot_general3A_10 = tpu.matmul %get3A_8, %dot_general3A_5, %dot_general3A_9 {dimension_numbers = #tpu.dot_dimension_numbers<[1], [0], [0], [1], [0, 0, 1, 1], [], []>, transpose_lhs_hint = false} : vector<1x128xf32>, vector<128x64xf32>, vector<1x64xf32> -> vector<1x64xf32>
    %get3A_11 = arith.constant 0 : index
    %get3A_12 = arith.constant 0 : index
    %get3A_13 = vector.load %arg9[%get3A_11, %get3A_12] : memref<1x128xf32, #tpu.memory_space<vmem>>, vector<1x128xf32>
    %get3A_14 = arith.constant 0 : index
    %get3A_15 = arith.constant 0 : index
    %get3A_16 = vector.load %arg10[%get3A_14, %get3A_15] : memref<128x64xf32, #tpu.memory_space<vmem>>, vector<128x64xf32>
    %dot_general3A_17 = arith.constant dense<0.000000e+00> : vector<1x64xf32>
    %dot_general3A_18 = tpu.matmul %get3A_13, %get3A_16, %dot_general3A_17 {dimension_numbers = #tpu.dot_dimension_numbers<[1], [0], [0], [1], [0, 0, 1, 1], [], []>, transpose_lhs_hint = false} : vector<1x128xf32>, vector<128x64xf32>, vector<1x64xf32> -> vector<1x64xf32>
    %add3A = arith.addf %dot_general3A_10, %dot_general3A_18 : vector<1x64xf32>
    %get3A_19 = arith.constant 0 : index
    %get3A_20 = arith.constant 0 : index
    %get3A_21 = vector.load %arg11[%get3A_19, %get3A_20] : memref<1x64xf32, #tpu.memory_space<vmem>>, vector<1x64xf32>
    %add3A_22 = arith.addf %add3A, %get3A_21 : vector<1x64xf32>
    %get3A_23 = arith.constant 0 : index
    %get3A_24 = arith.constant 0 : index
    %get3A_25 = vector.load %arg3[%get3A_23, %get3A_24] : memref<128x128xf32, #tpu.memory_space<vmem>>, vector<128x128xf32>
    %get3A_26 = arith.constant 0 : index
    %get3A_27 = arith.constant 0 : index
    %get3A_28 = vector.load %arg4[%get3A_26, %get3A_27] : memref<128x128xf32, #tpu.memory_space<vmem>>, vector<128x128xf32>
    %dot_general3A_29 = arith.constant dense<0.000000e+00> : vector<128x128xf32>
    %dot_general3A_30 = tpu.matmul %get3A_25, %get3A_28, %dot_general3A_29 {dimension_numbers = #tpu.dot_dimension_numbers<[1], [0], [0], [1], [0, 0, 1, 1], [], []>, transpose_lhs_hint = false} : vector<128x128xf32>, vector<128x128xf32>, vector<128x128xf32> -> vector<128x128xf32>
    %get3A_31 = arith.constant 0 : index
    %get3A_32 = arith.constant 0 : index
    %get3A_33 = vector.load %arg5[%get3A_31, %get3A_32] : memref<1x128xf32, #tpu.memory_space<vmem>>, vector<1x128xf32>
    %add3A_34 = vector.broadcast %get3A_33 : vector<1x128xf32> to vector<128x128xf32>
    %add3A_35 = arith.addf %dot_general3A_30, %add3A_34 : vector<128x128xf32>
    %max3A = arith.constant 0.000000e+00 : f32
    %max3A_36 = vector.broadcast %max3A : f32 to vector<128x128xf32>
    %max3A_37 = arith.maximumf %add3A_35, %max3A_36 : vector<128x128xf32>
    %get3A_38 = arith.constant 0 : index
    %get3A_39 = arith.constant 0 : index
    %get3A_40 = vector.load %arg1[%get3A_38, %get3A_39] : memref<128x80xf32, #tpu.memory_space<vmem>>, vector<128x80xf32>
    %get3A_41 = arith.constant 0 : index
    %get3A_42 = arith.constant 0 : index
    %get3A_43 = vector.load %arg2[%get3A_41, %get3A_42] : memref<128x80xf32, #tpu.memory_space<vmem>>, vector<128x80xf32>
    %add3A_44 = arith.addf %get3A_40, %get3A_43 : vector<128x80xf32>
    %slice3A = vector.extract_strided_slice %add3A_44 {offsets = [0, 64], sizes = [128, 1], strides = [1, 1]} : vector<128x80xf32> to vector<128x1xf32>
    %max3A_45 = arith.constant 1.000000e+00 : f32
    %max3A_46 = vector.broadcast %max3A_45 : f32 to vector<128x1xf32>
    %max3A_47 = arith.maximumf %slice3A, %max3A_46 : vector<128x1xf32>
    %slice3A_48 = vector.extract_strided_slice %add3A_44 {offsets = [0, 0], sizes = [128, 64], strides = [1, 1]} : vector<128x80xf32> to vector<128x64xf32>
    %div3A = vector.broadcast %max3A_47 : vector<128x1xf32> to vector<128x64xf32>
    %div3A_49 = arith.divf %slice3A_48, %div3A : vector<128x64xf32>
    %get3A_50 = arith.constant 0 : index
    %get3A_51 = arith.constant 0 : index
    %get3A_52 = vector.load %arg6[%get3A_50, %get3A_51] : memref<128x128xf32, #tpu.memory_space<vmem>>, vector<128x128xf32>
    %dot_general3A_53 = arith.constant dense<0.000000e+00> : vector<128x64xf32>
    %dot_general3A_54 = tpu.matmul %get3A_52, %dot_general3A_5, %dot_general3A_53 {dimension_numbers = #tpu.dot_dimension_numbers<[1], [0], [0], [1], [0, 0, 1, 1], [], []>, transpose_lhs_hint = false} : vector<128x128xf32>, vector<128x64xf32>, vector<128x64xf32> -> vector<128x64xf32>
    %dot_general3A_55 = arith.constant dense<0.000000e+00> : vector<128x64xf32>
    %dot_general3A_56 = tpu.matmul %max3A_37, %dot_general3A_54, %dot_general3A_55 {dimension_numbers = #tpu.dot_dimension_numbers<[1], [0], [0], [1], [0, 0, 1, 1], [], []>, transpose_lhs_hint = false} : vector<128x128xf32>, vector<128x64xf32>, vector<128x64xf32> -> vector<128x64xf32>
    %add3A_57 = arith.addf %div3A_49, %dot_general3A_56 : vector<128x64xf32>
    %add3A_58 = vector.broadcast %add3A_22 : vector<1x64xf32> to vector<128x64xf32>
    %add3A_59 = arith.addf %add3A_57, %add3A_58 : vector<128x64xf32>
    %swap3A = arith.constant 0 : index
    %swap3A_60 = arith.constant 0 : index
    %swap3A_61 = vector.load %arg12[%swap3A, %swap3A_60] : memref<128x64xf32, #tpu.memory_space<vmem>>, vector<128x64xf32>
    tpu.vector_store %arg12[%swap3A, %swap3A_60], %add3A_59 {strides = array<i32>} : memref<128x64xf32, #tpu.memory_space<vmem>>, vector<128x64xf32>,
    return
  }
  func.func @transform_0(%arg0: i32) -> (i32, i32) {
    %c0_i32 = arith.constant 0 : i32
    %c0_i32_0 = arith.constant 0 : i32
    return %arg0, %c0_i32 : i32, i32
  }
  func.func @transform_1(%arg0: i32) -> (i32, i32) {
    %add3A = arith.constant 79 : i32
    %add3A_0 = arith.addi %arg0, %add3A : i32
    %c0_i32 = arith.constant 0 : i32
    %c0_i32_1 = arith.constant 0 : i32
    return %add3A_0, %c0_i32 : i32, i32
  }
  func.func @transform_2(%arg0: i32) -> (i32, i32) {
    %c0_i32 = arith.constant 0 : i32
    %c0_i32_0 = arith.constant 0 : i32
    return %arg0, %c0_i32 : i32, i32
  }
  func.func @transform_3(%arg0: i32) -> (i32, i32) {
    %c0_i32 = arith.constant 0 : i32
    %c0_i32_0 = arith.constant 0 : i32
    %c0_i32_1 = arith.constant 0 : i32
    return %c0_i32, %c0_i32_0 : i32, i32
  }
  func.func @transform_4(%arg0: i32) -> (i32, i32) {
    %c0_i32 = arith.constant 0 : i32
    %c0_i32_0 = arith.constant 0 : i32
    %c0_i32_1 = arith.constant 0 : i32
    return %c0_i32, %c0_i32_0 : i32, i32
  }
  func.func @transform_5(%arg0: i32) -> (i32, i32) {
    %c0_i32 = arith.constant 0 : i32
    %c0_i32_0 = arith.constant 0 : i32
    %c0_i32_1 = arith.constant 0 : i32
    return %c0_i32, %c0_i32_0 : i32, i32
  }
  func.func @transform_6(%arg0: i32) -> (i32, i32) {
    %c0_i32 = arith.constant 0 : i32
    %c0_i32_0 = arith.constant 0 : i32
    %c0_i32_1 = arith.constant 0 : i32
    return %c0_i32, %c0_i32_0 : i32, i32
  }
  func.func @transform_7(%arg0: i32) -> (i32, i32) {
    %c0_i32 = arith.constant 0 : i32
    %c0_i32_0 = arith.constant 0 : i32
    %c0_i32_1 = arith.constant 0 : i32
    return %c0_i32, %c0_i32_0 : i32, i32
  }
  func.func @transform_8(%arg0: i32) -> (i32, i32) {
    %c0_i32 = arith.constant 0 : i32
    %c0_i32_0 = arith.constant 0 : i32
    %c0_i32_1 = arith.constant 0 : i32
    return %c0_i32, %c0_i32_0 : i32, i32
  }
  func.func @transform_9(%arg0: i32) -> (i32, i32) {
    %c0_i32 = arith.constant 0 : i32
    %c0_i32_0 = arith.constant 0 : i32
    %c0_i32_1 = arith.constant 0 : i32
    return %c0_i32, %c0_i32_0 : i32, i32
  }
  func.func @transform_10(%arg0: i32) -> (i32, i32) {
    %c0_i32 = arith.constant 0 : i32
    %c0_i32_0 = arith.constant 0 : i32
    %c0_i32_1 = arith.constant 0 : i32
    return %c0_i32, %c0_i32_0 : i32, i32
  }
  func.func @transform_11(%arg0: i32) -> (i32, i32) {
    %c0_i32 = arith.constant 0 : i32
    %c0_i32_0 = arith.constant 0 : i32
    return %arg0, %c0_i32 : i32, i32
  }
}

</mosaic_0001>

<sc_bundles>
// kernel: kernel.10.cloned.1.call-start
scs
__scs_entry_jumppad:
0x0: {  	(pc) =	sbr.rel $0x88, $3  }
0x1: {  	(tag) =	ssettag $0x0;
	lr =	simm.s32 $0x1  }
0x2: {  	[smem:$0x3F8E] =	sst lr;
	_ =	strace $0xD0000000  }
0x3: {  	_ = 	snop  }
0x4: {  	_ = 	snop  }
0x5: {  	_ = 	snop  }
0x6: {  	_ = 	snop  }
0x7: {  	_ = 	snop  }
__scs_overlays_trampoline_lowered:
0x8: {  	[smem:$0x3F9D] =	sst s0  }
0x9: {  	[smem:$0x3F9E] =	sst s1  }
0xa: {  	[smem:$0x3F9F] =	sst s2  }
0xb: {  	[smem:$0x3FA0] =	sst s3  }
0xc: {  	[smem:$0x3FA1] =	sst s4  }
0xd: {  	[smem:$0x3FA2] =	sst s5  }
0xe: {  	[smem:$0x3FA3] =	sst s6  }
0xf: {  	[smem:$0x3FA4] =	sst s7  }
0x10: {  	[smem:$0x3FA5] =	sst s8  }
0x11: {  	[smem:$0x3FA6] =	sst s9;
	s0 =	simm.s32 @!p0 $0x0  }
0x12: {  	s1 =	sld [smem:$0x3F8C];
	s0 =	simm.s32 @p0 $0x1  }
0x13: {  	[smem:$0x3FA7] =	sst s0;
	s0 =	simm.s32 @!p1 $0x0  }
0x14: {  	s2 =	sld [smem:$0x3F8B];
	s0 =	simm.s32 @p1 $0x1  }
0x15: {  	[smem:$0x3FA8] =	sst s0;
	s0 =	simm.s32 @!p2 $0x0  }
0x16: {  	s3 =	sld [smem:$0x3FDB];
	s0 =	simm.s32 @p2 $0x1  }
0x17: {  	s4 =	simm.s32 $0x1BF5;
	[smem:$0x3FAA] =	sst s0  }
0x18: {  	s0 =	sld [smem:$0x3F8D];
	_ =	swait.ge [sflag:s4], $0x0  }
0x19: {  	s7 =	sld [smem:$0x3F8E]  }
0x1a: {  	s8 =	sadd.s32 $0xFFFFE003, lr  }
0x1b: {  	s9 =	sadd.s32 $0xFFFFFEF7, lr;
	s5 =	simm.s32 $0xFFFFFFFF;
	p2 =	slt.u32 s8, $0xFFFFF086  }
0x1c: {  	p1 =	slt.u32 s9, $0xF7A;
	s5 =	simm.s32 @!p2 $0x0  }
0x1d: {  	s5 =	simm.s32 @p1 $0x1;
	p0 =	seq.s32 s7, s2  }
0x1e: {  	s7 =	smul.u32 @!p0 $0xF7A, s2;
	p2 =	seq.s32 @!p0 s5, $0x0  }
0x1f: {  	s9 =	smul.u32 $0xF7A, s1;
	s8 =	simm.s32 @!p0 $0x1BF5;
	p2 =	por !p2, p0  }
0x20: {  	[sflag:s8] =	ssyncset.s32 @!p0 $0xFFFFF086;
	s6 =	sadd.s32 @!p0 s3, s7;
	s7 =	simm.s32 @!p0 $0x108  }
0x21: {  	s3 =	sadd.s32 s3, s9;
	s6 =	sadd.s32 @!p0 $0x88, s6;
	s7 =	simm.s32 @p2 $0x1082  }
0x22: {  	[simem:s7], [sflag:s8] =	dma.local @!p0 [hbm:s6], $0xF7A  }
0x23: {  	s9 =	sor.u32 $0xD0000000, s2;
	s6 =	simm.s32 $0x108;
	_ =	swait.ge @!p0 [sflag:s8], $0x0  }
0x24: {  	s3 =	sadd.s32 $0x88, s3;
	s6 =	simm.s32 @!p1 $0x1082;
	[sflag:s4] =	ssyncset.s32 $0xFFFFF086  }
0x25: {  	[simem:s6], [sflag:s4] =	dma.local [hbm:s3], $0xF7A  }
0x26: {  	[smem:$0x3F8E] =	sst s1;
	(tag) =	ssettag s2;
	_ =	strace s9  }
0x27: {  	s1 =	sld [smem:$0x3F9E]  }
0x28: {  	s2 =	sld [smem:$0x3F9F]  }
0x29: {  	s4 =	sld [smem:$0x3FA1]  }
0x2a: {  	p0 =	seq.s32 s5, $0x0;
	s5 =	sld [smem:$0x3FA2]  }
0x2b: {  	s6 =	sld [smem:$0x3FA3]  }
0x2c: {  	s7 =	sld [smem:$0x3FA4]  }
0x2d: {  	s3 =	simm.s32 $0x108;
	s8 =	sld [smem:$0x3FA5]  }
0x2e: {  	s3 =	simm.s32 @!p0 $0x1082;
	s9 =	sld [smem:$0x3FA6]  }
0x2f: {  	lr =	sadd.s32 s0, s3;
	s0 =	sld [smem:$0x3F9D]  }
0x30: {  	s3 =	sld [smem:$0x3FA0]  }
0x31: {  	[smem:$0x3FA9] =	sst s10  }
0x32: {  	s10 =	sld [smem:$0x3FA7];
	_ =	sdelay $0x3  }
0x33: {  	p0 =	seq.s32 s10, $0x1;
	s10 =	sld [smem:$0x3FA9];
	_ =	sdelay $0x3  }
0x34: {  	[smem:$0x3FA9] =	sst s10  }
0x35: {  	s10 =	sld [smem:$0x3FA8];
	_ =	sdelay $0x3  }
0x36: {  	p1 =	seq.s32 s10, $0x1;
	s10 =	sld [smem:$0x3FA9];
	_ =	sdelay $0x3  }
0x37: {  	[smem:$0x3FA9] =	sst s10  }
0x38: {  	s10 =	sld [smem:$0x3FAA]  }
0x39: {  	_ = 	snop;
	(pc) =	sbr.ind lr, $3  }
0x3a: {  	_ = 	snop  }
0x3b: {  	_ = 	snop  }
0x3c: {  	p2 =	seq.s32 s10, $0x1;
	s10 =	sld [smem:$0x3FA9]  }
0x3d: {  	_ =	shalt  }
0x3e: {  	_ =	shalt  }
0x3f: {  	_ =	shalt  }
0x40: {  	_ =	shalt  }
0x41: {  	_ =	shalt  }
0x42: {  	_ =	shalt  }
0x43: {  	_ =	shalt  }
0x44: {  	_ =	shalt  }
0x45: {  	_ =	shalt  }
0x46: {  	_ =	shalt  }
0x47: {  	_ =	shalt  }
0x48: {  	_ =	shalt  }
0x49: {  	_ =	shalt  }
0x4a: {  	_ =	shalt  }
0x4b: {  	_ =	shalt  }
0x4c: {  	_ =	shalt  }
0x4d: {  	_ =	shalt  }
0x4e: {  	_ =	shalt  }
0x4f: {  	_ =	shalt  }
0x50: {  	_ =	shalt  }
0x51: {  	_ =	shalt  }
0x52: {  	_ =	shalt  }
0x53: {  	_ =	shalt  }
0x54: {  	_ =	shalt  }
0x55: {  	_ =	shalt  }
0x56: {  	_ =	shalt  }
0x57: {  	_ =	shalt  }
0x58: {  	_ =	shalt  }
0x59: {  	_ =	shalt  }
0x5a: {  	_ =	shalt  }
0x5b: {  	_ =	shalt  }
0x5c: {  	_ =	shalt  }
0x5d: {  	_ =	shalt  }
0x5e: {  	_ =	shalt  }
0x5f: {  	_ =	shalt  }
0x60: {  	_ =	shalt  }
0x61: {  	_ =	shalt  }
0x62: {  	_ =	shalt  }
0x63: {  	_ =	shalt  }
0x64: {  	_ =	shalt  }
0x65: {  	_ =	shalt  }
0x66: {  	_ =	shalt  }
0x67: {  	_ =	shalt  }
0x68: {  	_ =	shalt  }
0x69: {  	_ =	shalt  }
0x6a: {  	_ =	shalt  }
0x6b: {  	_ =	shalt  }
0x6c: {  	_ =	shalt  }
0x6d: {  	_ =	shalt  }
0x6e: {  	_ =	shalt  }
0x6f: {  	_ =	shalt  }
0x70: {  	_ =	shalt  }
0x71: {  	_ =	shalt  }
0x72: {  	_ =	shalt  }
0x73: {  	_ =	shalt  }
0x74: {  	_ =	shalt  }
0x75: {  	_ =	shalt  }
0x76: {  	_ =	shalt  }
0x77: {  	_ =	shalt  }
0x78: {  	_ =	shalt  }
0x79: {  	_ =	shalt  }
0x7a: {  	_ =	shalt  }
0x7b: {  	_ =	shalt  }
0x7c: {  	_ =	shalt  }
0x7d: {  	_ =	shalt  }
0x7e: {  	_ =	shalt  }
0x7f: {  	_ =	shalt  }
0x80: {  	_ =	shalt  }
0x81: {  	_ =	shalt  }
0x82: {  	_ =	shalt  }
0x83: {  	_ =	shalt  }
0x84: {  	_ =	shalt  }
0x85: {  	_ =	shalt  }
0x86: {  	_ =	shalt  }
0x87: {  	_ =	shalt  }
.Lfunc_end0:
.L_simem_size_0:
called_computation.1_lowered:
.L_overlay_start_0:
0x88: {  	s2 =	sld [smem:$0x3FD9]  }
0x89: {  	s3 =	sld [smem:$0x3FFE];
	_ =	sdelay $0x1  }
0x8a: {  	s1 =	srdreg.scid  }
0x8b: {  	s0 =	sand.u32 $0x1, s1  }
0x8c: {  	s16 =	sshll.u32 s0, $0xA;
	s2 =	sadd.s32 s3, s2  }
0x8d: {  	s2 =	sadd.s32 s2, s16  }
0x8e: {  	[smem:$0x3FB5] =	sst s2  }
0x8f: {  	_ = 	snop  }
0x90: {  	(tm) =	ssettm $0x1  }
0x91: {  	s17 =	sld [smem:$0x3FFB];
	_ =	sdelay $0x3  }
0x92: {  	_ =	strace s17  }
0x93: {  	s2 =	sld [smem:$0x3FFC];
	_ =	sdelay $0x3  }
0x94: {  	_ =	strace s2  }
0x95: {  	s2 =	sld [smem:$0x3FFD];
	_ =	sdelay $0x3  }
0x96: {  	_ =	strace s2  }
0x97: {  	_ =	strace $0x8FFFFFFF  }
0x98: {  	s18 =	sld [smem:$0x3FDB];
	_ =	sdelay $0x1  }
0x99: {  	s19 =	simm.s32 $_scs_section_size  }
0x9a: {  	s4 =	simm.s32 $_size__tile_overlayer_lowered;
	s5 =	simm.s32 $_tile_overlayer_lowered  }
0x9b: {  	s22 =	simm.s32 $0x1BFF;
	s21 =	sshll.u32 s5, $0x1;
	s2 =	sadd.s32 s19, s18  }
0x9c: {  	s6 =	simm.s32 $0x0;
	s20 =	sshll.u32 s4, $0x1;
	s4 =	sadd.s32 s21, s2  }
0x9d: {  	[timem:s6], [sflag:s22] =	dma.local [hbm:s4], s20  }
0x9e: {  	_ =	swait.ge [sflag:s22], s20  }
0x9f: {  	s3 =	ssub.s32 $0x0, s20;
	[sflag:s22] =	ssyncset.done $0x0  }
0xa0: {  	[sflag:s22] =	ssyncadd.s32 s3;
	_ =	sdelay $0x1  }
0xa1: {  	s23 =	simm.s32 $0x1B8B  }
0xa2: {  	_ =	swait.ge [sflag:s23], $0x1  }
0xa3: {  	[sflag:s23] =	ssyncset.done $0x0  }
0xa4: {  	s25 =	simm.s32 $0x1B8E;
	s24 =	sld [smem:$0x3FFE];
	[sflag:s23] =	ssyncadd.s32 $0xFFFFFFFF  }
0xa5: {  	s26 =	simm.s32 $execute0_lowered;
	[smem:$0x3FD2] =	sst s25  }
0xa6: {  	s4 =	sshll.u32 s26, $0x1;
	_ =	strace $0x80000049;
	[dreg:$0x1] =	wrdreg $0xFFFFFFFF  }
0xa7: {  	s28 =	simm.s32 $_size_execute0_lowered;
	s2 =	sadd.s32 s2, s4;
	[dreg:$0x0] =	wrdreg $0x0  }
0xa8: {  	s4 =	sshll.u32 s28, $0x1;
	[dreg:$0x2] =	wrdreg s2  }
0xa9: {  	[dreg:$0x3] =	wrdreg s4  }
0xaa: {  	[dreg:$0x4] =	wrdreg $0xC0  }
0xab: {  	_ =	task [dreg:s6], $0x5FFFF  }
0xac: {  	[dreg:$0x1] =	wrdreg $0xFFFFFFFF  }
0xad: {  	[dreg:$0x0] =	wrdreg $0x60  }
0xae: {  	[dreg:$0x2] =	wrdreg s24  }
0xaf: {  	[dreg:$0x3] =	wrdreg $0x52000  }
0xb0: {  	[dreg:$0x4] =	wrdreg $0x9  }
0xb1: {  	_ =	task.clear_ibuf [dreg:s6], $0x5FFFF;
	_ =	strace $0x90000049  }
0xb2: {  	s29 =	simm.s32 $0x9;
	_ =	strace $0x8000004B  }
0xb3: {  	_ =	swait.ge [sflag:s29], $0x1  }
0xb4: {  	[sflag:s29] =	ssyncadd.s32 $0xFFFFFFFF  }
0xb5: {  	_ =	strace $0x9000004B  }
0xb6: {  	_ =	sfence  }
0xb7: {  	s30 =	sld [smem:$0x0];
	_ =	sdelay $0x2  }
0xb8: {  	s31 =	sshll.u32 s1, $0xD;
	s1 =	sshrl.u32 s1, $0x2  }
0xb9: {  	s3 =	sand.u32 $0x4000, s31;
	s1 =	sadd.s32 s1, s30  }
0xba: {  	s0 =	sor.u32 s3, s0;
	s1 =	sshll.u32 s1, $0x11  }
0xbb: {  	s0 =	sor.u32 s1, s0  }
0xbc: {  	s0 =	sadd.s32 $0x8F2B, s0  }
0xbd: {  	[sflag:s0] =	ssyncadd.remote.s32 $0x1  }
0xbe: {  	_ =	sfence.sel $0xFFFF  }
0xbf: {  	[dreg:$0x0] =	wrdreg $0xFFFFFFFF;
	(pc) =	sbr.abs _section_cstart, $3  }
0xc0: {  	[dreg:$0x1] =	wrdreg $0xFFFFFFFF  }
0xc1: {  	_ =	task.clear_ibuf [dreg:s6], $0x2FFFF;
	_ =	strace $0x9FFFFFFF  }
0xc2: {  	(tm) =	ssettm $0x7FFFFFFF  }
0xc3: {  	_ =	shalt  }
tec
execute0_lowered:
.L_overlay_start_1:
0x0: {  	(tag) =	ssettag $0x1  }
0x1: {  	s0 =	rddreg [dreg:$0x0]  }
0x2: {  	s1 =	rddreg [dreg:$0x1];
	s2 =	simm.s32 $0x0;
	s3 =	srdreg.scid  }
0x3: {  	s13 =	stileid.u32;
	[smem:$0x7FF] =	sst s2  }
0x4: {  	s4 =	sadd.s32 $0x2E00, s0;
	s3 =	sand.u32 $0x1, s3;
	s5 =	smul.u32 $0x278, s13  }
0x5: {  	s6 =	sshll.u32 s13, $0x1;
	s7 =	sadd.s32 $0x79800, s0;
	s8 =	smul.u32 $0x31600, s13  }
0x6: {  	s9 =	sadd.s32 $0x6F800, s0;
	s22 =	sadd.s32 $0x25600, s0;
	s0 =	sadd.s32 $0x3E200, s0  }
0x7: {  	s17 =	smul.u32 $0x5000, s13;
	s13 =	simm.s32 $0x180;
	_ =	strace $0x8000004A  }
0x8: {  	s6 =	sor.u32 s3, s6;
	s10 =	ssub.s32 $0x2, s3;
	s12 =	smul.u32 $0x2780, s3  }
0x9: {  	[dreg:$0x3] =	wrdreg s22;
	s3 =	smul.u32 $0x2800, s3;
	s23 =	sshrl.u32 s10, $0x1  }
0xa: {  	s11 =	smul.u32 $0x2800, s6;
	s24 =	sshrl.u32 s8, $0x2;
	s10 =	ssub.s32 s10, s23  }
0xb: {  	s6 =	sadd.s32 s24, s1;
	s5 =	sadd.s32 s5, s12;
	s3 =	sadd.s32 s3, s17  }
0xc: {  	s17 =	simm.s32 $0x2;
	s25 =	sshrl.u32 s11, $0x3;
	s12 =	smul.u32 $0x50, s5  }
0xd: {  	s5 =	smul.u32 $0xA, s5;
	s24 =	sor.u32 $0x180, s3;
	s3 =	sor.u32 $0x100, s3  }
0xe: {  	s28 =	sadd.s32 $0x2800, s6;
	s29 =	sadd.s32 $0x3C00, s6;
	s30 =	sadd.s32 $0x5000, s6  }
0xf: {  	s31 =	sadd.s32 $0x6400, s6;
	s11 =	sadd.s32 s7, s25;
	s26 =	sor.u32 $0x10, s25  }
0x10: {  	s8 =	sadd.s32 s9, s25;
	s3 =	sshrl.u32 s3, $0x3;
	[dreg:$0x4] =	wrdreg s11  }
0x11: {  	[dreg:$0x5] =	wrdreg s8;
	s14 =	sadd.s32 s7, s26;
	s15 =	sadd.s32 s9, s26  }
0x12: {  	s16 =	sshrl.u32 s12, $0x3;
	s5 =	sadd.s32 s0, s5;
	[dreg:$0x6] =	wrdreg s14  }
0x13: {  	s26 =	smax.u32 s10, $0x1;
	s10 =	simm.s32 $0x80;
	[dreg:$0x7] =	wrdreg s15  }
0x14: {  	s11 =	simm.s32 $0x3;
	[dreg:$0x8] =	wrdreg s5;
	s0 =	sadd.s32 s0, s16  }
0x15: {  	s12 =	simm.s32 $0x100;
	[dreg:$0x12] =	wrdreg s26;
	s18 =	sadd.s32 $0x280, s0  }
0x16: {  	s5 =	sshrl.u32 s24, $0x3;
	s19 =	sadd.s32 $0x500, s0;
	[dreg:$0x9] =	wrdreg s18  }
0x17: {  	s26 =	sadd.s32 $0x1400, s6;
	s20 =	sadd.s32 $0x780, s0;
	[dreg:$0xa] =	wrdreg s19  }
0x18: {  	s14 =	simm.s32 $0x1;
	s21 =	sadd.s32 $0xA00, s0;
	[dreg:$0xb] =	wrdreg s20  }
0x19: {  	s15 =	simm.s32 $0x4;
	s22 =	sadd.s32 $0xC80, s0;
	[dreg:$0xc] =	wrdreg s21  }
0x1a: {  	s16 =	simm.s32 $0x2A00;
	s23 =	sadd.s32 $0xF00, s0;
	[dreg:$0xd] =	wrdreg s22  }
0x1b: {  	s8 =	sadd.s32 $0x1180, s0;
	s25 =	sadd.s32 $0x1400, s0;
	[dreg:$0xe] =	wrdreg s23  }
0x1c: {  	s0 =	sadd.s32 $0x1680, s0;
	[dreg:$0xf] =	wrdreg s8;
	s19 =	sadd.s32 s5, s9  }
0x1d: {  	s20 =	sadd.s32 s5, s7;
	s21 =	sadd.s32 s3, s9;
	[dreg:$0x10] =	wrdreg s25  }
0x1e: {  	s22 =	sadd.s32 s3, s7;
	[dreg:$0x11] =	wrdreg s0;
	s0 =	sadd.s32 $0x7800, s6  }
0x1f: {  	s3 =	sadd.s32 $0x8C00, s6;
	s5 =	sadd.s32 $0xA000, s6;
	s7 =	sadd.s32 $0xB400, s6  }
0x20: {  	s8 =	simm.s32 $0x200;
	s9 =	simm.s32 $0x5;
	s18 =	simm.s32 $0x0  }
.LBB2_1:
0x21: {  	s23 =	rddreg [dreg:$0x3]  }
0x22: {  	[tilespmem:s8], [sflag:$0x5] =	stream.linear.gather [hbm4b:s23+s2], $0x2800, $0x38;
	[tilespmem:$0x11780] =	vst v63  }
0x23: {  	_ =	swait.ge [sflag:s9], $0x2800  }
0x24: {  	[sflag:s9] =	ssyncset.done $0x0  }
0x25: {  	[sflag:s9] =	ssyncadd.s32 $0xFFFFD800  }
0x26: {  	[spmem:s6] =	stream.linear.scatter [tilespmem:s8], [sflag:$0x5], $0x1400, $0x38;
	[tilespmem:$0x11780] =	vst v63  }
0x27: {  	_ =	swait.ge [sflag:s9], $0x1400  }
0x28: {  	[sflag:s9] =	ssyncset.done $0x0  }
0x29: {  	[sflag:s9] =	ssyncadd.s32 $0xFFFFEC00  }
0x2a: {  	[spmem:s26] =	stream.linear.scatter [tilespmem:s8], [sflag:$0x5], $0x1400, $0x38;
	[tilespmem:$0x11780] =	vst v63  }
0x2b: {  	_ =	swait.ge [sflag:s9], $0x1400  }
0x2c: {  	[sflag:s9] =	ssyncset.done $0x0  }
0x2d: {  	[sflag:s9] =	ssyncadd.s32 $0xFFFFEC00  }
0x2e: {  	[spmem:s28] =	stream.linear.scatter [tilespmem:s8], [sflag:$0x5], $0x1400, $0x38;
	[tilespmem:$0x11780] =	vst v63  }
0x2f: {  	_ =	swait.ge [sflag:s9], $0x1400  }
0x30: {  	[sflag:s9] =	ssyncset.done $0x0  }
0x31: {  	[sflag:s9] =	ssyncadd.s32 $0xFFFFEC00  }
0x32: {  	[spmem:s29] =	stream.linear.scatter [tilespmem:s8], [sflag:$0x5], $0x1400, $0x38;
	[tilespmem:$0x11780] =	vst v63  }
0x33: {  	_ =	swait.ge [sflag:s9], $0x1400  }
0x34: {  	[sflag:s9] =	ssyncset.done $0x0  }
0x35: {  	[sflag:s9] =	ssyncadd.s32 $0xFFFFEC00  }
0x36: {  	[spmem:s30] =	stream.linear.scatter [tilespmem:s8], [sflag:$0x5], $0x1400, $0x38;
	[tilespmem:$0x11780] =	vst v63  }
0x37: {  	_ =	swait.ge [sflag:s9], $0x1400  }
0x38: {  	[sflag:s9] =	ssyncset.done $0x0  }
0x39: {  	[sflag:s9] =	ssyncadd.s32 $0xFFFFEC00  }
0x3a: {  	[spmem:s31] =	stream.linear.scatter [tilespmem:s8], [sflag:$0x5], $0x1400, $0x38;
	[tilespmem:$0x11780] =	vst v63  }
0x3b: {  	_ =	swait.ge [sflag:s9], $0x1400  }
0x3c: {  	[sflag:s9] =	ssyncset.done $0x0  }
0x3d: {  	[sflag:s9] =	ssyncadd.s32 $0xFFFFEC00  }
0x3e: {  	[spmem:s0] =	stream.linear.scatter [tilespmem:s8], [sflag:$0x5], $0x1400, $0x38;
	[tilespmem:$0x11780] =	vst v63  }
0x3f: {  	_ =	swait.ge [sflag:s9], $0x1400  }
0x40: {  	[sflag:s9] =	ssyncset.done $0x0  }
0x41: {  	[sflag:s9] =	ssyncadd.s32 $0xFFFFEC00  }
0x42: {  	[spmem:s3] =	stream.linear.scatter [tilespmem:s8], [sflag:$0x5], $0x1400, $0x38;
	[tilespmem:$0x11780] =	vst v63  }
0x43: {  	_ =	swait.ge [sflag:s9], $0x1400  }
0x44: {  	[sflag:s9] =	ssyncset.done $0x0  }
0x45: {  	[sflag:s9] =	ssyncadd.s32 $0xFFFFEC00  }
0x46: {  	[spmem:s5] =	stream.linear.scatter [tilespmem:s8], [sflag:$0x5], $0x1400, $0x38;
	[tilespmem:$0x11780] =	vst v63  }
0x47: {  	_ =	swait.ge [sflag:s9], $0x1400  }
0x48: {  	[sflag:s9] =	ssyncset.done $0x0  }
0x49: {  	[sflag:s9] =	ssyncadd.s32 $0xFFFFEC00  }
0x4a: {  	[spmem:s7] =	stream.linear.scatter [tilespmem:s8], [sflag:$0x5], $0x1180, $0x38;
	[tilespmem:$0x11780] =	vst v63  }
0x4b: {  	_ =	swait.ge [sflag:s9], $0x1180  }
0x4c: {  	[sflag:s9] =	ssyncset.done $0x0  }
0x4d: {  	[sflag:s9] =	ssyncadd.s32 $0xFFFFEE80  }
0x4e: {  	[bflag:$0x0] =	sbarrier.arrive $0xFFFF  }
0x4f: {  	s25 =	rddreg [dreg:$0x4]  }
0x50: {  	[tilespmem:s2], [sflag:$0x3] =	stream.linear.gather [hbm4b:s25+s2], $0x80, $0x38;
	[tilespmem:$0x11780] =	vst v63  }
0x51: {  	s24 =	rddreg [dreg:$0x5]  }
0x52: {  	[tilespmem:s10], [sflag:$0x3] =	stream.linear.gather [hbm4b:s24+s2], $0x80, $0x38;
	[tilespmem:$0x11780] =	vst v63  }
0x53: {  	_ =	swait.ge [sflag:s11], $0x80  }
0x54: {  	[sflag:s11] =	ssyncset.done $0x0  }
0x55: {  	[sflag:s11] =	ssyncadd.s32 $0xFFFFFF80  }
0x56: {  	_ =	swait.ge [sflag:s11], $0x80  }
0x57: {  	[sflag:s11] =	ssyncset.done $0x0  }
0x58: {  	[sflag:s11] =	ssyncadd.s32 $0xFFFFFF80  }
0x59: {  	[tilespmem:s8], [sflag:$0x1] =	stream.indirect.gather [hbm4b:s4+s10], $0x50, s2, s10, $0xb8;
	[tilespmem:$0x11780] =	vst v63  }
0x5a: {  	s25 =	rddreg [dreg:$0x6]  }
0x5b: {  	[tilespmem:s12], [sflag:$0x4] =	stream.linear.gather [hbm4b:s25+s2], $0x80, $0x38;
	[tilespmem:$0x11780] =	vst v63  }
0x5c: {  	s24 =	rddreg [dreg:$0x7]  }
0x5d: {  	[tilespmem:s13], [sflag:$0x4] =	stream.linear.gather [hbm4b:s24+s2], $0x80, $0x38;
	[tilespmem:$0x11780] =	vst v63  }
0x5e: {  	_ =	swait.ge [sflag:s14], $0x2800  }
0x5f: {  	[sflag:s14] =	ssyncset.done $0x0  }
0x60: {  	[sflag:s14] =	ssyncadd.s32 $0xFFFFD800  }
0x61: {  	_ =	swait.ge [sflag:s15], $0x80  }
0x62: {  	[sflag:s15] =	ssyncset.done $0x0  }
0x63: {  	[sflag:s15] =	ssyncadd.s32 $0xFFFFFF80  }
0x64: {  	_ =	swait.ge [sflag:s15], $0x80  }
0x65: {  	[sflag:s15] =	ssyncset.done $0x0  }
0x66: {  	[sflag:s15] =	ssyncadd.s32 $0xFFFFFF80  }
0x67: {  	[tilespmem:s16], [sflag:$0x2] =	stream.indirect.gather [hbm4b:s4+s10], $0x50, s12, s10, $0xb8;
	[tilespmem:$0x11780] =	vst v63  }
0x68: {  	_ = 	snop  }
0x69: {  	[spmem:s1] =	stream.indirect.scatter.add.f32 [tilespmem:s8], [sflag:$0x5], $0x50, s10, s10, $0xb8;
	[tilespmem:$0x11780] =	vst v63  }
0x6a: {  	_ =	swait.ge [sflag:s9], $0x2800  }
0x6b: {  	[sflag:s9] =	ssyncset.done $0x0  }
0x6c: {  	s25 =	sadd.s32 $0x0, s22;
	[sflag:s9] =	ssyncadd.s32 $0xFFFFD800  }
0x6d: {  	[tilespmem:s2], [sflag:$0x3] =	stream.linear.gather [hbm4b:s25+s2], $0x80, $0x38;
	[tilespmem:$0x11780] =	vst v63  }
0x6e: {  	s24 =	sadd.s32 $0x0, s21  }
0x6f: {  	[tilespmem:s10], [sflag:$0x3] =	stream.linear.gather [hbm4b:s24+s2], $0x80, $0x38;
	[tilespmem:$0x11780] =	vst v63  }
0x70: {  	_ =	swait.ge [sflag:s17], $0x2800  }
0x71: {  	[sflag:s17] =	ssyncset.done $0x0  }
0x72: {  	[sflag:s17] =	ssyncadd.s32 $0xFFFFD800  }
0x73: {  	_ =	swait.ge [sflag:s11], $0x80  }
0x74: {  	[sflag:s11] =	ssyncset.done $0x0  }
0x75: {  	[sflag:s11] =	ssyncadd.s32 $0xFFFFFF80  }
0x76: {  	_ =	swait.ge [sflag:s11], $0x80  }
0x77: {  	[sflag:s11] =	ssyncset.done $0x0  }
0x78: {  	[sflag:s11] =	ssyncadd.s32 $0xFFFFFF80  }
0x79: {  	[tilespmem:s8], [sflag:$0x1] =	stream.indirect.gather [hbm4b:s4+s10], $0x50, s2, s10, $0xb8;
	[tilespmem:$0x11780] =	vst v63  }
0x7a: {  	_ = 	snop  }
0x7b: {  	[spmem:s1] =	stream.indirect.scatter.add.f32 [tilespmem:s16], [sflag:$0x5], $0x50, s13, s10, $0xb8;
	[tilespmem:$0x11780] =	vst v63  }
0x7c: {  	_ =	swait.ge [sflag:s9], $0x2800  }
0x7d: {  	s23 =	simm.s32 $0x20;
	[sflag:s9] =	ssyncset.done $0x0  }
0x7e: {  	s25 =	sadd.s32 $0x0, s20;
	s24 =	sadd.s32 $0x0, s19;
	[sflag:s9] =	ssyncadd.s32 $0xFFFFD800  }
0x7f: {  	[tilespmem:s12], [sflag:$0x4] =	stream.linear.gather [hbm4b:s25+s2], $0x80, $0x38;
	[tilespmem:$0x11780] =	vst v63  }
.LBB2_2:
0x80: {  	[tilespmem:s13], [sflag:$0x4] =	stream.linear.gather [hbm4b:s24+s2], $0x80, $0x38;
	[tilespmem:$0x11780] =	vst v63  }
0x81: {  	s24 =	smov.u32 s23  }
0x82: {  	p0 =	sne.s32 s23, $0x4C0;
	s23 =	sadd.s32 $0x20, s23;
	_ =	swait.ge [sflag:s14], $0x2800  }
0x83: {  	[sflag:s14] =	ssyncset.done $0x0  }
0x84: {  	[sflag:s14] =	ssyncadd.s32 $0xFFFFD800  }
0x85: {  	_ =	swait.ge [sflag:s15], $0x80  }
0x86: {  	[sflag:s15] =	ssyncset.done $0x0  }
0x87: {  	[sflag:s15] =	ssyncadd.s32 $0xFFFFFF80  }
0x88: {  	_ =	swait.ge [sflag:s15], $0x80  }
0x89: {  	[sflag:s15] =	ssyncset.done $0x0  }
0x8a: {  	[sflag:s15] =	ssyncadd.s32 $0xFFFFFF80  }
0x8b: {  	[tilespmem:s16], [sflag:$0x2] =	stream.indirect.gather [hbm4b:s4+s10], $0x50, s12, s10, $0xb8;
	[tilespmem:$0x11780] =	vst v63  }
0x8c: {  	_ = 	snop  }
0x8d: {  	[spmem:s1] =	stream.indirect.scatter.add.f32 [tilespmem:s8], [sflag:$0x5], $0x50, s10, s10, $0xb8;
	[tilespmem:$0x11780] =	vst v63  }
0x8e: {  	_ =	swait.ge [sflag:s9], $0x2800  }
0x8f: {  	[sflag:s9] =	ssyncset.done $0x0  }
0x90: {  	s25 =	sadd.s32 s24, s22;
	[sflag:s9] =	ssyncadd.s32 $0xFFFFD800  }
0x91: {  	[tilespmem:s2], [sflag:$0x3] =	stream.linear.gather [hbm4b:s25+s2], $0x80, $0x38;
	[tilespmem:$0x11780] =	vst v63  }
0x92: {  	s25 =	sadd.s32 s24, s21  }
0x93: {  	[tilespmem:s10], [sflag:$0x3] =	stream.linear.gather [hbm4b:s25+s2], $0x80, $0x38;
	[tilespmem:$0x11780] =	vst v63  }
0x94: {  	_ =	swait.ge [sflag:s17], $0x2800  }
0x95: {  	[sflag:s17] =	ssyncset.done $0x0  }
0x96: {  	[sflag:s17] =	ssyncadd.s32 $0xFFFFD800  }
0x97: {  	_ =	swait.ge [sflag:s11], $0x80  }
0x98: {  	[sflag:s11] =	ssyncset.done $0x0  }
0x99: {  	[sflag:s11] =	ssyncadd.s32 $0xFFFFFF80  }
0x9a: {  	_ =	swait.ge [sflag:s11], $0x80  }
0x9b: {  	[sflag:s11] =	ssyncset.done $0x0  }
0x9c: {  	[sflag:s11] =	ssyncadd.s32 $0xFFFFFF80  }
0x9d: {  	[tilespmem:s8], [sflag:$0x1] =	stream.indirect.gather [hbm4b:s4+s10], $0x50, s2, s10, $0xb8;
	[tilespmem:$0x11780] =	vst v63  }
0x9e: {  	_ = 	snop  }
0x9f: {  	[spmem:s1] =	stream.indirect.scatter.add.f32 [tilespmem:s16], [sflag:$0x5], $0x50, s13, s10, $0xb8;
	[tilespmem:$0x11780] =	vst v63  }
.Ltmp0:
0xa0: {  	_ =	swait.ge [sflag:s9], $0x2800;
	(pc) =	sbr.rel @p0 .LBB2_2-.Ltmp0, $4  }
0xa1: {  	[sflag:s9] =	ssyncset.done $0x0  }
0xa2: {  	s25 =	sadd.s32 s24, s20;
	[sflag:s9] =	ssyncadd.s32 $0xFFFFD800  }
0xa3: {  	[tilespmem:s12], [sflag:$0x4] =	stream.linear.gather [hbm4b:s25+s2], $0x80, $0x38;
	[tilespmem:$0x11780] =	vst v63  }
0xa4: {  	s24 =	sadd.s32 s24, s19  }
0xa5: {  	[tilespmem:s13], [sflag:$0x4] =	stream.linear.gather [hbm4b:s24+s2], $0x80, $0x38;
	[tilespmem:$0x11780] =	vst v63  }
0xa6: {  	_ =	swait.ge [sflag:s14], $0x2800  }
0xa7: {  	[sflag:s14] =	ssyncset.done $0x0  }
0xa8: {  	[sflag:s14] =	ssyncadd.s32 $0xFFFFD800  }
0xa9: {  	_ =	swait.ge [sflag:s15], $0x80  }
0xaa: {  	[sflag:s15] =	ssyncset.done $0x0  }
0xab: {  	[sflag:s15] =	ssyncadd.s32 $0xFFFFFF80  }
0xac: {  	_ =	swait.ge [sflag:s15], $0x80  }
0xad: {  	[sflag:s15] =	ssyncset.done $0x0  }
0xae: {  	[sflag:s15] =	ssyncadd.s32 $0xFFFFFF80  }
0xaf: {  	[tilespmem:s16], [sflag:$0x2] =	stream.indirect.gather [hbm4b:s4+s10], $0x50, s12, s10, $0xb8;
	[tilespmem:$0x11780] =	vst v63  }
0xb0: {  	_ = 	snop  }
0xb1: {  	[spmem:s1] =	stream.indirect.scatter.add.f32 [tilespmem:s8], [sflag:$0x5], $0x50, s10, s10, $0xb8;
	[tilespmem:$0x11780] =	vst v63  }
0xb2: {  	_ =	swait.ge [sflag:s9], $0x2800  }
0xb3: {  	[sflag:s9] =	ssyncset.done $0x0  }
0xb4: {  	[sflag:s9] =	ssyncadd.s32 $0xFFFFD800  }
0xb5: {  	_ =	swait.ge [sflag:s17], $0x2800  }
0xb6: {  	[sflag:s17] =	ssyncset.done $0x0  }
0xb7: {  	[sflag:s17] =	ssyncadd.s32 $0xFFFFD800  }
0xb8: {  	[spmem:s1] =	stream.indirect.scatter.add.f32 [tilespmem:s16], [sflag:$0x5], $0x50, s13, s10, $0xb8;
	[tilespmem:$0x11780] =	vst v63  }
0xb9: {  	_ =	swait.ge [sflag:s9], $0x2800  }
0xba: {  	[sflag:s9] =	ssyncset.done $0x0  }
0xbb: {  	[sflag:s9] =	ssyncadd.s32 $0xFFFFD800  }
0xbc: {  	[bflag:$0x0] =	sbarrier.arrive $0xFFFF  }
0xbd: {  	[tilespmem:s8], [sflag:$0x5] =	stream.linear.gather [spmem:s6], $0x1400, $0x38;
	[tilespmem:$0x11780] =	vst v63  }
0xbe: {  	_ =	swait.ge [sflag:s9], $0x1400  }
0xbf: {  	[sflag:s9] =	ssyncset.done $0x0  }
0xc0: {  	s23 =	rddreg [dreg:$0x8];
	[sflag:s9] =	ssyncadd.s32 $0xFFFFEC00  }
0xc1: {  	[hbm4b:s23+s2] =	stream.linear.scatter [tilespmem:s8], [sflag:$0x5], $0x1400, $0x38;
	[tilespmem:$0x11780] =	vst v63  }
0xc2: {  	_ =	swait.ge [sflag:s9], $0x1400  }
0xc3: {  	[sflag:s9] =	ssyncset.done $0x0  }
0xc4: {  	[sflag:s9] =	ssyncadd.s32 $0xFFFFEC00  }
0xc5: {  	[tilespmem:s8], [sflag:$0x5] =	stream.linear.gather [spmem:s26], $0x1400, $0x38;
	[tilespmem:$0x11780] =	vst v63  }
0xc6: {  	_ =	swait.ge [sflag:s9], $0x1400  }
0xc7: {  	[sflag:s9] =	ssyncset.done $0x0  }
0xc8: {  	s24 =	rddreg [dreg:$0x9];
	[sflag:s9] =	ssyncadd.s32 $0xFFFFEC00  }
0xc9: {  	[hbm4b:s24+s2] =	stream.linear.scatter [tilespmem:s8], [sflag:$0x5], $0x1400, $0x38;
	[tilespmem:$0x11780] =	vst v63  }
0xca: {  	_ =	swait.ge [sflag:s9], $0x1400  }
0xcb: {  	[sflag:s9] =	ssyncset.done $0x0  }
0xcc: {  	[sflag:s9] =	ssyncadd.s32 $0xFFFFEC00  }
0xcd: {  	[tilespmem:s8], [sflag:$0x5] =	stream.linear.gather [spmem:s28], $0x1400, $0x38;
	[tilespmem:$0x11780] =	vst v63  }
0xce: {  	_ =	swait.ge [sflag:s9], $0x1400  }
0xcf: {  	[sflag:s9] =	ssyncset.done $0x0  }
0xd0: {  	s25 =	rddreg [dreg:$0xa];
	[sflag:s9] =	ssyncadd.s32 $0xFFFFEC00  }
0xd1: {  	[hbm4b:s25+s2] =	stream.linear.scatter [tilespmem:s8], [sflag:$0x5], $0x1400, $0x38;
	[tilespmem:$0x11780] =	vst v63  }
0xd2: {  	_ =	swait.ge [sflag:s9], $0x1400  }
0xd3: {  	[sflag:s9] =	ssyncset.done $0x0  }
0xd4: {  	[sflag:s9] =	ssyncadd.s32 $0xFFFFEC00  }
0xd5: {  	[tilespmem:s8], [sflag:$0x5] =	stream.linear.gather [spmem:s29], $0x1400, $0x38;
	[tilespmem:$0x11780] =	vst v63  }
0xd6: {  	_ =	swait.ge [sflag:s9], $0x1400  }
0xd7: {  	[sflag:s9] =	ssyncset.done $0x0  }
0xd8: {  	s24 =	rddreg [dreg:$0xb];
	[sflag:s9] =	ssyncadd.s32 $0xFFFFEC00  }
0xd9: {  	[hbm4b:s24+s2] =	stream.linear.scatter [tilespmem:s8], [sflag:$0x5], $0x1400, $0x38;
	[tilespmem:$0x11780] =	vst v63  }
0xda: {  	_ =	swait.ge [sflag:s9], $0x1400  }
0xdb: {  	[sflag:s9] =	ssyncset.done $0x0  }
0xdc: {  	[sflag:s9] =	ssyncadd.s32 $0xFFFFEC00  }
0xdd: {  	[tilespmem:s8], [sflag:$0x5] =	stream.linear.gather [spmem:s30], $0x1400, $0x38;
	[tilespmem:$0x11780] =	vst v63  }
0xde: {  	_ =	swait.ge [sflag:s9], $0x1400  }
0xdf: {  	[sflag:s9] =	ssyncset.done $0x0  }
0xe0: {  	s25 =	rddreg [dreg:$0xc];
	[sflag:s9] =	ssyncadd.s32 $0xFFFFEC00  }
0xe1: {  	[hbm4b:s25+s2] =	stream.linear.scatter [tilespmem:s8], [sflag:$0x5], $0x1400, $0x38;
	[tilespmem:$0x11780] =	vst v63  }
0xe2: {  	_ =	swait.ge [sflag:s9], $0x1400  }
0xe3: {  	[sflag:s9] =	ssyncset.done $0x0  }
0xe4: {  	[sflag:s9] =	ssyncadd.s32 $0xFFFFEC00  }
0xe5: {  	[tilespmem:s8], [sflag:$0x5] =	stream.linear.gather [spmem:s31], $0x1400, $0x38;
	[tilespmem:$0x11780] =	vst v63  }
0xe6: {  	_ =	swait.ge [sflag:s9], $0x1400  }
0xe7: {  	[sflag:s9] =	ssyncset.done $0x0  }
0xe8: {  	s24 =	rddreg [dreg:$0xd];
	[sflag:s9] =	ssyncadd.s32 $0xFFFFEC00  }
0xe9: {  	[hbm4b:s24+s2] =	stream.linear.scatter [tilespmem:s8], [sflag:$0x5], $0x1400, $0x38;
	[tilespmem:$0x11780] =	vst v63  }
0xea: {  	_ =	swait.ge [sflag:s9], $0x1400  }
0xeb: {  	[sflag:s9] =	ssyncset.done $0x0  }
0xec: {  	[sflag:s9] =	ssyncadd.s32 $0xFFFFEC00  }
0xed: {  	[tilespmem:s8], [sflag:$0x5] =	stream.linear.gather [spmem:s0], $0x1400, $0x38;
	[tilespmem:$0x11780] =	vst v63  }
0xee: {  	_ =	swait.ge [sflag:s9], $0x1400  }
0xef: {  	[sflag:s9] =	ssyncset.done $0x0  }
0xf0: {  	s25 =	rddreg [dreg:$0xe];
	[sflag:s9] =	ssyncadd.s32 $0xFFFFEC00  }
0xf1: {  	[hbm4b:s25+s2] =	stream.linear.scatter [tilespmem:s8], [sflag:$0x5], $0x1400, $0x38;
	[tilespmem:$0x11780] =	vst v63  }
0xf2: {  	_ =	swait.ge [sflag:s9], $0x1400  }
0xf3: {  	[sflag:s9] =	ssyncset.done $0x0  }
0xf4: {  	[sflag:s9] =	ssyncadd.s32 $0xFFFFEC00  }
0xf5: {  	[tilespmem:s8], [sflag:$0x5] =	stream.linear.gather [spmem:s3], $0x1400, $0x38;
	[tilespmem:$0x11780] =	vst v63  }
0xf6: {  	_ =	swait.ge [sflag:s9], $0x1400  }
0xf7: {  	[sflag:s9] =	ssyncset.done $0x0  }
0xf8: {  	s24 =	rddreg [dreg:$0xf];
	[sflag:s9] =	ssyncadd.s32 $0xFFFFEC00  }
0xf9: {  	[hbm4b:s24+s2] =	stream.linear.scatter [tilespmem:s8], [sflag:$0x5], $0x1400, $0x38;
	[tilespmem:$0x11780] =	vst v63  }
0xfa: {  	_ =	swait.ge [sflag:s9], $0x1400  }
0xfb: {  	[sflag:s9] =	ssyncset.done $0x0  }
0xfc: {  	[sflag:s9] =	ssyncadd.s32 $0xFFFFEC00  }
0xfd: {  	[tilespmem:s8], [sflag:$0x5] =	stream.linear.gather [spmem:s5], $0x1400, $0x38;
	[tilespmem:$0x11780] =	vst v63  }
0xfe: {  	_ =	swait.ge [sflag:s9], $0x1400  }
0xff: {  	[sflag:s9] =	ssyncset.done $0x0  }
0x100: {  	s25 =	rddreg [dreg:$0x10];
	[sflag:s9] =	ssyncadd.s32 $0xFFFFEC00  }
0x101: {  	[hbm4b:s25+s2] =	stream.linear.scatter [tilespmem:s8], [sflag:$0x5], $0x1400, $0x38;
	[tilespmem:$0x11780] =	vst v63  }
0x102: {  	_ =	swait.ge [sflag:s9], $0x1400  }
0x103: {  	[sflag:s9] =	ssyncset.done $0x0  }
0x104: {  	[sflag:s9] =	ssyncadd.s32 $0xFFFFEC00  }
0x105: {  	[tilespmem:s8], [sflag:$0x5] =	stream.linear.gather [spmem:s7], $0x1180, $0x38;
	[tilespmem:$0x11780] =	vst v63  }
0x106: {  	_ =	swait.ge [sflag:s9], $0x1180  }
0x107: {  	[sflag:s9] =	ssyncset.done $0x0  }
0x108: {  	s24 =	rddreg [dreg:$0x11];
	[sflag:s9] =	ssyncadd.s32 $0xFFFFEE80  }
0x109: {  	[hbm4b:s24+s2] =	stream.linear.scatter [tilespmem:s8], [sflag:$0x5], $0x1180, $0x38;
	[tilespmem:$0x11780] =	vst v63  }
0x10a: {  	_ =	swait.ge [sflag:s9], $0x1180  }
0x10b: {  	s18 =	sadd.s32 $0x1, s18;
	s25 =	rddreg [dreg:$0x12]  }
0x10c: {  	p0 =	sne.s32 s18, s25  }
.Ltmp1:
0x10d: {  	_ = 	snop;
	(pc) =	sbr.rel @p0 .LBB2_1-.Ltmp1, $3  }
0x10e: {  	_ =	sdelay $0x1  }
0x10f: {  	[sflag:s9] =	ssyncset.done $0x0  }
0x110: {  	[sflag:s9] =	ssyncadd.s32 $0xFFFFEE80  }
0x111: {  	_ =	sfence.sel $0x180000  }
0x112: {  	[bflag:$0x0] =	sbarrier.arrive $0xFFFF  }
0x113: {  	_ =	strace $0x9000004A  }
0x114: {  	s0 =	stileid.u32;
	[bflag:$0x2] =	sbarrier.arrive $0xFFFF  }
0x115: {  	p0 =	sne.s32 s0, $0x0;
	s0 =	rddreg [dreg:$0x2]  }
0x116: {  	s0 =	sadd.s32 @!p0 $0x100000, s0  }
0x117: {  	[sflag:s0] =	ssyncadd.tile.s32 @!p0 $0x1;
	_ =	shalt  }
.Lfunc_end2:
_tile_overlayer_lowered:
.L_overlay_start_2:
0x118: {  	(tag) =	ssettag $0x2  }
0x119: {  	s0 =	rddreg [dreg:$0x0];
	s2 =	stileid.u32  }
0x11a: {  	s1 =	rddreg [dreg:$0x1];
	p0 =	sne.s32 s2, $0x0  }
0x11b: {  	s3 =	rddreg [dreg:$0x2];
	[bflag:$0x3] =	sbarrier.arrive $0xFFFF;
	s2 =	simm.s32 @!p0 $0x1C05  }
0x11c: {  	[timem:s3], [sflag:s2] =	dma.local @!p0 [hbm:s0], s1  }
0x11d: {  	s0 =	simm.s32 @!p0 $0x5  }
0x11e: {  	_ =	swait.ge @!p0 [sflag:s0], s1  }
0x11f: {  	s1 =	ssub.s32 @!p0 $0x0, s1;
	[sflag:s0] =	ssyncset.done @!p0 $0x0  }
0x120: {  	[sflag:s0] =	ssyncadd.s32 @!p0 s1  }
0x121: {  	[bflag:$0x3] =	sbarrier.arrive $0xFFFF  }
0x122: {  	_ =	shalt  }

// kernel: kernel.7.cloned.1.call-start
scs
__scs_entry_jumppad:
0x0: {  	(pc) =	sbr.rel $0x88, $3  }
0x1: {  	(tag) =	ssettag $0x0;
	lr =	simm.s32 $0x1  }
0x2: {  	[smem:$0x3F8E] =	sst lr;
	_ =	strace $0xD0000000  }
0x3: {  	_ = 	snop  }
0x4: {  	_ = 	snop  }
0x5: {  	_ = 	snop  }
0x6: {  	_ = 	snop  }
0x7: {  	_ = 	snop  }
__scs_overlays_trampoline_lowered:
0x8: {  	[smem:$0x3F9D] =	sst s0  }
0x9: {  	[smem:$0x3F9E] =	sst s1  }
0xa: {  	[smem:$0x3F9F] =	sst s2  }
0xb: {  	[smem:$0x3FA0] =	sst s3  }
0xc: {  	[smem:$0x3FA1] =	sst s4  }
0xd: {  	[smem:$0x3FA2] =	sst s5  }
0xe: {  	[smem:$0x3FA3] =	sst s6  }
0xf: {  	[smem:$0x3FA4] =	sst s7  }
0x10: {  	[smem:$0x3FA5] =	sst s8  }
0x11: {  	[smem:$0x3FA6] =	sst s9;
	s0 =	simm.s32 @!p0 $0x0  }
0x12: {  	s1 =	sld [smem:$0x3F8C];
	s0 =	simm.s32 @p0 $0x1  }
0x13: {  	[smem:$0x3FA7] =	sst s0;
	s0 =	simm.s32 @!p1 $0x0  }
0x14: {  	s2 =	sld [smem:$0x3F8B];
	s0 =	simm.s32 @p1 $0x1  }
0x15: {  	[smem:$0x3FA8] =	sst s0;
	s0 =	simm.s32 @!p2 $0x0  }
0x16: {  	s3 =	sld [smem:$0x3FDB];
	s0 =	simm.s32 @p2 $0x1  }
0x17: {  	s4 =	simm.s32 $0x1BF5;
	[smem:$0x3FAA] =	sst s0  }
0x18: {  	s0 =	sld [smem:$0x3F8D];
	_ =	swait.ge [sflag:s4], $0x0  }
0x19: {  	s7 =	sld [smem:$0x3F8E]  }
0x1a: {  	s8 =	sadd.s32 $0xFFFFE003, lr  }
0x1b: {  	s9 =	sadd.s32 $0xFFFFFEF7, lr;
	s5 =	simm.s32 $0xFFFFFFFF;
	p2 =	slt.u32 s8, $0xFFFFF086  }
0x1c: {  	p1 =	slt.u32 s9, $0xF7A;
	s5 =	simm.s32 @!p2 $0x0  }
0x1d: {  	s5 =	simm.s32 @p1 $0x1;
	p0 =	seq.s32 s7, s2  }
0x1e: {  	s7 =	smul.u32 @!p0 $0xF7A, s2;
	p2 =	seq.s32 @!p0 s5, $0x0  }
0x1f: {  	s9 =	smul.u32 $0xF7A, s1;
	s8 =	simm.s32 @!p0 $0x1BF5;
	p2 =	por !p2, p0  }
0x20: {  	[sflag:s8] =	ssyncset.s32 @!p0 $0xFFFFF086;
	s6 =	sadd.s32 @!p0 s3, s7;
	s7 =	simm.s32 @!p0 $0x108  }
0x21: {  	s3 =	sadd.s32 s3, s9;
	s6 =	sadd.s32 @!p0 $0x88, s6;
	s7 =	simm.s32 @p2 $0x1082  }
0x22: {  	[simem:s7], [sflag:s8] =	dma.local @!p0 [hbm:s6], $0xF7A  }
0x23: {  	s9 =	sor.u32 $0xD0000000, s2;
	s6 =	simm.s32 $0x108;
	_ =	swait.ge @!p0 [sflag:s8], $0x0  }
0x24: {  	s3 =	sadd.s32 $0x88, s3;
	s6 =	simm.s32 @!p1 $0x1082;
	[sflag:s4] =	ssyncset.s32 $0xFFFFF086  }
0x25: {  	[simem:s6], [sflag:s4] =	dma.local [hbm:s3], $0xF7A  }
0x26: {  	[smem:$0x3F8E] =	sst s1;
	(tag) =	ssettag s2;
	_ =	strace s9  }
0x27: {  	s1 =	sld [smem:$0x3F9E]  }
0x28: {  	s2 =	sld [smem:$0x3F9F]  }
0x29: {  	s4 =	sld [smem:$0x3FA1]  }
0x2a: {  	p0 =	seq.s32 s5, $0x0;
	s5 =	sld [smem:$0x3FA2]  }
0x2b: {  	s6 =	sld [smem:$0x3FA3]  }
0x2c: {  	s7 =	sld [smem:$0x3FA4]  }
0x2d: {  	s3 =	simm.s32 $0x108;
	s8 =	sld [smem:$0x3FA5]  }
0x2e: {  	s3 =	simm.s32 @!p0 $0x1082;
	s9 =	sld [smem:$0x3FA6]  }
0x2f: {  	lr =	sadd.s32 s0, s3;
	s0 =	sld [smem:$0x3F9D]  }
0x30: {  	s3 =	sld [smem:$0x3FA0]  }
0x31: {  	[smem:$0x3FA9] =	sst s10  }
0x32: {  	s10 =	sld [smem:$0x3FA7];
	_ =	sdelay $0x3  }
0x33: {  	p0 =	seq.s32 s10, $0x1;
	s10 =	sld [smem:$0x3FA9];
	_ =	sdelay $0x3  }
0x34: {  	[smem:$0x3FA9] =	sst s10  }
0x35: {  	s10 =	sld [smem:$0x3FA8];
	_ =	sdelay $0x3  }
0x36: {  	p1 =	seq.s32 s10, $0x1;
	s10 =	sld [smem:$0x3FA9];
	_ =	sdelay $0x3  }
0x37: {  	[smem:$0x3FA9] =	sst s10  }
0x38: {  	s10 =	sld [smem:$0x3FAA]  }
0x39: {  	_ = 	snop;
	(pc) =	sbr.ind lr, $3  }
0x3a: {  	_ = 	snop  }
0x3b: {  	_ = 	snop  }
0x3c: {  	p2 =	seq.s32 s10, $0x1;
	s10 =	sld [smem:$0x3FA9]  }
0x3d: {  	_ =	shalt  }
0x3e: {  	_ =	shalt  }
0x3f: {  	_ =	shalt  }
0x40: {  	_ =	shalt  }
0x41: {  	_ =	shalt  }
0x42: {  	_ =	shalt  }
0x43: {  	_ =	shalt  }
0x44: {  	_ =	shalt  }
0x45: {  	_ =	shalt  }
0x46: {  	_ =	shalt  }
0x47: {  	_ =	shalt  }
0x48: {  	_ =	shalt  }
0x49: {  	_ =	shalt  }
0x4a: {  	_ =	shalt  }
0x4b: {  	_ =	shalt  }
0x4c: {  	_ =	shalt  }
0x4d: {  	_ =	shalt  }
0x4e: {  	_ =	shalt  }
0x4f: {  	_ =	shalt  }
0x50: {  	_ =	shalt  }
0x51: {  	_ =	shalt  }
0x52: {  	_ =	shalt  }
0x53: {  	_ =	shalt  }
0x54: {  	_ =	shalt  }
0x55: {  	_ =	shalt  }
0x56: {  	_ =	shalt  }
0x57: {  	_ =	shalt  }
0x58: {  	_ =	shalt  }
0x59: {  	_ =	shalt  }
0x5a: {  	_ =	shalt  }
0x5b: {  	_ =	shalt  }
0x5c: {  	_ =	shalt  }
0x5d: {  	_ =	shalt  }
0x5e: {  	_ =	shalt  }
0x5f: {  	_ =	shalt  }
0x60: {  	_ =	shalt  }
0x61: {  	_ =	shalt  }
0x62: {  	_ =	shalt  }
0x63: {  	_ =	shalt  }
0x64: {  	_ =	shalt  }
0x65: {  	_ =	shalt  }
0x66: {  	_ =	shalt  }
0x67: {  	_ =	shalt  }
0x68: {  	_ =	shalt  }
0x69: {  	_ =	shalt  }
0x6a: {  	_ =	shalt  }
0x6b: {  	_ =	shalt  }
0x6c: {  	_ =	shalt  }
0x6d: {  	_ =	shalt  }
0x6e: {  	_ =	shalt  }
0x6f: {  	_ =	shalt  }
0x70: {  	_ =	shalt  }
0x71: {  	_ =	shalt  }
0x72: {  	_ =	shalt  }
0x73: {  	_ =	shalt  }
0x74: {  	_ =	shalt  }
0x75: {  	_ =	shalt  }
0x76: {  	_ =	shalt  }
0x77: {  	_ =	shalt  }
0x78: {  	_ =	shalt  }
0x79: {  	_ =	shalt  }
0x7a: {  	_ =	shalt  }
0x7b: {  	_ =	shalt  }
0x7c: {  	_ =	shalt  }
0x7d: {  	_ =	shalt  }
0x7e: {  	_ =	shalt  }
0x7f: {  	_ =	shalt  }
0x80: {  	_ =	shalt  }
0x81: {  	_ =	shalt  }
0x82: {  	_ =	shalt  }
0x83: {  	_ =	shalt  }
0x84: {  	_ =	shalt  }
0x85: {  	_ =	shalt  }
0x86: {  	_ =	shalt  }
0x87: {  	_ =	shalt  }
.Lfunc_end0:
.L_simem_size_0:
called_computation_lowered:
.L_overlay_start_0:
0x88: {  	s2 =	sld [smem:$0x3FD9]  }
0x89: {  	s3 =	sld [smem:$0x3FFE];
	_ =	sdelay $0x1  }
0x8a: {  	s1 =	srdreg.scid  }
0x8b: {  	s0 =	sand.u32 $0x1, s1  }
0x8c: {  	s17 =	sshll.u32 s0, $0xA;
	s2 =	sadd.s32 s3, s2  }
0x8d: {  	s2 =	sadd.s32 s2, s17  }
0x8e: {  	[smem:$0x3FB5] =	sst s2  }
0x8f: {  	_ = 	snop  }
0x90: {  	s2 =	sld [smem:$0x3FD0];
	(tm) =	ssettm $0x1  }
0x91: {  	s18 =	sld [smem:$0x3FFB];
	_ =	sdelay $0x3  }
0x92: {  	_ =	strace s18  }
0x93: {  	s3 =	sld [smem:$0x3FFC];
	_ =	sdelay $0x3  }
0x94: {  	_ =	strace s3  }
0x95: {  	s3 =	sld [smem:$0x3FFD];
	_ =	sdelay $0x3  }
0x96: {  	_ =	strace s3  }
0x97: {  	_ =	strace $0x8FFFFFFF  }
0x98: {  	s19 =	sld [smem:$0x3FDB];
	_ =	sdelay $0x1  }
0x99: {  	s4 =	simm.s32 $_scs_section_size  }
0x9a: {  	s5 =	simm.s32 $_size__tile_overlayer_lowered;
	s6 =	simm.s32 $_tile_overlayer_lowered  }
0x9b: {  	s22 =	simm.s32 $0x1BFF;
	s21 =	sshll.u32 s6, $0x1;
	s3 =	sadd.s32 s4, s19  }
0x9c: {  	s7 =	simm.s32 $0x0;
	s20 =	sshll.u32 s5, $0x1;
	s5 =	sadd.s32 s21, s3  }
0x9d: {  	[timem:s7], [sflag:s22] =	dma.local [hbm:s5], s20  }
0x9e: {  	_ =	swait.ge [sflag:s22], s20  }
0x9f: {  	s4 =	ssub.s32 $0x0, s20;
	[sflag:s22] =	ssyncset.done $0x0  }
0xa0: {  	[sflag:s22] =	ssyncadd.s32 s4;
	_ =	sdelay $0x1  }
0xa1: {  	s23 =	simm.s32 $0x1B8B  }
0xa2: {  	_ =	swait.ge [sflag:s23], $0x1  }
0xa3: {  	[sflag:s23] =	ssyncset.done $0x0  }
0xa4: {  	s25 =	simm.s32 $0x1B8E;
	s24 =	sld [smem:$0x3FFE];
	[sflag:s23] =	ssyncadd.s32 $0xFFFFFFFF  }
0xa5: {  	s26 =	simm.s32 $execute0_lowered;
	[smem:$0x3FD2] =	sst s25  }
0xa6: {  	s5 =	sshll.u32 s26, $0x1;
	_ =	strace $0x80000046;
	[dreg:$0x1] =	wrdreg $0xFFFFFFFF  }
0xa7: {  	s28 =	simm.s32 $_size_execute0_lowered;
	s3 =	sadd.s32 s3, s5;
	[dreg:$0x0] =	wrdreg $0x0  }
0xa8: {  	s5 =	sshll.u32 s28, $0x1;
	[dreg:$0x2] =	wrdreg s3  }
0xa9: {  	[dreg:$0x3] =	wrdreg s5  }
0xaa: {  	[dreg:$0x4] =	wrdreg $0xC0  }
0xab: {  	_ =	task [dreg:s7], $0x5FFFF  }
0xac: {  	[dreg:$0x1] =	wrdreg $0xFFFFFFFF  }
0xad: {  	[dreg:$0x0] =	wrdreg $0x60  }
0xae: {  	[dreg:$0x2] =	wrdreg s24  }
0xaf: {  	[dreg:$0x3] =	wrdreg s2  }
0xb0: {  	[dreg:$0x4] =	wrdreg $0x52000  }
0xb1: {  	[dreg:$0x5] =	wrdreg $0x9  }
0xb2: {  	_ =	task.clear_ibuf [dreg:s7], $0x6FFFF;
	_ =	strace $0x90000046  }
0xb3: {  	s29 =	simm.s32 $0x9;
	_ =	strace $0x80000048  }
0xb4: {  	_ =	swait.ge [sflag:s29], $0x1  }
0xb5: {  	[sflag:s29] =	ssyncadd.s32 $0xFFFFFFFF  }
0xb6: {  	_ =	strace $0x90000048  }
0xb7: {  	_ =	sfence  }
0xb8: {  	s30 =	sld [smem:$0x0];
	_ =	sdelay $0x2  }
0xb9: {  	s31 =	sshll.u32 s1, $0xD;
	s1 =	sshrl.u32 s1, $0x2  }
0xba: {  	s3 =	sand.u32 $0x4000, s31;
	s1 =	sadd.s32 s1, s30  }
0xbb: {  	s0 =	sor.u32 s3, s0;
	s1 =	sshll.u32 s1, $0x11  }
0xbc: {  	s0 =	sor.u32 s1, s0  }
0xbd: {  	s0 =	sadd.s32 $0x8F2B, s0  }
0xbe: {  	[sflag:s0] =	ssyncadd.remote.s32 $0x1  }
0xbf: {  	_ =	sfence.sel $0xFFFF  }
0xc0: {  	[dreg:$0x0] =	wrdreg $0xFFFFFFFF;
	(pc) =	sbr.abs _section_cstart, $3  }
0xc1: {  	[dreg:$0x1] =	wrdreg $0xFFFFFFFF  }
0xc2: {  	_ =	task.clear_ibuf [dreg:s7], $0x2FFFF;
	_ =	strace $0x9FFFFFFF  }
0xc3: {  	(tm) =	ssettm $0x7FFFFFFF  }
tec
execute0_lowered:
.L_overlay_start_1:
0x0: {  	(tag) =	ssettag $0x1  }
0x1: {  	s0 =	rddreg [dreg:$0x0]  }
0x2: {  	s2 =	rddreg [dreg:$0x1]  }
0x3: {  	s1 =	rddreg [dreg:$0x2]  }
0x4: {  	s3 =	simm.s32 $0x0;
	s4 =	srdreg.scid;
	s13 =	stileid.u32  }
0x5: {  	[smem:$0x7FF] =	sst s3;
	s5 =	sand.u32 $0x1, s4;
	s7 =	smul.u32 $0x278, s13  }
0x6: {  	s6 =	sshll.u32 s13, $0x1;
	s4 =	sadd.s32 $0x2E00, s0;
	s8 =	smul.u32 $0x31600, s13  }
0x7: {  	s9 =	sadd.s32 $0x1B600, s0;
	s22 =	sadd.s32 $0x25600, s0;
	s0 =	sadd.s32 $0x3E200, s0  }
0x8: {  	s17 =	smul.u32 $0x5000, s13;
	s13 =	simm.s32 $0x180;
	_ =	strace $0x80000047  }
0x9: {  	s6 =	sor.u32 s5, s6;
	s10 =	ssub.s32 $0x2, s5;
	s12 =	smul.u32 $0x2780, s5  }
0xa: {  	[dreg:$0x4] =	wrdreg s22;
	s5 =	smul.u32 $0x2800, s5;
	s23 =	sshrl.u32 s10, $0x1  }
0xb: {  	s11 =	smul.u32 $0x2800, s6;
	s24 =	sshrl.u32 s8, $0x2;
	s10 =	ssub.s32 s10, s23  }
0xc: {  	s6 =	sadd.s32 s24, s1;
	s7 =	sadd.s32 s7, s12;
	s5 =	sadd.s32 s5, s17  }
0xd: {  	s17 =	simm.s32 $0x2;
	s25 =	sshrl.u32 s11, $0x3;
	s12 =	smul.u32 $0x50, s7  }
0xe: {  	s7 =	smul.u32 $0xA, s7;
	s24 =	sor.u32 $0x180, s5;
	s5 =	sor.u32 $0x100, s5  }
0xf: {  	s28 =	sadd.s32 $0x2800, s6;
	s29 =	sadd.s32 $0x3C00, s6;
	s30 =	sadd.s32 $0x5000, s6  }
0x10: {  	s31 =	sadd.s32 $0x6400, s6;
	s11 =	sadd.s32 s2, s25;
	s26 =	sor.u32 $0x10, s25  }
0x11: {  	s8 =	sadd.s32 s9, s25;
	s5 =	sshrl.u32 s5, $0x3;
	[dreg:$0x5] =	wrdreg s11  }
0x12: {  	[dreg:$0x6] =	wrdreg s8;
	s14 =	sadd.s32 s2, s26;
	s15 =	sadd.s32 s9, s26  }
0x13: {  	s16 =	sshrl.u32 s12, $0x3;
	s7 =	sadd.s32 s0, s7;
	[dreg:$0x7] =	wrdreg s14  }
0x14: {  	s26 =	smax.u32 s10, $0x1;
	s10 =	simm.s32 $0x80;
	[dreg:$0x8] =	wrdreg s15  }
0x15: {  	s11 =	simm.s32 $0x3;
	[dreg:$0x9] =	wrdreg s7;
	s0 =	sadd.s32 s0, s16  }
0x16: {  	s12 =	simm.s32 $0x100;
	[dreg:$0x13] =	wrdreg s26;
	s18 =	sadd.s32 $0x280, s0  }
0x17: {  	s7 =	sshrl.u32 s24, $0x3;
	s19 =	sadd.s32 $0x500, s0;
	[dreg:$0xa] =	wrdreg s18  }
0x18: {  	s26 =	sadd.s32 $0x1400, s6;
	s20 =	sadd.s32 $0x780, s0;
	[dreg:$0xb] =	wrdreg s19  }
0x19: {  	s14 =	simm.s32 $0x1;
	s21 =	sadd.s32 $0xA00, s0;
	[dreg:$0xc] =	wrdreg s20  }
0x1a: {  	s15 =	simm.s32 $0x4;
	s22 =	sadd.s32 $0xC80, s0;
	[dreg:$0xd] =	wrdreg s21  }
0x1b: {  	s16 =	simm.s32 $0x2A00;
	s23 =	sadd.s32 $0xF00, s0;
	[dreg:$0xe] =	wrdreg s22  }
0x1c: {  	s8 =	sadd.s32 $0x1180, s0;
	s25 =	sadd.s32 $0x1400, s0;
	[dreg:$0xf] =	wrdreg s23  }
0x1d: {  	s0 =	sadd.s32 $0x1680, s0;
	[dreg:$0x10] =	wrdreg s8;
	s19 =	sadd.s32 s7, s9  }
0x1e: {  	s20 =	sadd.s32 s7, s2;
	s21 =	sadd.s32 s5, s9;
	[dreg:$0x11] =	wrdreg s25  }
0x1f: {  	s22 =	sadd.s32 s5, s2;
	[dreg:$0x12] =	wrdreg s0;
	s0 =	sadd.s32 $0x7800, s6  }
0x20: {  	s2 =	sadd.s32 $0x8C00, s6;
	s5 =	sadd.s32 $0xA000, s6;
	s7 =	sadd.s32 $0xB400, s6  }
0x21: {  	s8 =	simm.s32 $0x200;
	s9 =	simm.s32 $0x5;
	s18 =	simm.s32 $0x0  }
.LBB2_1:
0x22: {  	s23 =	rddreg [dreg:$0x4]  }
0x23: {  	[tilespmem:s8], [sflag:$0x5] =	stream.linear.gather [hbm4b:s23+s3], $0x2800, $0x38;
	[tilespmem:$0x11780] =	vst v63  }
0x24: {  	_ =	swait.ge [sflag:s9], $0x2800  }
0x25: {  	[sflag:s9] =	ssyncset.done $0x0  }
0x26: {  	[sflag:s9] =	ssyncadd.s32 $0xFFFFD800  }
0x27: {  	[spmem:s6] =	stream.linear.scatter [tilespmem:s8], [sflag:$0x5], $0x1400, $0x38;
	[tilespmem:$0x11780] =	vst v63  }
0x28: {  	_ =	swait.ge [sflag:s9], $0x1400  }
0x29: {  	[sflag:s9] =	ssyncset.done $0x0  }
0x2a: {  	[sflag:s9] =	ssyncadd.s32 $0xFFFFEC00  }
0x2b: {  	[spmem:s26] =	stream.linear.scatter [tilespmem:s8], [sflag:$0x5], $0x1400, $0x38;
	[tilespmem:$0x11780] =	vst v63  }
0x2c: {  	_ =	swait.ge [sflag:s9], $0x1400  }
0x2d: {  	[sflag:s9] =	ssyncset.done $0x0  }
0x2e: {  	[sflag:s9] =	ssyncadd.s32 $0xFFFFEC00  }
0x2f: {  	[spmem:s28] =	stream.linear.scatter [tilespmem:s8], [sflag:$0x5], $0x1400, $0x38;
	[tilespmem:$0x11780] =	vst v63  }
0x30: {  	_ =	swait.ge [sflag:s9], $0x1400  }
0x31: {  	[sflag:s9] =	ssyncset.done $0x0  }
0x32: {  	[sflag:s9] =	ssyncadd.s32 $0xFFFFEC00  }
0x33: {  	[spmem:s29] =	stream.linear.scatter [tilespmem:s8], [sflag:$0x5], $0x1400, $0x38;
	[tilespmem:$0x11780] =	vst v63  }
0x34: {  	_ =	swait.ge [sflag:s9], $0x1400  }
0x35: {  	[sflag:s9] =	ssyncset.done $0x0  }
0x36: {  	[sflag:s9] =	ssyncadd.s32 $0xFFFFEC00  }
0x37: {  	[spmem:s30] =	stream.linear.scatter [tilespmem:s8], [sflag:$0x5], $0x1400, $0x38;
	[tilespmem:$0x11780] =	vst v63  }
0x38: {  	_ =	swait.ge [sflag:s9], $0x1400  }
0x39: {  	[sflag:s9] =	ssyncset.done $0x0  }
0x3a: {  	[sflag:s9] =	ssyncadd.s32 $0xFFFFEC00  }
0x3b: {  	[spmem:s31] =	stream.linear.scatter [tilespmem:s8], [sflag:$0x5], $0x1400, $0x38;
	[tilespmem:$0x11780] =	vst v63  }
0x3c: {  	_ =	swait.ge [sflag:s9], $0x1400  }
0x3d: {  	[sflag:s9] =	ssyncset.done $0x0  }
0x3e: {  	[sflag:s9] =	ssyncadd.s32 $0xFFFFEC00  }
0x3f: {  	[spmem:s0] =	stream.linear.scatter [tilespmem:s8], [sflag:$0x5], $0x1400, $0x38;
	[tilespmem:$0x11780] =	vst v63  }
0x40: {  	_ =	swait.ge [sflag:s9], $0x1400  }
0x41: {  	[sflag:s9] =	ssyncset.done $0x0  }
0x42: {  	[sflag:s9] =	ssyncadd.s32 $0xFFFFEC00  }
0x43: {  	[spmem:s2] =	stream.linear.scatter [tilespmem:s8], [sflag:$0x5], $0x1400, $0x38;
	[tilespmem:$0x11780] =	vst v63  }
0x44: {  	_ =	swait.ge [sflag:s9], $0x1400  }
0x45: {  	[sflag:s9] =	ssyncset.done $0x0  }
0x46: {  	[sflag:s9] =	ssyncadd.s32 $0xFFFFEC00  }
0x47: {  	[spmem:s5] =	stream.linear.scatter [tilespmem:s8], [sflag:$0x5], $0x1400, $0x38;
	[tilespmem:$0x11780] =	vst v63  }
0x48: {  	_ =	swait.ge [sflag:s9], $0x1400  }
0x49: {  	[sflag:s9] =	ssyncset.done $0x0  }
0x4a: {  	[sflag:s9] =	ssyncadd.s32 $0xFFFFEC00  }
0x4b: {  	[spmem:s7] =	stream.linear.scatter [tilespmem:s8], [sflag:$0x5], $0x1180, $0x38;
	[tilespmem:$0x11780] =	vst v63  }
0x4c: {  	_ =	swait.ge [sflag:s9], $0x1180  }
0x4d: {  	[sflag:s9] =	ssyncset.done $0x0  }
0x4e: {  	[sflag:s9] =	ssyncadd.s32 $0xFFFFEE80  }
0x4f: {  	[bflag:$0x0] =	sbarrier.arrive $0xFFFF  }
0x50: {  	s25 =	rddreg [dreg:$0x5]  }
0x51: {  	[tilespmem:s3], [sflag:$0x3] =	stream.linear.gather [hbm4b:s25+s3], $0x80, $0x38;
	[tilespmem:$0x11780] =	vst v63  }
0x52: {  	s24 =	rddreg [dreg:$0x6]  }
0x53: {  	[tilespmem:s10], [sflag:$0x3] =	stream.linear.gather [hbm4b:s24+s3], $0x80, $0x38;
	[tilespmem:$0x11780] =	vst v63  }
0x54: {  	_ =	swait.ge [sflag:s11], $0x80  }
0x55: {  	[sflag:s11] =	ssyncset.done $0x0  }
0x56: {  	[sflag:s11] =	ssyncadd.s32 $0xFFFFFF80  }
0x57: {  	_ =	swait.ge [sflag:s11], $0x80  }
0x58: {  	[sflag:s11] =	ssyncset.done $0x0  }
0x59: {  	[sflag:s11] =	ssyncadd.s32 $0xFFFFFF80  }
0x5a: {  	[tilespmem:s8], [sflag:$0x1] =	stream.indirect.gather [hbm4b:s4+s10], $0x50, s3, s10, $0xb8;
	[tilespmem:$0x11780] =	vst v63  }
0x5b: {  	s25 =	rddreg [dreg:$0x7]  }
0x5c: {  	[tilespmem:s12], [sflag:$0x4] =	stream.linear.gather [hbm4b:s25+s3], $0x80, $0x38;
	[tilespmem:$0x11780] =	vst v63  }
0x5d: {  	s24 =	rddreg [dreg:$0x8]  }
0x5e: {  	[tilespmem:s13], [sflag:$0x4] =	stream.linear.gather [hbm4b:s24+s3], $0x80, $0x38;
	[tilespmem:$0x11780] =	vst v63  }
0x5f: {  	_ =	swait.ge [sflag:s14], $0x2800  }
0x60: {  	[sflag:s14] =	ssyncset.done $0x0  }
0x61: {  	[sflag:s14] =	ssyncadd.s32 $0xFFFFD800  }
0x62: {  	_ =	swait.ge [sflag:s15], $0x80  }
0x63: {  	[sflag:s15] =	ssyncset.done $0x0  }
0x64: {  	[sflag:s15] =	ssyncadd.s32 $0xFFFFFF80  }
0x65: {  	_ =	swait.ge [sflag:s15], $0x80  }
0x66: {  	[sflag:s15] =	ssyncset.done $0x0  }
0x67: {  	[sflag:s15] =	ssyncadd.s32 $0xFFFFFF80  }
0x68: {  	[tilespmem:s16], [sflag:$0x2] =	stream.indirect.gather [hbm4b:s4+s10], $0x50, s12, s10, $0xb8;
	[tilespmem:$0x11780] =	vst v63  }
0x69: {  	_ = 	snop  }
0x6a: {  	[spmem:s1] =	stream.indirect.scatter.add.f32 [tilespmem:s8], [sflag:$0x5], $0x50, s10, s10, $0xb8;
	[tilespmem:$0x11780] =	vst v63  }
0x6b: {  	_ =	swait.ge [sflag:s9], $0x2800  }
0x6c: {  	[sflag:s9] =	ssyncset.done $0x0  }
0x6d: {  	s25 =	sadd.s32 $0x0, s22;
	[sflag:s9] =	ssyncadd.s32 $0xFFFFD800  }
0x6e: {  	[tilespmem:s3], [sflag:$0x3] =	stream.linear.gather [hbm4b:s25+s3], $0x80, $0x38;
	[tilespmem:$0x11780] =	vst v63  }
0x6f: {  	s24 =	sadd.s32 $0x0, s21  }
0x70: {  	[tilespmem:s10], [sflag:$0x3] =	stream.linear.gather [hbm4b:s24+s3], $0x80, $0x38;
	[tilespmem:$0x11780] =	vst v63  }
0x71: {  	_ =	swait.ge [sflag:s17], $0x2800  }
0x72: {  	[sflag:s17] =	ssyncset.done $0x0  }
0x73: {  	[sflag:s17] =	ssyncadd.s32 $0xFFFFD800  }
0x74: {  	_ =	swait.ge [sflag:s11], $0x80  }
0x75: {  	[sflag:s11] =	ssyncset.done $0x0  }
0x76: {  	[sflag:s11] =	ssyncadd.s32 $0xFFFFFF80  }
0x77: {  	_ =	swait.ge [sflag:s11], $0x80  }
0x78: {  	[sflag:s11] =	ssyncset.done $0x0  }
0x79: {  	[sflag:s11] =	ssyncadd.s32 $0xFFFFFF80  }
0x7a: {  	[tilespmem:s8], [sflag:$0x1] =	stream.indirect.gather [hbm4b:s4+s10], $0x50, s3, s10, $0xb8;
	[tilespmem:$0x11780] =	vst v63  }
0x7b: {  	_ = 	snop  }
0x7c: {  	[spmem:s1] =	stream.indirect.scatter.add.f32 [tilespmem:s16], [sflag:$0x5], $0x50, s13, s10, $0xb8;
	[tilespmem:$0x11780] =	vst v63  }
0x7d: {  	_ =	swait.ge [sflag:s9], $0x2800  }
0x7e: {  	s23 =	simm.s32 $0x20;
	[sflag:s9] =	ssyncset.done $0x0  }
0x7f: {  	s25 =	sadd.s32 $0x0, s20;
	s24 =	sadd.s32 $0x0, s19;
	[sflag:s9] =	ssyncadd.s32 $0xFFFFD800  }
0x80: {  	[tilespmem:s12], [sflag:$0x4] =	stream.linear.gather [hbm4b:s25+s3], $0x80, $0x38;
	[tilespmem:$0x11780] =	vst v63  }
.LBB2_2:
0x81: {  	[tilespmem:s13], [sflag:$0x4] =	stream.linear.gather [hbm4b:s24+s3], $0x80, $0x38;
	[tilespmem:$0x11780] =	vst v63  }
0x82: {  	s24 =	smov.u32 s23  }
0x83: {  	p0 =	sne.s32 s23, $0x4C0;
	s23 =	sadd.s32 $0x20, s23;
	_ =	swait.ge [sflag:s14], $0x2800  }
0x84: {  	[sflag:s14] =	ssyncset.done $0x0  }
0x85: {  	[sflag:s14] =	ssyncadd.s32 $0xFFFFD800  }
0x86: {  	_ =	swait.ge [sflag:s15], $0x80  }
0x87: {  	[sflag:s15] =	ssyncset.done $0x0  }
0x88: {  	[sflag:s15] =	ssyncadd.s32 $0xFFFFFF80  }
0x89: {  	_ =	swait.ge [sflag:s15], $0x80  }
0x8a: {  	[sflag:s15] =	ssyncset.done $0x0  }
0x8b: {  	[sflag:s15] =	ssyncadd.s32 $0xFFFFFF80  }
0x8c: {  	[tilespmem:s16], [sflag:$0x2] =	stream.indirect.gather [hbm4b:s4+s10], $0x50, s12, s10, $0xb8;
	[tilespmem:$0x11780] =	vst v63  }
0x8d: {  	_ = 	snop  }
0x8e: {  	[spmem:s1] =	stream.indirect.scatter.add.f32 [tilespmem:s8], [sflag:$0x5], $0x50, s10, s10, $0xb8;
	[tilespmem:$0x11780] =	vst v63  }
0x8f: {  	_ =	swait.ge [sflag:s9], $0x2800  }
0x90: {  	[sflag:s9] =	ssyncset.done $0x0  }
0x91: {  	s25 =	sadd.s32 s24, s22;
	[sflag:s9] =	ssyncadd.s32 $0xFFFFD800  }
0x92: {  	[tilespmem:s3], [sflag:$0x3] =	stream.linear.gather [hbm4b:s25+s3], $0x80, $0x38;
	[tilespmem:$0x11780] =	vst v63  }
0x93: {  	s25 =	sadd.s32 s24, s21  }
0x94: {  	[tilespmem:s10], [sflag:$0x3] =	stream.linear.gather [hbm4b:s25+s3], $0x80, $0x38;
	[tilespmem:$0x11780] =	vst v63  }
0x95: {  	_ =	swait.ge [sflag:s17], $0x2800  }
0x96: {  	[sflag:s17] =	ssyncset.done $0x0  }
0x97: {  	[sflag:s17] =	ssyncadd.s32 $0xFFFFD800  }
0x98: {  	_ =	swait.ge [sflag:s11], $0x80  }
0x99: {  	[sflag:s11] =	ssyncset.done $0x0  }
0x9a: {  	[sflag:s11] =	ssyncadd.s32 $0xFFFFFF80  }
0x9b: {  	_ =	swait.ge [sflag:s11], $0x80  }
0x9c: {  	[sflag:s11] =	ssyncset.done $0x0  }
0x9d: {  	[sflag:s11] =	ssyncadd.s32 $0xFFFFFF80  }
0x9e: {  	[tilespmem:s8], [sflag:$0x1] =	stream.indirect.gather [hbm4b:s4+s10], $0x50, s3, s10, $0xb8;
	[tilespmem:$0x11780] =	vst v63  }
0x9f: {  	_ = 	snop  }
0xa0: {  	[spmem:s1] =	stream.indirect.scatter.add.f32 [tilespmem:s16], [sflag:$0x5], $0x50, s13, s10, $0xb8;
	[tilespmem:$0x11780] =	vst v63  }
.Ltmp0:
0xa1: {  	_ =	swait.ge [sflag:s9], $0x2800;
	(pc) =	sbr.rel @p0 .LBB2_2-.Ltmp0, $4  }
0xa2: {  	[sflag:s9] =	ssyncset.done $0x0  }
0xa3: {  	s25 =	sadd.s32 s24, s20;
	[sflag:s9] =	ssyncadd.s32 $0xFFFFD800  }
0xa4: {  	[tilespmem:s12], [sflag:$0x4] =	stream.linear.gather [hbm4b:s25+s3], $0x80, $0x38;
	[tilespmem:$0x11780] =	vst v63  }
0xa5: {  	s24 =	sadd.s32 s24, s19  }
0xa6: {  	[tilespmem:s13], [sflag:$0x4] =	stream.linear.gather [hbm4b:s24+s3], $0x80, $0x38;
	[tilespmem:$0x11780] =	vst v63  }
0xa7: {  	_ =	swait.ge [sflag:s14], $0x2800  }
0xa8: {  	[sflag:s14] =	ssyncset.done $0x0  }
0xa9: {  	[sflag:s14] =	ssyncadd.s32 $0xFFFFD800  }
0xaa: {  	_ =	swait.ge [sflag:s15], $0x80  }
0xab: {  	[sflag:s15] =	ssyncset.done $0x0  }
0xac: {  	[sflag:s15] =	ssyncadd.s32 $0xFFFFFF80  }
0xad: {  	_ =	swait.ge [sflag:s15], $0x80  }
0xae: {  	[sflag:s15] =	ssyncset.done $0x0  }
0xaf: {  	[sflag:s15] =	ssyncadd.s32 $0xFFFFFF80  }
0xb0: {  	[tilespmem:s16], [sflag:$0x2] =	stream.indirect.gather [hbm4b:s4+s10], $0x50, s12, s10, $0xb8;
	[tilespmem:$0x11780] =	vst v63  }
0xb1: {  	_ = 	snop  }
0xb2: {  	[spmem:s1] =	stream.indirect.scatter.add.f32 [tilespmem:s8], [sflag:$0x5], $0x50, s10, s10, $0xb8;
	[tilespmem:$0x11780] =	vst v63  }
0xb3: {  	_ =	swait.ge [sflag:s9], $0x2800  }
0xb4: {  	[sflag:s9] =	ssyncset.done $0x0  }
0xb5: {  	[sflag:s9] =	ssyncadd.s32 $0xFFFFD800  }
0xb6: {  	_ =	swait.ge [sflag:s17], $0x2800  }
0xb7: {  	[sflag:s17] =	ssyncset.done $0x0  }
0xb8: {  	[sflag:s17] =	ssyncadd.s32 $0xFFFFD800  }
0xb9: {  	[spmem:s1] =	stream.indirect.scatter.add.f32 [tilespmem:s16], [sflag:$0x5], $0x50, s13, s10, $0xb8;
	[tilespmem:$0x11780] =	vst v63  }
0xba: {  	_ =	swait.ge [sflag:s9], $0x2800  }
0xbb: {  	[sflag:s9] =	ssyncset.done $0x0  }
0xbc: {  	[sflag:s9] =	ssyncadd.s32 $0xFFFFD800  }
0xbd: {  	[bflag:$0x0] =	sbarrier.arrive $0xFFFF  }
0xbe: {  	[tilespmem:s8], [sflag:$0x5] =	stream.linear.gather [spmem:s6], $0x1400, $0x38;
	[tilespmem:$0x11780] =	vst v63  }
0xbf: {  	_ =	swait.ge [sflag:s9], $0x1400  }
0xc0: {  	[sflag:s9] =	ssyncset.done $0x0  }
0xc1: {  	s23 =	rddreg [dreg:$0x9];
	[sflag:s9] =	ssyncadd.s32 $0xFFFFEC00  }
0xc2: {  	[hbm4b:s23+s3] =	stream.linear.scatter [tilespmem:s8], [sflag:$0x5], $0x1400, $0x38;
	[tilespmem:$0x11780] =	vst v63  }
0xc3: {  	_ =	swait.ge [sflag:s9], $0x1400  }
0xc4: {  	[sflag:s9] =	ssyncset.done $0x0  }
0xc5: {  	[sflag:s9] =	ssyncadd.s32 $0xFFFFEC00  }
0xc6: {  	[tilespmem:s8], [sflag:$0x5] =	stream.linear.gather [spmem:s26], $0x1400, $0x38;
	[tilespmem:$0x11780] =	vst v63  }
0xc7: {  	_ =	swait.ge [sflag:s9], $0x1400  }
0xc8: {  	[sflag:s9] =	ssyncset.done $0x0  }
0xc9: {  	s24 =	rddreg [dreg:$0xa];
	[sflag:s9] =	ssyncadd.s32 $0xFFFFEC00  }
0xca: {  	[hbm4b:s24+s3] =	stream.linear.scatter [tilespmem:s8], [sflag:$0x5], $0x1400, $0x38;
	[tilespmem:$0x11780] =	vst v63  }
0xcb: {  	_ =	swait.ge [sflag:s9], $0x1400  }
0xcc: {  	[sflag:s9] =	ssyncset.done $0x0  }
0xcd: {  	[sflag:s9] =	ssyncadd.s32 $0xFFFFEC00  }
0xce: {  	[tilespmem:s8], [sflag:$0x5] =	stream.linear.gather [spmem:s28], $0x1400, $0x38;
	[tilespmem:$0x11780] =	vst v63  }
0xcf: {  	_ =	swait.ge [sflag:s9], $0x1400  }
0xd0: {  	[sflag:s9] =	ssyncset.done $0x0  }
0xd1: {  	s25 =	rddreg [dreg:$0xb];
	[sflag:s9] =	ssyncadd.s32 $0xFFFFEC00  }
0xd2: {  	[hbm4b:s25+s3] =	stream.linear.scatter [tilespmem:s8], [sflag:$0x5], $0x1400, $0x38;
	[tilespmem:$0x11780] =	vst v63  }
0xd3: {  	_ =	swait.ge [sflag:s9], $0x1400  }
0xd4: {  	[sflag:s9] =	ssyncset.done $0x0  }
0xd5: {  	[sflag:s9] =	ssyncadd.s32 $0xFFFFEC00  }
0xd6: {  	[tilespmem:s8], [sflag:$0x5] =	stream.linear.gather [spmem:s29], $0x1400, $0x38;
	[tilespmem:$0x11780] =	vst v63  }
0xd7: {  	_ =	swait.ge [sflag:s9], $0x1400  }
0xd8: {  	[sflag:s9] =	ssyncset.done $0x0  }
0xd9: {  	s24 =	rddreg [dreg:$0xc];
	[sflag:s9] =	ssyncadd.s32 $0xFFFFEC00  }
0xda: {  	[hbm4b:s24+s3] =	stream.linear.scatter [tilespmem:s8], [sflag:$0x5], $0x1400, $0x38;
	[tilespmem:$0x11780] =	vst v63  }
0xdb: {  	_ =	swait.ge [sflag:s9], $0x1400  }
0xdc: {  	[sflag:s9] =	ssyncset.done $0x0  }
0xdd: {  	[sflag:s9] =	ssyncadd.s32 $0xFFFFEC00  }
0xde: {  	[tilespmem:s8], [sflag:$0x5] =	stream.linear.gather [spmem:s30], $0x1400, $0x38;
	[tilespmem:$0x11780] =	vst v63  }
0xdf: {  	_ =	swait.ge [sflag:s9], $0x1400  }
0xe0: {  	[sflag:s9] =	ssyncset.done $0x0  }
0xe1: {  	s25 =	rddreg [dreg:$0xd];
	[sflag:s9] =	ssyncadd.s32 $0xFFFFEC00  }
0xe2: {  	[hbm4b:s25+s3] =	stream.linear.scatter [tilespmem:s8], [sflag:$0x5], $0x1400, $0x38;
	[tilespmem:$0x11780] =	vst v63  }
0xe3: {  	_ =	swait.ge [sflag:s9], $0x1400  }
0xe4: {  	[sflag:s9] =	ssyncset.done $0x0  }
0xe5: {  	[sflag:s9] =	ssyncadd.s32 $0xFFFFEC00  }
0xe6: {  	[tilespmem:s8], [sflag:$0x5] =	stream.linear.gather [spmem:s31], $0x1400, $0x38;
	[tilespmem:$0x11780] =	vst v63  }
0xe7: {  	_ =	swait.ge [sflag:s9], $0x1400  }
0xe8: {  	[sflag:s9] =	ssyncset.done $0x0  }
0xe9: {  	s24 =	rddreg [dreg:$0xe];
	[sflag:s9] =	ssyncadd.s32 $0xFFFFEC00  }
0xea: {  	[hbm4b:s24+s3] =	stream.linear.scatter [tilespmem:s8], [sflag:$0x5], $0x1400, $0x38;
	[tilespmem:$0x11780] =	vst v63  }
0xeb: {  	_ =	swait.ge [sflag:s9], $0x1400  }
0xec: {  	[sflag:s9] =	ssyncset.done $0x0  }
0xed: {  	[sflag:s9] =	ssyncadd.s32 $0xFFFFEC00  }
0xee: {  	[tilespmem:s8], [sflag:$0x5] =	stream.linear.gather [spmem:s0], $0x1400, $0x38;
	[tilespmem:$0x11780] =	vst v63  }
0xef: {  	_ =	swait.ge [sflag:s9], $0x1400  }
0xf0: {  	[sflag:s9] =	ssyncset.done $0x0  }
0xf1: {  	s25 =	rddreg [dreg:$0xf];
	[sflag:s9] =	ssyncadd.s32 $0xFFFFEC00  }
0xf2: {  	[hbm4b:s25+s3] =	stream.linear.scatter [tilespmem:s8], [sflag:$0x5], $0x1400, $0x38;
	[tilespmem:$0x11780] =	vst v63  }
0xf3: {  	_ =	swait.ge [sflag:s9], $0x1400  }
0xf4: {  	[sflag:s9] =	ssyncset.done $0x0  }
0xf5: {  	[sflag:s9] =	ssyncadd.s32 $0xFFFFEC00  }
0xf6: {  	[tilespmem:s8], [sflag:$0x5] =	stream.linear.gather [spmem:s2], $0x1400, $0x38;
	[tilespmem:$0x11780] =	vst v63  }
0xf7: {  	_ =	swait.ge [sflag:s9], $0x1400  }
0xf8: {  	[sflag:s9] =	ssyncset.done $0x0  }
0xf9: {  	s24 =	rddreg [dreg:$0x10];
	[sflag:s9] =	ssyncadd.s32 $0xFFFFEC00  }
0xfa: {  	[hbm4b:s24+s3] =	stream.linear.scatter [tilespmem:s8], [sflag:$0x5], $0x1400, $0x38;
	[tilespmem:$0x11780] =	vst v63  }
0xfb: {  	_ =	swait.ge [sflag:s9], $0x1400  }
0xfc: {  	[sflag:s9] =	ssyncset.done $0x0  }
0xfd: {  	[sflag:s9] =	ssyncadd.s32 $0xFFFFEC00  }
0xfe: {  	[tilespmem:s8], [sflag:$0x5] =	stream.linear.gather [spmem:s5], $0x1400, $0x38;
	[tilespmem:$0x11780] =	vst v63  }
0xff: {  	_ =	swait.ge [sflag:s9], $0x1400  }
0x100: {  	[sflag:s9] =	ssyncset.done $0x0  }
0x101: {  	s25 =	rddreg [dreg:$0x11];
	[sflag:s9] =	ssyncadd.s32 $0xFFFFEC00  }
0x102: {  	[hbm4b:s25+s3] =	stream.linear.scatter [tilespmem:s8], [sflag:$0x5], $0x1400, $0x38;
	[tilespmem:$0x11780] =	vst v63  }
0x103: {  	_ =	swait.ge [sflag:s9], $0x1400  }
0x104: {  	[sflag:s9] =	ssyncset.done $0x0  }
0x105: {  	[sflag:s9] =	ssyncadd.s32 $0xFFFFEC00  }
0x106: {  	[tilespmem:s8], [sflag:$0x5] =	stream.linear.gather [spmem:s7], $0x1180, $0x38;
	[tilespmem:$0x11780] =	vst v63  }
0x107: {  	_ =	swait.ge [sflag:s9], $0x1180  }
0x108: {  	[sflag:s9] =	ssyncset.done $0x0  }
0x109: {  	s24 =	rddreg [dreg:$0x12];
	[sflag:s9] =	ssyncadd.s32 $0xFFFFEE80  }
0x10a: {  	[hbm4b:s24+s3] =	stream.linear.scatter [tilespmem:s8], [sflag:$0x5], $0x1180, $0x38;
	[tilespmem:$0x11780] =	vst v63  }
0x10b: {  	_ =	swait.ge [sflag:s9], $0x1180  }
0x10c: {  	s18 =	sadd.s32 $0x1, s18;
	s25 =	rddreg [dreg:$0x13]  }
0x10d: {  	p0 =	sne.s32 s18, s25  }
.Ltmp1:
0x10e: {  	_ = 	snop;
	(pc) =	sbr.rel @p0 .LBB2_1-.Ltmp1, $3  }
0x10f: {  	_ =	sdelay $0x1  }
0x110: {  	[sflag:s9] =	ssyncset.done $0x0  }
0x111: {  	[sflag:s9] =	ssyncadd.s32 $0xFFFFEE80  }
0x112: {  	_ =	sfence.sel $0x180000  }
0x113: {  	[bflag:$0x0] =	sbarrier.arrive $0xFFFF  }
0x114: {  	_ =	strace $0x90000047  }
0x115: {  	s0 =	stileid.u32;
	[bflag:$0x2] =	sbarrier.arrive $0xFFFF  }
0x116: {  	p0 =	sne.s32 s0, $0x0;
	s0 =	rddreg [dreg:$0x3]  }
0x117: {  	s0 =	sadd.s32 @!p0 $0x100000, s0  }
0x118: {  	[sflag:s0] =	ssyncadd.tile.s32 @!p0 $0x1;
	_ =	shalt  }
.Lfunc_end2:
_tile_overlayer_lowered:
.L_overlay_start_2:
0x119: {  	(tag) =	ssettag $0x2  }
0x11a: {  	s0 =	rddreg [dreg:$0x0];
	s2 =	stileid.u32  }
0x11b: {  	s1 =	rddreg [dreg:$0x1];
	p0 =	sne.s32 s2, $0x0  }
0x11c: {  	s3 =	rddreg [dreg:$0x2];
	[bflag:$0x3] =	sbarrier.arrive $0xFFFF;
	s2 =	simm.s32 @!p0 $0x1C05  }
0x11d: {  	[timem:s3], [sflag:s2] =	dma.local @!p0 [hbm:s0], s1  }
0x11e: {  	s0 =	simm.s32 @!p0 $0x5  }
0x11f: {  	_ =	swait.ge @!p0 [sflag:s0], s1  }
0x120: {  	s1 =	ssub.s32 @!p0 $0x0, s1;
	[sflag:s0] =	ssyncset.done @!p0 $0x0  }
0x121: {  	[sflag:s0] =	ssyncadd.s32 @!p0 s1  }
0x122: {  	[bflag:$0x3] =	sbarrier.arrive $0xFFFF  }
0x123: {  	_ =	shalt  }

</sc_bundles>
